<compile_context>
chip_gen: v7x
topology: tpu7x:2x2x1
jax: 0.10.2.dev20260603
libtpu: 0.0.44.dev20260713+nightly
codegen_flags: <defaults>
</compile_context>

<pallas_src>
import jax
import jax.numpy as jnp
from jax import lax
from jax.experimental import pallas as pl
from jax.experimental.pallas import tpu as pltpu
from jax.experimental.pallas import tpu_sc as plsc

N = 10000
E = 160000
F_IN = 32
D = 256
PERIODS = 8
FP = F_IN * PERIODS

NC = 2
NS = 16
NW = NC * NS
NPAD = 10240
NROW128 = NPAD // 128
EB = 64
NB_W = 80
EPW = NB_W * EB
EPAD = NW * EPW
TRASH = N + 100
RPT = NPAD // NS
BLK = 256
GRID = NPAD // BLK


def _zero2d(ref, nrows):
    def body(r, c):
        for j in range(8):
            ref[r, pl.ds(j * 16, 16)] = jnp.zeros((16,), jnp.float32)
        return c
    lax.fori_loop(0, nrows, body, 0)


def _deg_body(edges_hbm, deg_out, hist, dstbuf, zrows, rowidx, acc):
    cid = lax.axis_index("c")
    sid = lax.axis_index("s")
    w = cid * NS + sid
    _zero2d(hist, NROW128)
    pltpu.sync_copy(edges_hbm.at[pl.ds(w * NB_W, NB_W)], dstbuf)

    ones = jnp.ones((16,), jnp.float32)

    def hb(j, c):
        r = j >> 2
        k = j & 3
        idx = dstbuf[r, pl.ds(k * 16, 16)] & 0xFFFF
        plsc.addupdate_scatter(hist, [idx >> 7, idx & 127], ones)
        return c
    lax.fori_loop(0, NB_W * 4, hb, 0)

    _zero2d(zrows, 5)
    pltpu.sync_copy(zrows, acc.at[pl.ds(sid * 5, 5)])
    plsc.subcore_barrier()

    def ri(i, c):
        rowidx[pl.ds(i * 16, 16)] = lax.iota(jnp.int32, 16) + i * 16
        return c
    lax.fori_loop(0, NROW128 // 16, ri, 0)
    pltpu.sync_copy(hist, acc.at[rowidx], add=True)
    plsc.subcore_barrier()

    @pl.when(sid == 0)
    def _():
        pltpu.sync_copy(acc, hist)
        pltpu.sync_copy(hist, deg_out.at[cid])


NBUF = 4
NB_A = 160
NB_B = 0
NBMAX = NB_A


def _agg_body(edges_hbm, xs0, xs1, y0_out, y1_out,
              pbuf, sidx, didx,
              r0, r1, r2, r3, g0, g1, g2, g3, s0, s1, s2, s3, acc):
    rows = (r0, r1, r2, r3)
    gsem = (g0, g1, g2, g3)
    ssem = (s0, s1, s2, s3)
    cid = lax.axis_index("c")
    sid = lax.axis_index("s")

    HB = NB_A // 2
    HQ = HB // NBUF

    @pl.when(cid == 0)
    def _core0():
        base = sid * RPT

        for chunk in range(2):
            xs = (xs0, xs1)[chunk]
            yout = (y0_out, y1_out)[chunk]
            with jax.named_scope("zerofill"):
                _zero2d(r0, EB)
                for j in range(RPT // EB):
                    pltpu.sync_copy(r0, acc.at[pl.ds(base + j * EB, EB)])
                plsc.subcore_barrier()

            def quad(q, c):
                @pl.when(q == 0)
                def _():
                    pltpu.sync_copy(edges_hbm.at[pl.ds(sid * NB_A, HB)], pbuf)

                @pl.when(q == HQ)
                def _():
                    pltpu.sync_copy(edges_hbm.at[pl.ds(sid * NB_A + HB, HB)],
                                    pbuf)
                b = q * NBUF - jnp.where(q >= HQ, HB, 0)
                cps = []
                for j in range(NBUF):
                    @pl.when(q > 0)
                    def _():
                        pltpu.make_async_copy(xs.at[pl.ds(0, EB)], rows[j],
                                              ssem[j]).wait()
                    for k in range(EB // 16):
                        pk = pbuf[b + j, pl.ds(k * 16, 16)]
                        sidx[j, pl.ds(k * 16, 16)] = pk >> 16
                        didx[j, pl.ds(k * 16, 16)] = pk & 0xFFFF
                    cps.append(pltpu.async_copy(xs.at[sidx.at[j]], rows[j],
                                                gsem[j]))
                for j in range(NBUF):
                    cps[j].wait()
                    pltpu.async_copy(rows[j], acc.at[didx.at[j]], ssem[j],
                                     add=True)
                return c
            with jax.named_scope("edges"):
                lax.fori_loop(0, NB_A // NBUF, quad, 0)
                for j in range(NBUF):
                    pltpu.make_async_copy(xs.at[pl.ds(0, EB)], rows[j],
                                          ssem[j]).wait()
                plsc.subcore_barrier()

            with jax.named_scope("writeout"):
                for j in range(RPT // EB):
                    pltpu.sync_copy(acc.at[pl.ds(base + j * EB, EB)],
                                    rows[j % 2])
                    pltpu.sync_copy(rows[j % 2],
                                    yout.at[0, pl.ds(base + j * EB, EB)])
                plsc.subcore_barrier()


def _prep_body(d0, d1, x_ref, xs0, xs1, dinv_ref):
    deg = d0[...] + d1[...] + 1.0
    dinv = lax.rsqrt(deg)
    xs = x_ref[...] * dinv
    xs0[...] = xs[:, :128]
    xs1[...] = xs[:, 128:]
    dinv_ref[...] = dinv


def _dense_body(y0, y1, xs0, xs1, dinv, wbd, bias, attr, w1, w2, b1, b2, out_ref):
    i = pl.program_id(0)
    yl = y0[0] + xs0[...]
    yr = y1[0] + xs1[...]
    y = jnp.concatenate([yl, yr], axis=1) * dinv[...]
    g = jnp.dot(y, wbd[...], preferred_element_type=jnp.float32,
                precision=lax.Precision.HIGHEST) + bias[...]
    z = jax.nn.sigmoid(g[:, :PERIODS * D])
    t = jnp.tanh(g[:, PERIODS * D:])
    p = jax.nn.softmax(attr[...], axis=1)
    h = jnp.zeros((BLK, D), jnp.float32)
    for tt in range(PERIODS):
        pt = p[:, tt:tt + 1]
        h = h + pt * (1.0 - z[:, tt * D:(tt + 1) * D]) * t[:, tt * D:(tt + 1) * D]
    v = jnp.dot(jnp.maximum(h, 0.0), w1[...], preferred_element_type=jnp.float32,
                precision=lax.Precision.HIGHEST)
    ridx = lax.broadcasted_iota(jnp.int32, (BLK, 1), 0) + i * BLK
    valid = jnp.where(ridx < N, 1.0, 0.0)
    part = jnp.sum((v + b1[...]) * w2[...] * valid)

    @pl.when(i == 0)
    def _():
        out_ref[...] = b2[...]
    out_ref[...] += part


_sc_mesh = dict(core_axis_name="c", subcore_axis_name="s",
                num_cores=NC, num_subcores=NS)
_sc_params = pltpu.CompilerParams(needs_layout_passes=False)


def _deg_call(dstp):
    return pl.kernel(
        _deg_body,
        out_type=jax.ShapeDtypeStruct((NC, NROW128, 128), jnp.float32),
        mesh=plsc.VectorSubcoreMesh(**_sc_mesh),
        compiler_params=_sc_params,
        scratch_types=[
            pltpu.VMEM((NROW128, 128), jnp.float32),
            pltpu.VMEM((NB_W, EB), jnp.int32),
            pltpu.VMEM((5, 128), jnp.float32),
            pltpu.VMEM((NROW128,), jnp.int32),
            pltpu.VMEM_SHARED((NROW128, 128), jnp.float32),
        ],
    )(dstp)


def _agg_call(edges, xs0, xs1):
    return pl.kernel(
        _agg_body,
        out_type=(
            jax.ShapeDtypeStruct((1, NPAD, 128), jnp.float32),
            jax.ShapeDtypeStruct((1, NPAD, 128), jnp.float32),
        ),
        mesh=plsc.VectorSubcoreMesh(**_sc_mesh),
        compiler_params=_sc_params,
        scratch_types=(
            [pltpu.VMEM((NB_A // 2, EB), jnp.int32)] +
            [pltpu.VMEM((NBUF, EB), jnp.int32)] * 2 +
            [pltpu.VMEM((EB, 128), jnp.float32)] * NBUF +
            [pltpu.SemaphoreType.DMA] * (2 * NBUF) +
            [pltpu.VMEM_SHARED((NPAD, 128), jnp.float32)]
        ),
    )(edges, xs0, xs1)


def kernel(x, edge_index, att, Wcz, bcz, Wcr, bcr, Wch, bch,
           Wlz, blz, Wlr, blr, Wlh, blh, W1, b1, W2, b2):
    f32 = jnp.float32
    X = x.reshape(N, FP)
    Xp = jnp.pad(X, ((0, NPAD - N), (0, 0)))
    pad_e = EPAD - E
    srcp = jnp.concatenate([edge_index[0], jnp.zeros((pad_e,), jnp.int32)])
    trash = N + (jnp.arange(pad_e, dtype=jnp.int32) % (NPAD - N))
    dstp = jnp.concatenate([edge_index[1], trash])
    edges = ((srcp << 16) | dstp).reshape(EPAD // EB, EB)

    Wz_eff = Wcz @ Wlz[:D]
    Wh_eff = Wch @ Wlh[:D]
    eye = jnp.eye(PERIODS, dtype=f32)
    WzBD = jnp.einsum("fd,pt->fptd", Wz_eff, eye).reshape(FP, PERIODS * D)
    WhBD = jnp.einsum("fd,pt->fptd", Wh_eff, eye).reshape(FP, PERIODS * D)
    WBD = jnp.concatenate([WzBD, WhBD], axis=1)
    bz = bcz @ Wlz[:D] + blz
    bh = bch @ Wlh[:D] + blh
    bias = jnp.concatenate([jnp.tile(bz, PERIODS),
                            jnp.tile(bh, PERIODS)]).reshape(1, 2 * PERIODS * D)
    W2p = jnp.pad(W2, ((0, NPAD - N), (0, 0)))
    attr = att.reshape(1, PERIODS)
    b1r = b1.reshape(1, 1)
    b2r = b2.reshape(1, 1)

    degp = _deg_call(edges)
    d0 = degp[0].reshape(NPAD, 1)
    d1 = degp[1].reshape(NPAD, 1)

    PBLK = 1024
    xs0, xs1, dinv = pl.pallas_call(
        _prep_body,
        grid=(NPAD // PBLK,),
        in_specs=[
            pl.BlockSpec((PBLK, 1), lambda i: (i, 0)),
            pl.BlockSpec((PBLK, 1), lambda i: (i, 0)),
            pl.BlockSpec((PBLK, FP), lambda i: (i, 0)),
        ],
        out_specs=[
            pl.BlockSpec((PBLK, 128), lambda i: (i, 0)),
            pl.BlockSpec((PBLK, 128), lambda i: (i, 0)),
            pl.BlockSpec((PBLK, 1), lambda i: (i, 0)),
        ],
        out_shape=[
            jax.ShapeDtypeStruct((NPAD, 128), f32),
            jax.ShapeDtypeStruct((NPAD, 128), f32),
            jax.ShapeDtypeStruct((NPAD, 1), f32),
        ],
    )(d0, d1, Xp)

    y0, y1 = _agg_call(edges, xs0, xs1)

    out = pl.pallas_call(
        _dense_body,
        grid=(GRID,),
        in_specs=[
            pl.BlockSpec((1, BLK, 128), lambda i: (0, i, 0)),
            pl.BlockSpec((1, BLK, 128), lambda i: (0, i, 0)),
            pl.BlockSpec((BLK, 128), lambda i: (i, 0)),
            pl.BlockSpec((BLK, 128), lambda i: (i, 0)),
            pl.BlockSpec((BLK, 1), lambda i: (i, 0)),
            pl.BlockSpec((FP, 4 * PERIODS * D // 2), lambda i: (0, 0)),
            pl.BlockSpec((1, 2 * PERIODS * D), lambda i: (0, 0)),
            pl.BlockSpec((1, PERIODS), lambda i: (0, 0)),
            pl.BlockSpec((D, 1), lambda i: (0, 0)),
            pl.BlockSpec((BLK, 1), lambda i: (i, 0)),
            pl.BlockSpec((1, 1), lambda i: (0, 0)),
            pl.BlockSpec((1, 1), lambda i: (0, 0)),
        ],
        out_specs=pl.BlockSpec((1, 1), lambda i: (0, 0)),
        out_shape=jax.ShapeDtypeStruct((1, 1), f32),
    )(y0, y1, xs0, xs1, dinv, WBD, bias, attr, W1, W2p, b1r, b2r)

    return out.reshape(-1)

# --- scband reference (transcript-rebuilt; emitter-appended) ---
"""Pipeline reference for scband-temporal-gnn-67980742361881 (READ-ONLY COPY).

The authoritative reference and input builder live on the scoring server;
editing this copy changes nothing except your own understanding.
"""

import jax, jax.numpy as jnp
import numpy as np

N = 10000
E = 160000
F_IN = 32
D = 256
PERIODS = 8

def _glorot(k, shape):
    lim = float(np.sqrt(6.0 / (shape[0] + shape[1])))
    return jax.random.uniform(k, shape, dtype=jnp.float32, minval=-lim, maxval=lim)

def setup_inputs(seed: int = 0):
    key = jax.random.key(seed)
    ks = jax.random.split(key, 16)
    inp = {}
    inp["x"] = jax.random.normal(ks[0], (N, F_IN, PERIODS), dtype=jnp.float32)
    inp["edge_index"] = jax.random.randint(ks[1], (2, E), 0, N, dtype=jnp.int32)
    inp["att"] = jax.random.uniform(ks[2], (PERIODS,), dtype=jnp.float32)
    inp["Wcz"] = _glorot(ks[3], (F_IN, D)); inp["bcz"] = jnp.zeros((D,), jnp.float32)
    inp["Wcr"] = _glorot(ks[4], (F_IN, D)); inp["bcr"] = jnp.zeros((D,), jnp.float32)
    inp["Wch"] = _glorot(ks[5], (F_IN, D)); inp["bch"] = jnp.zeros((D,), jnp.float32)
    inp["Wlz"] = _glorot(ks[6], (2 * D, D)); inp["blz"] = jnp.zeros((D,), jnp.float32)
    inp["Wlr"] = _glorot(ks[7], (2 * D, D)); inp["blr"] = jnp.zeros((D,), jnp.float32)
    inp["Wlh"] = _glorot(ks[8], (2 * D, D)); inp["blh"] = jnp.zeros((D,), jnp.float32)
    inp["W1"] = _glorot(ks[9], (D, 1)); inp["b1"] = jnp.zeros((1,), jnp.float32)
    inp["W2"] = _glorot(ks[10], (N, 1)); inp["b2"] = jnp.zeros((1,), jnp.float32)
    return inp

def _gcn_norm(edge_index, n):
    loop = jnp.arange(n, dtype=edge_index.dtype)
    src = jnp.concatenate([edge_index[0], loop])
    dst = jnp.concatenate([edge_index[1], loop])
    w = jnp.ones(src.shape[0], dtype=jnp.float32)
    deg = jnp.zeros(n, dtype=jnp.float32).at[dst].add(w)
    dinv = jnp.where(deg > 0, 1.0 / jnp.sqrt(deg), 0.0)
    norm = dinv[src] * w * dinv[dst]
    return src, dst, norm

def reference(x, edge_index, att, Wcz, bcz, Wcr, bcr, Wch, bch, Wlz, blz, Wlr, blr, Wlh, blh, W1, b1, W2, b2):
    src, dst, norm = _gcn_norm(edge_index, N)
    def conv(xt, W, b):
        h = xt @ W
        msg = h[src] * norm[:, None]
        return jnp.zeros((N, D), dtype=h.dtype).at[dst].add(msg) + b
    probs = jax.nn.softmax(att, axis=0)
    H0 = jnp.zeros((N, D), dtype=x.dtype)
    def cell(xt):
        Z = jax.nn.sigmoid(jnp.concatenate([conv(xt, Wcz, bcz), H0], axis=1) @ Wlz + blz)
        R = jax.nn.sigmoid(jnp.concatenate([conv(xt, Wcr, bcr), H0], axis=1) @ Wlr + blr)
        Ht = jnp.tanh(jnp.concatenate([conv(xt, Wch, bch), H0 * R], axis=1) @ Wlh + blh)
        return Z * H0 + (1.0 - Z) * Ht
    xt_all = jnp.transpose(x, (2, 0, 1))
    def scan_f(acc, per):
        xt, p = per
        return acc + p * cell(xt), None
    H_accum, _ = jax.lax.scan(scan_f, jnp.zeros((N, D), dtype=x.dtype), (xt_all, probs))
    h = jax.nn.relu(H_accum)
    h = h @ W1 + b1
    h = h.reshape(1, N)
    h = h @ W2 + b2
    return h.reshape(-1)

if __name__ == "__main__":
    import jax
    _d = setup_inputs()
    print(jax.jit(kernel)(*tuple(_d.values())))

</pallas_src>

<mosaic_0001>
#map = affine_map<(d0, d1) -> (0, 0)>
#map1 = affine_map<(d0, d1) -> (0, 0, 0)>
module attributes {stable_mosaic.version = 14 : i64} {
  func.func @_deg_body(%arg0: i32, %arg1: i32, %arg2: memref<2560x64xi32, #tpu.memory_space<hbm>>, %arg3: memref<2x80x128xf32, #tpu.memory_space<hbm>>, %arg4: memref<80x128xf32, #tpu.memory_space<vmem>>, %arg5: memref<80x64xi32, #tpu.memory_space<vmem>>, %arg6: memref<5x128xf32, #tpu.memory_space<vmem>>, %arg7: memref<80xi32, #tpu.memory_space<vmem>>, %arg8: memref<80x128xf32, #tpu.memory_space<vmem_shared>>) attributes {dimension_semantics = [#tpu.dimension_semantics<core_parallel>, #tpu.dimension_semantics<subcore_parallel>], iteration_bounds = array<i64: 2, 16>, scalar_prefetch = 0 : i64, scratch_operands = 5 : i64, tpu.core_type = #tpu.core_type<sc_vector_subcore>, window_params = [{transform_indices = #map}, {transform_indices = #map1}]} {
    %mul3A = arith.constant 16 : i32
    %mul3A_0 = arith.muli %arg0, %mul3A : i32
    %add3A = arith.addi %mul3A_0, %arg1 : i32
    %scan3A = arith.constant 0 : i32
    %scan3A_1 = arith.constant 0 : i32
    %scan3A_2 = arith.constant 80 : i32
    %scan3A_3 = arith.addi %scan3A_1, %scan3A_2 : i32
    %scan3A_4 = arith.constant 1 : i32
    scf.for %scan3A_32 = %scan3A_1 to %scan3A_3 step %scan3A_4  : i32 {
      %broadcast_in_dim3A_33 = arith.constant 0.000000e+00 : f32
      %broadcast_in_dim3A_34 = vector.broadcast %broadcast_in_dim3A_33 : f32 to vector<16xf32>
      %swap3A = arith.index_cast %scan3A_32 : i32 to index
      %swap3A_35 = arith.constant 0 : index
      %swap3A_36 = tpu.vector_load %arg4[%swap3A, %swap3A_35] {strides = array<i32>} : memref<80x128xf32, #tpu.memory_space<vmem>>, vector<16xf32>,
      tpu.vector_store %arg4[%swap3A, %swap3A_35], %broadcast_in_dim3A_34 {strides = array<i32>} : memref<80x128xf32, #tpu.memory_space<vmem>>, vector<16xf32>,
      %broadcast_in_dim3A_37 = arith.constant 0.000000e+00 : f32
      %broadcast_in_dim3A_38 = vector.broadcast %broadcast_in_dim3A_37 : f32 to vector<16xf32>
      %swap3A_39 = arith.index_cast %scan3A_32 : i32 to index
      %swap3A_40 = arith.constant 16 : index
      %swap3A_41 = tpu.vector_load %arg4[%swap3A_39, %swap3A_40] {strides = array<i32>} : memref<80x128xf32, #tpu.memory_space<vmem>>, vector<16xf32>,
      tpu.vector_store %arg4[%swap3A_39, %swap3A_40], %broadcast_in_dim3A_38 {strides = array<i32>} : memref<80x128xf32, #tpu.memory_space<vmem>>, vector<16xf32>,
      %broadcast_in_dim3A_42 = arith.constant 0.000000e+00 : f32
      %broadcast_in_dim3A_43 = vector.broadcast %broadcast_in_dim3A_42 : f32 to vector<16xf32>
      %swap3A_44 = arith.index_cast %scan3A_32 : i32 to index
      %swap3A_45 = arith.constant 32 : index
      %swap3A_46 = tpu.vector_load %arg4[%swap3A_44, %swap3A_45] {strides = array<i32>} : memref<80x128xf32, #tpu.memory_space<vmem>>, vector<16xf32>,
      tpu.vector_store %arg4[%swap3A_44, %swap3A_45], %broadcast_in_dim3A_43 {strides = array<i32>} : memref<80x128xf32, #tpu.memory_space<vmem>>, vector<16xf32>,
      %broadcast_in_dim3A_47 = arith.constant 0.000000e+00 : f32
      %broadcast_in_dim3A_48 = vector.broadcast %broadcast_in_dim3A_47 : f32 to vector<16xf32>
      %swap3A_49 = arith.index_cast %scan3A_32 : i32 to index
      %swap3A_50 = arith.constant 48 : index
      %swap3A_51 = tpu.vector_load %arg4[%swap3A_49, %swap3A_50] {strides = array<i32>} : memref<80x128xf32, #tpu.memory_space<vmem>>, vector<16xf32>,
      tpu.vector_store %arg4[%swap3A_49, %swap3A_50], %broadcast_in_dim3A_48 {strides = array<i32>} : memref<80x128xf32, #tpu.memory_space<vmem>>, vector<16xf32>,
      %broadcast_in_dim3A_52 = arith.constant 0.000000e+00 : f32
      %broadcast_in_dim3A_53 = vector.broadcast %broadcast_in_dim3A_52 : f32 to vector<16xf32>
      %swap3A_54 = arith.index_cast %scan3A_32 : i32 to index
      %swap3A_55 = arith.constant 64 : index
      %swap3A_56 = tpu.vector_load %arg4[%swap3A_54, %swap3A_55] {strides = array<i32>} : memref<80x128xf32, #tpu.memory_space<vmem>>, vector<16xf32>,
      tpu.vector_store %arg4[%swap3A_54, %swap3A_55], %broadcast_in_dim3A_53 {strides = array<i32>} : memref<80x128xf32, #tpu.memory_space<vmem>>, vector<16xf32>,
      %broadcast_in_dim3A_57 = arith.constant 0.000000e+00 : f32
      %broadcast_in_dim3A_58 = vector.broadcast %broadcast_in_dim3A_57 : f32 to vector<16xf32>
      %swap3A_59 = arith.index_cast %scan3A_32 : i32 to index
      %swap3A_60 = arith.constant 80 : index
      %swap3A_61 = tpu.vector_load %arg4[%swap3A_59, %swap3A_60] {strides = array<i32>} : memref<80x128xf32, #tpu.memory_space<vmem>>, vector<16xf32>,
      tpu.vector_store %arg4[%swap3A_59, %swap3A_60], %broadcast_in_dim3A_58 {strides = array<i32>} : memref<80x128xf32, #tpu.memory_space<vmem>>, vector<16xf32>,
      %broadcast_in_dim3A_62 = arith.constant 0.000000e+00 : f32
      %broadcast_in_dim3A_63 = vector.broadcast %broadcast_in_dim3A_62 : f32 to vector<16xf32>
      %swap3A_64 = arith.index_cast %scan3A_32 : i32 to index
      %swap3A_65 = arith.constant 96 : index
      %swap3A_66 = tpu.vector_load %arg4[%swap3A_64, %swap3A_65] {strides = array<i32>} : memref<80x128xf32, #tpu.memory_space<vmem>>, vector<16xf32>,
      tpu.vector_store %arg4[%swap3A_64, %swap3A_65], %broadcast_in_dim3A_63 {strides = array<i32>} : memref<80x128xf32, #tpu.memory_space<vmem>>, vector<16xf32>,
      %broadcast_in_dim3A_67 = arith.constant 0.000000e+00 : f32
      %broadcast_in_dim3A_68 = vector.broadcast %broadcast_in_dim3A_67 : f32 to vector<16xf32>
      %swap3A_69 = arith.index_cast %scan3A_32 : i32 to index
      %swap3A_70 = arith.constant 112 : index
      %swap3A_71 = tpu.vector_load %arg4[%swap3A_69, %swap3A_70] {strides = array<i32>} : memref<80x128xf32, #tpu.memory_space<vmem>>, vector<16xf32>,
      tpu.vector_store %arg4[%swap3A_69, %swap3A_70], %broadcast_in_dim3A_68 {strides = array<i32>} : memref<80x128xf32, #tpu.memory_space<vmem>>, vector<16xf32>,
    }
    %scan3A_5 = arith.constant 80 : i32
    %mul3A_6 = arith.constant 80 : i32
    %mul3A_7 = arith.muli %add3A, %mul3A_6 : i32
    "tpu.region"() ({
      %run_scoped3A = tpu.sem_alloc : memref<!tpu.dma_semaphore, #tpu.memory_space<semaphore_mem>>
      %dma_start3A = arith.constant 0 : i32
      %dma_start3A_32 = tpu.memref_slice %arg2[%mul3A_7, %dma_start3A] : memref<2560x64xi32, #tpu.memory_space<hbm>> -> memref<80x64xi32, #tpu.memory_space<hbm>>
      %dma_start3A_33 = arith.constant 0 : i32
      %dma_start3A_34 = tpu.memref_slice %arg2[%mul3A_7, %dma_start3A_33] : memref<2560x64xi32, #tpu.memory_space<hbm>> -> memref<80x64xi32, #tpu.memory_space<hbm>>
      tpu.enqueue_dma source(%dma_start3A_34 : memref<80x64xi32, #tpu.memory_space<hbm>>) target(%arg5 : memref<80x64xi32, #tpu.memory_space<vmem>>) target_semaphore(%run_scoped3A : memref<!tpu.dma_semaphore, #tpu.memory_space<semaphore_mem>>)
      %dma_wait3A = arith.constant 0 : i32
      %dma_wait3A_35 = tpu.memref_slice %arg2[%mul3A_7, %dma_wait3A] : memref<2560x64xi32, #tpu.memory_space<hbm>> -> memref<80x64xi32, #tpu.memory_space<hbm>>
      %dma_wait3A_36 = arith.constant 0 : i32
      %dma_wait3A_37 = tpu.memref_slice %arg2[%mul3A_7, %dma_wait3A_36] : memref<2560x64xi32, #tpu.memory_space<hbm>> -> memref<80x64xi32, #tpu.memory_space<hbm>>
      tpu.wait_dma2 semaphore(%run_scoped3A : memref<!tpu.dma_semaphore, #tpu.memory_space<semaphore_mem>>) src(%dma_wait3A_37 : memref<80x64xi32, #tpu.memory_space<hbm>>) dst(%arg5 : memref<80x64xi32, #tpu.memory_space<vmem>>)
      tpu.yield
    }) : () -> ()
    %broadcast_in_dim3A = arith.constant 1.000000e+00 : f32
    %broadcast_in_dim3A_8 = vector.broadcast %broadcast_in_dim3A : f32 to vector<16xf32>
    %scan3A_9 = arith.constant 0 : i32
    %scan3A_10 = arith.constant 0 : i32
    %scan3A_11 = arith.constant 320 : i32
    %scan3A_12 = arith.addi %scan3A_10, %scan3A_11 : i32
    %scan3A_13 = arith.constant 1 : i32
    scf.for %scan3A_32 = %scan3A_10 to %scan3A_12 step %scan3A_13  : i32 {
      %shift_right_arithmetic3A = arith.constant 2 : i32
      %shift_right_arithmetic3A_33 = arith.shrsi %scan3A_32, %shift_right_arithmetic3A : i32
      %and3A = arith.constant 3 : i32
      %and3A_34 = arith.andi %scan3A_32, %and3A : i32
      %mul3A_35 = arith.constant 16 : i32
      %mul3A_36 = arith.muli %and3A_34, %mul3A_35 : i32
      %get3A = arith.index_cast %shift_right_arithmetic3A_33 : i32 to index
      %get3A_37 = arith.index_cast %mul3A_36 : i32 to index
      %get3A_38 = tpu.vector_load %arg5[%get3A, %get3A_37] {strides = array<i32>} : memref<80x64xi32, #tpu.memory_space<vmem>>, vector<16xi32>,
      %and3A_39 = arith.constant 65535 : i32
      %and3A_40 = vector.broadcast %and3A_39 : i32 to vector<16xi32>
      %and3A_41 = arith.andi %get3A_38, %and3A_40 : vector<16xi32>
      %shift_right_arithmetic3A_42 = arith.constant 7 : i32
      %shift_right_arithmetic3A_43 = vector.broadcast %shift_right_arithmetic3A_42 : i32 to vector<16xi32>
      %shift_right_arithmetic3A_44 = arith.shrsi %and3A_41, %shift_right_arithmetic3A_43 : vector<16xi32>
      %and3A_45 = arith.constant 127 : i32
      %and3A_46 = vector.broadcast %and3A_45 : i32 to vector<16xi32>
      %and3A_47 = arith.andi %and3A_41, %and3A_46 : vector<16xi32>
      tpu.vector_store_idx %arg4[%shift_right_arithmetic3A_44, %and3A_47], %broadcast_in_dim3A_8 {add = true} : memref<80x128xf32, #tpu.memory_space<vmem>>[vector<16xi32>, vector<16xi32>], vector<16xf32>,
    }
    %scan3A_14 = arith.constant 320 : i32
    %scan3A_15 = arith.constant 0 : i32
    %scan3A_16 = arith.constant 0 : i32
    %scan3A_17 = arith.constant 5 : i32
    %scan3A_18 = arith.addi %scan3A_16, %scan3A_17 : i32
    %scan3A_19 = arith.constant 1 : i32
    scf.for %scan3A_32 = %scan3A_16 to %scan3A_18 step %scan3A_19  : i32 {
      %broadcast_in_dim3A_33 = arith.constant 0.000000e+00 : f32
      %broadcast_in_dim3A_34 = vector.broadcast %broadcast_in_dim3A_33 : f32 to vector<16xf32>
      %swap3A = arith.index_cast %scan3A_32 : i32 to index
      %swap3A_35 = arith.constant 0 : index
      %swap3A_36 = tpu.vector_load %arg6[%swap3A, %swap3A_35] {strides = array<i32>} : memref<5x128xf32, #tpu.memory_space<vmem>>, vector<16xf32>,
      tpu.vector_store %arg6[%swap3A, %swap3A_35], %broadcast_in_dim3A_34 {strides = array<i32>} : memref<5x128xf32, #tpu.memory_space<vmem>>, vector<16xf32>,
      %broadcast_in_dim3A_37 = arith.constant 0.000000e+00 : f32
      %broadcast_in_dim3A_38 = vector.broadcast %broadcast_in_dim3A_37 : f32 to vector<16xf32>
      %swap3A_39 = arith.index_cast %scan3A_32 : i32 to index
      %swap3A_40 = arith.constant 16 : index
      %swap3A_41 = tpu.vector_load %arg6[%swap3A_39, %swap3A_40] {strides = array<i32>} : memref<5x128xf32, #tpu.memory_space<vmem>>, vector<16xf32>,
      tpu.vector_store %arg6[%swap3A_39, %swap3A_40], %broadcast_in_dim3A_38 {strides = array<i32>} : memref<5x128xf32, #tpu.memory_space<vmem>>, vector<16xf32>,
      %broadcast_in_dim3A_42 = arith.constant 0.000000e+00 : f32
      %broadcast_in_dim3A_43 = vector.broadcast %broadcast_in_dim3A_42 : f32 to vector<16xf32>
      %swap3A_44 = arith.index_cast %scan3A_32 : i32 to index
      %swap3A_45 = arith.constant 32 : index
      %swap3A_46 = tpu.vector_load %arg6[%swap3A_44, %swap3A_45] {strides = array<i32>} : memref<5x128xf32, #tpu.memory_space<vmem>>, vector<16xf32>,
      tpu.vector_store %arg6[%swap3A_44, %swap3A_45], %broadcast_in_dim3A_43 {strides = array<i32>} : memref<5x128xf32, #tpu.memory_space<vmem>>, vector<16xf32>,
      %broadcast_in_dim3A_47 = arith.constant 0.000000e+00 : f32
      %broadcast_in_dim3A_48 = vector.broadcast %broadcast_in_dim3A_47 : f32 to vector<16xf32>
      %swap3A_49 = arith.index_cast %scan3A_32 : i32 to index
      %swap3A_50 = arith.constant 48 : index
      %swap3A_51 = tpu.vector_load %arg6[%swap3A_49, %swap3A_50] {strides = array<i32>} : memref<5x128xf32, #tpu.memory_space<vmem>>, vector<16xf32>,
      tpu.vector_store %arg6[%swap3A_49, %swap3A_50], %broadcast_in_dim3A_48 {strides = array<i32>} : memref<5x128xf32, #tpu.memory_space<vmem>>, vector<16xf32>,
      %broadcast_in_dim3A_52 = arith.constant 0.000000e+00 : f32
      %broadcast_in_dim3A_53 = vector.broadcast %broadcast_in_dim3A_52 : f32 to vector<16xf32>
      %swap3A_54 = arith.index_cast %scan3A_32 : i32 to index
      %swap3A_55 = arith.constant 64 : index
      %swap3A_56 = tpu.vector_load %arg6[%swap3A_54, %swap3A_55] {strides = array<i32>} : memref<5x128xf32, #tpu.memory_space<vmem>>, vector<16xf32>,
      tpu.vector_store %arg6[%swap3A_54, %swap3A_55], %broadcast_in_dim3A_53 {strides = array<i32>} : memref<5x128xf32, #tpu.memory_space<vmem>>, vector<16xf32>,
      %broadcast_in_dim3A_57 = arith.constant 0.000000e+00 : f32
      %broadcast_in_dim3A_58 = vector.broadcast %broadcast_in_dim3A_57 : f32 to vector<16xf32>
      %swap3A_59 = arith.index_cast %scan3A_32 : i32 to index
      %swap3A_60 = arith.constant 80 : index
      %swap3A_61 = tpu.vector_load %arg6[%swap3A_59, %swap3A_60] {strides = array<i32>} : memref<5x128xf32, #tpu.memory_space<vmem>>, vector<16xf32>,
      tpu.vector_store %arg6[%swap3A_59, %swap3A_60], %broadcast_in_dim3A_58 {strides = array<i32>} : memref<5x128xf32, #tpu.memory_space<vmem>>, vector<16xf32>,
      %broadcast_in_dim3A_62 = arith.constant 0.000000e+00 : f32
      %broadcast_in_dim3A_63 = vector.broadcast %broadcast_in_dim3A_62 : f32 to vector<16xf32>
      %swap3A_64 = arith.index_cast %scan3A_32 : i32 to index
      %swap3A_65 = arith.constant 96 : index
      %swap3A_66 = tpu.vector_load %arg6[%swap3A_64, %swap3A_65] {strides = array<i32>} : memref<5x128xf32, #tpu.memory_space<vmem>>, vector<16xf32>,
      tpu.vector_store %arg6[%swap3A_64, %swap3A_65], %broadcast_in_dim3A_63 {strides = array<i32>} : memref<5x128xf32, #tpu.memory_space<vmem>>, vector<16xf32>,
      %broadcast_in_dim3A_67 = arith.constant 0.000000e+00 : f32
      %broadcast_in_dim3A_68 = vector.broadcast %broadcast_in_dim3A_67 : f32 to vector<16xf32>
      %swap3A_69 = arith.index_cast %scan3A_32 : i32 to index
      %swap3A_70 = arith.constant 112 : index
      %swap3A_71 = tpu.vector_load %arg6[%swap3A_69, %swap3A_70] {strides = array<i32>} : memref<5x128xf32, #tpu.memory_space<vmem>>, vector<16xf32>,
      tpu.vector_store %arg6[%swap3A_69, %swap3A_70], %broadcast_in_dim3A_68 {strides = array<i32>} : memref<5x128xf32, #tpu.memory_space<vmem>>, vector<16xf32>,
    }
    %scan3A_20 = arith.constant 5 : i32
    %mul3A_21 = arith.constant 5 : i32
    %mul3A_22 = arith.muli %arg1, %mul3A_21 : i32
    "tpu.region"() ({
      %run_scoped3A = tpu.sem_alloc : memref<!tpu.dma_semaphore, #tpu.memory_space<semaphore_mem>>
      %dma_start3A = arith.constant 0 : i32
      %dma_start3A_32 = tpu.memref_slice %arg8[%mul3A_22, %dma_start3A] : memref<80x128xf32, #tpu.memory_space<vmem_shared>> -> memref<5x128xf32, #tpu.memory_space<vmem_shared>>
      %dma_start3A_33 = arith.constant 0 : i32
      %dma_start3A_34 = tpu.memref_slice %arg8[%mul3A_22, %dma_start3A_33] : memref<80x128xf32, #tpu.memory_space<vmem_shared>> -> memref<5x128xf32, #tpu.memory_space<vmem_shared>>
      tpu.enqueue_dma source(%arg6 : memref<5x128xf32, #tpu.memory_space<vmem>>) target(%dma_start3A_34 : memref<5x128xf32, #tpu.memory_space<vmem_shared>>) target_semaphore(%run_scoped3A : memref<!tpu.dma_semaphore, #tpu.memory_space<semaphore_mem>>)
      %dma_wait3A = arith.constant 0 : i32
      %dma_wait3A_35 = tpu.memref_slice %arg8[%mul3A_22, %dma_wait3A] : memref<80x128xf32, #tpu.memory_space<vmem_shared>> -> memref<5x128xf32, #tpu.memory_space<vmem_shared>>
      %dma_wait3A_36 = arith.constant 0 : i32
      %dma_wait3A_37 = tpu.memref_slice %arg8[%mul3A_22, %dma_wait3A_36] : memref<80x128xf32, #tpu.memory_space<vmem_shared>> -> memref<5x128xf32, #tpu.memory_space<vmem_shared>>
      tpu.wait_dma2 semaphore(%run_scoped3A : memref<!tpu.dma_semaphore, #tpu.memory_space<semaphore_mem>>) src(%arg6 : memref<5x128xf32, #tpu.memory_space<vmem>>) dst(%dma_wait3A_37 : memref<5x128xf32, #tpu.memory_space<vmem_shared>>)
      tpu.yield
    }) : () -> ()
    %barrier3A = arith.constant 0 : index
    tpu.barrier barrier_id(%barrier3A)
    %scan3A_23 = arith.constant 0 : i32
    %scan3A_24 = arith.constant 0 : i32
    %scan3A_25 = arith.constant 5 : i32
    %scan3A_26 = arith.addi %scan3A_24, %scan3A_25 : i32
    %scan3A_27 = arith.constant 1 : i32
    scf.for %scan3A_32 = %scan3A_24 to %scan3A_26 step %scan3A_27  : i32 {
      %iota3A = tpu.iota {dimensions = array<i32: 0>} : vector<16xi32>
      %mul3A_33 = arith.constant 16 : i32
      %mul3A_34 = arith.muli %scan3A_32, %mul3A_33 : i32
      %add3A_35 = vector.broadcast %mul3A_34 : i32 to vector<16xi32>
      %add3A_36 = arith.addi %iota3A, %add3A_35 : vector<16xi32>
      %mul3A_37 = arith.constant 16 : i32
      %mul3A_38 = arith.muli %scan3A_32, %mul3A_37 : i32
      %swap3A = arith.index_cast %mul3A_38 : i32 to index
      %swap3A_39 = tpu.vector_load %arg7[%swap3A] {strides = array<i32>} : memref<80xi32, #tpu.memory_space<vmem>>, vector<16xi32>,
      tpu.vector_store %arg7[%swap3A], %add3A_36 {strides = array<i32>} : memref<80xi32, #tpu.memory_space<vmem>>, vector<16xi32>,
    }
    %scan3A_28 = arith.constant 5 : i32
    "tpu.region"() ({
      %run_scoped3A = tpu.sem_alloc : memref<!tpu.dma_semaphore, #tpu.memory_space<semaphore_mem>>
      %dma_start3A = arith.constant 0 : i32
      %dma_start3A_32 = arith.constant 0 : i32
      %dma_start3A_33 = tpu.memref_slice %arg8[%dma_start3A, %dma_start3A_32] : memref<80x128xf32, #tpu.memory_space<vmem_shared>> -> memref<80x128xf32, #tpu.memory_space<vmem_shared>>
      tpu.enqueue_indirect_dma source(%arg4 : memref<80x128xf32, #tpu.memory_space<vmem>>) target(%dma_start3A_33 : memref<80x128xf32, #tpu.memory_space<vmem_shared>>) offsets(%arg7 : memref<80xi32, #tpu.memory_space<vmem>>) semaphore(%run_scoped3A : memref<!tpu.dma_semaphore, #tpu.memory_space<semaphore_mem>>) {add = true}
      %dma_wait3A = arith.constant 0 : i32
      %dma_wait3A_34 = arith.constant 0 : i32
      %dma_wait3A_35 = tpu.memref_slice %arg8[%dma_wait3A, %dma_wait3A_34] : memref<80x128xf32, #tpu.memory_space<vmem_shared>> -> memref<80x128xf32, #tpu.memory_space<vmem_shared>>
      tpu.wait_indirect_dma semaphore(%run_scoped3A : memref<!tpu.dma_semaphore, #tpu.memory_space<semaphore_mem>>) src(%arg4 : memref<80x128xf32, #tpu.memory_space<vmem>>) dst(%dma_wait3A_35 : memref<80x128xf32, #tpu.memory_space<vmem_shared>>)
      tpu.yield
    }) : () -> ()
    %barrier3A_29 = arith.constant 0 : index
    tpu.barrier barrier_id(%barrier3A_29)
    %eq3A = arith.constant 0 : i32
    %eq3A_30 = arith.cmpi eq, %arg1, %eq3A : i32
    %convert_element_type3A = arith.extui %eq3A_30 : i1 to i32
    %cond3A = arith.constant 0 : i32
    %cond3A_31 = arith.cmpi ne, %convert_element_type3A, %cond3A : i32
    scf.if %cond3A_31 {
      "tpu.region"() ({
        %run_scoped3A = tpu.sem_alloc : memref<!tpu.dma_semaphore, #tpu.memory_space<semaphore_mem>>
        tpu.enqueue_dma source(%arg8 : memref<80x128xf32, #tpu.memory_space<vmem_shared>>) target(%arg4 : memref<80x128xf32, #tpu.memory_space<vmem>>) target_semaphore(%run_scoped3A : memref<!tpu.dma_semaphore, #tpu.memory_space<semaphore_mem>>)
        tpu.wait_dma2 semaphore(%run_scoped3A : memref<!tpu.dma_semaphore, #tpu.memory_space<semaphore_mem>>) src(%arg8 : memref<80x128xf32, #tpu.memory_space<vmem_shared>>) dst(%arg4 : memref<80x128xf32, #tpu.memory_space<vmem>>)
        tpu.yield
      }) : () -> ()
      "tpu.region"() ({
        %run_scoped3A = tpu.sem_alloc : memref<!tpu.dma_semaphore, #tpu.memory_space<semaphore_mem>>
        %dma_start3A = arith.constant 0 : i32
        %dma_start3A_32 = arith.constant 0 : i32
        %dma_start3A_33 = tpu.memref_slice %arg3[%arg0, %dma_start3A, %dma_start3A_32] : memref<2x80x128xf32, #tpu.memory_space<hbm>> -> memref<1x80x128xf32, #tpu.memory_space<hbm>>
        %dma_start3A_34 = tpu.memref_squeeze %dma_start3A_33 : memref<1x80x128xf32, #tpu.memory_space<hbm>> -> memref<80x128xf32, #tpu.memory_space<hbm>>
        %dma_start3A_35 = arith.constant 0 : i32
        %dma_start3A_36 = arith.constant 0 : i32
        %dma_start3A_37 = tpu.memref_slice %arg3[%arg0, %dma_start3A_35, %dma_start3A_36] : memref<2x80x128xf32, #tpu.memory_space<hbm>> -> memref<1x80x128xf32, #tpu.memory_space<hbm>>
        %dma_start3A_38 = tpu.memref_squeeze %dma_start3A_37 : memref<1x80x128xf32, #tpu.memory_space<hbm>> -> memref<80x128xf32, #tpu.memory_space<hbm>>
        tpu.enqueue_dma source(%arg4 : memref<80x128xf32, #tpu.memory_space<vmem>>) target(%dma_start3A_38 : memref<80x128xf32, #tpu.memory_space<hbm>>) target_semaphore(%run_scoped3A : memref<!tpu.dma_semaphore, #tpu.memory_space<semaphore_mem>>)
        %dma_wait3A = arith.constant 0 : i32
        %dma_wait3A_39 = arith.constant 0 : i32
        %dma_wait3A_40 = tpu.memref_slice %arg3[%arg0, %dma_wait3A, %dma_wait3A_39] : memref<2x80x128xf32, #tpu.memory_space<hbm>> -> memref<1x80x128xf32, #tpu.memory_space<hbm>>
        %dma_wait3A_41 = tpu.memref_squeeze %dma_wait3A_40 : memref<1x80x128xf32, #tpu.memory_space<hbm>> -> memref<80x128xf32, #tpu.memory_space<hbm>>
        %dma_wait3A_42 = arith.constant 0 : i32
        %dma_wait3A_43 = arith.constant 0 : i32
        %dma_wait3A_44 = tpu.memref_slice %arg3[%arg0, %dma_wait3A_42, %dma_wait3A_43] : memref<2x80x128xf32, #tpu.memory_space<hbm>> -> memref<1x80x128xf32, #tpu.memory_space<hbm>>
        %dma_wait3A_45 = tpu.memref_squeeze %dma_wait3A_44 : memref<1x80x128xf32, #tpu.memory_space<hbm>> -> memref<80x128xf32, #tpu.memory_space<hbm>>
        tpu.wait_dma2 semaphore(%run_scoped3A : memref<!tpu.dma_semaphore, #tpu.memory_space<semaphore_mem>>) src(%arg4 : memref<80x128xf32, #tpu.memory_space<vmem>>) dst(%dma_wait3A_45 : memref<80x128xf32, #tpu.memory_space<hbm>>)
        tpu.yield
      }) : () -> ()
    } else {
    }
    return
  }
}

#map = affine_map<(d0, d1) -> (0, 0)>
#map1 = affine_map<(d0, d1) -> (0, 0, 0)>
module attributes {stable_mosaic.version = 14 : i64} {
  func.func @_agg_body(%arg0: i32, %arg1: i32, %arg2: memref<2560x64xi32, #tpu.memory_space<hbm>>, %arg3: memref<10240x128xf32, #tpu.memory_space<hbm>>, %arg4: memref<10240x128xf32, #tpu.memory_space<hbm>>, %arg5: memref<1x10240x128xf32, #tpu.memory_space<hbm>>, %arg6: memref<1x10240x128xf32, #tpu.memory_space<hbm>>, %arg7: memref<80x64xi32, #tpu.memory_space<vmem>>, %arg8: memref<4x64xi32, #tpu.memory_space<vmem>>, %arg9: memref<4x64xi32, #tpu.memory_space<vmem>>, %arg10: memref<64x128xf32, #tpu.memory_space<vmem>>, %arg11: memref<64x128xf32, #tpu.memory_space<vmem>>, %arg12: memref<64x128xf32, #tpu.memory_space<vmem>>, %arg13: memref<64x128xf32, #tpu.memory_space<vmem>>, %arg14: memref<!tpu.dma_semaphore, #tpu.memory_space<semaphore_mem>>, %arg15: memref<!tpu.dma_semaphore, #tpu.memory_space<semaphore_mem>>, %arg16: memref<!tpu.dma_semaphore, #tpu.memory_space<semaphore_mem>>, %arg17: memref<!tpu.dma_semaphore, #tpu.memory_space<semaphore_mem>>, %arg18: memref<!tpu.dma_semaphore, #tpu.memory_space<semaphore_mem>>, %arg19: memref<!tpu.dma_semaphore, #tpu.memory_space<semaphore_mem>>, %arg20: memref<!tpu.dma_semaphore, #tpu.memory_space<semaphore_mem>>, %arg21: memref<!tpu.dma_semaphore, #tpu.memory_space<semaphore_mem>>, %arg22: memref<10240x128xf32, #tpu.memory_space<vmem_shared>>) attributes {dimension_semantics = [#tpu.dimension_semantics<core_parallel>, #tpu.dimension_semantics<subcore_parallel>], iteration_bounds = array<i64: 2, 16>, scalar_prefetch = 0 : i64, scratch_operands = 16 : i64, tpu.core_type = #tpu.core_type<sc_vector_subcore>, window_params = [{transform_indices = #map}, {transform_indices = #map}, {transform_indices = #map}, {transform_indices = #map1}, {transform_indices = #map1}]} {
    %eq3A = arith.constant 0 : i32
    %eq3A_0 = arith.cmpi eq, %arg0, %eq3A : i32
    %convert_element_type3A = arith.extui %eq3A_0 : i1 to i32
    %cond3A = arith.constant 0 : i32
    %cond3A_1 = arith.cmpi ne, %convert_element_type3A, %cond3A : i32
    scf.if %cond3A_1 {
      %mul3A = arith.constant 640 : i32
      %mul3A_2 = arith.muli %arg1, %mul3A : i32
      "tpu.trace_start"() <{level = 10 : i32, message = "zerofill"}> : () -> ()
      %scan3A = arith.constant 0 : i32
      %scan3A_3 = arith.constant 0 : i32
      %scan3A_4 = arith.constant 64 : i32
      %scan3A_5 = arith.addi %scan3A_3, %scan3A_4 : i32
      %scan3A_6 = arith.constant 1 : i32
      scf.for %scan3A_216 = %scan3A_3 to %scan3A_5 step %scan3A_6  : i32 {
        %broadcast_in_dim3A = arith.constant 0.000000e+00 : f32
        %broadcast_in_dim3A_217 = vector.broadcast %broadcast_in_dim3A : f32 to vector<16xf32>
        %swap3A = arith.index_cast %scan3A_216 : i32 to index
        %swap3A_218 = arith.constant 0 : index
        %swap3A_219 = tpu.vector_load %arg10[%swap3A, %swap3A_218] {strides = array<i32>} : memref<64x128xf32, #tpu.memory_space<vmem>>, vector<16xf32>,
        tpu.vector_store %arg10[%swap3A, %swap3A_218], %broadcast_in_dim3A_217 {strides = array<i32>} : memref<64x128xf32, #tpu.memory_space<vmem>>, vector<16xf32>,
        %broadcast_in_dim3A_220 = arith.constant 0.000000e+00 : f32
        %broadcast_in_dim3A_221 = vector.broadcast %broadcast_in_dim3A_220 : f32 to vector<16xf32>
        %swap3A_222 = arith.index_cast %scan3A_216 : i32 to index
        %swap3A_223 = arith.constant 16 : index
        %swap3A_224 = tpu.vector_load %arg10[%swap3A_222, %swap3A_223] {strides = array<i32>} : memref<64x128xf32, #tpu.memory_space<vmem>>, vector<16xf32>,
        tpu.vector_store %arg10[%swap3A_222, %swap3A_223], %broadcast_in_dim3A_221 {strides = array<i32>} : memref<64x128xf32, #tpu.memory_space<vmem>>, vector<16xf32>,
        %broadcast_in_dim3A_225 = arith.constant 0.000000e+00 : f32
        %broadcast_in_dim3A_226 = vector.broadcast %broadcast_in_dim3A_225 : f32 to vector<16xf32>
        %swap3A_227 = arith.index_cast %scan3A_216 : i32 to index
        %swap3A_228 = arith.constant 32 : index
        %swap3A_229 = tpu.vector_load %arg10[%swap3A_227, %swap3A_228] {strides = array<i32>} : memref<64x128xf32, #tpu.memory_space<vmem>>, vector<16xf32>,
        tpu.vector_store %arg10[%swap3A_227, %swap3A_228], %broadcast_in_dim3A_226 {strides = array<i32>} : memref<64x128xf32, #tpu.memory_space<vmem>>, vector<16xf32>,
        %broadcast_in_dim3A_230 = arith.constant 0.000000e+00 : f32
        %broadcast_in_dim3A_231 = vector.broadcast %broadcast_in_dim3A_230 : f32 to vector<16xf32>
        %swap3A_232 = arith.index_cast %scan3A_216 : i32 to index
        %swap3A_233 = arith.constant 48 : index
        %swap3A_234 = tpu.vector_load %arg10[%swap3A_232, %swap3A_233] {strides = array<i32>} : memref<64x128xf32, #tpu.memory_space<vmem>>, vector<16xf32>,
        tpu.vector_store %arg10[%swap3A_232, %swap3A_233], %broadcast_in_dim3A_231 {strides = array<i32>} : memref<64x128xf32, #tpu.memory_space<vmem>>, vector<16xf32>,
        %broadcast_in_dim3A_235 = arith.constant 0.000000e+00 : f32
        %broadcast_in_dim3A_236 = vector.broadcast %broadcast_in_dim3A_235 : f32 to vector<16xf32>
        %swap3A_237 = arith.index_cast %scan3A_216 : i32 to index
        %swap3A_238 = arith.constant 64 : index
        %swap3A_239 = tpu.vector_load %arg10[%swap3A_237, %swap3A_238] {strides = array<i32>} : memref<64x128xf32, #tpu.memory_space<vmem>>, vector<16xf32>,
        tpu.vector_store %arg10[%swap3A_237, %swap3A_238], %broadcast_in_dim3A_236 {strides = array<i32>} : memref<64x128xf32, #tpu.memory_space<vmem>>, vector<16xf32>,
        %broadcast_in_dim3A_240 = arith.constant 0.000000e+00 : f32
        %broadcast_in_dim3A_241 = vector.broadcast %broadcast_in_dim3A_240 : f32 to vector<16xf32>
        %swap3A_242 = arith.index_cast %scan3A_216 : i32 to index
        %swap3A_243 = arith.constant 80 : index
        %swap3A_244 = tpu.vector_load %arg10[%swap3A_242, %swap3A_243] {strides = array<i32>} : memref<64x128xf32, #tpu.memory_space<vmem>>, vector<16xf32>,
        tpu.vector_store %arg10[%swap3A_242, %swap3A_243], %broadcast_in_dim3A_241 {strides = array<i32>} : memref<64x128xf32, #tpu.memory_space<vmem>>, vector<16xf32>,
        %broadcast_in_dim3A_245 = arith.constant 0.000000e+00 : f32
        %broadcast_in_dim3A_246 = vector.broadcast %broadcast_in_dim3A_245 : f32 to vector<16xf32>
        %swap3A_247 = arith.index_cast %scan3A_216 : i32 to index
        %swap3A_248 = arith.constant 96 : index
        %swap3A_249 = tpu.vector_load %arg10[%swap3A_247, %swap3A_248] {strides = array<i32>} : memref<64x128xf32, #tpu.memory_space<vmem>>, vector<16xf32>,
        tpu.vector_store %arg10[%swap3A_247, %swap3A_248], %broadcast_in_dim3A_246 {strides = array<i32>} : memref<64x128xf32, #tpu.memory_space<vmem>>, vector<16xf32>,
        %broadcast_in_dim3A_250 = arith.constant 0.000000e+00 : f32
        %broadcast_in_dim3A_251 = vector.broadcast %broadcast_in_dim3A_250 : f32 to vector<16xf32>
        %swap3A_252 = arith.index_cast %scan3A_216 : i32 to index
        %swap3A_253 = arith.constant 112 : index
        %swap3A_254 = tpu.vector_load %arg10[%swap3A_252, %swap3A_253] {strides = array<i32>} : memref<64x128xf32, #tpu.memory_space<vmem>>, vector<16xf32>,
        tpu.vector_store %arg10[%swap3A_252, %swap3A_253], %broadcast_in_dim3A_251 {strides = array<i32>} : memref<64x128xf32, #tpu.memory_space<vmem>>, vector<16xf32>,
      }
      %scan3A_7 = arith.constant 64 : i32
      %add3A = arith.constant 0 : i32
      %add3A_8 = arith.addi %mul3A_2, %add3A : i32
      "tpu.region"() ({
        %run_scoped3A_216 = tpu.sem_alloc : memref<!tpu.dma_semaphore, #tpu.memory_space<semaphore_mem>>
        %dma_start3A = arith.constant 0 : i32
        %dma_start3A_217 = tpu.memref_slice %arg22[%add3A_8, %dma_start3A] : memref<10240x128xf32, #tpu.memory_space<vmem_shared>> -> memref<64x128xf32, #tpu.memory_space<vmem_shared>>
        %dma_start3A_218 = arith.constant 0 : i32
        %dma_start3A_219 = tpu.memref_slice %arg22[%add3A_8, %dma_start3A_218] : memref<10240x128xf32, #tpu.memory_space<vmem_shared>> -> memref<64x128xf32, #tpu.memory_space<vmem_shared>>
        tpu.enqueue_dma source(%arg10 : memref<64x128xf32, #tpu.memory_space<vmem>>) target(%dma_start3A_219 : memref<64x128xf32, #tpu.memory_space<vmem_shared>>) target_semaphore(%run_scoped3A_216 : memref<!tpu.dma_semaphore, #tpu.memory_space<semaphore_mem>>)
        %dma_wait3A_220 = arith.constant 0 : i32
        %dma_wait3A_221 = tpu.memref_slice %arg22[%add3A_8, %dma_wait3A_220] : memref<10240x128xf32, #tpu.memory_space<vmem_shared>> -> memref<64x128xf32, #tpu.memory_space<vmem_shared>>
        %dma_wait3A_222 = arith.constant 0 : i32
        %dma_wait3A_223 = tpu.memref_slice %arg22[%add3A_8, %dma_wait3A_222] : memref<10240x128xf32, #tpu.memory_space<vmem_shared>> -> memref<64x128xf32, #tpu.memory_space<vmem_shared>>
        tpu.wait_dma2 semaphore(%run_scoped3A_216 : memref<!tpu.dma_semaphore, #tpu.memory_space<semaphore_mem>>) src(%arg10 : memref<64x128xf32, #tpu.memory_space<vmem>>) dst(%dma_wait3A_223 : memref<64x128xf32, #tpu.memory_space<vmem_shared>>)
        tpu.yield
      }) : () -> ()
      %add3A_9 = arith.constant 64 : i32
      %add3A_10 = arith.addi %mul3A_2, %add3A_9 : i32
      "tpu.region"() ({
        %run_scoped3A_216 = tpu.sem_alloc : memref<!tpu.dma_semaphore, #tpu.memory_space<semaphore_mem>>
        %dma_start3A = arith.constant 0 : i32
        %dma_start3A_217 = tpu.memref_slice %arg22[%add3A_10, %dma_start3A] : memref<10240x128xf32, #tpu.memory_space<vmem_shared>> -> memref<64x128xf32, #tpu.memory_space<vmem_shared>>
        %dma_start3A_218 = arith.constant 0 : i32
        %dma_start3A_219 = tpu.memref_slice %arg22[%add3A_10, %dma_start3A_218] : memref<10240x128xf32, #tpu.memory_space<vmem_shared>> -> memref<64x128xf32, #tpu.memory_space<vmem_shared>>
        tpu.enqueue_dma source(%arg10 : memref<64x128xf32, #tpu.memory_space<vmem>>) target(%dma_start3A_219 : memref<64x128xf32, #tpu.memory_space<vmem_shared>>) target_semaphore(%run_scoped3A_216 : memref<!tpu.dma_semaphore, #tpu.memory_space<semaphore_mem>>)
        %dma_wait3A_220 = arith.constant 0 : i32
        %dma_wait3A_221 = tpu.memref_slice %arg22[%add3A_10, %dma_wait3A_220] : memref<10240x128xf32, #tpu.memory_space<vmem_shared>> -> memref<64x128xf32, #tpu.memory_space<vmem_shared>>
        %dma_wait3A_222 = arith.constant 0 : i32
        %dma_wait3A_223 = tpu.memref_slice %arg22[%add3A_10, %dma_wait3A_222] : memref<10240x128xf32, #tpu.memory_space<vmem_shared>> -> memref<64x128xf32, #tpu.memory_space<vmem_shared>>
        tpu.wait_dma2 semaphore(%run_scoped3A_216 : memref<!tpu.dma_semaphore, #tpu.memory_space<semaphore_mem>>) src(%arg10 : memref<64x128xf32, #tpu.memory_space<vmem>>) dst(%dma_wait3A_223 : memref<64x128xf32, #tpu.memory_space<vmem_shared>>)
        tpu.yield
      }) : () -> ()
      %add3A_11 = arith.constant 128 : i32
      %add3A_12 = arith.addi %mul3A_2, %add3A_11 : i32
      "tpu.region"() ({
        %run_scoped3A_216 = tpu.sem_alloc : memref<!tpu.dma_semaphore, #tpu.memory_space<semaphore_mem>>
        %dma_start3A = arith.constant 0 : i32
        %dma_start3A_217 = tpu.memref_slice %arg22[%add3A_12, %dma_start3A] : memref<10240x128xf32, #tpu.memory_space<vmem_shared>> -> memref<64x128xf32, #tpu.memory_space<vmem_shared>>
        %dma_start3A_218 = arith.constant 0 : i32
        %dma_start3A_219 = tpu.memref_slice %arg22[%add3A_12, %dma_start3A_218] : memref<10240x128xf32, #tpu.memory_space<vmem_shared>> -> memref<64x128xf32, #tpu.memory_space<vmem_shared>>
        tpu.enqueue_dma source(%arg10 : memref<64x128xf32, #tpu.memory_space<vmem>>) target(%dma_start3A_219 : memref<64x128xf32, #tpu.memory_space<vmem_shared>>) target_semaphore(%run_scoped3A_216 : memref<!tpu.dma_semaphore, #tpu.memory_space<semaphore_mem>>)
        %dma_wait3A_220 = arith.constant 0 : i32
        %dma_wait3A_221 = tpu.memref_slice %arg22[%add3A_12, %dma_wait3A_220] : memref<10240x128xf32, #tpu.memory_space<vmem_shared>> -> memref<64x128xf32, #tpu.memory_space<vmem_shared>>
        %dma_wait3A_222 = arith.constant 0 : i32
        %dma_wait3A_223 = tpu.memref_slice %arg22[%add3A_12, %dma_wait3A_222] : memref<10240x128xf32, #tpu.memory_space<vmem_shared>> -> memref<64x128xf32, #tpu.memory_space<vmem_shared>>
        tpu.wait_dma2 semaphore(%run_scoped3A_216 : memref<!tpu.dma_semaphore, #tpu.memory_space<semaphore_mem>>) src(%arg10 : memref<64x128xf32, #tpu.memory_space<vmem>>) dst(%dma_wait3A_223 : memref<64x128xf32, #tpu.memory_space<vmem_shared>>)
        tpu.yield
      }) : () -> ()
      %add3A_13 = arith.constant 192 : i32
      %add3A_14 = arith.addi %mul3A_2, %add3A_13 : i32
      "tpu.region"() ({
        %run_scoped3A_216 = tpu.sem_alloc : memref<!tpu.dma_semaphore, #tpu.memory_space<semaphore_mem>>
        %dma_start3A = arith.constant 0 : i32
        %dma_start3A_217 = tpu.memref_slice %arg22[%add3A_14, %dma_start3A] : memref<10240x128xf32, #tpu.memory_space<vmem_shared>> -> memref<64x128xf32, #tpu.memory_space<vmem_shared>>
        %dma_start3A_218 = arith.constant 0 : i32
        %dma_start3A_219 = tpu.memref_slice %arg22[%add3A_14, %dma_start3A_218] : memref<10240x128xf32, #tpu.memory_space<vmem_shared>> -> memref<64x128xf32, #tpu.memory_space<vmem_shared>>
        tpu.enqueue_dma source(%arg10 : memref<64x128xf32, #tpu.memory_space<vmem>>) target(%dma_start3A_219 : memref<64x128xf32, #tpu.memory_space<vmem_shared>>) target_semaphore(%run_scoped3A_216 : memref<!tpu.dma_semaphore, #tpu.memory_space<semaphore_mem>>)
        %dma_wait3A_220 = arith.constant 0 : i32
        %dma_wait3A_221 = tpu.memref_slice %arg22[%add3A_14, %dma_wait3A_220] : memref<10240x128xf32, #tpu.memory_space<vmem_shared>> -> memref<64x128xf32, #tpu.memory_space<vmem_shared>>
        %dma_wait3A_222 = arith.constant 0 : i32
        %dma_wait3A_223 = tpu.memref_slice %arg22[%add3A_14, %dma_wait3A_222] : memref<10240x128xf32, #tpu.memory_space<vmem_shared>> -> memref<64x128xf32, #tpu.memory_space<vmem_shared>>
        tpu.wait_dma2 semaphore(%run_scoped3A_216 : memref<!tpu.dma_semaphore, #tpu.memory_space<semaphore_mem>>) src(%arg10 : memref<64x128xf32, #tpu.memory_space<vmem>>) dst(%dma_wait3A_223 : memref<64x128xf32, #tpu.memory_space<vmem_shared>>)
        tpu.yield
      }) : () -> ()
      %add3A_15 = arith.constant 256 : i32
      %add3A_16 = arith.addi %mul3A_2, %add3A_15 : i32
      "tpu.region"() ({
        %run_scoped3A_216 = tpu.sem_alloc : memref<!tpu.dma_semaphore, #tpu.memory_space<semaphore_mem>>
        %dma_start3A = arith.constant 0 : i32
        %dma_start3A_217 = tpu.memref_slice %arg22[%add3A_16, %dma_start3A] : memref<10240x128xf32, #tpu.memory_space<vmem_shared>> -> memref<64x128xf32, #tpu.memory_space<vmem_shared>>
        %dma_start3A_218 = arith.constant 0 : i32
        %dma_start3A_219 = tpu.memref_slice %arg22[%add3A_16, %dma_start3A_218] : memref<10240x128xf32, #tpu.memory_space<vmem_shared>> -> memref<64x128xf32, #tpu.memory_space<vmem_shared>>
        tpu.enqueue_dma source(%arg10 : memref<64x128xf32, #tpu.memory_space<vmem>>) target(%dma_start3A_219 : memref<64x128xf32, #tpu.memory_space<vmem_shared>>) target_semaphore(%run_scoped3A_216 : memref<!tpu.dma_semaphore, #tpu.memory_space<semaphore_mem>>)
        %dma_wait3A_220 = arith.constant 0 : i32
        %dma_wait3A_221 = tpu.memref_slice %arg22[%add3A_16, %dma_wait3A_220] : memref<10240x128xf32, #tpu.memory_space<vmem_shared>> -> memref<64x128xf32, #tpu.memory_space<vmem_shared>>
        %dma_wait3A_222 = arith.constant 0 : i32
        %dma_wait3A_223 = tpu.memref_slice %arg22[%add3A_16, %dma_wait3A_222] : memref<10240x128xf32, #tpu.memory_space<vmem_shared>> -> memref<64x128xf32, #tpu.memory_space<vmem_shared>>
        tpu.wait_dma2 semaphore(%run_scoped3A_216 : memref<!tpu.dma_semaphore, #tpu.memory_space<semaphore_mem>>) src(%arg10 : memref<64x128xf32, #tpu.memory_space<vmem>>) dst(%dma_wait3A_223 : memref<64x128xf32, #tpu.memory_space<vmem_shared>>)
        tpu.yield
      }) : () -> ()
      %add3A_17 = arith.constant 320 : i32
      %add3A_18 = arith.addi %mul3A_2, %add3A_17 : i32
      "tpu.region"() ({
        %run_scoped3A_216 = tpu.sem_alloc : memref<!tpu.dma_semaphore, #tpu.memory_space<semaphore_mem>>
        %dma_start3A = arith.constant 0 : i32
        %dma_start3A_217 = tpu.memref_slice %arg22[%add3A_18, %dma_start3A] : memref<10240x128xf32, #tpu.memory_space<vmem_shared>> -> memref<64x128xf32, #tpu.memory_space<vmem_shared>>
        %dma_start3A_218 = arith.constant 0 : i32
        %dma_start3A_219 = tpu.memref_slice %arg22[%add3A_18, %dma_start3A_218] : memref<10240x128xf32, #tpu.memory_space<vmem_shared>> -> memref<64x128xf32, #tpu.memory_space<vmem_shared>>
        tpu.enqueue_dma source(%arg10 : memref<64x128xf32, #tpu.memory_space<vmem>>) target(%dma_start3A_219 : memref<64x128xf32, #tpu.memory_space<vmem_shared>>) target_semaphore(%run_scoped3A_216 : memref<!tpu.dma_semaphore, #tpu.memory_space<semaphore_mem>>)
        %dma_wait3A_220 = arith.constant 0 : i32
        %dma_wait3A_221 = tpu.memref_slice %arg22[%add3A_18, %dma_wait3A_220] : memref<10240x128xf32, #tpu.memory_space<vmem_shared>> -> memref<64x128xf32, #tpu.memory_space<vmem_shared>>
        %dma_wait3A_222 = arith.constant 0 : i32
        %dma_wait3A_223 = tpu.memref_slice %arg22[%add3A_18, %dma_wait3A_222] : memref<10240x128xf32, #tpu.memory_space<vmem_shared>> -> memref<64x128xf32, #tpu.memory_space<vmem_shared>>
        tpu.wait_dma2 semaphore(%run_scoped3A_216 : memref<!tpu.dma_semaphore, #tpu.memory_space<semaphore_mem>>) src(%arg10 : memref<64x128xf32, #tpu.memory_space<vmem>>) dst(%dma_wait3A_223 : memref<64x128xf32, #tpu.memory_space<vmem_shared>>)
        tpu.yield
      }) : () -> ()
      %add3A_19 = arith.constant 384 : i32
      %add3A_20 = arith.addi %mul3A_2, %add3A_19 : i32
      "tpu.region"() ({
        %run_scoped3A_216 = tpu.sem_alloc : memref<!tpu.dma_semaphore, #tpu.memory_space<semaphore_mem>>
        %dma_start3A = arith.constant 0 : i32
        %dma_start3A_217 = tpu.memref_slice %arg22[%add3A_20, %dma_start3A] : memref<10240x128xf32, #tpu.memory_space<vmem_shared>> -> memref<64x128xf32, #tpu.memory_space<vmem_shared>>
        %dma_start3A_218 = arith.constant 0 : i32
        %dma_start3A_219 = tpu.memref_slice %arg22[%add3A_20, %dma_start3A_218] : memref<10240x128xf32, #tpu.memory_space<vmem_shared>> -> memref<64x128xf32, #tpu.memory_space<vmem_shared>>
        tpu.enqueue_dma source(%arg10 : memref<64x128xf32, #tpu.memory_space<vmem>>) target(%dma_start3A_219 : memref<64x128xf32, #tpu.memory_space<vmem_shared>>) target_semaphore(%run_scoped3A_216 : memref<!tpu.dma_semaphore, #tpu.memory_space<semaphore_mem>>)
        %dma_wait3A_220 = arith.constant 0 : i32
        %dma_wait3A_221 = tpu.memref_slice %arg22[%add3A_20, %dma_wait3A_220] : memref<10240x128xf32, #tpu.memory_space<vmem_shared>> -> memref<64x128xf32, #tpu.memory_space<vmem_shared>>
        %dma_wait3A_222 = arith.constant 0 : i32
        %dma_wait3A_223 = tpu.memref_slice %arg22[%add3A_20, %dma_wait3A_222] : memref<10240x128xf32, #tpu.memory_space<vmem_shared>> -> memref<64x128xf32, #tpu.memory_space<vmem_shared>>
        tpu.wait_dma2 semaphore(%run_scoped3A_216 : memref<!tpu.dma_semaphore, #tpu.memory_space<semaphore_mem>>) src(%arg10 : memref<64x128xf32, #tpu.memory_space<vmem>>) dst(%dma_wait3A_223 : memref<64x128xf32, #tpu.memory_space<vmem_shared>>)
        tpu.yield
      }) : () -> ()
      %add3A_21 = arith.constant 448 : i32
      %add3A_22 = arith.addi %mul3A_2, %add3A_21 : i32
      "tpu.region"() ({
        %run_scoped3A_216 = tpu.sem_alloc : memref<!tpu.dma_semaphore, #tpu.memory_space<semaphore_mem>>
        %dma_start3A = arith.constant 0 : i32
        %dma_start3A_217 = tpu.memref_slice %arg22[%add3A_22, %dma_start3A] : memref<10240x128xf32, #tpu.memory_space<vmem_shared>> -> memref<64x128xf32, #tpu.memory_space<vmem_shared>>
        %dma_start3A_218 = arith.constant 0 : i32
        %dma_start3A_219 = tpu.memref_slice %arg22[%add3A_22, %dma_start3A_218] : memref<10240x128xf32, #tpu.memory_space<vmem_shared>> -> memref<64x128xf32, #tpu.memory_space<vmem_shared>>
        tpu.enqueue_dma source(%arg10 : memref<64x128xf32, #tpu.memory_space<vmem>>) target(%dma_start3A_219 : memref<64x128xf32, #tpu.memory_space<vmem_shared>>) target_semaphore(%run_scoped3A_216 : memref<!tpu.dma_semaphore, #tpu.memory_space<semaphore_mem>>)
        %dma_wait3A_220 = arith.constant 0 : i32
        %dma_wait3A_221 = tpu.memref_slice %arg22[%add3A_22, %dma_wait3A_220] : memref<10240x128xf32, #tpu.memory_space<vmem_shared>> -> memref<64x128xf32, #tpu.memory_space<vmem_shared>>
        %dma_wait3A_222 = arith.constant 0 : i32
        %dma_wait3A_223 = tpu.memref_slice %arg22[%add3A_22, %dma_wait3A_222] : memref<10240x128xf32, #tpu.memory_space<vmem_shared>> -> memref<64x128xf32, #tpu.memory_space<vmem_shared>>
        tpu.wait_dma2 semaphore(%run_scoped3A_216 : memref<!tpu.dma_semaphore, #tpu.memory_space<semaphore_mem>>) src(%arg10 : memref<64x128xf32, #tpu.memory_space<vmem>>) dst(%dma_wait3A_223 : memref<64x128xf32, #tpu.memory_space<vmem_shared>>)
        tpu.yield
      }) : () -> ()
      %add3A_23 = arith.constant 512 : i32
      %add3A_24 = arith.addi %mul3A_2, %add3A_23 : i32
      "tpu.region"() ({
        %run_scoped3A_216 = tpu.sem_alloc : memref<!tpu.dma_semaphore, #tpu.memory_space<semaphore_mem>>
        %dma_start3A = arith.constant 0 : i32
        %dma_start3A_217 = tpu.memref_slice %arg22[%add3A_24, %dma_start3A] : memref<10240x128xf32, #tpu.memory_space<vmem_shared>> -> memref<64x128xf32, #tpu.memory_space<vmem_shared>>
        %dma_start3A_218 = arith.constant 0 : i32
        %dma_start3A_219 = tpu.memref_slice %arg22[%add3A_24, %dma_start3A_218] : memref<10240x128xf32, #tpu.memory_space<vmem_shared>> -> memref<64x128xf32, #tpu.memory_space<vmem_shared>>
        tpu.enqueue_dma source(%arg10 : memref<64x128xf32, #tpu.memory_space<vmem>>) target(%dma_start3A_219 : memref<64x128xf32, #tpu.memory_space<vmem_shared>>) target_semaphore(%run_scoped3A_216 : memref<!tpu.dma_semaphore, #tpu.memory_space<semaphore_mem>>)
        %dma_wait3A_220 = arith.constant 0 : i32
        %dma_wait3A_221 = tpu.memref_slice %arg22[%add3A_24, %dma_wait3A_220] : memref<10240x128xf32, #tpu.memory_space<vmem_shared>> -> memref<64x128xf32, #tpu.memory_space<vmem_shared>>
        %dma_wait3A_222 = arith.constant 0 : i32
        %dma_wait3A_223 = tpu.memref_slice %arg22[%add3A_24, %dma_wait3A_222] : memref<10240x128xf32, #tpu.memory_space<vmem_shared>> -> memref<64x128xf32, #tpu.memory_space<vmem_shared>>
        tpu.wait_dma2 semaphore(%run_scoped3A_216 : memref<!tpu.dma_semaphore, #tpu.memory_space<semaphore_mem>>) src(%arg10 : memref<64x128xf32, #tpu.memory_space<vmem>>) dst(%dma_wait3A_223 : memref<64x128xf32, #tpu.memory_space<vmem_shared>>)
        tpu.yield
      }) : () -> ()
      %add3A_25 = arith.constant 576 : i32
      %add3A_26 = arith.addi %mul3A_2, %add3A_25 : i32
      "tpu.region"() ({
        %run_scoped3A_216 = tpu.sem_alloc : memref<!tpu.dma_semaphore, #tpu.memory_space<semaphore_mem>>
        %dma_start3A = arith.constant 0 : i32
        %dma_start3A_217 = tpu.memref_slice %arg22[%add3A_26, %dma_start3A] : memref<10240x128xf32, #tpu.memory_space<vmem_shared>> -> memref<64x128xf32, #tpu.memory_space<vmem_shared>>
        %dma_start3A_218 = arith.constant 0 : i32
        %dma_start3A_219 = tpu.memref_slice %arg22[%add3A_26, %dma_start3A_218] : memref<10240x128xf32, #tpu.memory_space<vmem_shared>> -> memref<64x128xf32, #tpu.memory_space<vmem_shared>>
        tpu.enqueue_dma source(%arg10 : memref<64x128xf32, #tpu.memory_space<vmem>>) target(%dma_start3A_219 : memref<64x128xf32, #tpu.memory_space<vmem_shared>>) target_semaphore(%run_scoped3A_216 : memref<!tpu.dma_semaphore, #tpu.memory_space<semaphore_mem>>)
        %dma_wait3A_220 = arith.constant 0 : i32
        %dma_wait3A_221 = tpu.memref_slice %arg22[%add3A_26, %dma_wait3A_220] : memref<10240x128xf32, #tpu.memory_space<vmem_shared>> -> memref<64x128xf32, #tpu.memory_space<vmem_shared>>
        %dma_wait3A_222 = arith.constant 0 : i32
        %dma_wait3A_223 = tpu.memref_slice %arg22[%add3A_26, %dma_wait3A_222] : memref<10240x128xf32, #tpu.memory_space<vmem_shared>> -> memref<64x128xf32, #tpu.memory_space<vmem_shared>>
        tpu.wait_dma2 semaphore(%run_scoped3A_216 : memref<!tpu.dma_semaphore, #tpu.memory_space<semaphore_mem>>) src(%arg10 : memref<64x128xf32, #tpu.memory_space<vmem>>) dst(%dma_wait3A_223 : memref<64x128xf32, #tpu.memory_space<vmem_shared>>)
        tpu.yield
      }) : () -> ()
      %barrier3A = arith.constant 0 : index
      tpu.barrier barrier_id(%barrier3A)
      "tpu.trace_stop"() : () -> ()
      "tpu.trace_start"() <{level = 10 : i32, message = "edges"}> : () -> ()
      %scan3A_27 = arith.constant 0 : i32
      %scan3A_28 = arith.constant 0 : i32
      %scan3A_29 = arith.constant 40 : i32
      %scan3A_30 = arith.addi %scan3A_28, %scan3A_29 : i32
      %scan3A_31 = arith.constant 1 : i32
      scf.for %scan3A_216 = %scan3A_28 to %scan3A_30 step %scan3A_31  : i32 {
        %eq3A_217 = arith.constant 0 : i32
        %eq3A_218 = arith.cmpi eq, %scan3A_216, %eq3A_217 : i32
        %convert_element_type3A_219 = arith.extui %eq3A_218 : i1 to i32
        %cond3A_220 = arith.constant 0 : i32
        %cond3A_221 = arith.cmpi ne, %convert_element_type3A_219, %cond3A_220 : i32
        scf.if %cond3A_221 {
          %mul3A_633 = arith.constant 160 : i32
          %mul3A_634 = arith.muli %arg1, %mul3A_633 : i32
          "tpu.region"() ({
            %run_scoped3A_635 = tpu.sem_alloc : memref<!tpu.dma_semaphore, #tpu.memory_space<semaphore_mem>>
            %dma_start3A_636 = arith.constant 0 : i32
            %dma_start3A_637 = tpu.memref_slice %arg2[%mul3A_634, %dma_start3A_636] : memref<2560x64xi32, #tpu.memory_space<hbm>> -> memref<80x64xi32, #tpu.memory_space<hbm>>
            %dma_start3A_638 = arith.constant 0 : i32
            %dma_start3A_639 = tpu.memref_slice %arg2[%mul3A_634, %dma_start3A_638] : memref<2560x64xi32, #tpu.memory_space<hbm>> -> memref<80x64xi32, #tpu.memory_space<hbm>>
            tpu.enqueue_dma source(%dma_start3A_639 : memref<80x64xi32, #tpu.memory_space<hbm>>) target(%arg7 : memref<80x64xi32, #tpu.memory_space<vmem>>) target_semaphore(%run_scoped3A_635 : memref<!tpu.dma_semaphore, #tpu.memory_space<semaphore_mem>>)
            %dma_wait3A_640 = arith.constant 0 : i32
            %dma_wait3A_641 = tpu.memref_slice %arg2[%mul3A_634, %dma_wait3A_640] : memref<2560x64xi32, #tpu.memory_space<hbm>> -> memref<80x64xi32, #tpu.memory_space<hbm>>
            %dma_wait3A_642 = arith.constant 0 : i32
            %dma_wait3A_643 = tpu.memref_slice %arg2[%mul3A_634, %dma_wait3A_642] : memref<2560x64xi32, #tpu.memory_space<hbm>> -> memref<80x64xi32, #tpu.memory_space<hbm>>
            tpu.wait_dma2 semaphore(%run_scoped3A_635 : memref<!tpu.dma_semaphore, #tpu.memory_space<semaphore_mem>>) src(%dma_wait3A_643 : memref<80x64xi32, #tpu.memory_space<hbm>>) dst(%arg7 : memref<80x64xi32, #tpu.memory_space<vmem>>)
            tpu.yield
          }) : () -> ()
        } else {
        }
        %eq3A_222 = arith.constant 20 : i32
        %eq3A_223 = arith.cmpi eq, %scan3A_216, %eq3A_222 : i32
        %convert_element_type3A_224 = arith.extui %eq3A_223 : i1 to i32
        %cond3A_225 = arith.constant 0 : i32
        %cond3A_226 = arith.cmpi ne, %convert_element_type3A_224, %cond3A_225 : i32
        scf.if %cond3A_226 {
          %mul3A_633 = arith.constant 160 : i32
          %mul3A_634 = arith.muli %arg1, %mul3A_633 : i32
          %add3A_635 = arith.constant 80 : i32
          %add3A_636 = arith.addi %mul3A_634, %add3A_635 : i32
          "tpu.region"() ({
            %run_scoped3A_637 = tpu.sem_alloc : memref<!tpu.dma_semaphore, #tpu.memory_space<semaphore_mem>>
            %dma_start3A_638 = arith.constant 0 : i32
            %dma_start3A_639 = tpu.memref_slice %arg2[%add3A_636, %dma_start3A_638] : memref<2560x64xi32, #tpu.memory_space<hbm>> -> memref<80x64xi32, #tpu.memory_space<hbm>>
            %dma_start3A_640 = arith.constant 0 : i32
            %dma_start3A_641 = tpu.memref_slice %arg2[%add3A_636, %dma_start3A_640] : memref<2560x64xi32, #tpu.memory_space<hbm>> -> memref<80x64xi32, #tpu.memory_space<hbm>>
            tpu.enqueue_dma source(%dma_start3A_641 : memref<80x64xi32, #tpu.memory_space<hbm>>) target(%arg7 : memref<80x64xi32, #tpu.memory_space<vmem>>) target_semaphore(%run_scoped3A_637 : memref<!tpu.dma_semaphore, #tpu.memory_space<semaphore_mem>>)
            %dma_wait3A_642 = arith.constant 0 : i32
            %dma_wait3A_643 = tpu.memref_slice %arg2[%add3A_636, %dma_wait3A_642] : memref<2560x64xi32, #tpu.memory_space<hbm>> -> memref<80x64xi32, #tpu.memory_space<hbm>>
            %dma_wait3A_644 = arith.constant 0 : i32
            %dma_wait3A_645 = tpu.memref_slice %arg2[%add3A_636, %dma_wait3A_644] : memref<2560x64xi32, #tpu.memory_space<hbm>> -> memref<80x64xi32, #tpu.memory_space<hbm>>
            tpu.wait_dma2 semaphore(%run_scoped3A_637 : memref<!tpu.dma_semaphore, #tpu.memory_space<semaphore_mem>>) src(%dma_wait3A_645 : memref<80x64xi32, #tpu.memory_space<hbm>>) dst(%arg7 : memref<80x64xi32, #tpu.memory_space<vmem>>)
            tpu.yield
          }) : () -> ()
        } else {
        }
        %mul3A_227 = arith.constant 4 : i32
        %mul3A_228 = arith.muli %scan3A_216, %mul3A_227 : i32
        %ge3A = arith.constant 20 : i32
        %ge3A_229 = arith.cmpi sge, %scan3A_216, %ge3A : i32
        %jit3A = arith.constant 80 : i32
        %jit3A_230 = arith.constant 0 : i32
        %select_n3A = arith.select %ge3A_229, %jit3A, %jit3A_230 : i32
        %sub3A = arith.subi %mul3A_228, %select_n3A : i32
        %gt3A = arith.constant 0 : i32
        %gt3A_231 = arith.cmpi sgt, %scan3A_216, %gt3A : i32
        %convert_element_type3A_232 = arith.extui %gt3A_231 : i1 to i32
        %cond3A_233 = arith.constant 0 : i32
        %cond3A_234 = arith.cmpi ne, %convert_element_type3A_232, %cond3A_233 : i32
        scf.if %cond3A_234 {
          %dma_wait3A_633 = arith.constant 0 : i32
          %dma_wait3A_634 = arith.constant 0 : i32
          %dma_wait3A_635 = tpu.memref_slice %arg3[%dma_wait3A_633, %dma_wait3A_634] : memref<10240x128xf32, #tpu.memory_space<hbm>> -> memref<64x128xf32, #tpu.memory_space<hbm>>
          %dma_wait3A_636 = arith.constant 0 : i32
          %dma_wait3A_637 = arith.constant 0 : i32
          %dma_wait3A_638 = tpu.memref_slice %arg3[%dma_wait3A_636, %dma_wait3A_637] : memref<10240x128xf32, #tpu.memory_space<hbm>> -> memref<64x128xf32, #tpu.memory_space<hbm>>
          tpu.wait_dma2 semaphore(%arg18 : memref<!tpu.dma_semaphore, #tpu.memory_space<semaphore_mem>>) src(%dma_wait3A_638 : memref<64x128xf32, #tpu.memory_space<hbm>>) dst(%arg10 : memref<64x128xf32, #tpu.memory_space<vmem>>)
        } else {
        }
        %add3A_235 = arith.constant 0 : i32
        %add3A_236 = arith.addi %sub3A, %add3A_235 : i32
        %get3A = arith.index_cast %add3A_236 : i32 to index
        %get3A_237 = arith.constant 0 : index
        %get3A_238 = tpu.vector_load %arg7[%get3A, %get3A_237] {strides = array<i32>} : memref<80x64xi32, #tpu.memory_space<vmem>>, vector<16xi32>,
        %shift_right_arithmetic3A = arith.constant 16 : i32
        %shift_right_arithmetic3A_239 = vector.broadcast %shift_right_arithmetic3A : i32 to vector<16xi32>
        %shift_right_arithmetic3A_240 = arith.shrsi %get3A_238, %shift_right_arithmetic3A_239 : vector<16xi32>
        %swap3A = arith.constant 0 : i32
        %swap3A_241 = arith.index_cast %swap3A : i32 to index
        %swap3A_242 = arith.constant 0 : index
        %swap3A_243 = tpu.vector_load %arg8[%swap3A_241, %swap3A_242] {strides = array<i32>} : memref<4x64xi32, #tpu.memory_space<vmem>>, vector<16xi32>,
        tpu.vector_store %arg8[%swap3A_241, %swap3A_242], %shift_right_arithmetic3A_240 {strides = array<i32>} : memref<4x64xi32, #tpu.memory_space<vmem>>, vector<16xi32>,
        %and3A = arith.constant 65535 : i32
        %and3A_244 = vector.broadcast %and3A : i32 to vector<16xi32>
        %and3A_245 = arith.andi %get3A_238, %and3A_244 : vector<16xi32>
        %swap3A_246 = arith.constant 0 : i32
        %swap3A_247 = arith.index_cast %swap3A_246 : i32 to index
        %swap3A_248 = arith.constant 0 : index
        %swap3A_249 = tpu.vector_load %arg9[%swap3A_247, %swap3A_248] {strides = array<i32>} : memref<4x64xi32, #tpu.memory_space<vmem>>, vector<16xi32>,
        tpu.vector_store %arg9[%swap3A_247, %swap3A_248], %and3A_245 {strides = array<i32>} : memref<4x64xi32, #tpu.memory_space<vmem>>, vector<16xi32>,
        %add3A_250 = arith.constant 0 : i32
        %add3A_251 = arith.addi %sub3A, %add3A_250 : i32
        %get3A_252 = arith.index_cast %add3A_251 : i32 to index
        %get3A_253 = arith.constant 16 : index
        %get3A_254 = tpu.vector_load %arg7[%get3A_252, %get3A_253] {strides = array<i32>} : memref<80x64xi32, #tpu.memory_space<vmem>>, vector<16xi32>,
        %shift_right_arithmetic3A_255 = arith.constant 16 : i32
        %shift_right_arithmetic3A_256 = vector.broadcast %shift_right_arithmetic3A_255 : i32 to vector<16xi32>
        %shift_right_arithmetic3A_257 = arith.shrsi %get3A_254, %shift_right_arithmetic3A_256 : vector<16xi32>
        %swap3A_258 = arith.constant 0 : i32
        %swap3A_259 = arith.index_cast %swap3A_258 : i32 to index
        %swap3A_260 = arith.constant 16 : index
        %swap3A_261 = tpu.vector_load %arg8[%swap3A_259, %swap3A_260] {strides = array<i32>} : memref<4x64xi32, #tpu.memory_space<vmem>>, vector<16xi32>,
        tpu.vector_store %arg8[%swap3A_259, %swap3A_260], %shift_right_arithmetic3A_257 {strides = array<i32>} : memref<4x64xi32, #tpu.memory_space<vmem>>, vector<16xi32>,
        %and3A_262 = arith.constant 65535 : i32
        %and3A_263 = vector.broadcast %and3A_262 : i32 to vector<16xi32>
        %and3A_264 = arith.andi %get3A_254, %and3A_263 : vector<16xi32>
        %swap3A_265 = arith.constant 0 : i32
        %swap3A_266 = arith.index_cast %swap3A_265 : i32 to index
        %swap3A_267 = arith.constant 16 : index
        %swap3A_268 = tpu.vector_load %arg9[%swap3A_266, %swap3A_267] {strides = array<i32>} : memref<4x64xi32, #tpu.memory_space<vmem>>, vector<16xi32>,
        tpu.vector_store %arg9[%swap3A_266, %swap3A_267], %and3A_264 {strides = array<i32>} : memref<4x64xi32, #tpu.memory_space<vmem>>, vector<16xi32>,
        %add3A_269 = arith.constant 0 : i32
        %add3A_270 = arith.addi %sub3A, %add3A_269 : i32
        %get3A_271 = arith.index_cast %add3A_270 : i32 to index
        %get3A_272 = arith.constant 32 : index
        %get3A_273 = tpu.vector_load %arg7[%get3A_271, %get3A_272] {strides = array<i32>} : memref<80x64xi32, #tpu.memory_space<vmem>>, vector<16xi32>,
        %shift_right_arithmetic3A_274 = arith.constant 16 : i32
        %shift_right_arithmetic3A_275 = vector.broadcast %shift_right_arithmetic3A_274 : i32 to vector<16xi32>
        %shift_right_arithmetic3A_276 = arith.shrsi %get3A_273, %shift_right_arithmetic3A_275 : vector<16xi32>
        %swap3A_277 = arith.constant 0 : i32
        %swap3A_278 = arith.index_cast %swap3A_277 : i32 to index
        %swap3A_279 = arith.constant 32 : index
        %swap3A_280 = tpu.vector_load %arg8[%swap3A_278, %swap3A_279] {strides = array<i32>} : memref<4x64xi32, #tpu.memory_space<vmem>>, vector<16xi32>,
        tpu.vector_store %arg8[%swap3A_278, %swap3A_279], %shift_right_arithmetic3A_276 {strides = array<i32>} : memref<4x64xi32, #tpu.memory_space<vmem>>, vector<16xi32>,
        %and3A_281 = arith.constant 65535 : i32
        %and3A_282 = vector.broadcast %and3A_281 : i32 to vector<16xi32>
        %and3A_283 = arith.andi %get3A_273, %and3A_282 : vector<16xi32>
        %swap3A_284 = arith.constant 0 : i32
        %swap3A_285 = arith.index_cast %swap3A_284 : i32 to index
        %swap3A_286 = arith.constant 32 : index
        %swap3A_287 = tpu.vector_load %arg9[%swap3A_285, %swap3A_286] {strides = array<i32>} : memref<4x64xi32, #tpu.memory_space<vmem>>, vector<16xi32>,
        tpu.vector_store %arg9[%swap3A_285, %swap3A_286], %and3A_283 {strides = array<i32>} : memref<4x64xi32, #tpu.memory_space<vmem>>, vector<16xi32>,
        %add3A_288 = arith.constant 0 : i32
        %add3A_289 = arith.addi %sub3A, %add3A_288 : i32
        %get3A_290 = arith.index_cast %add3A_289 : i32 to index
        %get3A_291 = arith.constant 48 : index
        %get3A_292 = tpu.vector_load %arg7[%get3A_290, %get3A_291] {strides = array<i32>} : memref<80x64xi32, #tpu.memory_space<vmem>>, vector<16xi32>,
        %shift_right_arithmetic3A_293 = arith.constant 16 : i32
        %shift_right_arithmetic3A_294 = vector.broadcast %shift_right_arithmetic3A_293 : i32 to vector<16xi32>
        %shift_right_arithmetic3A_295 = arith.shrsi %get3A_292, %shift_right_arithmetic3A_294 : vector<16xi32>
        %swap3A_296 = arith.constant 0 : i32
        %swap3A_297 = arith.index_cast %swap3A_296 : i32 to index
        %swap3A_298 = arith.constant 48 : index
        %swap3A_299 = tpu.vector_load %arg8[%swap3A_297, %swap3A_298] {strides = array<i32>} : memref<4x64xi32, #tpu.memory_space<vmem>>, vector<16xi32>,
        tpu.vector_store %arg8[%swap3A_297, %swap3A_298], %shift_right_arithmetic3A_295 {strides = array<i32>} : memref<4x64xi32, #tpu.memory_space<vmem>>, vector<16xi32>,
        %and3A_300 = arith.constant 65535 : i32
        %and3A_301 = vector.broadcast %and3A_300 : i32 to vector<16xi32>
        %and3A_302 = arith.andi %get3A_292, %and3A_301 : vector<16xi32>
        %swap3A_303 = arith.constant 0 : i32
        %swap3A_304 = arith.index_cast %swap3A_303 : i32 to index
        %swap3A_305 = arith.constant 48 : index
        %swap3A_306 = tpu.vector_load %arg9[%swap3A_304, %swap3A_305] {strides = array<i32>} : memref<4x64xi32, #tpu.memory_space<vmem>>, vector<16xi32>,
        tpu.vector_store %arg9[%swap3A_304, %swap3A_305], %and3A_302 {strides = array<i32>} : memref<4x64xi32, #tpu.memory_space<vmem>>, vector<16xi32>,
        %dma_start3A = arith.constant 0 : i32
        %dma_start3A_307 = arith.constant 0 : i32
        %dma_start3A_308 = tpu.memref_slice %arg8[%dma_start3A, %dma_start3A_307] : memref<4x64xi32, #tpu.memory_space<vmem>> -> memref<1x64xi32, #tpu.memory_space<vmem>>
        %dma_start3A_309 = tpu.memref_squeeze %dma_start3A_308 : memref<1x64xi32, #tpu.memory_space<vmem>> -> memref<64xi32, #tpu.memory_space<vmem>>
        %dma_start3A_310 = arith.constant 0 : i32
        %dma_start3A_311 = arith.constant 0 : i32
        %dma_start3A_312 = tpu.memref_slice %arg3[%dma_start3A_310, %dma_start3A_311] : memref<10240x128xf32, #tpu.memory_space<hbm>> -> memref<10240x128xf32, #tpu.memory_space<hbm>>
        tpu.enqueue_indirect_dma source(%dma_start3A_312 : memref<10240x128xf32, #tpu.memory_space<hbm>>) target(%arg10 : memref<64x128xf32, #tpu.memory_space<vmem>>) offsets(%dma_start3A_309 : memref<64xi32, #tpu.memory_space<vmem>>) semaphore(%arg14 : memref<!tpu.dma_semaphore, #tpu.memory_space<semaphore_mem>>)
        %gt3A_313 = arith.constant 0 : i32
        %gt3A_314 = arith.cmpi sgt, %scan3A_216, %gt3A_313 : i32
        %convert_element_type3A_315 = arith.extui %gt3A_314 : i1 to i32
        %cond3A_316 = arith.constant 0 : i32
        %cond3A_317 = arith.cmpi ne, %convert_element_type3A_315, %cond3A_316 : i32
        scf.if %cond3A_317 {
          %dma_wait3A_633 = arith.constant 0 : i32
          %dma_wait3A_634 = arith.constant 0 : i32
          %dma_wait3A_635 = tpu.memref_slice %arg3[%dma_wait3A_633, %dma_wait3A_634] : memref<10240x128xf32, #tpu.memory_space<hbm>> -> memref<64x128xf32, #tpu.memory_space<hbm>>
          %dma_wait3A_636 = arith.constant 0 : i32
          %dma_wait3A_637 = arith.constant 0 : i32
          %dma_wait3A_638 = tpu.memref_slice %arg3[%dma_wait3A_636, %dma_wait3A_637] : memref<10240x128xf32, #tpu.memory_space<hbm>> -> memref<64x128xf32, #tpu.memory_space<hbm>>
          tpu.wait_dma2 semaphore(%arg19 : memref<!tpu.dma_semaphore, #tpu.memory_space<semaphore_mem>>) src(%dma_wait3A_638 : memref<64x128xf32, #tpu.memory_space<hbm>>) dst(%arg11 : memref<64x128xf32, #tpu.memory_space<vmem>>)
        } else {
        }
        %add3A_318 = arith.constant 1 : i32
        %add3A_319 = arith.addi %sub3A, %add3A_318 : i32
        %get3A_320 = arith.index_cast %add3A_319 : i32 to index
        %get3A_321 = arith.constant 0 : index
        %get3A_322 = tpu.vector_load %arg7[%get3A_320, %get3A_321] {strides = array<i32>} : memref<80x64xi32, #tpu.memory_space<vmem>>, vector<16xi32>,
        %shift_right_arithmetic3A_323 = arith.constant 16 : i32
        %shift_right_arithmetic3A_324 = vector.broadcast %shift_right_arithmetic3A_323 : i32 to vector<16xi32>
        %shift_right_arithmetic3A_325 = arith.shrsi %get3A_322, %shift_right_arithmetic3A_324 : vector<16xi32>
        %swap3A_326 = arith.constant 1 : i32
        %swap3A_327 = arith.index_cast %swap3A_326 : i32 to index
        %swap3A_328 = arith.constant 0 : index
        %swap3A_329 = tpu.vector_load %arg8[%swap3A_327, %swap3A_328] {strides = array<i32>} : memref<4x64xi32, #tpu.memory_space<vmem>>, vector<16xi32>,
        tpu.vector_store %arg8[%swap3A_327, %swap3A_328], %shift_right_arithmetic3A_325 {strides = array<i32>} : memref<4x64xi32, #tpu.memory_space<vmem>>, vector<16xi32>,
        %and3A_330 = arith.constant 65535 : i32
        %and3A_331 = vector.broadcast %and3A_330 : i32 to vector<16xi32>
        %and3A_332 = arith.andi %get3A_322, %and3A_331 : vector<16xi32>
        %swap3A_333 = arith.constant 1 : i32
        %swap3A_334 = arith.index_cast %swap3A_333 : i32 to index
        %swap3A_335 = arith.constant 0 : index
        %swap3A_336 = tpu.vector_load %arg9[%swap3A_334, %swap3A_335] {strides = array<i32>} : memref<4x64xi32, #tpu.memory_space<vmem>>, vector<16xi32>,
        tpu.vector_store %arg9[%swap3A_334, %swap3A_335], %and3A_332 {strides = array<i32>} : memref<4x64xi32, #tpu.memory_space<vmem>>, vector<16xi32>,
        %add3A_337 = arith.constant 1 : i32
        %add3A_338 = arith.addi %sub3A, %add3A_337 : i32
        %get3A_339 = arith.index_cast %add3A_338 : i32 to index
        %get3A_340 = arith.constant 16 : index
        %get3A_341 = tpu.vector_load %arg7[%get3A_339, %get3A_340] {strides = array<i32>} : memref<80x64xi32, #tpu.memory_space<vmem>>, vector<16xi32>,
        %shift_right_arithmetic3A_342 = arith.constant 16 : i32
        %shift_right_arithmetic3A_343 = vector.broadcast %shift_right_arithmetic3A_342 : i32 to vector<16xi32>
        %shift_right_arithmetic3A_344 = arith.shrsi %get3A_341, %shift_right_arithmetic3A_343 : vector<16xi32>
        %swap3A_345 = arith.constant 1 : i32
        %swap3A_346 = arith.index_cast %swap3A_345 : i32 to index
        %swap3A_347 = arith.constant 16 : index
        %swap3A_348 = tpu.vector_load %arg8[%swap3A_346, %swap3A_347] {strides = array<i32>} : memref<4x64xi32, #tpu.memory_space<vmem>>, vector<16xi32>,
        tpu.vector_store %arg8[%swap3A_346, %swap3A_347], %shift_right_arithmetic3A_344 {strides = array<i32>} : memref<4x64xi32, #tpu.memory_space<vmem>>, vector<16xi32>,
        %and3A_349 = arith.constant 65535 : i32
        %and3A_350 = vector.broadcast %and3A_349 : i32 to vector<16xi32>
        %and3A_351 = arith.andi %get3A_341, %and3A_350 : vector<16xi32>
        %swap3A_352 = arith.constant 1 : i32
        %swap3A_353 = arith.index_cast %swap3A_352 : i32 to index
        %swap3A_354 = arith.constant 16 : index
        %swap3A_355 = tpu.vector_load %arg9[%swap3A_353, %swap3A_354] {strides = array<i32>} : memref<4x64xi32, #tpu.memory_space<vmem>>, vector<16xi32>,
        tpu.vector_store %arg9[%swap3A_353, %swap3A_354], %and3A_351 {strides = array<i32>} : memref<4x64xi32, #tpu.memory_space<vmem>>, vector<16xi32>,
        %add3A_356 = arith.constant 1 : i32
        %add3A_357 = arith.addi %sub3A, %add3A_356 : i32
        %get3A_358 = arith.index_cast %add3A_357 : i32 to index
        %get3A_359 = arith.constant 32 : index
        %get3A_360 = tpu.vector_load %arg7[%get3A_358, %get3A_359] {strides = array<i32>} : memref<80x64xi32, #tpu.memory_space<vmem>>, vector<16xi32>,
        %shift_right_arithmetic3A_361 = arith.constant 16 : i32
        %shift_right_arithmetic3A_362 = vector.broadcast %shift_right_arithmetic3A_361 : i32 to vector<16xi32>
        %shift_right_arithmetic3A_363 = arith.shrsi %get3A_360, %shift_right_arithmetic3A_362 : vector<16xi32>
        %swap3A_364 = arith.constant 1 : i32
        %swap3A_365 = arith.index_cast %swap3A_364 : i32 to index
        %swap3A_366 = arith.constant 32 : index
        %swap3A_367 = tpu.vector_load %arg8[%swap3A_365, %swap3A_366] {strides = array<i32>} : memref<4x64xi32, #tpu.memory_space<vmem>>, vector<16xi32>,
        tpu.vector_store %arg8[%swap3A_365, %swap3A_366], %shift_right_arithmetic3A_363 {strides = array<i32>} : memref<4x64xi32, #tpu.memory_space<vmem>>, vector<16xi32>,
        %and3A_368 = arith.constant 65535 : i32
        %and3A_369 = vector.broadcast %and3A_368 : i32 to vector<16xi32>
        %and3A_370 = arith.andi %get3A_360, %and3A_369 : vector<16xi32>
        %swap3A_371 = arith.constant 1 : i32
        %swap3A_372 = arith.index_cast %swap3A_371 : i32 to index
        %swap3A_373 = arith.constant 32 : index
        %swap3A_374 = tpu.vector_load %arg9[%swap3A_372, %swap3A_373] {strides = array<i32>} : memref<4x64xi32, #tpu.memory_space<vmem>>, vector<16xi32>,
        tpu.vector_store %arg9[%swap3A_372, %swap3A_373], %and3A_370 {strides = array<i32>} : memref<4x64xi32, #tpu.memory_space<vmem>>, vector<16xi32>,
        %add3A_375 = arith.constant 1 : i32
        %add3A_376 = arith.addi %sub3A, %add3A_375 : i32
        %get3A_377 = arith.index_cast %add3A_376 : i32 to index
        %get3A_378 = arith.constant 48 : index
        %get3A_379 = tpu.vector_load %arg7[%get3A_377, %get3A_378] {strides = array<i32>} : memref<80x64xi32, #tpu.memory_space<vmem>>, vector<16xi32>,
        %shift_right_arithmetic3A_380 = arith.constant 16 : i32
        %shift_right_arithmetic3A_381 = vector.broadcast %shift_right_arithmetic3A_380 : i32 to vector<16xi32>
        %shift_right_arithmetic3A_382 = arith.shrsi %get3A_379, %shift_right_arithmetic3A_381 : vector<16xi32>
        %swap3A_383 = arith.constant 1 : i32
        %swap3A_384 = arith.index_cast %swap3A_383 : i32 to index
        %swap3A_385 = arith.constant 48 : index
        %swap3A_386 = tpu.vector_load %arg8[%swap3A_384, %swap3A_385] {strides = array<i32>} : memref<4x64xi32, #tpu.memory_space<vmem>>, vector<16xi32>,
        tpu.vector_store %arg8[%swap3A_384, %swap3A_385], %shift_right_arithmetic3A_382 {strides = array<i32>} : memref<4x64xi32, #tpu.memory_space<vmem>>, vector<16xi32>,
        %and3A_387 = arith.constant 65535 : i32
        %and3A_388 = vector.broadcast %and3A_387 : i32 to vector<16xi32>
        %and3A_389 = arith.andi %get3A_379, %and3A_388 : vector<16xi32>
        %swap3A_390 = arith.constant 1 : i32
        %swap3A_391 = arith.index_cast %swap3A_390 : i32 to index
        %swap3A_392 = arith.constant 48 : index
        %swap3A_393 = tpu.vector_load %arg9[%swap3A_391, %swap3A_392] {strides = array<i32>} : memref<4x64xi32, #tpu.memory_space<vmem>>, vector<16xi32>,
        tpu.vector_store %arg9[%swap3A_391, %swap3A_392], %and3A_389 {strides = array<i32>} : memref<4x64xi32, #tpu.memory_space<vmem>>, vector<16xi32>,
        %dma_start3A_394 = arith.constant 1 : i32
        %dma_start3A_395 = arith.constant 0 : i32
        %dma_start3A_396 = tpu.memref_slice %arg8[%dma_start3A_394, %dma_start3A_395] : memref<4x64xi32, #tpu.memory_space<vmem>> -> memref<1x64xi32, #tpu.memory_space<vmem>>
        %dma_start3A_397 = tpu.memref_squeeze %dma_start3A_396 : memref<1x64xi32, #tpu.memory_space<vmem>> -> memref<64xi32, #tpu.memory_space<vmem>>
        %dma_start3A_398 = arith.constant 0 : i32
        %dma_start3A_399 = arith.constant 0 : i32
        %dma_start3A_400 = tpu.memref_slice %arg3[%dma_start3A_398, %dma_start3A_399] : memref<10240x128xf32, #tpu.memory_space<hbm>> -> memref<10240x128xf32, #tpu.memory_space<hbm>>
        tpu.enqueue_indirect_dma source(%dma_start3A_400 : memref<10240x128xf32, #tpu.memory_space<hbm>>) target(%arg11 : memref<64x128xf32, #tpu.memory_space<vmem>>) offsets(%dma_start3A_397 : memref<64xi32, #tpu.memory_space<vmem>>) semaphore(%arg15 : memref<!tpu.dma_semaphore, #tpu.memory_space<semaphore_mem>>)
        %gt3A_401 = arith.constant 0 : i32
        %gt3A_402 = arith.cmpi sgt, %scan3A_216, %gt3A_401 : i32
        %convert_element_type3A_403 = arith.extui %gt3A_402 : i1 to i32
        %cond3A_404 = arith.constant 0 : i32
        %cond3A_405 = arith.cmpi ne, %convert_element_type3A_403, %cond3A_404 : i32
        scf.if %cond3A_405 {
          %dma_wait3A_633 = arith.constant 0 : i32
          %dma_wait3A_634 = arith.constant 0 : i32
          %dma_wait3A_635 = tpu.memref_slice %arg3[%dma_wait3A_633, %dma_wait3A_634] : memref<10240x128xf32, #tpu.memory_space<hbm>> -> memref<64x128xf32, #tpu.memory_space<hbm>>
          %dma_wait3A_636 = arith.constant 0 : i32
          %dma_wait3A_637 = arith.constant 0 : i32
          %dma_wait3A_638 = tpu.memref_slice %arg3[%dma_wait3A_636, %dma_wait3A_637] : memref<10240x128xf32, #tpu.memory_space<hbm>> -> memref<64x128xf32, #tpu.memory_space<hbm>>
          tpu.wait_dma2 semaphore(%arg20 : memref<!tpu.dma_semaphore, #tpu.memory_space<semaphore_mem>>) src(%dma_wait3A_638 : memref<64x128xf32, #tpu.memory_space<hbm>>) dst(%arg12 : memref<64x128xf32, #tpu.memory_space<vmem>>)
        } else {
        }
        %add3A_406 = arith.constant 2 : i32
        %add3A_407 = arith.addi %sub3A, %add3A_406 : i32
        %get3A_408 = arith.index_cast %add3A_407 : i32 to index
        %get3A_409 = arith.constant 0 : index
        %get3A_410 = tpu.vector_load %arg7[%get3A_408, %get3A_409] {strides = array<i32>} : memref<80x64xi32, #tpu.memory_space<vmem>>, vector<16xi32>,
        %shift_right_arithmetic3A_411 = arith.constant 16 : i32
        %shift_right_arithmetic3A_412 = vector.broadcast %shift_right_arithmetic3A_411 : i32 to vector<16xi32>
        %shift_right_arithmetic3A_413 = arith.shrsi %get3A_410, %shift_right_arithmetic3A_412 : vector<16xi32>
        %swap3A_414 = arith.constant 2 : i32
        %swap3A_415 = arith.index_cast %swap3A_414 : i32 to index
        %swap3A_416 = arith.constant 0 : index
        %swap3A_417 = tpu.vector_load %arg8[%swap3A_415, %swap3A_416] {strides = array<i32>} : memref<4x64xi32, #tpu.memory_space<vmem>>, vector<16xi32>,
        tpu.vector_store %arg8[%swap3A_415, %swap3A_416], %shift_right_arithmetic3A_413 {strides = array<i32>} : memref<4x64xi32, #tpu.memory_space<vmem>>, vector<16xi32>,
        %and3A_418 = arith.constant 65535 : i32
        %and3A_419 = vector.broadcast %and3A_418 : i32 to vector<16xi32>
        %and3A_420 = arith.andi %get3A_410, %and3A_419 : vector<16xi32>
        %swap3A_421 = arith.constant 2 : i32
        %swap3A_422 = arith.index_cast %swap3A_421 : i32 to index
        %swap3A_423 = arith.constant 0 : index
        %swap3A_424 = tpu.vector_load %arg9[%swap3A_422, %swap3A_423] {strides = array<i32>} : memref<4x64xi32, #tpu.memory_space<vmem>>, vector<16xi32>,
        tpu.vector_store %arg9[%swap3A_422, %swap3A_423], %and3A_420 {strides = array<i32>} : memref<4x64xi32, #tpu.memory_space<vmem>>, vector<16xi32>,
        %add3A_425 = arith.constant 2 : i32
        %add3A_426 = arith.addi %sub3A, %add3A_425 : i32
        %get3A_427 = arith.index_cast %add3A_426 : i32 to index
        %get3A_428 = arith.constant 16 : index
        %get3A_429 = tpu.vector_load %arg7[%get3A_427, %get3A_428] {strides = array<i32>} : memref<80x64xi32, #tpu.memory_space<vmem>>, vector<16xi32>,
        %shift_right_arithmetic3A_430 = arith.constant 16 : i32
        %shift_right_arithmetic3A_431 = vector.broadcast %shift_right_arithmetic3A_430 : i32 to vector<16xi32>
        %shift_right_arithmetic3A_432 = arith.shrsi %get3A_429, %shift_right_arithmetic3A_431 : vector<16xi32>
        %swap3A_433 = arith.constant 2 : i32
        %swap3A_434 = arith.index_cast %swap3A_433 : i32 to index
        %swap3A_435 = arith.constant 16 : index
        %swap3A_436 = tpu.vector_load %arg8[%swap3A_434, %swap3A_435] {strides = array<i32>} : memref<4x64xi32, #tpu.memory_space<vmem>>, vector<16xi32>,
        tpu.vector_store %arg8[%swap3A_434, %swap3A_435], %shift_right_arithmetic3A_432 {strides = array<i32>} : memref<4x64xi32, #tpu.memory_space<vmem>>, vector<16xi32>,
        %and3A_437 = arith.constant 65535 : i32
        %and3A_438 = vector.broadcast %and3A_437 : i32 to vector<16xi32>
        %and3A_439 = arith.andi %get3A_429, %and3A_438 : vector<16xi32>
        %swap3A_440 = arith.constant 2 : i32
        %swap3A_441 = arith.index_cast %swap3A_440 : i32 to index
        %swap3A_442 = arith.constant 16 : index
        %swap3A_443 = tpu.vector_load %arg9[%swap3A_441, %swap3A_442] {strides = array<i32>} : memref<4x64xi32, #tpu.memory_space<vmem>>, vector<16xi32>,
        tpu.vector_store %arg9[%swap3A_441, %swap3A_442], %and3A_439 {strides = array<i32>} : memref<4x64xi32, #tpu.memory_space<vmem>>, vector<16xi32>,
        %add3A_444 = arith.constant 2 : i32
        %add3A_445 = arith.addi %sub3A, %add3A_444 : i32
        %get3A_446 = arith.index_cast %add3A_445 : i32 to index
        %get3A_447 = arith.constant 32 : index
        %get3A_448 = tpu.vector_load %arg7[%get3A_446, %get3A_447] {strides = array<i32>} : memref<80x64xi32, #tpu.memory_space<vmem>>, vector<16xi32>,
        %shift_right_arithmetic3A_449 = arith.constant 16 : i32
        %shift_right_arithmetic3A_450 = vector.broadcast %shift_right_arithmetic3A_449 : i32 to vector<16xi32>
        %shift_right_arithmetic3A_451 = arith.shrsi %get3A_448, %shift_right_arithmetic3A_450 : vector<16xi32>
        %swap3A_452 = arith.constant 2 : i32
        %swap3A_453 = arith.index_cast %swap3A_452 : i32 to index
        %swap3A_454 = arith.constant 32 : index
        %swap3A_455 = tpu.vector_load %arg8[%swap3A_453, %swap3A_454] {strides = array<i32>} : memref<4x64xi32, #tpu.memory_space<vmem>>, vector<16xi32>,
        tpu.vector_store %arg8[%swap3A_453, %swap3A_454], %shift_right_arithmetic3A_451 {strides = array<i32>} : memref<4x64xi32, #tpu.memory_space<vmem>>, vector<16xi32>,
        %and3A_456 = arith.constant 65535 : i32
        %and3A_457 = vector.broadcast %and3A_456 : i32 to vector<16xi32>
        %and3A_458 = arith.andi %get3A_448, %and3A_457 : vector<16xi32>
        %swap3A_459 = arith.constant 2 : i32
        %swap3A_460 = arith.index_cast %swap3A_459 : i32 to index
        %swap3A_461 = arith.constant 32 : index
        %swap3A_462 = tpu.vector_load %arg9[%swap3A_460, %swap3A_461] {strides = array<i32>} : memref<4x64xi32, #tpu.memory_space<vmem>>, vector<16xi32>,
        tpu.vector_store %arg9[%swap3A_460, %swap3A_461], %and3A_458 {strides = array<i32>} : memref<4x64xi32, #tpu.memory_space<vmem>>, vector<16xi32>,
        %add3A_463 = arith.constant 2 : i32
        %add3A_464 = arith.addi %sub3A, %add3A_463 : i32
        %get3A_465 = arith.index_cast %add3A_464 : i32 to index
        %get3A_466 = arith.constant 48 : index
        %get3A_467 = tpu.vector_load %arg7[%get3A_465, %get3A_466] {strides = array<i32>} : memref<80x64xi32, #tpu.memory_space<vmem>>, vector<16xi32>,
        %shift_right_arithmetic3A_468 = arith.constant 16 : i32
        %shift_right_arithmetic3A_469 = vector.broadcast %shift_right_arithmetic3A_468 : i32 to vector<16xi32>
        %shift_right_arithmetic3A_470 = arith.shrsi %get3A_467, %shift_right_arithmetic3A_469 : vector<16xi32>
        %swap3A_471 = arith.constant 2 : i32
        %swap3A_472 = arith.index_cast %swap3A_471 : i32 to index
        %swap3A_473 = arith.constant 48 : index
        %swap3A_474 = tpu.vector_load %arg8[%swap3A_472, %swap3A_473] {strides = array<i32>} : memref<4x64xi32, #tpu.memory_space<vmem>>, vector<16xi32>,
        tpu.vector_store %arg8[%swap3A_472, %swap3A_473], %shift_right_arithmetic3A_470 {strides = array<i32>} : memref<4x64xi32, #tpu.memory_space<vmem>>, vector<16xi32>,
        %and3A_475 = arith.constant 65535 : i32
        %and3A_476 = vector.broadcast %and3A_475 : i32 to vector<16xi32>
        %and3A_477 = arith.andi %get3A_467, %and3A_476 : vector<16xi32>
        %swap3A_478 = arith.constant 2 : i32
        %swap3A_479 = arith.index_cast %swap3A_478 : i32 to index
        %swap3A_480 = arith.constant 48 : index
        %swap3A_481 = tpu.vector_load %arg9[%swap3A_479, %swap3A_480] {strides = array<i32>} : memref<4x64xi32, #tpu.memory_space<vmem>>, vector<16xi32>,
        tpu.vector_store %arg9[%swap3A_479, %swap3A_480], %and3A_477 {strides = array<i32>} : memref<4x64xi32, #tpu.memory_space<vmem>>, vector<16xi32>,
        %dma_start3A_482 = arith.constant 2 : i32
        %dma_start3A_483 = arith.constant 0 : i32
        %dma_start3A_484 = tpu.memref_slice %arg8[%dma_start3A_482, %dma_start3A_483] : memref<4x64xi32, #tpu.memory_space<vmem>> -> memref<1x64xi32, #tpu.memory_space<vmem>>
        %dma_start3A_485 = tpu.memref_squeeze %dma_start3A_484 : memref<1x64xi32, #tpu.memory_space<vmem>> -> memref<64xi32, #tpu.memory_space<vmem>>
        %dma_start3A_486 = arith.constant 0 : i32
        %dma_start3A_487 = arith.constant 0 : i32
        %dma_start3A_488 = tpu.memref_slice %arg3[%dma_start3A_486, %dma_start3A_487] : memref<10240x128xf32, #tpu.memory_space<hbm>> -> memref<10240x128xf32, #tpu.memory_space<hbm>>
        tpu.enqueue_indirect_dma source(%dma_start3A_488 : memref<10240x128xf32, #tpu.memory_space<hbm>>) target(%arg12 : memref<64x128xf32, #tpu.memory_space<vmem>>) offsets(%dma_start3A_485 : memref<64xi32, #tpu.memory_space<vmem>>) semaphore(%arg16 : memref<!tpu.dma_semaphore, #tpu.memory_space<semaphore_mem>>)
        %gt3A_489 = arith.constant 0 : i32
        %gt3A_490 = arith.cmpi sgt, %scan3A_216, %gt3A_489 : i32
        %convert_element_type3A_491 = arith.extui %gt3A_490 : i1 to i32
        %cond3A_492 = arith.constant 0 : i32
        %cond3A_493 = arith.cmpi ne, %convert_element_type3A_491, %cond3A_492 : i32
        scf.if %cond3A_493 {
          %dma_wait3A_633 = arith.constant 0 : i32
          %dma_wait3A_634 = arith.constant 0 : i32
          %dma_wait3A_635 = tpu.memref_slice %arg3[%dma_wait3A_633, %dma_wait3A_634] : memref<10240x128xf32, #tpu.memory_space<hbm>> -> memref<64x128xf32, #tpu.memory_space<hbm>>
          %dma_wait3A_636 = arith.constant 0 : i32
          %dma_wait3A_637 = arith.constant 0 : i32
          %dma_wait3A_638 = tpu.memref_slice %arg3[%dma_wait3A_636, %dma_wait3A_637] : memref<10240x128xf32, #tpu.memory_space<hbm>> -> memref<64x128xf32, #tpu.memory_space<hbm>>
          tpu.wait_dma2 semaphore(%arg21 : memref<!tpu.dma_semaphore, #tpu.memory_space<semaphore_mem>>) src(%dma_wait3A_638 : memref<64x128xf32, #tpu.memory_space<hbm>>) dst(%arg13 : memref<64x128xf32, #tpu.memory_space<vmem>>)
        } else {
        }
        %add3A_494 = arith.constant 3 : i32
        %add3A_495 = arith.addi %sub3A, %add3A_494 : i32
        %get3A_496 = arith.index_cast %add3A_495 : i32 to index
        %get3A_497 = arith.constant 0 : index
        %get3A_498 = tpu.vector_load %arg7[%get3A_496, %get3A_497] {strides = array<i32>} : memref<80x64xi32, #tpu.memory_space<vmem>>, vector<16xi32>,
        %shift_right_arithmetic3A_499 = arith.constant 16 : i32
        %shift_right_arithmetic3A_500 = vector.broadcast %shift_right_arithmetic3A_499 : i32 to vector<16xi32>
        %shift_right_arithmetic3A_501 = arith.shrsi %get3A_498, %shift_right_arithmetic3A_500 : vector<16xi32>
        %swap3A_502 = arith.constant 3 : i32
        %swap3A_503 = arith.index_cast %swap3A_502 : i32 to index
        %swap3A_504 = arith.constant 0 : index
        %swap3A_505 = tpu.vector_load %arg8[%swap3A_503, %swap3A_504] {strides = array<i32>} : memref<4x64xi32, #tpu.memory_space<vmem>>, vector<16xi32>,
        tpu.vector_store %arg8[%swap3A_503, %swap3A_504], %shift_right_arithmetic3A_501 {strides = array<i32>} : memref<4x64xi32, #tpu.memory_space<vmem>>, vector<16xi32>,
        %and3A_506 = arith.constant 65535 : i32
        %and3A_507 = vector.broadcast %and3A_506 : i32 to vector<16xi32>
        %and3A_508 = arith.andi %get3A_498, %and3A_507 : vector<16xi32>
        %swap3A_509 = arith.constant 3 : i32
        %swap3A_510 = arith.index_cast %swap3A_509 : i32 to index
        %swap3A_511 = arith.constant 0 : index
        %swap3A_512 = tpu.vector_load %arg9[%swap3A_510, %swap3A_511] {strides = array<i32>} : memref<4x64xi32, #tpu.memory_space<vmem>>, vector<16xi32>,
        tpu.vector_store %arg9[%swap3A_510, %swap3A_511], %and3A_508 {strides = array<i32>} : memref<4x64xi32, #tpu.memory_space<vmem>>, vector<16xi32>,
        %add3A_513 = arith.constant 3 : i32
        %add3A_514 = arith.addi %sub3A, %add3A_513 : i32
        %get3A_515 = arith.index_cast %add3A_514 : i32 to index
        %get3A_516 = arith.constant 16 : index
        %get3A_517 = tpu.vector_load %arg7[%get3A_515, %get3A_516] {strides = array<i32>} : memref<80x64xi32, #tpu.memory_space<vmem>>, vector<16xi32>,
        %shift_right_arithmetic3A_518 = arith.constant 16 : i32
        %shift_right_arithmetic3A_519 = vector.broadcast %shift_right_arithmetic3A_518 : i32 to vector<16xi32>
        %shift_right_arithmetic3A_520 = arith.shrsi %get3A_517, %shift_right_arithmetic3A_519 : vector<16xi32>
        %swap3A_521 = arith.constant 3 : i32
        %swap3A_522 = arith.index_cast %swap3A_521 : i32 to index
        %swap3A_523 = arith.constant 16 : index
        %swap3A_524 = tpu.vector_load %arg8[%swap3A_522, %swap3A_523] {strides = array<i32>} : memref<4x64xi32, #tpu.memory_space<vmem>>, vector<16xi32>,
        tpu.vector_store %arg8[%swap3A_522, %swap3A_523], %shift_right_arithmetic3A_520 {strides = array<i32>} : memref<4x64xi32, #tpu.memory_space<vmem>>, vector<16xi32>,
        %and3A_525 = arith.constant 65535 : i32
        %and3A_526 = vector.broadcast %and3A_525 : i32 to vector<16xi32>
        %and3A_527 = arith.andi %get3A_517, %and3A_526 : vector<16xi32>
        %swap3A_528 = arith.constant 3 : i32
        %swap3A_529 = arith.index_cast %swap3A_528 : i32 to index
        %swap3A_530 = arith.constant 16 : index
        %swap3A_531 = tpu.vector_load %arg9[%swap3A_529, %swap3A_530] {strides = array<i32>} : memref<4x64xi32, #tpu.memory_space<vmem>>, vector<16xi32>,
        tpu.vector_store %arg9[%swap3A_529, %swap3A_530], %and3A_527 {strides = array<i32>} : memref<4x64xi32, #tpu.memory_space<vmem>>, vector<16xi32>,
        %add3A_532 = arith.constant 3 : i32
        %add3A_533 = arith.addi %sub3A, %add3A_532 : i32
        %get3A_534 = arith.index_cast %add3A_533 : i32 to index
        %get3A_535 = arith.constant 32 : index
        %get3A_536 = tpu.vector_load %arg7[%get3A_534, %get3A_535] {strides = array<i32>} : memref<80x64xi32, #tpu.memory_space<vmem>>, vector<16xi32>,
        %shift_right_arithmetic3A_537 = arith.constant 16 : i32
        %shift_right_arithmetic3A_538 = vector.broadcast %shift_right_arithmetic3A_537 : i32 to vector<16xi32>
        %shift_right_arithmetic3A_539 = arith.shrsi %get3A_536, %shift_right_arithmetic3A_538 : vector<16xi32>
        %swap3A_540 = arith.constant 3 : i32
        %swap3A_541 = arith.index_cast %swap3A_540 : i32 to index
        %swap3A_542 = arith.constant 32 : index
        %swap3A_543 = tpu.vector_load %arg8[%swap3A_541, %swap3A_542] {strides = array<i32>} : memref<4x64xi32, #tpu.memory_space<vmem>>, vector<16xi32>,
        tpu.vector_store %arg8[%swap3A_541, %swap3A_542], %shift_right_arithmetic3A_539 {strides = array<i32>} : memref<4x64xi32, #tpu.memory_space<vmem>>, vector<16xi32>,
        %and3A_544 = arith.constant 65535 : i32
        %and3A_545 = vector.broadcast %and3A_544 : i32 to vector<16xi32>
        %and3A_546 = arith.andi %get3A_536, %and3A_545 : vector<16xi32>
        %swap3A_547 = arith.constant 3 : i32
        %swap3A_548 = arith.index_cast %swap3A_547 : i32 to index
        %swap3A_549 = arith.constant 32 : index
        %swap3A_550 = tpu.vector_load %arg9[%swap3A_548, %swap3A_549] {strides = array<i32>} : memref<4x64xi32, #tpu.memory_space<vmem>>, vector<16xi32>,
        tpu.vector_store %arg9[%swap3A_548, %swap3A_549], %and3A_546 {strides = array<i32>} : memref<4x64xi32, #tpu.memory_space<vmem>>, vector<16xi32>,
        %add3A_551 = arith.constant 3 : i32
        %add3A_552 = arith.addi %sub3A, %add3A_551 : i32
        %get3A_553 = arith.index_cast %add3A_552 : i32 to index
        %get3A_554 = arith.constant 48 : index
        %get3A_555 = tpu.vector_load %arg7[%get3A_553, %get3A_554] {strides = array<i32>} : memref<80x64xi32, #tpu.memory_space<vmem>>, vector<16xi32>,
        %shift_right_arithmetic3A_556 = arith.constant 16 : i32
        %shift_right_arithmetic3A_557 = vector.broadcast %shift_right_arithmetic3A_556 : i32 to vector<16xi32>
        %shift_right_arithmetic3A_558 = arith.shrsi %get3A_555, %shift_right_arithmetic3A_557 : vector<16xi32>
        %swap3A_559 = arith.constant 3 : i32
        %swap3A_560 = arith.index_cast %swap3A_559 : i32 to index
        %swap3A_561 = arith.constant 48 : index
        %swap3A_562 = tpu.vector_load %arg8[%swap3A_560, %swap3A_561] {strides = array<i32>} : memref<4x64xi32, #tpu.memory_space<vmem>>, vector<16xi32>,
        tpu.vector_store %arg8[%swap3A_560, %swap3A_561], %shift_right_arithmetic3A_558 {strides = array<i32>} : memref<4x64xi32, #tpu.memory_space<vmem>>, vector<16xi32>,
        %and3A_563 = arith.constant 65535 : i32
        %and3A_564 = vector.broadcast %and3A_563 : i32 to vector<16xi32>
        %and3A_565 = arith.andi %get3A_555, %and3A_564 : vector<16xi32>
        %swap3A_566 = arith.constant 3 : i32
        %swap3A_567 = arith.index_cast %swap3A_566 : i32 to index
        %swap3A_568 = arith.constant 48 : index
        %swap3A_569 = tpu.vector_load %arg9[%swap3A_567, %swap3A_568] {strides = array<i32>} : memref<4x64xi32, #tpu.memory_space<vmem>>, vector<16xi32>,
        tpu.vector_store %arg9[%swap3A_567, %swap3A_568], %and3A_565 {strides = array<i32>} : memref<4x64xi32, #tpu.memory_space<vmem>>, vector<16xi32>,
        %dma_start3A_570 = arith.constant 3 : i32
        %dma_start3A_571 = arith.constant 0 : i32
        %dma_start3A_572 = tpu.memref_slice %arg8[%dma_start3A_570, %dma_start3A_571] : memref<4x64xi32, #tpu.memory_space<vmem>> -> memref<1x64xi32, #tpu.memory_space<vmem>>
        %dma_start3A_573 = tpu.memref_squeeze %dma_start3A_572 : memref<1x64xi32, #tpu.memory_space<vmem>> -> memref<64xi32, #tpu.memory_space<vmem>>
        %dma_start3A_574 = arith.constant 0 : i32
        %dma_start3A_575 = arith.constant 0 : i32
        %dma_start3A_576 = tpu.memref_slice %arg3[%dma_start3A_574, %dma_start3A_575] : memref<10240x128xf32, #tpu.memory_space<hbm>> -> memref<10240x128xf32, #tpu.memory_space<hbm>>
        tpu.enqueue_indirect_dma source(%dma_start3A_576 : memref<10240x128xf32, #tpu.memory_space<hbm>>) target(%arg13 : memref<64x128xf32, #tpu.memory_space<vmem>>) offsets(%dma_start3A_573 : memref<64xi32, #tpu.memory_space<vmem>>) semaphore(%arg17 : memref<!tpu.dma_semaphore, #tpu.memory_space<semaphore_mem>>)
        %dma_wait3A_577 = arith.constant 0 : i32
        %dma_wait3A_578 = arith.constant 0 : i32
        %dma_wait3A_579 = tpu.memref_slice %arg8[%dma_wait3A_577, %dma_wait3A_578] : memref<4x64xi32, #tpu.memory_space<vmem>> -> memref<1x64xi32, #tpu.memory_space<vmem>>
        %dma_wait3A_580 = tpu.memref_squeeze %dma_wait3A_579 : memref<1x64xi32, #tpu.memory_space<vmem>> -> memref<64xi32, #tpu.memory_space<vmem>>
        %dma_wait3A_581 = arith.constant 0 : i32
        %dma_wait3A_582 = arith.constant 0 : i32
        %dma_wait3A_583 = tpu.memref_slice %arg3[%dma_wait3A_581, %dma_wait3A_582] : memref<10240x128xf32, #tpu.memory_space<hbm>> -> memref<10240x128xf32, #tpu.memory_space<hbm>>
        tpu.wait_indirect_dma semaphore(%arg14 : memref<!tpu.dma_semaphore, #tpu.memory_space<semaphore_mem>>) src(%dma_wait3A_583 : memref<10240x128xf32, #tpu.memory_space<hbm>>) dst(%arg10 : memref<64x128xf32, #tpu.memory_space<vmem>>)
        %dma_start3A_584 = arith.constant 0 : i32
        %dma_start3A_585 = arith.constant 0 : i32
        %dma_start3A_586 = tpu.memref_slice %arg9[%dma_start3A_584, %dma_start3A_585] : memref<4x64xi32, #tpu.memory_space<vmem>> -> memref<1x64xi32, #tpu.memory_space<vmem>>
        %dma_start3A_587 = tpu.memref_squeeze %dma_start3A_586 : memref<1x64xi32, #tpu.memory_space<vmem>> -> memref<64xi32, #tpu.memory_space<vmem>>
        %dma_start3A_588 = arith.constant 0 : i32
        %dma_start3A_589 = arith.constant 0 : i32
        %dma_start3A_590 = tpu.memref_slice %arg22[%dma_start3A_588, %dma_start3A_589] : memref<10240x128xf32, #tpu.memory_space<vmem_shared>> -> memref<10240x128xf32, #tpu.memory_space<vmem_shared>>
        tpu.enqueue_indirect_dma source(%arg10 : memref<64x128xf32, #tpu.memory_space<vmem>>) target(%dma_start3A_590 : memref<10240x128xf32, #tpu.memory_space<vmem_shared>>) offsets(%dma_start3A_587 : memref<64xi32, #tpu.memory_space<vmem>>) semaphore(%arg18 : memref<!tpu.dma_semaphore, #tpu.memory_space<semaphore_mem>>) {add = true}
        %dma_wait3A_591 = arith.constant 1 : i32
        %dma_wait3A_592 = arith.constant 0 : i32
        %dma_wait3A_593 = tpu.memref_slice %arg8[%dma_wait3A_591, %dma_wait3A_592] : memref<4x64xi32, #tpu.memory_space<vmem>> -> memref<1x64xi32, #tpu.memory_space<vmem>>
        %dma_wait3A_594 = tpu.memref_squeeze %dma_wait3A_593 : memref<1x64xi32, #tpu.memory_space<vmem>> -> memref<64xi32, #tpu.memory_space<vmem>>
        %dma_wait3A_595 = arith.constant 0 : i32
        %dma_wait3A_596 = arith.constant 0 : i32
        %dma_wait3A_597 = tpu.memref_slice %arg3[%dma_wait3A_595, %dma_wait3A_596] : memref<10240x128xf32, #tpu.memory_space<hbm>> -> memref<10240x128xf32, #tpu.memory_space<hbm>>
        tpu.wait_indirect_dma semaphore(%arg15 : memref<!tpu.dma_semaphore, #tpu.memory_space<semaphore_mem>>) src(%dma_wait3A_597 : memref<10240x128xf32, #tpu.memory_space<hbm>>) dst(%arg11 : memref<64x128xf32, #tpu.memory_space<vmem>>)
        %dma_start3A_598 = arith.constant 1 : i32
        %dma_start3A_599 = arith.constant 0 : i32
        %dma_start3A_600 = tpu.memref_slice %arg9[%dma_start3A_598, %dma_start3A_599] : memref<4x64xi32, #tpu.memory_space<vmem>> -> memref<1x64xi32, #tpu.memory_space<vmem>>
        %dma_start3A_601 = tpu.memref_squeeze %dma_start3A_600 : memref<1x64xi32, #tpu.memory_space<vmem>> -> memref<64xi32, #tpu.memory_space<vmem>>
        %dma_start3A_602 = arith.constant 0 : i32
        %dma_start3A_603 = arith.constant 0 : i32
        %dma_start3A_604 = tpu.memref_slice %arg22[%dma_start3A_602, %dma_start3A_603] : memref<10240x128xf32, #tpu.memory_space<vmem_shared>> -> memref<10240x128xf32, #tpu.memory_space<vmem_shared>>
        tpu.enqueue_indirect_dma source(%arg11 : memref<64x128xf32, #tpu.memory_space<vmem>>) target(%dma_start3A_604 : memref<10240x128xf32, #tpu.memory_space<vmem_shared>>) offsets(%dma_start3A_601 : memref<64xi32, #tpu.memory_space<vmem>>) semaphore(%arg19 : memref<!tpu.dma_semaphore, #tpu.memory_space<semaphore_mem>>) {add = true}
        %dma_wait3A_605 = arith.constant 2 : i32
        %dma_wait3A_606 = arith.constant 0 : i32
        %dma_wait3A_607 = tpu.memref_slice %arg8[%dma_wait3A_605, %dma_wait3A_606] : memref<4x64xi32, #tpu.memory_space<vmem>> -> memref<1x64xi32, #tpu.memory_space<vmem>>
        %dma_wait3A_608 = tpu.memref_squeeze %dma_wait3A_607 : memref<1x64xi32, #tpu.memory_space<vmem>> -> memref<64xi32, #tpu.memory_space<vmem>>
        %dma_wait3A_609 = arith.constant 0 : i32
        %dma_wait3A_610 = arith.constant 0 : i32
        %dma_wait3A_611 = tpu.memref_slice %arg3[%dma_wait3A_609, %dma_wait3A_610] : memref<10240x128xf32, #tpu.memory_space<hbm>> -> memref<10240x128xf32, #tpu.memory_space<hbm>>
        tpu.wait_indirect_dma semaphore(%arg16 : memref<!tpu.dma_semaphore, #tpu.memory_space<semaphore_mem>>) src(%dma_wait3A_611 : memref<10240x128xf32, #tpu.memory_space<hbm>>) dst(%arg12 : memref<64x128xf32, #tpu.memory_space<vmem>>)
        %dma_start3A_612 = arith.constant 2 : i32
        %dma_start3A_613 = arith.constant 0 : i32
        %dma_start3A_614 = tpu.memref_slice %arg9[%dma_start3A_612, %dma_start3A_613] : memref<4x64xi32, #tpu.memory_space<vmem>> -> memref<1x64xi32, #tpu.memory_space<vmem>>
        %dma_start3A_615 = tpu.memref_squeeze %dma_start3A_614 : memref<1x64xi32, #tpu.memory_space<vmem>> -> memref<64xi32, #tpu.memory_space<vmem>>
        %dma_start3A_616 = arith.constant 0 : i32
        %dma_start3A_617 = arith.constant 0 : i32
        %dma_start3A_618 = tpu.memref_slice %arg22[%dma_start3A_616, %dma_start3A_617] : memref<10240x128xf32, #tpu.memory_space<vmem_shared>> -> memref<10240x128xf32, #tpu.memory_space<vmem_shared>>
        tpu.enqueue_indirect_dma source(%arg12 : memref<64x128xf32, #tpu.memory_space<vmem>>) target(%dma_start3A_618 : memref<10240x128xf32, #tpu.memory_space<vmem_shared>>) offsets(%dma_start3A_615 : memref<64xi32, #tpu.memory_space<vmem>>) semaphore(%arg20 : memref<!tpu.dma_semaphore, #tpu.memory_space<semaphore_mem>>) {add = true}
        %dma_wait3A_619 = arith.constant 3 : i32
        %dma_wait3A_620 = arith.constant 0 : i32
        %dma_wait3A_621 = tpu.memref_slice %arg8[%dma_wait3A_619, %dma_wait3A_620] : memref<4x64xi32, #tpu.memory_space<vmem>> -> memref<1x64xi32, #tpu.memory_space<vmem>>
        %dma_wait3A_622 = tpu.memref_squeeze %dma_wait3A_621 : memref<1x64xi32, #tpu.memory_space<vmem>> -> memref<64xi32, #tpu.memory_space<vmem>>
        %dma_wait3A_623 = arith.constant 0 : i32
        %dma_wait3A_624 = arith.constant 0 : i32
        %dma_wait3A_625 = tpu.memref_slice %arg3[%dma_wait3A_623, %dma_wait3A_624] : memref<10240x128xf32, #tpu.memory_space<hbm>> -> memref<10240x128xf32, #tpu.memory_space<hbm>>
        tpu.wait_indirect_dma semaphore(%arg17 : memref<!tpu.dma_semaphore, #tpu.memory_space<semaphore_mem>>) src(%dma_wait3A_625 : memref<10240x128xf32, #tpu.memory_space<hbm>>) dst(%arg13 : memref<64x128xf32, #tpu.memory_space<vmem>>)
        %dma_start3A_626 = arith.constant 3 : i32
        %dma_start3A_627 = arith.constant 0 : i32
        %dma_start3A_628 = tpu.memref_slice %arg9[%dma_start3A_626, %dma_start3A_627] : memref<4x64xi32, #tpu.memory_space<vmem>> -> memref<1x64xi32, #tpu.memory_space<vmem>>
        %dma_start3A_629 = tpu.memref_squeeze %dma_start3A_628 : memref<1x64xi32, #tpu.memory_space<vmem>> -> memref<64xi32, #tpu.memory_space<vmem>>
        %dma_start3A_630 = arith.constant 0 : i32
        %dma_start3A_631 = arith.constant 0 : i32
        %dma_start3A_632 = tpu.memref_slice %arg22[%dma_start3A_630, %dma_start3A_631] : memref<10240x128xf32, #tpu.memory_space<vmem_shared>> -> memref<10240x128xf32, #tpu.memory_space<vmem_shared>>
        tpu.enqueue_indirect_dma source(%arg13 : memref<64x128xf32, #tpu.memory_space<vmem>>) target(%dma_start3A_632 : memref<10240x128xf32, #tpu.memory_space<vmem_shared>>) offsets(%dma_start3A_629 : memref<64xi32, #tpu.memory_space<vmem>>) semaphore(%arg21 : memref<!tpu.dma_semaphore, #tpu.memory_space<semaphore_mem>>) {add = true}
      }
      %scan3A_32 = arith.constant 40 : i32
      %dma_wait3A = arith.constant 0 : i32
      %dma_wait3A_33 = arith.constant 0 : i32
      %dma_wait3A_34 = tpu.memref_slice %arg3[%dma_wait3A, %dma_wait3A_33] : memref<10240x128xf32, #tpu.memory_space<hbm>> -> memref<64x128xf32, #tpu.memory_space<hbm>>
      %dma_wait3A_35 = arith.constant 0 : i32
      %dma_wait3A_36 = arith.constant 0 : i32
      %dma_wait3A_37 = tpu.memref_slice %arg3[%dma_wait3A_35, %dma_wait3A_36] : memref<10240x128xf32, #tpu.memory_space<hbm>> -> memref<64x128xf32, #tpu.memory_space<hbm>>
      tpu.wait_dma2 semaphore(%arg18 : memref<!tpu.dma_semaphore, #tpu.memory_space<semaphore_mem>>) src(%dma_wait3A_37 : memref<64x128xf32, #tpu.memory_space<hbm>>) dst(%arg10 : memref<64x128xf32, #tpu.memory_space<vmem>>)
      %dma_wait3A_38 = arith.constant 0 : i32
      %dma_wait3A_39 = arith.constant 0 : i32
      %dma_wait3A_40 = tpu.memref_slice %arg3[%dma_wait3A_38, %dma_wait3A_39] : memref<10240x128xf32, #tpu.memory_space<hbm>> -> memref<64x128xf32, #tpu.memory_space<hbm>>
      %dma_wait3A_41 = arith.constant 0 : i32
      %dma_wait3A_42 = arith.constant 0 : i32
      %dma_wait3A_43 = tpu.memref_slice %arg3[%dma_wait3A_41, %dma_wait3A_42] : memref<10240x128xf32, #tpu.memory_space<hbm>> -> memref<64x128xf32, #tpu.memory_space<hbm>>
      tpu.wait_dma2 semaphore(%arg19 : memref<!tpu.dma_semaphore, #tpu.memory_space<semaphore_mem>>) src(%dma_wait3A_43 : memref<64x128xf32, #tpu.memory_space<hbm>>) dst(%arg11 : memref<64x128xf32, #tpu.memory_space<vmem>>)
      %dma_wait3A_44 = arith.constant 0 : i32
      %dma_wait3A_45 = arith.constant 0 : i32
      %dma_wait3A_46 = tpu.memref_slice %arg3[%dma_wait3A_44, %dma_wait3A_45] : memref<10240x128xf32, #tpu.memory_space<hbm>> -> memref<64x128xf32, #tpu.memory_space<hbm>>
      %dma_wait3A_47 = arith.constant 0 : i32
      %dma_wait3A_48 = arith.constant 0 : i32
      %dma_wait3A_49 = tpu.memref_slice %arg3[%dma_wait3A_47, %dma_wait3A_48] : memref<10240x128xf32, #tpu.memory_space<hbm>> -> memref<64x128xf32, #tpu.memory_space<hbm>>
      tpu.wait_dma2 semaphore(%arg20 : memref<!tpu.dma_semaphore, #tpu.memory_space<semaphore_mem>>) src(%dma_wait3A_49 : memref<64x128xf32, #tpu.memory_space<hbm>>) dst(%arg12 : memref<64x128xf32, #tpu.memory_space<vmem>>)
      %dma_wait3A_50 = arith.constant 0 : i32
      %dma_wait3A_51 = arith.constant 0 : i32
      %dma_wait3A_52 = tpu.memref_slice %arg3[%dma_wait3A_50, %dma_wait3A_51] : memref<10240x128xf32, #tpu.memory_space<hbm>> -> memref<64x128xf32, #tpu.memory_space<hbm>>
      %dma_wait3A_53 = arith.constant 0 : i32
      %dma_wait3A_54 = arith.constant 0 : i32
      %dma_wait3A_55 = tpu.memref_slice %arg3[%dma_wait3A_53, %dma_wait3A_54] : memref<10240x128xf32, #tpu.memory_space<hbm>> -> memref<64x128xf32, #tpu.memory_space<hbm>>
      tpu.wait_dma2 semaphore(%arg21 : memref<!tpu.dma_semaphore, #tpu.memory_space<semaphore_mem>>) src(%dma_wait3A_55 : memref<64x128xf32, #tpu.memory_space<hbm>>) dst(%arg13 : memref<64x128xf32, #tpu.memory_space<vmem>>)
      %barrier3A_56 = arith.constant 0 : index
      tpu.barrier barrier_id(%barrier3A_56)
      "tpu.trace_stop"() : () -> ()
      "tpu.trace_start"() <{level = 10 : i32, message = "writeout"}> : () -> ()
      %add3A_57 = arith.constant 0 : i32
      %add3A_58 = arith.addi %mul3A_2, %add3A_57 : i32
      "tpu.region"() ({
        %run_scoped3A_216 = tpu.sem_alloc : memref<!tpu.dma_semaphore, #tpu.memory_space<semaphore_mem>>
        %dma_start3A = arith.constant 0 : i32
        %dma_start3A_217 = tpu.memref_slice %arg22[%add3A_58, %dma_start3A] : memref<10240x128xf32, #tpu.memory_space<vmem_shared>> -> memref<64x128xf32, #tpu.memory_space<vmem_shared>>
        %dma_start3A_218 = arith.constant 0 : i32
        %dma_start3A_219 = tpu.memref_slice %arg22[%add3A_58, %dma_start3A_218] : memref<10240x128xf32, #tpu.memory_space<vmem_shared>> -> memref<64x128xf32, #tpu.memory_space<vmem_shared>>
        tpu.enqueue_dma source(%dma_start3A_219 : memref<64x128xf32, #tpu.memory_space<vmem_shared>>) target(%arg10 : memref<64x128xf32, #tpu.memory_space<vmem>>) target_semaphore(%run_scoped3A_216 : memref<!tpu.dma_semaphore, #tpu.memory_space<semaphore_mem>>)
        %dma_wait3A_220 = arith.constant 0 : i32
        %dma_wait3A_221 = tpu.memref_slice %arg22[%add3A_58, %dma_wait3A_220] : memref<10240x128xf32, #tpu.memory_space<vmem_shared>> -> memref<64x128xf32, #tpu.memory_space<vmem_shared>>
        %dma_wait3A_222 = arith.constant 0 : i32
        %dma_wait3A_223 = tpu.memref_slice %arg22[%add3A_58, %dma_wait3A_222] : memref<10240x128xf32, #tpu.memory_space<vmem_shared>> -> memref<64x128xf32, #tpu.memory_space<vmem_shared>>
        tpu.wait_dma2 semaphore(%run_scoped3A_216 : memref<!tpu.dma_semaphore, #tpu.memory_space<semaphore_mem>>) src(%dma_wait3A_223 : memref<64x128xf32, #tpu.memory_space<vmem_shared>>) dst(%arg10 : memref<64x128xf32, #tpu.memory_space<vmem>>)
        tpu.yield
      }) : () -> ()
      %add3A_59 = arith.constant 0 : i32
      %add3A_60 = arith.addi %mul3A_2, %add3A_59 : i32
      %run_scoped3A = arith.constant 0 : i32
      "tpu.region"() ({
        %run_scoped3A_216 = tpu.sem_alloc : memref<!tpu.dma_semaphore, #tpu.memory_space<semaphore_mem>>
        %dma_start3A = arith.constant 0 : i32
        %dma_start3A_217 = tpu.memref_slice %arg5[%run_scoped3A, %add3A_60, %dma_start3A] : memref<1x10240x128xf32, #tpu.memory_space<hbm>> -> memref<1x64x128xf32, #tpu.memory_space<hbm>>
        %dma_start3A_218 = tpu.memref_squeeze %dma_start3A_217 : memref<1x64x128xf32, #tpu.memory_space<hbm>> -> memref<64x128xf32, #tpu.memory_space<hbm>>
        %dma_start3A_219 = arith.constant 0 : i32
        %dma_start3A_220 = tpu.memref_slice %arg5[%run_scoped3A, %add3A_60, %dma_start3A_219] : memref<1x10240x128xf32, #tpu.memory_space<hbm>> -> memref<1x64x128xf32, #tpu.memory_space<hbm>>
        %dma_start3A_221 = tpu.memref_squeeze %dma_start3A_220 : memref<1x64x128xf32, #tpu.memory_space<hbm>> -> memref<64x128xf32, #tpu.memory_space<hbm>>
        tpu.enqueue_dma source(%arg10 : memref<64x128xf32, #tpu.memory_space<vmem>>) target(%dma_start3A_221 : memref<64x128xf32, #tpu.memory_space<hbm>>) target_semaphore(%run_scoped3A_216 : memref<!tpu.dma_semaphore, #tpu.memory_space<semaphore_mem>>)
        %dma_wait3A_222 = arith.constant 0 : i32
        %dma_wait3A_223 = tpu.memref_slice %arg5[%run_scoped3A, %add3A_60, %dma_wait3A_222] : memref<1x10240x128xf32, #tpu.memory_space<hbm>> -> memref<1x64x128xf32, #tpu.memory_space<hbm>>
        %dma_wait3A_224 = tpu.memref_squeeze %dma_wait3A_223 : memref<1x64x128xf32, #tpu.memory_space<hbm>> -> memref<64x128xf32, #tpu.memory_space<hbm>>
        %dma_wait3A_225 = arith.constant 0 : i32
        %dma_wait3A_226 = tpu.memref_slice %arg5[%run_scoped3A, %add3A_60, %dma_wait3A_225] : memref<1x10240x128xf32, #tpu.memory_space<hbm>> -> memref<1x64x128xf32, #tpu.memory_space<hbm>>
        %dma_wait3A_227 = tpu.memref_squeeze %dma_wait3A_226 : memref<1x64x128xf32, #tpu.memory_space<hbm>> -> memref<64x128xf32, #tpu.memory_space<hbm>>
        tpu.wait_dma2 semaphore(%run_scoped3A_216 : memref<!tpu.dma_semaphore, #tpu.memory_space<semaphore_mem>>) src(%arg10 : memref<64x128xf32, #tpu.memory_space<vmem>>) dst(%dma_wait3A_227 : memref<64x128xf32, #tpu.memory_space<hbm>>)
        tpu.yield
      }) : () -> ()
      %add3A_61 = arith.constant 64 : i32
      %add3A_62 = arith.addi %mul3A_2, %add3A_61 : i32
      "tpu.region"() ({
        %run_scoped3A_216 = tpu.sem_alloc : memref<!tpu.dma_semaphore, #tpu.memory_space<semaphore_mem>>
        %dma_start3A = arith.constant 0 : i32
        %dma_start3A_217 = tpu.memref_slice %arg22[%add3A_62, %dma_start3A] : memref<10240x128xf32, #tpu.memory_space<vmem_shared>> -> memref<64x128xf32, #tpu.memory_space<vmem_shared>>
        %dma_start3A_218 = arith.constant 0 : i32
        %dma_start3A_219 = tpu.memref_slice %arg22[%add3A_62, %dma_start3A_218] : memref<10240x128xf32, #tpu.memory_space<vmem_shared>> -> memref<64x128xf32, #tpu.memory_space<vmem_shared>>
        tpu.enqueue_dma source(%dma_start3A_219 : memref<64x128xf32, #tpu.memory_space<vmem_shared>>) target(%arg11 : memref<64x128xf32, #tpu.memory_space<vmem>>) target_semaphore(%run_scoped3A_216 : memref<!tpu.dma_semaphore, #tpu.memory_space<semaphore_mem>>)
        %dma_wait3A_220 = arith.constant 0 : i32
        %dma_wait3A_221 = tpu.memref_slice %arg22[%add3A_62, %dma_wait3A_220] : memref<10240x128xf32, #tpu.memory_space<vmem_shared>> -> memref<64x128xf32, #tpu.memory_space<vmem_shared>>
        %dma_wait3A_222 = arith.constant 0 : i32
        %dma_wait3A_223 = tpu.memref_slice %arg22[%add3A_62, %dma_wait3A_222] : memref<10240x128xf32, #tpu.memory_space<vmem_shared>> -> memref<64x128xf32, #tpu.memory_space<vmem_shared>>
        tpu.wait_dma2 semaphore(%run_scoped3A_216 : memref<!tpu.dma_semaphore, #tpu.memory_space<semaphore_mem>>) src(%dma_wait3A_223 : memref<64x128xf32, #tpu.memory_space<vmem_shared>>) dst(%arg11 : memref<64x128xf32, #tpu.memory_space<vmem>>)
        tpu.yield
      }) : () -> ()
      %add3A_63 = arith.constant 64 : i32
      %add3A_64 = arith.addi %mul3A_2, %add3A_63 : i32
      %run_scoped3A_65 = arith.constant 0 : i32
      "tpu.region"() ({
        %run_scoped3A_216 = tpu.sem_alloc : memref<!tpu.dma_semaphore, #tpu.memory_space<semaphore_mem>>
        %dma_start3A = arith.constant 0 : i32
        %dma_start3A_217 = tpu.memref_slice %arg5[%run_scoped3A_65, %add3A_64, %dma_start3A] : memref<1x10240x128xf32, #tpu.memory_space<hbm>> -> memref<1x64x128xf32, #tpu.memory_space<hbm>>
        %dma_start3A_218 = tpu.memref_squeeze %dma_start3A_217 : memref<1x64x128xf32, #tpu.memory_space<hbm>> -> memref<64x128xf32, #tpu.memory_space<hbm>>
        %dma_start3A_219 = arith.constant 0 : i32
        %dma_start3A_220 = tpu.memref_slice %arg5[%run_scoped3A_65, %add3A_64, %dma_start3A_219] : memref<1x10240x128xf32, #tpu.memory_space<hbm>> -> memref<1x64x128xf32, #tpu.memory_space<hbm>>
        %dma_start3A_221 = tpu.memref_squeeze %dma_start3A_220 : memref<1x64x128xf32, #tpu.memory_space<hbm>> -> memref<64x128xf32, #tpu.memory_space<hbm>>
        tpu.enqueue_dma source(%arg11 : memref<64x128xf32, #tpu.memory_space<vmem>>) target(%dma_start3A_221 : memref<64x128xf32, #tpu.memory_space<hbm>>) target_semaphore(%run_scoped3A_216 : memref<!tpu.dma_semaphore, #tpu.memory_space<semaphore_mem>>)
        %dma_wait3A_222 = arith.constant 0 : i32
        %dma_wait3A_223 = tpu.memref_slice %arg5[%run_scoped3A_65, %add3A_64, %dma_wait3A_222] : memref<1x10240x128xf32, #tpu.memory_space<hbm>> -> memref<1x64x128xf32, #tpu.memory_space<hbm>>
        %dma_wait3A_224 = tpu.memref_squeeze %dma_wait3A_223 : memref<1x64x128xf32, #tpu.memory_space<hbm>> -> memref<64x128xf32, #tpu.memory_space<hbm>>
        %dma_wait3A_225 = arith.constant 0 : i32
        %dma_wait3A_226 = tpu.memref_slice %arg5[%run_scoped3A_65, %add3A_64, %dma_wait3A_225] : memref<1x10240x128xf32, #tpu.memory_space<hbm>> -> memref<1x64x128xf32, #tpu.memory_space<hbm>>
        %dma_wait3A_227 = tpu.memref_squeeze %dma_wait3A_226 : memref<1x64x128xf32, #tpu.memory_space<hbm>> -> memref<64x128xf32, #tpu.memory_space<hbm>>
        tpu.wait_dma2 semaphore(%run_scoped3A_216 : memref<!tpu.dma_semaphore, #tpu.memory_space<semaphore_mem>>) src(%arg11 : memref<64x128xf32, #tpu.memory_space<vmem>>) dst(%dma_wait3A_227 : memref<64x128xf32, #tpu.memory_space<hbm>>)
        tpu.yield
      }) : () -> ()
      %add3A_66 = arith.constant 128 : i32
      %add3A_67 = arith.addi %mul3A_2, %add3A_66 : i32
      "tpu.region"() ({
        %run_scoped3A_216 = tpu.sem_alloc : memref<!tpu.dma_semaphore, #tpu.memory_space<semaphore_mem>>
        %dma_start3A = arith.constant 0 : i32
        %dma_start3A_217 = tpu.memref_slice %arg22[%add3A_67, %dma_start3A] : memref<10240x128xf32, #tpu.memory_space<vmem_shared>> -> memref<64x128xf32, #tpu.memory_space<vmem_shared>>
        %dma_start3A_218 = arith.constant 0 : i32
        %dma_start3A_219 = tpu.memref_slice %arg22[%add3A_67, %dma_start3A_218] : memref<10240x128xf32, #tpu.memory_space<vmem_shared>> -> memref<64x128xf32, #tpu.memory_space<vmem_shared>>
        tpu.enqueue_dma source(%dma_start3A_219 : memref<64x128xf32, #tpu.memory_space<vmem_shared>>) target(%arg10 : memref<64x128xf32, #tpu.memory_space<vmem>>) target_semaphore(%run_scoped3A_216 : memref<!tpu.dma_semaphore, #tpu.memory_space<semaphore_mem>>)
        %dma_wait3A_220 = arith.constant 0 : i32
        %dma_wait3A_221 = tpu.memref_slice %arg22[%add3A_67, %dma_wait3A_220] : memref<10240x128xf32, #tpu.memory_space<vmem_shared>> -> memref<64x128xf32, #tpu.memory_space<vmem_shared>>
        %dma_wait3A_222 = arith.constant 0 : i32
        %dma_wait3A_223 = tpu.memref_slice %arg22[%add3A_67, %dma_wait3A_222] : memref<10240x128xf32, #tpu.memory_space<vmem_shared>> -> memref<64x128xf32, #tpu.memory_space<vmem_shared>>
        tpu.wait_dma2 semaphore(%run_scoped3A_216 : memref<!tpu.dma_semaphore, #tpu.memory_space<semaphore_mem>>) src(%dma_wait3A_223 : memref<64x128xf32, #tpu.memory_space<vmem_shared>>) dst(%arg10 : memref<64x128xf32, #tpu.memory_space<vmem>>)
        tpu.yield
      }) : () -> ()
      %add3A_68 = arith.constant 128 : i32
      %add3A_69 = arith.addi %mul3A_2, %add3A_68 : i32
      %run_scoped3A_70 = arith.constant 0 : i32
      "tpu.region"() ({
        %run_scoped3A_216 = tpu.sem_alloc : memref<!tpu.dma_semaphore, #tpu.memory_space<semaphore_mem>>
        %dma_start3A = arith.constant 0 : i32
        %dma_start3A_217 = tpu.memref_slice %arg5[%run_scoped3A_70, %add3A_69, %dma_start3A] : memref<1x10240x128xf32, #tpu.memory_space<hbm>> -> memref<1x64x128xf32, #tpu.memory_space<hbm>>
        %dma_start3A_218 = tpu.memref_squeeze %dma_start3A_217 : memref<1x64x128xf32, #tpu.memory_space<hbm>> -> memref<64x128xf32, #tpu.memory_space<hbm>>
        %dma_start3A_219 = arith.constant 0 : i32
        %dma_start3A_220 = tpu.memref_slice %arg5[%run_scoped3A_70, %add3A_69, %dma_start3A_219] : memref<1x10240x128xf32, #tpu.memory_space<hbm>> -> memref<1x64x128xf32, #tpu.memory_space<hbm>>
        %dma_start3A_221 = tpu.memref_squeeze %dma_start3A_220 : memref<1x64x128xf32, #tpu.memory_space<hbm>> -> memref<64x128xf32, #tpu.memory_space<hbm>>
        tpu.enqueue_dma source(%arg10 : memref<64x128xf32, #tpu.memory_space<vmem>>) target(%dma_start3A_221 : memref<64x128xf32, #tpu.memory_space<hbm>>) target_semaphore(%run_scoped3A_216 : memref<!tpu.dma_semaphore, #tpu.memory_space<semaphore_mem>>)
        %dma_wait3A_222 = arith.constant 0 : i32
        %dma_wait3A_223 = tpu.memref_slice %arg5[%run_scoped3A_70, %add3A_69, %dma_wait3A_222] : memref<1x10240x128xf32, #tpu.memory_space<hbm>> -> memref<1x64x128xf32, #tpu.memory_space<hbm>>
        %dma_wait3A_224 = tpu.memref_squeeze %dma_wait3A_223 : memref<1x64x128xf32, #tpu.memory_space<hbm>> -> memref<64x128xf32, #tpu.memory_space<hbm>>
        %dma_wait3A_225 = arith.constant 0 : i32
        %dma_wait3A_226 = tpu.memref_slice %arg5[%run_scoped3A_70, %add3A_69, %dma_wait3A_225] : memref<1x10240x128xf32, #tpu.memory_space<hbm>> -> memref<1x64x128xf32, #tpu.memory_space<hbm>>
        %dma_wait3A_227 = tpu.memref_squeeze %dma_wait3A_226 : memref<1x64x128xf32, #tpu.memory_space<hbm>> -> memref<64x128xf32, #tpu.memory_space<hbm>>
        tpu.wait_dma2 semaphore(%run_scoped3A_216 : memref<!tpu.dma_semaphore, #tpu.memory_space<semaphore_mem>>) src(%arg10 : memref<64x128xf32, #tpu.memory_space<vmem>>) dst(%dma_wait3A_227 : memref<64x128xf32, #tpu.memory_space<hbm>>)
        tpu.yield
      }) : () -> ()
      %add3A_71 = arith.constant 192 : i32
      %add3A_72 = arith.addi %mul3A_2, %add3A_71 : i32
      "tpu.region"() ({
        %run_scoped3A_216 = tpu.sem_alloc : memref<!tpu.dma_semaphore, #tpu.memory_space<semaphore_mem>>
        %dma_start3A = arith.constant 0 : i32
        %dma_start3A_217 = tpu.memref_slice %arg22[%add3A_72, %dma_start3A] : memref<10240x128xf32, #tpu.memory_space<vmem_shared>> -> memref<64x128xf32, #tpu.memory_space<vmem_shared>>
        %dma_start3A_218 = arith.constant 0 : i32
        %dma_start3A_219 = tpu.memref_slice %arg22[%add3A_72, %dma_start3A_218] : memref<10240x128xf32, #tpu.memory_space<vmem_shared>> -> memref<64x128xf32, #tpu.memory_space<vmem_shared>>
        tpu.enqueue_dma source(%dma_start3A_219 : memref<64x128xf32, #tpu.memory_space<vmem_shared>>) target(%arg11 : memref<64x128xf32, #tpu.memory_space<vmem>>) target_semaphore(%run_scoped3A_216 : memref<!tpu.dma_semaphore, #tpu.memory_space<semaphore_mem>>)
        %dma_wait3A_220 = arith.constant 0 : i32
        %dma_wait3A_221 = tpu.memref_slice %arg22[%add3A_72, %dma_wait3A_220] : memref<10240x128xf32, #tpu.memory_space<vmem_shared>> -> memref<64x128xf32, #tpu.memory_space<vmem_shared>>
        %dma_wait3A_222 = arith.constant 0 : i32
        %dma_wait3A_223 = tpu.memref_slice %arg22[%add3A_72, %dma_wait3A_222] : memref<10240x128xf32, #tpu.memory_space<vmem_shared>> -> memref<64x128xf32, #tpu.memory_space<vmem_shared>>
        tpu.wait_dma2 semaphore(%run_scoped3A_216 : memref<!tpu.dma_semaphore, #tpu.memory_space<semaphore_mem>>) src(%dma_wait3A_223 : memref<64x128xf32, #tpu.memory_space<vmem_shared>>) dst(%arg11 : memref<64x128xf32, #tpu.memory_space<vmem>>)
        tpu.yield
      }) : () -> ()
      %add3A_73 = arith.constant 192 : i32
      %add3A_74 = arith.addi %mul3A_2, %add3A_73 : i32
      %run_scoped3A_75 = arith.constant 0 : i32
      "tpu.region"() ({
        %run_scoped3A_216 = tpu.sem_alloc : memref<!tpu.dma_semaphore, #tpu.memory_space<semaphore_mem>>
        %dma_start3A = arith.constant 0 : i32
        %dma_start3A_217 = tpu.memref_slice %arg5[%run_scoped3A_75, %add3A_74, %dma_start3A] : memref<1x10240x128xf32, #tpu.memory_space<hbm>> -> memref<1x64x128xf32, #tpu.memory_space<hbm>>
        %dma_start3A_218 = tpu.memref_squeeze %dma_start3A_217 : memref<1x64x128xf32, #tpu.memory_space<hbm>> -> memref<64x128xf32, #tpu.memory_space<hbm>>
        %dma_start3A_219 = arith.constant 0 : i32
        %dma_start3A_220 = tpu.memref_slice %arg5[%run_scoped3A_75, %add3A_74, %dma_start3A_219] : memref<1x10240x128xf32, #tpu.memory_space<hbm>> -> memref<1x64x128xf32, #tpu.memory_space<hbm>>
        %dma_start3A_221 = tpu.memref_squeeze %dma_start3A_220 : memref<1x64x128xf32, #tpu.memory_space<hbm>> -> memref<64x128xf32, #tpu.memory_space<hbm>>
        tpu.enqueue_dma source(%arg11 : memref<64x128xf32, #tpu.memory_space<vmem>>) target(%dma_start3A_221 : memref<64x128xf32, #tpu.memory_space<hbm>>) target_semaphore(%run_scoped3A_216 : memref<!tpu.dma_semaphore, #tpu.memory_space<semaphore_mem>>)
        %dma_wait3A_222 = arith.constant 0 : i32
        %dma_wait3A_223 = tpu.memref_slice %arg5[%run_scoped3A_75, %add3A_74, %dma_wait3A_222] : memref<1x10240x128xf32, #tpu.memory_space<hbm>> -> memref<1x64x128xf32, #tpu.memory_space<hbm>>
        %dma_wait3A_224 = tpu.memref_squeeze %dma_wait3A_223 : memref<1x64x128xf32, #tpu.memory_space<hbm>> -> memref<64x128xf32, #tpu.memory_space<hbm>>
        %dma_wait3A_225 = arith.constant 0 : i32
        %dma_wait3A_226 = tpu.memref_slice %arg5[%run_scoped3A_75, %add3A_74, %dma_wait3A_225] : memref<1x10240x128xf32, #tpu.memory_space<hbm>> -> memref<1x64x128xf32, #tpu.memory_space<hbm>>
        %dma_wait3A_227 = tpu.memref_squeeze %dma_wait3A_226 : memref<1x64x128xf32, #tpu.memory_space<hbm>> -> memref<64x128xf32, #tpu.memory_space<hbm>>
        tpu.wait_dma2 semaphore(%run_scoped3A_216 : memref<!tpu.dma_semaphore, #tpu.memory_space<semaphore_mem>>) src(%arg11 : memref<64x128xf32, #tpu.memory_space<vmem>>) dst(%dma_wait3A_227 : memref<64x128xf32, #tpu.memory_space<hbm>>)
        tpu.yield
      }) : () -> ()
      %add3A_76 = arith.constant 256 : i32
      %add3A_77 = arith.addi %mul3A_2, %add3A_76 : i32
      "tpu.region"() ({
        %run_scoped3A_216 = tpu.sem_alloc : memref<!tpu.dma_semaphore, #tpu.memory_space<semaphore_mem>>
        %dma_start3A = arith.constant 0 : i32
        %dma_start3A_217 = tpu.memref_slice %arg22[%add3A_77, %dma_start3A] : memref<10240x128xf32, #tpu.memory_space<vmem_shared>> -> memref<64x128xf32, #tpu.memory_space<vmem_shared>>
        %dma_start3A_218 = arith.constant 0 : i32
        %dma_start3A_219 = tpu.memref_slice %arg22[%add3A_77, %dma_start3A_218] : memref<10240x128xf32, #tpu.memory_space<vmem_shared>> -> memref<64x128xf32, #tpu.memory_space<vmem_shared>>
        tpu.enqueue_dma source(%dma_start3A_219 : memref<64x128xf32, #tpu.memory_space<vmem_shared>>) target(%arg10 : memref<64x128xf32, #tpu.memory_space<vmem>>) target_semaphore(%run_scoped3A_216 : memref<!tpu.dma_semaphore, #tpu.memory_space<semaphore_mem>>)
        %dma_wait3A_220 = arith.constant 0 : i32
        %dma_wait3A_221 = tpu.memref_slice %arg22[%add3A_77, %dma_wait3A_220] : memref<10240x128xf32, #tpu.memory_space<vmem_shared>> -> memref<64x128xf32, #tpu.memory_space<vmem_shared>>
        %dma_wait3A_222 = arith.constant 0 : i32
        %dma_wait3A_223 = tpu.memref_slice %arg22[%add3A_77, %dma_wait3A_222] : memref<10240x128xf32, #tpu.memory_space<vmem_shared>> -> memref<64x128xf32, #tpu.memory_space<vmem_shared>>
        tpu.wait_dma2 semaphore(%run_scoped3A_216 : memref<!tpu.dma_semaphore, #tpu.memory_space<semaphore_mem>>) src(%dma_wait3A_223 : memref<64x128xf32, #tpu.memory_space<vmem_shared>>) dst(%arg10 : memref<64x128xf32, #tpu.memory_space<vmem>>)
        tpu.yield
      }) : () -> ()
      %add3A_78 = arith.constant 256 : i32
      %add3A_79 = arith.addi %mul3A_2, %add3A_78 : i32
      %run_scoped3A_80 = arith.constant 0 : i32
      "tpu.region"() ({
        %run_scoped3A_216 = tpu.sem_alloc : memref<!tpu.dma_semaphore, #tpu.memory_space<semaphore_mem>>
        %dma_start3A = arith.constant 0 : i32
        %dma_start3A_217 = tpu.memref_slice %arg5[%run_scoped3A_80, %add3A_79, %dma_start3A] : memref<1x10240x128xf32, #tpu.memory_space<hbm>> -> memref<1x64x128xf32, #tpu.memory_space<hbm>>
        %dma_start3A_218 = tpu.memref_squeeze %dma_start3A_217 : memref<1x64x128xf32, #tpu.memory_space<hbm>> -> memref<64x128xf32, #tpu.memory_space<hbm>>
        %dma_start3A_219 = arith.constant 0 : i32
        %dma_start3A_220 = tpu.memref_slice %arg5[%run_scoped3A_80, %add3A_79, %dma_start3A_219] : memref<1x10240x128xf32, #tpu.memory_space<hbm>> -> memref<1x64x128xf32, #tpu.memory_space<hbm>>
        %dma_start3A_221 = tpu.memref_squeeze %dma_start3A_220 : memref<1x64x128xf32, #tpu.memory_space<hbm>> -> memref<64x128xf32, #tpu.memory_space<hbm>>
        tpu.enqueue_dma source(%arg10 : memref<64x128xf32, #tpu.memory_space<vmem>>) target(%dma_start3A_221 : memref<64x128xf32, #tpu.memory_space<hbm>>) target_semaphore(%run_scoped3A_216 : memref<!tpu.dma_semaphore, #tpu.memory_space<semaphore_mem>>)
        %dma_wait3A_222 = arith.constant 0 : i32
        %dma_wait3A_223 = tpu.memref_slice %arg5[%run_scoped3A_80, %add3A_79, %dma_wait3A_222] : memref<1x10240x128xf32, #tpu.memory_space<hbm>> -> memref<1x64x128xf32, #tpu.memory_space<hbm>>
        %dma_wait3A_224 = tpu.memref_squeeze %dma_wait3A_223 : memref<1x64x128xf32, #tpu.memory_space<hbm>> -> memref<64x128xf32, #tpu.memory_space<hbm>>
        %dma_wait3A_225 = arith.constant 0 : i32
        %dma_wait3A_226 = tpu.memref_slice %arg5[%run_scoped3A_80, %add3A_79, %dma_wait3A_225] : memref<1x10240x128xf32, #tpu.memory_space<hbm>> -> memref<1x64x128xf32, #tpu.memory_space<hbm>>
        %dma_wait3A_227 = tpu.memref_squeeze %dma_wait3A_226 : memref<1x64x128xf32, #tpu.memory_space<hbm>> -> memref<64x128xf32, #tpu.memory_space<hbm>>
        tpu.wait_dma2 semaphore(%run_scoped3A_216 : memref<!tpu.dma_semaphore, #tpu.memory_space<semaphore_mem>>) src(%arg10 : memref<64x128xf32, #tpu.memory_space<vmem>>) dst(%dma_wait3A_227 : memref<64x128xf32, #tpu.memory_space<hbm>>)
        tpu.yield
      }) : () -> ()
      %add3A_81 = arith.constant 320 : i32
      %add3A_82 = arith.addi %mul3A_2, %add3A_81 : i32
      "tpu.region"() ({
        %run_scoped3A_216 = tpu.sem_alloc : memref<!tpu.dma_semaphore, #tpu.memory_space<semaphore_mem>>
        %dma_start3A = arith.constant 0 : i32
        %dma_start3A_217 = tpu.memref_slice %arg22[%add3A_82, %dma_start3A] : memref<10240x128xf32, #tpu.memory_space<vmem_shared>> -> memref<64x128xf32, #tpu.memory_space<vmem_shared>>
        %dma_start3A_218 = arith.constant 0 : i32
        %dma_start3A_219 = tpu.memref_slice %arg22[%add3A_82, %dma_start3A_218] : memref<10240x128xf32, #tpu.memory_space<vmem_shared>> -> memref<64x128xf32, #tpu.memory_space<vmem_shared>>
        tpu.enqueue_dma source(%dma_start3A_219 : memref<64x128xf32, #tpu.memory_space<vmem_shared>>) target(%arg11 : memref<64x128xf32, #tpu.memory_space<vmem>>) target_semaphore(%run_scoped3A_216 : memref<!tpu.dma_semaphore, #tpu.memory_space<semaphore_mem>>)
        %dma_wait3A_220 = arith.constant 0 : i32
        %dma_wait3A_221 = tpu.memref_slice %arg22[%add3A_82, %dma_wait3A_220] : memref<10240x128xf32, #tpu.memory_space<vmem_shared>> -> memref<64x128xf32, #tpu.memory_space<vmem_shared>>
        %dma_wait3A_222 = arith.constant 0 : i32
        %dma_wait3A_223 = tpu.memref_slice %arg22[%add3A_82, %dma_wait3A_222] : memref<10240x128xf32, #tpu.memory_space<vmem_shared>> -> memref<64x128xf32, #tpu.memory_space<vmem_shared>>
        tpu.wait_dma2 semaphore(%run_scoped3A_216 : memref<!tpu.dma_semaphore, #tpu.memory_space<semaphore_mem>>) src(%dma_wait3A_223 : memref<64x128xf32, #tpu.memory_space<vmem_shared>>) dst(%arg11 : memref<64x128xf32, #tpu.memory_space<vmem>>)
        tpu.yield
      }) : () -> ()
      %add3A_83 = arith.constant 320 : i32
      %add3A_84 = arith.addi %mul3A_2, %add3A_83 : i32
      %run_scoped3A_85 = arith.constant 0 : i32
      "tpu.region"() ({
        %run_scoped3A_216 = tpu.sem_alloc : memref<!tpu.dma_semaphore, #tpu.memory_space<semaphore_mem>>
        %dma_start3A = arith.constant 0 : i32
        %dma_start3A_217 = tpu.memref_slice %arg5[%run_scoped3A_85, %add3A_84, %dma_start3A] : memref<1x10240x128xf32, #tpu.memory_space<hbm>> -> memref<1x64x128xf32, #tpu.memory_space<hbm>>
        %dma_start3A_218 = tpu.memref_squeeze %dma_start3A_217 : memref<1x64x128xf32, #tpu.memory_space<hbm>> -> memref<64x128xf32, #tpu.memory_space<hbm>>
        %dma_start3A_219 = arith.constant 0 : i32
        %dma_start3A_220 = tpu.memref_slice %arg5[%run_scoped3A_85, %add3A_84, %dma_start3A_219] : memref<1x10240x128xf32, #tpu.memory_space<hbm>> -> memref<1x64x128xf32, #tpu.memory_space<hbm>>
        %dma_start3A_221 = tpu.memref_squeeze %dma_start3A_220 : memref<1x64x128xf32, #tpu.memory_space<hbm>> -> memref<64x128xf32, #tpu.memory_space<hbm>>
        tpu.enqueue_dma source(%arg11 : memref<64x128xf32, #tpu.memory_space<vmem>>) target(%dma_start3A_221 : memref<64x128xf32, #tpu.memory_space<hbm>>) target_semaphore(%run_scoped3A_216 : memref<!tpu.dma_semaphore, #tpu.memory_space<semaphore_mem>>)
        %dma_wait3A_222 = arith.constant 0 : i32
        %dma_wait3A_223 = tpu.memref_slice %arg5[%run_scoped3A_85, %add3A_84, %dma_wait3A_222] : memref<1x10240x128xf32, #tpu.memory_space<hbm>> -> memref<1x64x128xf32, #tpu.memory_space<hbm>>
        %dma_wait3A_224 = tpu.memref_squeeze %dma_wait3A_223 : memref<1x64x128xf32, #tpu.memory_space<hbm>> -> memref<64x128xf32, #tpu.memory_space<hbm>>
        %dma_wait3A_225 = arith.constant 0 : i32
        %dma_wait3A_226 = tpu.memref_slice %arg5[%run_scoped3A_85, %add3A_84, %dma_wait3A_225] : memref<1x10240x128xf32, #tpu.memory_space<hbm>> -> memref<1x64x128xf32, #tpu.memory_space<hbm>>
        %dma_wait3A_227 = tpu.memref_squeeze %dma_wait3A_226 : memref<1x64x128xf32, #tpu.memory_space<hbm>> -> memref<64x128xf32, #tpu.memory_space<hbm>>
        tpu.wait_dma2 semaphore(%run_scoped3A_216 : memref<!tpu.dma_semaphore, #tpu.memory_space<semaphore_mem>>) src(%arg11 : memref<64x128xf32, #tpu.memory_space<vmem>>) dst(%dma_wait3A_227 : memref<64x128xf32, #tpu.memory_space<hbm>>)
        tpu.yield
      }) : () -> ()
      %add3A_86 = arith.constant 384 : i32
      %add3A_87 = arith.addi %mul3A_2, %add3A_86 : i32
      "tpu.region"() ({
        %run_scoped3A_216 = tpu.sem_alloc : memref<!tpu.dma_semaphore, #tpu.memory_space<semaphore_mem>>
        %dma_start3A = arith.constant 0 : i32
        %dma_start3A_217 = tpu.memref_slice %arg22[%add3A_87, %dma_start3A] : memref<10240x128xf32, #tpu.memory_space<vmem_shared>> -> memref<64x128xf32, #tpu.memory_space<vmem_shared>>
        %dma_start3A_218 = arith.constant 0 : i32
        %dma_start3A_219 = tpu.memref_slice %arg22[%add3A_87, %dma_start3A_218] : memref<10240x128xf32, #tpu.memory_space<vmem_shared>> -> memref<64x128xf32, #tpu.memory_space<vmem_shared>>
        tpu.enqueue_dma source(%dma_start3A_219 : memref<64x128xf32, #tpu.memory_space<vmem_shared>>) target(%arg10 : memref<64x128xf32, #tpu.memory_space<vmem>>) target_semaphore(%run_scoped3A_216 : memref<!tpu.dma_semaphore, #tpu.memory_space<semaphore_mem>>)
        %dma_wait3A_220 = arith.constant 0 : i32
        %dma_wait3A_221 = tpu.memref_slice %arg22[%add3A_87, %dma_wait3A_220] : memref<10240x128xf32, #tpu.memory_space<vmem_shared>> -> memref<64x128xf32, #tpu.memory_space<vmem_shared>>
        %dma_wait3A_222 = arith.constant 0 : i32
        %dma_wait3A_223 = tpu.memref_slice %arg22[%add3A_87, %dma_wait3A_222] : memref<10240x128xf32, #tpu.memory_space<vmem_shared>> -> memref<64x128xf32, #tpu.memory_space<vmem_shared>>
        tpu.wait_dma2 semaphore(%run_scoped3A_216 : memref<!tpu.dma_semaphore, #tpu.memory_space<semaphore_mem>>) src(%dma_wait3A_223 : memref<64x128xf32, #tpu.memory_space<vmem_shared>>) dst(%arg10 : memref<64x128xf32, #tpu.memory_space<vmem>>)
        tpu.yield
      }) : () -> ()
      %add3A_88 = arith.constant 384 : i32
      %add3A_89 = arith.addi %mul3A_2, %add3A_88 : i32
      %run_scoped3A_90 = arith.constant 0 : i32
      "tpu.region"() ({
        %run_scoped3A_216 = tpu.sem_alloc : memref<!tpu.dma_semaphore, #tpu.memory_space<semaphore_mem>>
        %dma_start3A = arith.constant 0 : i32
        %dma_start3A_217 = tpu.memref_slice %arg5[%run_scoped3A_90, %add3A_89, %dma_start3A] : memref<1x10240x128xf32, #tpu.memory_space<hbm>> -> memref<1x64x128xf32, #tpu.memory_space<hbm>>
        %dma_start3A_218 = tpu.memref_squeeze %dma_start3A_217 : memref<1x64x128xf32, #tpu.memory_space<hbm>> -> memref<64x128xf32, #tpu.memory_space<hbm>>
        %dma_start3A_219 = arith.constant 0 : i32
        %dma_start3A_220 = tpu.memref_slice %arg5[%run_scoped3A_90, %add3A_89, %dma_start3A_219] : memref<1x10240x128xf32, #tpu.memory_space<hbm>> -> memref<1x64x128xf32, #tpu.memory_space<hbm>>
        %dma_start3A_221 = tpu.memref_squeeze %dma_start3A_220 : memref<1x64x128xf32, #tpu.memory_space<hbm>> -> memref<64x128xf32, #tpu.memory_space<hbm>>
        tpu.enqueue_dma source(%arg10 : memref<64x128xf32, #tpu.memory_space<vmem>>) target(%dma_start3A_221 : memref<64x128xf32, #tpu.memory_space<hbm>>) target_semaphore(%run_scoped3A_216 : memref<!tpu.dma_semaphore, #tpu.memory_space<semaphore_mem>>)
        %dma_wait3A_222 = arith.constant 0 : i32
        %dma_wait3A_223 = tpu.memref_slice %arg5[%run_scoped3A_90, %add3A_89, %dma_wait3A_222] : memref<1x10240x128xf32, #tpu.memory_space<hbm>> -> memref<1x64x128xf32, #tpu.memory_space<hbm>>
        %dma_wait3A_224 = tpu.memref_squeeze %dma_wait3A_223 : memref<1x64x128xf32, #tpu.memory_space<hbm>> -> memref<64x128xf32, #tpu.memory_space<hbm>>
        %dma_wait3A_225 = arith.constant 0 : i32
        %dma_wait3A_226 = tpu.memref_slice %arg5[%run_scoped3A_90, %add3A_89, %dma_wait3A_225] : memref<1x10240x128xf32, #tpu.memory_space<hbm>> -> memref<1x64x128xf32, #tpu.memory_space<hbm>>
        %dma_wait3A_227 = tpu.memref_squeeze %dma_wait3A_226 : memref<1x64x128xf32, #tpu.memory_space<hbm>> -> memref<64x128xf32, #tpu.memory_space<hbm>>
        tpu.wait_dma2 semaphore(%run_scoped3A_216 : memref<!tpu.dma_semaphore, #tpu.memory_space<semaphore_mem>>) src(%arg10 : memref<64x128xf32, #tpu.memory_space<vmem>>) dst(%dma_wait3A_227 : memref<64x128xf32, #tpu.memory_space<hbm>>)
        tpu.yield
      }) : () -> ()
      %add3A_91 = arith.constant 448 : i32
      %add3A_92 = arith.addi %mul3A_2, %add3A_91 : i32
      "tpu.region"() ({
        %run_scoped3A_216 = tpu.sem_alloc : memref<!tpu.dma_semaphore, #tpu.memory_space<semaphore_mem>>
        %dma_start3A = arith.constant 0 : i32
        %dma_start3A_217 = tpu.memref_slice %arg22[%add3A_92, %dma_start3A] : memref<10240x128xf32, #tpu.memory_space<vmem_shared>> -> memref<64x128xf32, #tpu.memory_space<vmem_shared>>
        %dma_start3A_218 = arith.constant 0 : i32
        %dma_start3A_219 = tpu.memref_slice %arg22[%add3A_92, %dma_start3A_218] : memref<10240x128xf32, #tpu.memory_space<vmem_shared>> -> memref<64x128xf32, #tpu.memory_space<vmem_shared>>
        tpu.enqueue_dma source(%dma_start3A_219 : memref<64x128xf32, #tpu.memory_space<vmem_shared>>) target(%arg11 : memref<64x128xf32, #tpu.memory_space<vmem>>) target_semaphore(%run_scoped3A_216 : memref<!tpu.dma_semaphore, #tpu.memory_space<semaphore_mem>>)
        %dma_wait3A_220 = arith.constant 0 : i32
        %dma_wait3A_221 = tpu.memref_slice %arg22[%add3A_92, %dma_wait3A_220] : memref<10240x128xf32, #tpu.memory_space<vmem_shared>> -> memref<64x128xf32, #tpu.memory_space<vmem_shared>>
        %dma_wait3A_222 = arith.constant 0 : i32
        %dma_wait3A_223 = tpu.memref_slice %arg22[%add3A_92, %dma_wait3A_222] : memref<10240x128xf32, #tpu.memory_space<vmem_shared>> -> memref<64x128xf32, #tpu.memory_space<vmem_shared>>
        tpu.wait_dma2 semaphore(%run_scoped3A_216 : memref<!tpu.dma_semaphore, #tpu.memory_space<semaphore_mem>>) src(%dma_wait3A_223 : memref<64x128xf32, #tpu.memory_space<vmem_shared>>) dst(%arg11 : memref<64x128xf32, #tpu.memory_space<vmem>>)
        tpu.yield
      }) : () -> ()
      %add3A_93 = arith.constant 448 : i32
      %add3A_94 = arith.addi %mul3A_2, %add3A_93 : i32
      %run_scoped3A_95 = arith.constant 0 : i32
      "tpu.region"() ({
        %run_scoped3A_216 = tpu.sem_alloc : memref<!tpu.dma_semaphore, #tpu.memory_space<semaphore_mem>>
        %dma_start3A = arith.constant 0 : i32
        %dma_start3A_217 = tpu.memref_slice %arg5[%run_scoped3A_95, %add3A_94, %dma_start3A] : memref<1x10240x128xf32, #tpu.memory_space<hbm>> -> memref<1x64x128xf32, #tpu.memory_space<hbm>>
        %dma_start3A_218 = tpu.memref_squeeze %dma_start3A_217 : memref<1x64x128xf32, #tpu.memory_space<hbm>> -> memref<64x128xf32, #tpu.memory_space<hbm>>
        %dma_start3A_219 = arith.constant 0 : i32
        %dma_start3A_220 = tpu.memref_slice %arg5[%run_scoped3A_95, %add3A_94, %dma_start3A_219] : memref<1x10240x128xf32, #tpu.memory_space<hbm>> -> memref<1x64x128xf32, #tpu.memory_space<hbm>>
        %dma_start3A_221 = tpu.memref_squeeze %dma_start3A_220 : memref<1x64x128xf32, #tpu.memory_space<hbm>> -> memref<64x128xf32, #tpu.memory_space<hbm>>
        tpu.enqueue_dma source(%arg11 : memref<64x128xf32, #tpu.memory_space<vmem>>) target(%dma_start3A_221 : memref<64x128xf32, #tpu.memory_space<hbm>>) target_semaphore(%run_scoped3A_216 : memref<!tpu.dma_semaphore, #tpu.memory_space<semaphore_mem>>)
        %dma_wait3A_222 = arith.constant 0 : i32
        %dma_wait3A_223 = tpu.memref_slice %arg5[%run_scoped3A_95, %add3A_94, %dma_wait3A_222] : memref<1x10240x128xf32, #tpu.memory_space<hbm>> -> memref<1x64x128xf32, #tpu.memory_space<hbm>>
        %dma_wait3A_224 = tpu.memref_squeeze %dma_wait3A_223 : memref<1x64x128xf32, #tpu.memory_space<hbm>> -> memref<64x128xf32, #tpu.memory_space<hbm>>
        %dma_wait3A_225 = arith.constant 0 : i32
        %dma_wait3A_226 = tpu.memref_slice %arg5[%run_scoped3A_95, %add3A_94, %dma_wait3A_225] : memref<1x10240x128xf32, #tpu.memory_space<hbm>> -> memref<1x64x128xf32, #tpu.memory_space<hbm>>
        %dma_wait3A_227 = tpu.memref_squeeze %dma_wait3A_226 : memref<1x64x128xf32, #tpu.memory_space<hbm>> -> memref<64x128xf32, #tpu.memory_space<hbm>>
        tpu.wait_dma2 semaphore(%run_scoped3A_216 : memref<!tpu.dma_semaphore, #tpu.memory_space<semaphore_mem>>) src(%arg11 : memref<64x128xf32, #tpu.memory_space<vmem>>) dst(%dma_wait3A_227 : memref<64x128xf32, #tpu.memory_space<hbm>>)
        tpu.yield
      }) : () -> ()
      %add3A_96 = arith.constant 512 : i32
      %add3A_97 = arith.addi %mul3A_2, %add3A_96 : i32
      "tpu.region"() ({
        %run_scoped3A_216 = tpu.sem_alloc : memref<!tpu.dma_semaphore, #tpu.memory_space<semaphore_mem>>
        %dma_start3A = arith.constant 0 : i32
        %dma_start3A_217 = tpu.memref_slice %arg22[%add3A_97, %dma_start3A] : memref<10240x128xf32, #tpu.memory_space<vmem_shared>> -> memref<64x128xf32, #tpu.memory_space<vmem_shared>>
        %dma_start3A_218 = arith.constant 0 : i32
        %dma_start3A_219 = tpu.memref_slice %arg22[%add3A_97, %dma_start3A_218] : memref<10240x128xf32, #tpu.memory_space<vmem_shared>> -> memref<64x128xf32, #tpu.memory_space<vmem_shared>>
        tpu.enqueue_dma source(%dma_start3A_219 : memref<64x128xf32, #tpu.memory_space<vmem_shared>>) target(%arg10 : memref<64x128xf32, #tpu.memory_space<vmem>>) target_semaphore(%run_scoped3A_216 : memref<!tpu.dma_semaphore, #tpu.memory_space<semaphore_mem>>)
        %dma_wait3A_220 = arith.constant 0 : i32
        %dma_wait3A_221 = tpu.memref_slice %arg22[%add3A_97, %dma_wait3A_220] : memref<10240x128xf32, #tpu.memory_space<vmem_shared>> -> memref<64x128xf32, #tpu.memory_space<vmem_shared>>
        %dma_wait3A_222 = arith.constant 0 : i32
        %dma_wait3A_223 = tpu.memref_slice %arg22[%add3A_97, %dma_wait3A_222] : memref<10240x128xf32, #tpu.memory_space<vmem_shared>> -> memref<64x128xf32, #tpu.memory_space<vmem_shared>>
        tpu.wait_dma2 semaphore(%run_scoped3A_216 : memref<!tpu.dma_semaphore, #tpu.memory_space<semaphore_mem>>) src(%dma_wait3A_223 : memref<64x128xf32, #tpu.memory_space<vmem_shared>>) dst(%arg10 : memref<64x128xf32, #tpu.memory_space<vmem>>)
        tpu.yield
      }) : () -> ()
      %add3A_98 = arith.constant 512 : i32
      %add3A_99 = arith.addi %mul3A_2, %add3A_98 : i32
      %run_scoped3A_100 = arith.constant 0 : i32
      "tpu.region"() ({
        %run_scoped3A_216 = tpu.sem_alloc : memref<!tpu.dma_semaphore, #tpu.memory_space<semaphore_mem>>
        %dma_start3A = arith.constant 0 : i32
        %dma_start3A_217 = tpu.memref_slice %arg5[%run_scoped3A_100, %add3A_99, %dma_start3A] : memref<1x10240x128xf32, #tpu.memory_space<hbm>> -> memref<1x64x128xf32, #tpu.memory_space<hbm>>
        %dma_start3A_218 = tpu.memref_squeeze %dma_start3A_217 : memref<1x64x128xf32, #tpu.memory_space<hbm>> -> memref<64x128xf32, #tpu.memory_space<hbm>>
        %dma_start3A_219 = arith.constant 0 : i32
        %dma_start3A_220 = tpu.memref_slice %arg5[%run_scoped3A_100, %add3A_99, %dma_start3A_219] : memref<1x10240x128xf32, #tpu.memory_space<hbm>> -> memref<1x64x128xf32, #tpu.memory_space<hbm>>
        %dma_start3A_221 = tpu.memref_squeeze %dma_start3A_220 : memref<1x64x128xf32, #tpu.memory_space<hbm>> -> memref<64x128xf32, #tpu.memory_space<hbm>>
        tpu.enqueue_dma source(%arg10 : memref<64x128xf32, #tpu.memory_space<vmem>>) target(%dma_start3A_221 : memref<64x128xf32, #tpu.memory_space<hbm>>) target_semaphore(%run_scoped3A_216 : memref<!tpu.dma_semaphore, #tpu.memory_space<semaphore_mem>>)
        %dma_wait3A_222 = arith.constant 0 : i32
        %dma_wait3A_223 = tpu.memref_slice %arg5[%run_scoped3A_100, %add3A_99, %dma_wait3A_222] : memref<1x10240x128xf32, #tpu.memory_space<hbm>> -> memref<1x64x128xf32, #tpu.memory_space<hbm>>
        %dma_wait3A_224 = tpu.memref_squeeze %dma_wait3A_223 : memref<1x64x128xf32, #tpu.memory_space<hbm>> -> memref<64x128xf32, #tpu.memory_space<hbm>>
        %dma_wait3A_225 = arith.constant 0 : i32
        %dma_wait3A_226 = tpu.memref_slice %arg5[%run_scoped3A_100, %add3A_99, %dma_wait3A_225] : memref<1x10240x128xf32, #tpu.memory_space<hbm>> -> memref<1x64x128xf32, #tpu.memory_space<hbm>>
        %dma_wait3A_227 = tpu.memref_squeeze %dma_wait3A_226 : memref<1x64x128xf32, #tpu.memory_space<hbm>> -> memref<64x128xf32, #tpu.memory_space<hbm>>
        tpu.wait_dma2 semaphore(%run_scoped3A_216 : memref<!tpu.dma_semaphore, #tpu.memory_space<semaphore_mem>>) src(%arg10 : memref<64x128xf32, #tpu.memory_space<vmem>>) dst(%dma_wait3A_227 : memref<64x128xf32, #tpu.memory_space<hbm>>)
        tpu.yield
      }) : () -> ()
      %add3A_101 = arith.constant 576 : i32
      %add3A_102 = arith.addi %mul3A_2, %add3A_101 : i32
      "tpu.region"() ({
        %run_scoped3A_216 = tpu.sem_alloc : memref<!tpu.dma_semaphore, #tpu.memory_space<semaphore_mem>>
        %dma_start3A = arith.constant 0 : i32
        %dma_start3A_217 = tpu.memref_slice %arg22[%add3A_102, %dma_start3A] : memref<10240x128xf32, #tpu.memory_space<vmem_shared>> -> memref<64x128xf32, #tpu.memory_space<vmem_shared>>
        %dma_start3A_218 = arith.constant 0 : i32
        %dma_start3A_219 = tpu.memref_slice %arg22[%add3A_102, %dma_start3A_218] : memref<10240x128xf32, #tpu.memory_space<vmem_shared>> -> memref<64x128xf32, #tpu.memory_space<vmem_shared>>
        tpu.enqueue_dma source(%dma_start3A_219 : memref<64x128xf32, #tpu.memory_space<vmem_shared>>) target(%arg11 : memref<64x128xf32, #tpu.memory_space<vmem>>) target_semaphore(%run_scoped3A_216 : memref<!tpu.dma_semaphore, #tpu.memory_space<semaphore_mem>>)
        %dma_wait3A_220 = arith.constant 0 : i32
        %dma_wait3A_221 = tpu.memref_slice %arg22[%add3A_102, %dma_wait3A_220] : memref<10240x128xf32, #tpu.memory_space<vmem_shared>> -> memref<64x128xf32, #tpu.memory_space<vmem_shared>>
        %dma_wait3A_222 = arith.constant 0 : i32
        %dma_wait3A_223 = tpu.memref_slice %arg22[%add3A_102, %dma_wait3A_222] : memref<10240x128xf32, #tpu.memory_space<vmem_shared>> -> memref<64x128xf32, #tpu.memory_space<vmem_shared>>
        tpu.wait_dma2 semaphore(%run_scoped3A_216 : memref<!tpu.dma_semaphore, #tpu.memory_space<semaphore_mem>>) src(%dma_wait3A_223 : memref<64x128xf32, #tpu.memory_space<vmem_shared>>) dst(%arg11 : memref<64x128xf32, #tpu.memory_space<vmem>>)
        tpu.yield
      }) : () -> ()
      %add3A_103 = arith.constant 576 : i32
      %add3A_104 = arith.addi %mul3A_2, %add3A_103 : i32
      %run_scoped3A_105 = arith.constant 0 : i32
      "tpu.region"() ({
        %run_scoped3A_216 = tpu.sem_alloc : memref<!tpu.dma_semaphore, #tpu.memory_space<semaphore_mem>>
        %dma_start3A = arith.constant 0 : i32
        %dma_start3A_217 = tpu.memref_slice %arg5[%run_scoped3A_105, %add3A_104, %dma_start3A] : memref<1x10240x128xf32, #tpu.memory_space<hbm>> -> memref<1x64x128xf32, #tpu.memory_space<hbm>>
        %dma_start3A_218 = tpu.memref_squeeze %dma_start3A_217 : memref<1x64x128xf32, #tpu.memory_space<hbm>> -> memref<64x128xf32, #tpu.memory_space<hbm>>
        %dma_start3A_219 = arith.constant 0 : i32
        %dma_start3A_220 = tpu.memref_slice %arg5[%run_scoped3A_105, %add3A_104, %dma_start3A_219] : memref<1x10240x128xf32, #tpu.memory_space<hbm>> -> memref<1x64x128xf32, #tpu.memory_space<hbm>>
        %dma_start3A_221 = tpu.memref_squeeze %dma_start3A_220 : memref<1x64x128xf32, #tpu.memory_space<hbm>> -> memref<64x128xf32, #tpu.memory_space<hbm>>
        tpu.enqueue_dma source(%arg11 : memref<64x128xf32, #tpu.memory_space<vmem>>) target(%dma_start3A_221 : memref<64x128xf32, #tpu.memory_space<hbm>>) target_semaphore(%run_scoped3A_216 : memref<!tpu.dma_semaphore, #tpu.memory_space<semaphore_mem>>)
        %dma_wait3A_222 = arith.constant 0 : i32
        %dma_wait3A_223 = tpu.memref_slice %arg5[%run_scoped3A_105, %add3A_104, %dma_wait3A_222] : memref<1x10240x128xf32, #tpu.memory_space<hbm>> -> memref<1x64x128xf32, #tpu.memory_space<hbm>>
        %dma_wait3A_224 = tpu.memref_squeeze %dma_wait3A_223 : memref<1x64x128xf32, #tpu.memory_space<hbm>> -> memref<64x128xf32, #tpu.memory_space<hbm>>
        %dma_wait3A_225 = arith.constant 0 : i32
        %dma_wait3A_226 = tpu.memref_slice %arg5[%run_scoped3A_105, %add3A_104, %dma_wait3A_225] : memref<1x10240x128xf32, #tpu.memory_space<hbm>> -> memref<1x64x128xf32, #tpu.memory_space<hbm>>
        %dma_wait3A_227 = tpu.memref_squeeze %dma_wait3A_226 : memref<1x64x128xf32, #tpu.memory_space<hbm>> -> memref<64x128xf32, #tpu.memory_space<hbm>>
        tpu.wait_dma2 semaphore(%run_scoped3A_216 : memref<!tpu.dma_semaphore, #tpu.memory_space<semaphore_mem>>) src(%arg11 : memref<64x128xf32, #tpu.memory_space<vmem>>) dst(%dma_wait3A_227 : memref<64x128xf32, #tpu.memory_space<hbm>>)
        tpu.yield
      }) : () -> ()
      %barrier3A_106 = arith.constant 0 : index
      tpu.barrier barrier_id(%barrier3A_106)
      "tpu.trace_stop"() : () -> ()
      "tpu.trace_start"() <{level = 10 : i32, message = "zerofill"}> : () -> ()
      %scan3A_107 = arith.constant 0 : i32
      %scan3A_108 = arith.constant 0 : i32
      %scan3A_109 = arith.constant 64 : i32
      %scan3A_110 = arith.addi %scan3A_108, %scan3A_109 : i32
      %scan3A_111 = arith.constant 1 : i32
      scf.for %scan3A_216 = %scan3A_108 to %scan3A_110 step %scan3A_111  : i32 {
        %broadcast_in_dim3A = arith.constant 0.000000e+00 : f32
        %broadcast_in_dim3A_217 = vector.broadcast %broadcast_in_dim3A : f32 to vector<16xf32>
        %swap3A = arith.index_cast %scan3A_216 : i32 to index
        %swap3A_218 = arith.constant 0 : index
        %swap3A_219 = tpu.vector_load %arg10[%swap3A, %swap3A_218] {strides = array<i32>} : memref<64x128xf32, #tpu.memory_space<vmem>>, vector<16xf32>,
        tpu.vector_store %arg10[%swap3A, %swap3A_218], %broadcast_in_dim3A_217 {strides = array<i32>} : memref<64x128xf32, #tpu.memory_space<vmem>>, vector<16xf32>,
        %broadcast_in_dim3A_220 = arith.constant 0.000000e+00 : f32
        %broadcast_in_dim3A_221 = vector.broadcast %broadcast_in_dim3A_220 : f32 to vector<16xf32>
        %swap3A_222 = arith.index_cast %scan3A_216 : i32 to index
        %swap3A_223 = arith.constant 16 : index
        %swap3A_224 = tpu.vector_load %arg10[%swap3A_222, %swap3A_223] {strides = array<i32>} : memref<64x128xf32, #tpu.memory_space<vmem>>, vector<16xf32>,
        tpu.vector_store %arg10[%swap3A_222, %swap3A_223], %broadcast_in_dim3A_221 {strides = array<i32>} : memref<64x128xf32, #tpu.memory_space<vmem>>, vector<16xf32>,
        %broadcast_in_dim3A_225 = arith.constant 0.000000e+00 : f32
        %broadcast_in_dim3A_226 = vector.broadcast %broadcast_in_dim3A_225 : f32 to vector<16xf32>
        %swap3A_227 = arith.index_cast %scan3A_216 : i32 to index
        %swap3A_228 = arith.constant 32 : index
        %swap3A_229 = tpu.vector_load %arg10[%swap3A_227, %swap3A_228] {strides = array<i32>} : memref<64x128xf32, #tpu.memory_space<vmem>>, vector<16xf32>,
        tpu.vector_store %arg10[%swap3A_227, %swap3A_228], %broadcast_in_dim3A_226 {strides = array<i32>} : memref<64x128xf32, #tpu.memory_space<vmem>>, vector<16xf32>,
        %broadcast_in_dim3A_230 = arith.constant 0.000000e+00 : f32
        %broadcast_in_dim3A_231 = vector.broadcast %broadcast_in_dim3A_230 : f32 to vector<16xf32>
        %swap3A_232 = arith.index_cast %scan3A_216 : i32 to index
        %swap3A_233 = arith.constant 48 : index
        %swap3A_234 = tpu.vector_load %arg10[%swap3A_232, %swap3A_233] {strides = array<i32>} : memref<64x128xf32, #tpu.memory_space<vmem>>, vector<16xf32>,
        tpu.vector_store %arg10[%swap3A_232, %swap3A_233], %broadcast_in_dim3A_231 {strides = array<i32>} : memref<64x128xf32, #tpu.memory_space<vmem>>, vector<16xf32>,
        %broadcast_in_dim3A_235 = arith.constant 0.000000e+00 : f32
        %broadcast_in_dim3A_236 = vector.broadcast %broadcast_in_dim3A_235 : f32 to vector<16xf32>
        %swap3A_237 = arith.index_cast %scan3A_216 : i32 to index
        %swap3A_238 = arith.constant 64 : index
        %swap3A_239 = tpu.vector_load %arg10[%swap3A_237, %swap3A_238] {strides = array<i32>} : memref<64x128xf32, #tpu.memory_space<vmem>>, vector<16xf32>,
        tpu.vector_store %arg10[%swap3A_237, %swap3A_238], %broadcast_in_dim3A_236 {strides = array<i32>} : memref<64x128xf32, #tpu.memory_space<vmem>>, vector<16xf32>,
        %broadcast_in_dim3A_240 = arith.constant 0.000000e+00 : f32
        %broadcast_in_dim3A_241 = vector.broadcast %broadcast_in_dim3A_240 : f32 to vector<16xf32>
        %swap3A_242 = arith.index_cast %scan3A_216 : i32 to index
        %swap3A_243 = arith.constant 80 : index
        %swap3A_244 = tpu.vector_load %arg10[%swap3A_242, %swap3A_243] {strides = array<i32>} : memref<64x128xf32, #tpu.memory_space<vmem>>, vector<16xf32>,
        tpu.vector_store %arg10[%swap3A_242, %swap3A_243], %broadcast_in_dim3A_241 {strides = array<i32>} : memref<64x128xf32, #tpu.memory_space<vmem>>, vector<16xf32>,
        %broadcast_in_dim3A_245 = arith.constant 0.000000e+00 : f32
        %broadcast_in_dim3A_246 = vector.broadcast %broadcast_in_dim3A_245 : f32 to vector<16xf32>
        %swap3A_247 = arith.index_cast %scan3A_216 : i32 to index
        %swap3A_248 = arith.constant 96 : index
        %swap3A_249 = tpu.vector_load %arg10[%swap3A_247, %swap3A_248] {strides = array<i32>} : memref<64x128xf32, #tpu.memory_space<vmem>>, vector<16xf32>,
        tpu.vector_store %arg10[%swap3A_247, %swap3A_248], %broadcast_in_dim3A_246 {strides = array<i32>} : memref<64x128xf32, #tpu.memory_space<vmem>>, vector<16xf32>,
        %broadcast_in_dim3A_250 = arith.constant 0.000000e+00 : f32
        %broadcast_in_dim3A_251 = vector.broadcast %broadcast_in_dim3A_250 : f32 to vector<16xf32>
        %swap3A_252 = arith.index_cast %scan3A_216 : i32 to index
        %swap3A_253 = arith.constant 112 : index
        %swap3A_254 = tpu.vector_load %arg10[%swap3A_252, %swap3A_253] {strides = array<i32>} : memref<64x128xf32, #tpu.memory_space<vmem>>, vector<16xf32>,
        tpu.vector_store %arg10[%swap3A_252, %swap3A_253], %broadcast_in_dim3A_251 {strides = array<i32>} : memref<64x128xf32, #tpu.memory_space<vmem>>, vector<16xf32>,
      }
      %scan3A_112 = arith.constant 64 : i32
      %add3A_113 = arith.constant 0 : i32
      %add3A_114 = arith.addi %mul3A_2, %add3A_113 : i32
      "tpu.region"() ({
        %run_scoped3A_216 = tpu.sem_alloc : memref<!tpu.dma_semaphore, #tpu.memory_space<semaphore_mem>>
        %dma_start3A = arith.constant 0 : i32
        %dma_start3A_217 = tpu.memref_slice %arg22[%add3A_114, %dma_start3A] : memref<10240x128xf32, #tpu.memory_space<vmem_shared>> -> memref<64x128xf32, #tpu.memory_space<vmem_shared>>
        %dma_start3A_218 = arith.constant 0 : i32
        %dma_start3A_219 = tpu.memref_slice %arg22[%add3A_114, %dma_start3A_218] : memref<10240x128xf32, #tpu.memory_space<vmem_shared>> -> memref<64x128xf32, #tpu.memory_space<vmem_shared>>
        tpu.enqueue_dma source(%arg10 : memref<64x128xf32, #tpu.memory_space<vmem>>) target(%dma_start3A_219 : memref<64x128xf32, #tpu.memory_space<vmem_shared>>) target_semaphore(%run_scoped3A_216 : memref<!tpu.dma_semaphore, #tpu.memory_space<semaphore_mem>>)
        %dma_wait3A_220 = arith.constant 0 : i32
        %dma_wait3A_221 = tpu.memref_slice %arg22[%add3A_114, %dma_wait3A_220] : memref<10240x128xf32, #tpu.memory_space<vmem_shared>> -> memref<64x128xf32, #tpu.memory_space<vmem_shared>>
        %dma_wait3A_222 = arith.constant 0 : i32
        %dma_wait3A_223 = tpu.memref_slice %arg22[%add3A_114, %dma_wait3A_222] : memref<10240x128xf32, #tpu.memory_space<vmem_shared>> -> memref<64x128xf32, #tpu.memory_space<vmem_shared>>
        tpu.wait_dma2 semaphore(%run_scoped3A_216 : memref<!tpu.dma_semaphore, #tpu.memory_space<semaphore_mem>>) src(%arg10 : memref<64x128xf32, #tpu.memory_space<vmem>>) dst(%dma_wait3A_223 : memref<64x128xf32, #tpu.memory_space<vmem_shared>>)
        tpu.yield
      }) : () -> ()
      %add3A_115 = arith.constant 64 : i32
      %add3A_116 = arith.addi %mul3A_2, %add3A_115 : i32
      "tpu.region"() ({
        %run_scoped3A_216 = tpu.sem_alloc : memref<!tpu.dma_semaphore, #tpu.memory_space<semaphore_mem>>
        %dma_start3A = arith.constant 0 : i32
        %dma_start3A_217 = tpu.memref_slice %arg22[%add3A_116, %dma_start3A] : memref<10240x128xf32, #tpu.memory_space<vmem_shared>> -> memref<64x128xf32, #tpu.memory_space<vmem_shared>>
        %dma_start3A_218 = arith.constant 0 : i32
        %dma_start3A_219 = tpu.memref_slice %arg22[%add3A_116, %dma_start3A_218] : memref<10240x128xf32, #tpu.memory_space<vmem_shared>> -> memref<64x128xf32, #tpu.memory_space<vmem_shared>>
        tpu.enqueue_dma source(%arg10 : memref<64x128xf32, #tpu.memory_space<vmem>>) target(%dma_start3A_219 : memref<64x128xf32, #tpu.memory_space<vmem_shared>>) target_semaphore(%run_scoped3A_216 : memref<!tpu.dma_semaphore, #tpu.memory_space<semaphore_mem>>)
        %dma_wait3A_220 = arith.constant 0 : i32
        %dma_wait3A_221 = tpu.memref_slice %arg22[%add3A_116, %dma_wait3A_220] : memref<10240x128xf32, #tpu.memory_space<vmem_shared>> -> memref<64x128xf32, #tpu.memory_space<vmem_shared>>
        %dma_wait3A_222 = arith.constant 0 : i32
        %dma_wait3A_223 = tpu.memref_slice %arg22[%add3A_116, %dma_wait3A_222] : memref<10240x128xf32, #tpu.memory_space<vmem_shared>> -> memref<64x128xf32, #tpu.memory_space<vmem_shared>>
        tpu.wait_dma2 semaphore(%run_scoped3A_216 : memref<!tpu.dma_semaphore, #tpu.memory_space<semaphore_mem>>) src(%arg10 : memref<64x128xf32, #tpu.memory_space<vmem>>) dst(%dma_wait3A_223 : memref<64x128xf32, #tpu.memory_space<vmem_shared>>)
        tpu.yield
      }) : () -> ()
      %add3A_117 = arith.constant 128 : i32
      %add3A_118 = arith.addi %mul3A_2, %add3A_117 : i32
      "tpu.region"() ({
        %run_scoped3A_216 = tpu.sem_alloc : memref<!tpu.dma_semaphore, #tpu.memory_space<semaphore_mem>>
        %dma_start3A = arith.constant 0 : i32
        %dma_start3A_217 = tpu.memref_slice %arg22[%add3A_118, %dma_start3A] : memref<10240x128xf32, #tpu.memory_space<vmem_shared>> -> memref<64x128xf32, #tpu.memory_space<vmem_shared>>
        %dma_start3A_218 = arith.constant 0 : i32
        %dma_start3A_219 = tpu.memref_slice %arg22[%add3A_118, %dma_start3A_218] : memref<10240x128xf32, #tpu.memory_space<vmem_shared>> -> memref<64x128xf32, #tpu.memory_space<vmem_shared>>
        tpu.enqueue_dma source(%arg10 : memref<64x128xf32, #tpu.memory_space<vmem>>) target(%dma_start3A_219 : memref<64x128xf32, #tpu.memory_space<vmem_shared>>) target_semaphore(%run_scoped3A_216 : memref<!tpu.dma_semaphore, #tpu.memory_space<semaphore_mem>>)
        %dma_wait3A_220 = arith.constant 0 : i32
        %dma_wait3A_221 = tpu.memref_slice %arg22[%add3A_118, %dma_wait3A_220] : memref<10240x128xf32, #tpu.memory_space<vmem_shared>> -> memref<64x128xf32, #tpu.memory_space<vmem_shared>>
        %dma_wait3A_222 = arith.constant 0 : i32
        %dma_wait3A_223 = tpu.memref_slice %arg22[%add3A_118, %dma_wait3A_222] : memref<10240x128xf32, #tpu.memory_space<vmem_shared>> -> memref<64x128xf32, #tpu.memory_space<vmem_shared>>
        tpu.wait_dma2 semaphore(%run_scoped3A_216 : memref<!tpu.dma_semaphore, #tpu.memory_space<semaphore_mem>>) src(%arg10 : memref<64x128xf32, #tpu.memory_space<vmem>>) dst(%dma_wait3A_223 : memref<64x128xf32, #tpu.memory_space<vmem_shared>>)
        tpu.yield
      }) : () -> ()
      %add3A_119 = arith.constant 192 : i32
      %add3A_120 = arith.addi %mul3A_2, %add3A_119 : i32
      "tpu.region"() ({
        %run_scoped3A_216 = tpu.sem_alloc : memref<!tpu.dma_semaphore, #tpu.memory_space<semaphore_mem>>
        %dma_start3A = arith.constant 0 : i32
        %dma_start3A_217 = tpu.memref_slice %arg22[%add3A_120, %dma_start3A] : memref<10240x128xf32, #tpu.memory_space<vmem_shared>> -> memref<64x128xf32, #tpu.memory_space<vmem_shared>>
        %dma_start3A_218 = arith.constant 0 : i32
        %dma_start3A_219 = tpu.memref_slice %arg22[%add3A_120, %dma_start3A_218] : memref<10240x128xf32, #tpu.memory_space<vmem_shared>> -> memref<64x128xf32, #tpu.memory_space<vmem_shared>>
        tpu.enqueue_dma source(%arg10 : memref<64x128xf32, #tpu.memory_space<vmem>>) target(%dma_start3A_219 : memref<64x128xf32, #tpu.memory_space<vmem_shared>>) target_semaphore(%run_scoped3A_216 : memref<!tpu.dma_semaphore, #tpu.memory_space<semaphore_mem>>)
        %dma_wait3A_220 = arith.constant 0 : i32
        %dma_wait3A_221 = tpu.memref_slice %arg22[%add3A_120, %dma_wait3A_220] : memref<10240x128xf32, #tpu.memory_space<vmem_shared>> -> memref<64x128xf32, #tpu.memory_space<vmem_shared>>
        %dma_wait3A_222 = arith.constant 0 : i32
        %dma_wait3A_223 = tpu.memref_slice %arg22[%add3A_120, %dma_wait3A_222] : memref<10240x128xf32, #tpu.memory_space<vmem_shared>> -> memref<64x128xf32, #tpu.memory_space<vmem_shared>>
        tpu.wait_dma2 semaphore(%run_scoped3A_216 : memref<!tpu.dma_semaphore, #tpu.memory_space<semaphore_mem>>) src(%arg10 : memref<64x128xf32, #tpu.memory_space<vmem>>) dst(%dma_wait3A_223 : memref<64x128xf32, #tpu.memory_space<vmem_shared>>)
        tpu.yield
      }) : () -> ()
      %add3A_121 = arith.constant 256 : i32
      %add3A_122 = arith.addi %mul3A_2, %add3A_121 : i32
      "tpu.region"() ({
        %run_scoped3A_216 = tpu.sem_alloc : memref<!tpu.dma_semaphore, #tpu.memory_space<semaphore_mem>>
        %dma_start3A = arith.constant 0 : i32
        %dma_start3A_217 = tpu.memref_slice %arg22[%add3A_122, %dma_start3A] : memref<10240x128xf32, #tpu.memory_space<vmem_shared>> -> memref<64x128xf32, #tpu.memory_space<vmem_shared>>
        %dma_start3A_218 = arith.constant 0 : i32
        %dma_start3A_219 = tpu.memref_slice %arg22[%add3A_122, %dma_start3A_218] : memref<10240x128xf32, #tpu.memory_space<vmem_shared>> -> memref<64x128xf32, #tpu.memory_space<vmem_shared>>
        tpu.enqueue_dma source(%arg10 : memref<64x128xf32, #tpu.memory_space<vmem>>) target(%dma_start3A_219 : memref<64x128xf32, #tpu.memory_space<vmem_shared>>) target_semaphore(%run_scoped3A_216 : memref<!tpu.dma_semaphore, #tpu.memory_space<semaphore_mem>>)
        %dma_wait3A_220 = arith.constant 0 : i32
        %dma_wait3A_221 = tpu.memref_slice %arg22[%add3A_122, %dma_wait3A_220] : memref<10240x128xf32, #tpu.memory_space<vmem_shared>> -> memref<64x128xf32, #tpu.memory_space<vmem_shared>>
        %dma_wait3A_222 = arith.constant 0 : i32
        %dma_wait3A_223 = tpu.memref_slice %arg22[%add3A_122, %dma_wait3A_222] : memref<10240x128xf32, #tpu.memory_space<vmem_shared>> -> memref<64x128xf32, #tpu.memory_space<vmem_shared>>
        tpu.wait_dma2 semaphore(%run_scoped3A_216 : memref<!tpu.dma_semaphore, #tpu.memory_space<semaphore_mem>>) src(%arg10 : memref<64x128xf32, #tpu.memory_space<vmem>>) dst(%dma_wait3A_223 : memref<64x128xf32, #tpu.memory_space<vmem_shared>>)
        tpu.yield
      }) : () -> ()
      %add3A_123 = arith.constant 320 : i32
      %add3A_124 = arith.addi %mul3A_2, %add3A_123 : i32
      "tpu.region"() ({
        %run_scoped3A_216 = tpu.sem_alloc : memref<!tpu.dma_semaphore, #tpu.memory_space<semaphore_mem>>
        %dma_start3A = arith.constant 0 : i32
        %dma_start3A_217 = tpu.memref_slice %arg22[%add3A_124, %dma_start3A] : memref<10240x128xf32, #tpu.memory_space<vmem_shared>> -> memref<64x128xf32, #tpu.memory_space<vmem_shared>>
        %dma_start3A_218 = arith.constant 0 : i32
        %dma_start3A_219 = tpu.memref_slice %arg22[%add3A_124, %dma_start3A_218] : memref<10240x128xf32, #tpu.memory_space<vmem_shared>> -> memref<64x128xf32, #tpu.memory_space<vmem_shared>>
        tpu.enqueue_dma source(%arg10 : memref<64x128xf32, #tpu.memory_space<vmem>>) target(%dma_start3A_219 : memref<64x128xf32, #tpu.memory_space<vmem_shared>>) target_semaphore(%run_scoped3A_216 : memref<!tpu.dma_semaphore, #tpu.memory_space<semaphore_mem>>)
        %dma_wait3A_220 = arith.constant 0 : i32
        %dma_wait3A_221 = tpu.memref_slice %arg22[%add3A_124, %dma_wait3A_220] : memref<10240x128xf32, #tpu.memory_space<vmem_shared>> -> memref<64x128xf32, #tpu.memory_space<vmem_shared>>
        %dma_wait3A_222 = arith.constant 0 : i32
        %dma_wait3A_223 = tpu.memref_slice %arg22[%add3A_124, %dma_wait3A_222] : memref<10240x128xf32, #tpu.memory_space<vmem_shared>> -> memref<64x128xf32, #tpu.memory_space<vmem_shared>>
        tpu.wait_dma2 semaphore(%run_scoped3A_216 : memref<!tpu.dma_semaphore, #tpu.memory_space<semaphore_mem>>) src(%arg10 : memref<64x128xf32, #tpu.memory_space<vmem>>) dst(%dma_wait3A_223 : memref<64x128xf32, #tpu.memory_space<vmem_shared>>)
        tpu.yield
      }) : () -> ()
      %add3A_125 = arith.constant 384 : i32
      %add3A_126 = arith.addi %mul3A_2, %add3A_125 : i32
      "tpu.region"() ({
        %run_scoped3A_216 = tpu.sem_alloc : memref<!tpu.dma_semaphore, #tpu.memory_space<semaphore_mem>>
        %dma_start3A = arith.constant 0 : i32
        %dma_start3A_217 = tpu.memref_slice %arg22[%add3A_126, %dma_start3A] : memref<10240x128xf32, #tpu.memory_space<vmem_shared>> -> memref<64x128xf32, #tpu.memory_space<vmem_shared>>
        %dma_start3A_218 = arith.constant 0 : i32
        %dma_start3A_219 = tpu.memref_slice %arg22[%add3A_126, %dma_start3A_218] : memref<10240x128xf32, #tpu.memory_space<vmem_shared>> -> memref<64x128xf32, #tpu.memory_space<vmem_shared>>
        tpu.enqueue_dma source(%arg10 : memref<64x128xf32, #tpu.memory_space<vmem>>) target(%dma_start3A_219 : memref<64x128xf32, #tpu.memory_space<vmem_shared>>) target_semaphore(%run_scoped3A_216 : memref<!tpu.dma_semaphore, #tpu.memory_space<semaphore_mem>>)
        %dma_wait3A_220 = arith.constant 0 : i32
        %dma_wait3A_221 = tpu.memref_slice %arg22[%add3A_126, %dma_wait3A_220] : memref<10240x128xf32, #tpu.memory_space<vmem_shared>> -> memref<64x128xf32, #tpu.memory_space<vmem_shared>>
        %dma_wait3A_222 = arith.constant 0 : i32
        %dma_wait3A_223 = tpu.memref_slice %arg22[%add3A_126, %dma_wait3A_222] : memref<10240x128xf32, #tpu.memory_space<vmem_shared>> -> memref<64x128xf32, #tpu.memory_space<vmem_shared>>
        tpu.wait_dma2 semaphore(%run_scoped3A_216 : memref<!tpu.dma_semaphore, #tpu.memory_space<semaphore_mem>>) src(%arg10 : memref<64x128xf32, #tpu.memory_space<vmem>>) dst(%dma_wait3A_223 : memref<64x128xf32, #tpu.memory_space<vmem_shared>>)
        tpu.yield
      }) : () -> ()
      %add3A_127 = arith.constant 448 : i32
      %add3A_128 = arith.addi %mul3A_2, %add3A_127 : i32
      "tpu.region"() ({
        %run_scoped3A_216 = tpu.sem_alloc : memref<!tpu.dma_semaphore, #tpu.memory_space<semaphore_mem>>
        %dma_start3A = arith.constant 0 : i32
        %dma_start3A_217 = tpu.memref_slice %arg22[%add3A_128, %dma_start3A] : memref<10240x128xf32, #tpu.memory_space<vmem_shared>> -> memref<64x128xf32, #tpu.memory_space<vmem_shared>>
        %dma_start3A_218 = arith.constant 0 : i32
        %dma_start3A_219 = tpu.memref_slice %arg22[%add3A_128, %dma_start3A_218] : memref<10240x128xf32, #tpu.memory_space<vmem_shared>> -> memref<64x128xf32, #tpu.memory_space<vmem_shared>>
        tpu.enqueue_dma source(%arg10 : memref<64x128xf32, #tpu.memory_space<vmem>>) target(%dma_start3A_219 : memref<64x128xf32, #tpu.memory_space<vmem_shared>>) target_semaphore(%run_scoped3A_216 : memref<!tpu.dma_semaphore, #tpu.memory_space<semaphore_mem>>)
        %dma_wait3A_220 = arith.constant 0 : i32
        %dma_wait3A_221 = tpu.memref_slice %arg22[%add3A_128, %dma_wait3A_220] : memref<10240x128xf32, #tpu.memory_space<vmem_shared>> -> memref<64x128xf32, #tpu.memory_space<vmem_shared>>
        %dma_wait3A_222 = arith.constant 0 : i32
        %dma_wait3A_223 = tpu.memref_slice %arg22[%add3A_128, %dma_wait3A_222] : memref<10240x128xf32, #tpu.memory_space<vmem_shared>> -> memref<64x128xf32, #tpu.memory_space<vmem_shared>>
        tpu.wait_dma2 semaphore(%run_scoped3A_216 : memref<!tpu.dma_semaphore, #tpu.memory_space<semaphore_mem>>) src(%arg10 : memref<64x128xf32, #tpu.memory_space<vmem>>) dst(%dma_wait3A_223 : memref<64x128xf32, #tpu.memory_space<vmem_shared>>)
        tpu.yield
      }) : () -> ()
      %add3A_129 = arith.constant 512 : i32
      %add3A_130 = arith.addi %mul3A_2, %add3A_129 : i32
      "tpu.region"() ({
        %run_scoped3A_216 = tpu.sem_alloc : memref<!tpu.dma_semaphore, #tpu.memory_space<semaphore_mem>>
        %dma_start3A = arith.constant 0 : i32
        %dma_start3A_217 = tpu.memref_slice %arg22[%add3A_130, %dma_start3A] : memref<10240x128xf32, #tpu.memory_space<vmem_shared>> -> memref<64x128xf32, #tpu.memory_space<vmem_shared>>
        %dma_start3A_218 = arith.constant 0 : i32
        %dma_start3A_219 = tpu.memref_slice %arg22[%add3A_130, %dma_start3A_218] : memref<10240x128xf32, #tpu.memory_space<vmem_shared>> -> memref<64x128xf32, #tpu.memory_space<vmem_shared>>
        tpu.enqueue_dma source(%arg10 : memref<64x128xf32, #tpu.memory_space<vmem>>) target(%dma_start3A_219 : memref<64x128xf32, #tpu.memory_space<vmem_shared>>) target_semaphore(%run_scoped3A_216 : memref<!tpu.dma_semaphore, #tpu.memory_space<semaphore_mem>>)
        %dma_wait3A_220 = arith.constant 0 : i32
        %dma_wait3A_221 = tpu.memref_slice %arg22[%add3A_130, %dma_wait3A_220] : memref<10240x128xf32, #tpu.memory_space<vmem_shared>> -> memref<64x128xf32, #tpu.memory_space<vmem_shared>>
        %dma_wait3A_222 = arith.constant 0 : i32
        %dma_wait3A_223 = tpu.memref_slice %arg22[%add3A_130, %dma_wait3A_222] : memref<10240x128xf32, #tpu.memory_space<vmem_shared>> -> memref<64x128xf32, #tpu.memory_space<vmem_shared>>
        tpu.wait_dma2 semaphore(%run_scoped3A_216 : memref<!tpu.dma_semaphore, #tpu.memory_space<semaphore_mem>>) src(%arg10 : memref<64x128xf32, #tpu.memory_space<vmem>>) dst(%dma_wait3A_223 : memref<64x128xf32, #tpu.memory_space<vmem_shared>>)
        tpu.yield
      }) : () -> ()
      %add3A_131 = arith.constant 576 : i32
      %add3A_132 = arith.addi %mul3A_2, %add3A_131 : i32
      "tpu.region"() ({
        %run_scoped3A_216 = tpu.sem_alloc : memref<!tpu.dma_semaphore, #tpu.memory_space<semaphore_mem>>
        %dma_start3A = arith.constant 0 : i32
        %dma_start3A_217 = tpu.memref_slice %arg22[%add3A_132, %dma_start3A] : memref<10240x128xf32, #tpu.memory_space<vmem_shared>> -> memref<64x128xf32, #tpu.memory_space<vmem_shared>>
        %dma_start3A_218 = arith.constant 0 : i32
        %dma_start3A_219 = tpu.memref_slice %arg22[%add3A_132, %dma_start3A_218] : memref<10240x128xf32, #tpu.memory_space<vmem_shared>> -> memref<64x128xf32, #tpu.memory_space<vmem_shared>>
        tpu.enqueue_dma source(%arg10 : memref<64x128xf32, #tpu.memory_space<vmem>>) target(%dma_start3A_219 : memref<64x128xf32, #tpu.memory_space<vmem_shared>>) target_semaphore(%run_scoped3A_216 : memref<!tpu.dma_semaphore, #tpu.memory_space<semaphore_mem>>)
        %dma_wait3A_220 = arith.constant 0 : i32
        %dma_wait3A_221 = tpu.memref_slice %arg22[%add3A_132, %dma_wait3A_220] : memref<10240x128xf32, #tpu.memory_space<vmem_shared>> -> memref<64x128xf32, #tpu.memory_space<vmem_shared>>
        %dma_wait3A_222 = arith.constant 0 : i32
        %dma_wait3A_223 = tpu.memref_slice %arg22[%add3A_132, %dma_wait3A_222] : memref<10240x128xf32, #tpu.memory_space<vmem_shared>> -> memref<64x128xf32, #tpu.memory_space<vmem_shared>>
        tpu.wait_dma2 semaphore(%run_scoped3A_216 : memref<!tpu.dma_semaphore, #tpu.memory_space<semaphore_mem>>) src(%arg10 : memref<64x128xf32, #tpu.memory_space<vmem>>) dst(%dma_wait3A_223 : memref<64x128xf32, #tpu.memory_space<vmem_shared>>)
        tpu.yield
      }) : () -> ()
      %barrier3A_133 = arith.constant 0 : index
      tpu.barrier barrier_id(%barrier3A_133)
      "tpu.trace_stop"() : () -> ()
      "tpu.trace_start"() <{level = 10 : i32, message = "edges"}> : () -> ()
      %scan3A_134 = arith.constant 0 : i32
      %scan3A_135 = arith.constant 0 : i32
      %scan3A_136 = arith.constant 40 : i32
      %scan3A_137 = arith.addi %scan3A_135, %scan3A_136 : i32
      %scan3A_138 = arith.constant 1 : i32
      scf.for %scan3A_216 = %scan3A_135 to %scan3A_137 step %scan3A_138  : i32 {
        %eq3A_217 = arith.constant 0 : i32
        %eq3A_218 = arith.cmpi eq, %scan3A_216, %eq3A_217 : i32
        %convert_element_type3A_219 = arith.extui %eq3A_218 : i1 to i32
        %cond3A_220 = arith.constant 0 : i32
        %cond3A_221 = arith.cmpi ne, %convert_element_type3A_219, %cond3A_220 : i32
        scf.if %cond3A_221 {
          %mul3A_633 = arith.constant 160 : i32
          %mul3A_634 = arith.muli %arg1, %mul3A_633 : i32
          "tpu.region"() ({
            %run_scoped3A_635 = tpu.sem_alloc : memref<!tpu.dma_semaphore, #tpu.memory_space<semaphore_mem>>
            %dma_start3A_636 = arith.constant 0 : i32
            %dma_start3A_637 = tpu.memref_slice %arg2[%mul3A_634, %dma_start3A_636] : memref<2560x64xi32, #tpu.memory_space<hbm>> -> memref<80x64xi32, #tpu.memory_space<hbm>>
            %dma_start3A_638 = arith.constant 0 : i32
            %dma_start3A_639 = tpu.memref_slice %arg2[%mul3A_634, %dma_start3A_638] : memref<2560x64xi32, #tpu.memory_space<hbm>> -> memref<80x64xi32, #tpu.memory_space<hbm>>
            tpu.enqueue_dma source(%dma_start3A_639 : memref<80x64xi32, #tpu.memory_space<hbm>>) target(%arg7 : memref<80x64xi32, #tpu.memory_space<vmem>>) target_semaphore(%run_scoped3A_635 : memref<!tpu.dma_semaphore, #tpu.memory_space<semaphore_mem>>)
            %dma_wait3A_640 = arith.constant 0 : i32
            %dma_wait3A_641 = tpu.memref_slice %arg2[%mul3A_634, %dma_wait3A_640] : memref<2560x64xi32, #tpu.memory_space<hbm>> -> memref<80x64xi32, #tpu.memory_space<hbm>>
            %dma_wait3A_642 = arith.constant 0 : i32
            %dma_wait3A_643 = tpu.memref_slice %arg2[%mul3A_634, %dma_wait3A_642] : memref<2560x64xi32, #tpu.memory_space<hbm>> -> memref<80x64xi32, #tpu.memory_space<hbm>>
            tpu.wait_dma2 semaphore(%run_scoped3A_635 : memref<!tpu.dma_semaphore, #tpu.memory_space<semaphore_mem>>) src(%dma_wait3A_643 : memref<80x64xi32, #tpu.memory_space<hbm>>) dst(%arg7 : memref<80x64xi32, #tpu.memory_space<vmem>>)
            tpu.yield
          }) : () -> ()
        } else {
        }
        %eq3A_222 = arith.constant 20 : i32
        %eq3A_223 = arith.cmpi eq, %scan3A_216, %eq3A_222 : i32
        %convert_element_type3A_224 = arith.extui %eq3A_223 : i1 to i32
        %cond3A_225 = arith.constant 0 : i32
        %cond3A_226 = arith.cmpi ne, %convert_element_type3A_224, %cond3A_225 : i32
        scf.if %cond3A_226 {
          %mul3A_633 = arith.constant 160 : i32
          %mul3A_634 = arith.muli %arg1, %mul3A_633 : i32
          %add3A_635 = arith.constant 80 : i32
          %add3A_636 = arith.addi %mul3A_634, %add3A_635 : i32
          "tpu.region"() ({
            %run_scoped3A_637 = tpu.sem_alloc : memref<!tpu.dma_semaphore, #tpu.memory_space<semaphore_mem>>
            %dma_start3A_638 = arith.constant 0 : i32
            %dma_start3A_639 = tpu.memref_slice %arg2[%add3A_636, %dma_start3A_638] : memref<2560x64xi32, #tpu.memory_space<hbm>> -> memref<80x64xi32, #tpu.memory_space<hbm>>
            %dma_start3A_640 = arith.constant 0 : i32
            %dma_start3A_641 = tpu.memref_slice %arg2[%add3A_636, %dma_start3A_640] : memref<2560x64xi32, #tpu.memory_space<hbm>> -> memref<80x64xi32, #tpu.memory_space<hbm>>
            tpu.enqueue_dma source(%dma_start3A_641 : memref<80x64xi32, #tpu.memory_space<hbm>>) target(%arg7 : memref<80x64xi32, #tpu.memory_space<vmem>>) target_semaphore(%run_scoped3A_637 : memref<!tpu.dma_semaphore, #tpu.memory_space<semaphore_mem>>)
            %dma_wait3A_642 = arith.constant 0 : i32
            %dma_wait3A_643 = tpu.memref_slice %arg2[%add3A_636, %dma_wait3A_642] : memref<2560x64xi32, #tpu.memory_space<hbm>> -> memref<80x64xi32, #tpu.memory_space<hbm>>
            %dma_wait3A_644 = arith.constant 0 : i32
            %dma_wait3A_645 = tpu.memref_slice %arg2[%add3A_636, %dma_wait3A_644] : memref<2560x64xi32, #tpu.memory_space<hbm>> -> memref<80x64xi32, #tpu.memory_space<hbm>>
            tpu.wait_dma2 semaphore(%run_scoped3A_637 : memref<!tpu.dma_semaphore, #tpu.memory_space<semaphore_mem>>) src(%dma_wait3A_645 : memref<80x64xi32, #tpu.memory_space<hbm>>) dst(%arg7 : memref<80x64xi32, #tpu.memory_space<vmem>>)
            tpu.yield
          }) : () -> ()
        } else {
        }
        %mul3A_227 = arith.constant 4 : i32
        %mul3A_228 = arith.muli %scan3A_216, %mul3A_227 : i32
        %ge3A = arith.constant 20 : i32
        %ge3A_229 = arith.cmpi sge, %scan3A_216, %ge3A : i32
        %jit3A = arith.constant 80 : i32
        %jit3A_230 = arith.constant 0 : i32
        %select_n3A = arith.select %ge3A_229, %jit3A, %jit3A_230 : i32
        %sub3A = arith.subi %mul3A_228, %select_n3A : i32
        %gt3A = arith.constant 0 : i32
        %gt3A_231 = arith.cmpi sgt, %scan3A_216, %gt3A : i32
        %convert_element_type3A_232 = arith.extui %gt3A_231 : i1 to i32
        %cond3A_233 = arith.constant 0 : i32
        %cond3A_234 = arith.cmpi ne, %convert_element_type3A_232, %cond3A_233 : i32
        scf.if %cond3A_234 {
          %dma_wait3A_633 = arith.constant 0 : i32
          %dma_wait3A_634 = arith.constant 0 : i32
          %dma_wait3A_635 = tpu.memref_slice %arg4[%dma_wait3A_633, %dma_wait3A_634] : memref<10240x128xf32, #tpu.memory_space<hbm>> -> memref<64x128xf32, #tpu.memory_space<hbm>>
          %dma_wait3A_636 = arith.constant 0 : i32
          %dma_wait3A_637 = arith.constant 0 : i32
          %dma_wait3A_638 = tpu.memref_slice %arg4[%dma_wait3A_636, %dma_wait3A_637] : memref<10240x128xf32, #tpu.memory_space<hbm>> -> memref<64x128xf32, #tpu.memory_space<hbm>>
          tpu.wait_dma2 semaphore(%arg18 : memref<!tpu.dma_semaphore, #tpu.memory_space<semaphore_mem>>) src(%dma_wait3A_638 : memref<64x128xf32, #tpu.memory_space<hbm>>) dst(%arg10 : memref<64x128xf32, #tpu.memory_space<vmem>>)
        } else {
        }
        %add3A_235 = arith.constant 0 : i32
        %add3A_236 = arith.addi %sub3A, %add3A_235 : i32
        %get3A = arith.index_cast %add3A_236 : i32 to index
        %get3A_237 = arith.constant 0 : index
        %get3A_238 = tpu.vector_load %arg7[%get3A, %get3A_237] {strides = array<i32>} : memref<80x64xi32, #tpu.memory_space<vmem>>, vector<16xi32>,
        %shift_right_arithmetic3A = arith.constant 16 : i32
        %shift_right_arithmetic3A_239 = vector.broadcast %shift_right_arithmetic3A : i32 to vector<16xi32>
        %shift_right_arithmetic3A_240 = arith.shrsi %get3A_238, %shift_right_arithmetic3A_239 : vector<16xi32>
        %swap3A = arith.constant 0 : i32
        %swap3A_241 = arith.index_cast %swap3A : i32 to index
        %swap3A_242 = arith.constant 0 : index
        %swap3A_243 = tpu.vector_load %arg8[%swap3A_241, %swap3A_242] {strides = array<i32>} : memref<4x64xi32, #tpu.memory_space<vmem>>, vector<16xi32>,
        tpu.vector_store %arg8[%swap3A_241, %swap3A_242], %shift_right_arithmetic3A_240 {strides = array<i32>} : memref<4x64xi32, #tpu.memory_space<vmem>>, vector<16xi32>,
        %and3A = arith.constant 65535 : i32
        %and3A_244 = vector.broadcast %and3A : i32 to vector<16xi32>
        %and3A_245 = arith.andi %get3A_238, %and3A_244 : vector<16xi32>
        %swap3A_246 = arith.constant 0 : i32
        %swap3A_247 = arith.index_cast %swap3A_246 : i32 to index
        %swap3A_248 = arith.constant 0 : index
        %swap3A_249 = tpu.vector_load %arg9[%swap3A_247, %swap3A_248] {strides = array<i32>} : memref<4x64xi32, #tpu.memory_space<vmem>>, vector<16xi32>,
        tpu.vector_store %arg9[%swap3A_247, %swap3A_248], %and3A_245 {strides = array<i32>} : memref<4x64xi32, #tpu.memory_space<vmem>>, vector<16xi32>,
        %add3A_250 = arith.constant 0 : i32
        %add3A_251 = arith.addi %sub3A, %add3A_250 : i32
        %get3A_252 = arith.index_cast %add3A_251 : i32 to index
        %get3A_253 = arith.constant 16 : index
        %get3A_254 = tpu.vector_load %arg7[%get3A_252, %get3A_253] {strides = array<i32>} : memref<80x64xi32, #tpu.memory_space<vmem>>, vector<16xi32>,
        %shift_right_arithmetic3A_255 = arith.constant 16 : i32
        %shift_right_arithmetic3A_256 = vector.broadcast %shift_right_arithmetic3A_255 : i32 to vector<16xi32>
        %shift_right_arithmetic3A_257 = arith.shrsi %get3A_254, %shift_right_arithmetic3A_256 : vector<16xi32>
        %swap3A_258 = arith.constant 0 : i32
        %swap3A_259 = arith.index_cast %swap3A_258 : i32 to index
        %swap3A_260 = arith.constant 16 : index
        %swap3A_261 = tpu.vector_load %arg8[%swap3A_259, %swap3A_260] {strides = array<i32>} : memref<4x64xi32, #tpu.memory_space<vmem>>, vector<16xi32>,
        tpu.vector_store %arg8[%swap3A_259, %swap3A_260], %shift_right_arithmetic3A_257 {strides = array<i32>} : memref<4x64xi32, #tpu.memory_space<vmem>>, vector<16xi32>,
        %and3A_262 = arith.constant 65535 : i32
        %and3A_263 = vector.broadcast %and3A_262 : i32 to vector<16xi32>
        %and3A_264 = arith.andi %get3A_254, %and3A_263 : vector<16xi32>
        %swap3A_265 = arith.constant 0 : i32
        %swap3A_266 = arith.index_cast %swap3A_265 : i32 to index
        %swap3A_267 = arith.constant 16 : index
        %swap3A_268 = tpu.vector_load %arg9[%swap3A_266, %swap3A_267] {strides = array<i32>} : memref<4x64xi32, #tpu.memory_space<vmem>>, vector<16xi32>,
        tpu.vector_store %arg9[%swap3A_266, %swap3A_267], %and3A_264 {strides = array<i32>} : memref<4x64xi32, #tpu.memory_space<vmem>>, vector<16xi32>,
        %add3A_269 = arith.constant 0 : i32
        %add3A_270 = arith.addi %sub3A, %add3A_269 : i32
        %get3A_271 = arith.index_cast %add3A_270 : i32 to index
        %get3A_272 = arith.constant 32 : index
        %get3A_273 = tpu.vector_load %arg7[%get3A_271, %get3A_272] {strides = array<i32>} : memref<80x64xi32, #tpu.memory_space<vmem>>, vector<16xi32>,
        %shift_right_arithmetic3A_274 = arith.constant 16 : i32
        %shift_right_arithmetic3A_275 = vector.broadcast %shift_right_arithmetic3A_274 : i32 to vector<16xi32>
        %shift_right_arithmetic3A_276 = arith.shrsi %get3A_273, %shift_right_arithmetic3A_275 : vector<16xi32>
        %swap3A_277 = arith.constant 0 : i32
        %swap3A_278 = arith.index_cast %swap3A_277 : i32 to index
        %swap3A_279 = arith.constant 32 : index
        %swap3A_280 = tpu.vector_load %arg8[%swap3A_278, %swap3A_279] {strides = array<i32>} : memref<4x64xi32, #tpu.memory_space<vmem>>, vector<16xi32>,
        tpu.vector_store %arg8[%swap3A_278, %swap3A_279], %shift_right_arithmetic3A_276 {strides = array<i32>} : memref<4x64xi32, #tpu.memory_space<vmem>>, vector<16xi32>,
        %and3A_281 = arith.constant 65535 : i32
        %and3A_282 = vector.broadcast %and3A_281 : i32 to vector<16xi32>
        %and3A_283 = arith.andi %get3A_273, %and3A_282 : vector<16xi32>
        %swap3A_284 = arith.constant 0 : i32
        %swap3A_285 = arith.index_cast %swap3A_284 : i32 to index
        %swap3A_286 = arith.constant 32 : index
        %swap3A_287 = tpu.vector_load %arg9[%swap3A_285, %swap3A_286] {strides = array<i32>} : memref<4x64xi32, #tpu.memory_space<vmem>>, vector<16xi32>,
        tpu.vector_store %arg9[%swap3A_285, %swap3A_286], %and3A_283 {strides = array<i32>} : memref<4x64xi32, #tpu.memory_space<vmem>>, vector<16xi32>,
        %add3A_288 = arith.constant 0 : i32
        %add3A_289 = arith.addi %sub3A, %add3A_288 : i32
        %get3A_290 = arith.index_cast %add3A_289 : i32 to index
        %get3A_291 = arith.constant 48 : index
        %get3A_292 = tpu.vector_load %arg7[%get3A_290, %get3A_291] {strides = array<i32>} : memref<80x64xi32, #tpu.memory_space<vmem>>, vector<16xi32>,
        %shift_right_arithmetic3A_293 = arith.constant 16 : i32
        %shift_right_arithmetic3A_294 = vector.broadcast %shift_right_arithmetic3A_293 : i32 to vector<16xi32>
        %shift_right_arithmetic3A_295 = arith.shrsi %get3A_292, %shift_right_arithmetic3A_294 : vector<16xi32>
        %swap3A_296 = arith.constant 0 : i32
        %swap3A_297 = arith.index_cast %swap3A_296 : i32 to index
        %swap3A_298 = arith.constant 48 : index
        %swap3A_299 = tpu.vector_load %arg8[%swap3A_297, %swap3A_298] {strides = array<i32>} : memref<4x64xi32, #tpu.memory_space<vmem>>, vector<16xi32>,
        tpu.vector_store %arg8[%swap3A_297, %swap3A_298], %shift_right_arithmetic3A_295 {strides = array<i32>} : memref<4x64xi32, #tpu.memory_space<vmem>>, vector<16xi32>,
        %and3A_300 = arith.constant 65535 : i32
        %and3A_301 = vector.broadcast %and3A_300 : i32 to vector<16xi32>
        %and3A_302 = arith.andi %get3A_292, %and3A_301 : vector<16xi32>
        %swap3A_303 = arith.constant 0 : i32
        %swap3A_304 = arith.index_cast %swap3A_303 : i32 to index
        %swap3A_305 = arith.constant 48 : index
        %swap3A_306 = tpu.vector_load %arg9[%swap3A_304, %swap3A_305] {strides = array<i32>} : memref<4x64xi32, #tpu.memory_space<vmem>>, vector<16xi32>,
        tpu.vector_store %arg9[%swap3A_304, %swap3A_305], %and3A_302 {strides = array<i32>} : memref<4x64xi32, #tpu.memory_space<vmem>>, vector<16xi32>,
        %dma_start3A = arith.constant 0 : i32
        %dma_start3A_307 = arith.constant 0 : i32
        %dma_start3A_308 = tpu.memref_slice %arg8[%dma_start3A, %dma_start3A_307] : memref<4x64xi32, #tpu.memory_space<vmem>> -> memref<1x64xi32, #tpu.memory_space<vmem>>
        %dma_start3A_309 = tpu.memref_squeeze %dma_start3A_308 : memref<1x64xi32, #tpu.memory_space<vmem>> -> memref<64xi32, #tpu.memory_space<vmem>>
        %dma_start3A_310 = arith.constant 0 : i32
        %dma_start3A_311 = arith.constant 0 : i32
        %dma_start3A_312 = tpu.memref_slice %arg4[%dma_start3A_310, %dma_start3A_311] : memref<10240x128xf32, #tpu.memory_space<hbm>> -> memref<10240x128xf32, #tpu.memory_space<hbm>>
        tpu.enqueue_indirect_dma source(%dma_start3A_312 : memref<10240x128xf32, #tpu.memory_space<hbm>>) target(%arg10 : memref<64x128xf32, #tpu.memory_space<vmem>>) offsets(%dma_start3A_309 : memref<64xi32, #tpu.memory_space<vmem>>) semaphore(%arg14 : memref<!tpu.dma_semaphore, #tpu.memory_space<semaphore_mem>>)
        %gt3A_313 = arith.constant 0 : i32
        %gt3A_314 = arith.cmpi sgt, %scan3A_216, %gt3A_313 : i32
        %convert_element_type3A_315 = arith.extui %gt3A_314 : i1 to i32
        %cond3A_316 = arith.constant 0 : i32
        %cond3A_317 = arith.cmpi ne, %convert_element_type3A_315, %cond3A_316 : i32
        scf.if %cond3A_317 {
          %dma_wait3A_633 = arith.constant 0 : i32
          %dma_wait3A_634 = arith.constant 0 : i32
          %dma_wait3A_635 = tpu.memref_slice %arg4[%dma_wait3A_633, %dma_wait3A_634] : memref<10240x128xf32, #tpu.memory_space<hbm>> -> memref<64x128xf32, #tpu.memory_space<hbm>>
          %dma_wait3A_636 = arith.constant 0 : i32
          %dma_wait3A_637 = arith.constant 0 : i32
          %dma_wait3A_638 = tpu.memref_slice %arg4[%dma_wait3A_636, %dma_wait3A_637] : memref<10240x128xf32, #tpu.memory_space<hbm>> -> memref<64x128xf32, #tpu.memory_space<hbm>>
          tpu.wait_dma2 semaphore(%arg19 : memref<!tpu.dma_semaphore, #tpu.memory_space<semaphore_mem>>) src(%dma_wait3A_638 : memref<64x128xf32, #tpu.memory_space<hbm>>) dst(%arg11 : memref<64x128xf32, #tpu.memory_space<vmem>>)
        } else {
        }
        %add3A_318 = arith.constant 1 : i32
        %add3A_319 = arith.addi %sub3A, %add3A_318 : i32
        %get3A_320 = arith.index_cast %add3A_319 : i32 to index
        %get3A_321 = arith.constant 0 : index
        %get3A_322 = tpu.vector_load %arg7[%get3A_320, %get3A_321] {strides = array<i32>} : memref<80x64xi32, #tpu.memory_space<vmem>>, vector<16xi32>,
        %shift_right_arithmetic3A_323 = arith.constant 16 : i32
        %shift_right_arithmetic3A_324 = vector.broadcast %shift_right_arithmetic3A_323 : i32 to vector<16xi32>
        %shift_right_arithmetic3A_325 = arith.shrsi %get3A_322, %shift_right_arithmetic3A_324 : vector<16xi32>
        %swap3A_326 = arith.constant 1 : i32
        %swap3A_327 = arith.index_cast %swap3A_326 : i32 to index
        %swap3A_328 = arith.constant 0 : index
        %swap3A_329 = tpu.vector_load %arg8[%swap3A_327, %swap3A_328] {strides = array<i32>} : memref<4x64xi32, #tpu.memory_space<vmem>>, vector<16xi32>,
        tpu.vector_store %arg8[%swap3A_327, %swap3A_328], %shift_right_arithmetic3A_325 {strides = array<i32>} : memref<4x64xi32, #tpu.memory_space<vmem>>, vector<16xi32>,
        %and3A_330 = arith.constant 65535 : i32
        %and3A_331 = vector.broadcast %and3A_330 : i32 to vector<16xi32>
        %and3A_332 = arith.andi %get3A_322, %and3A_331 : vector<16xi32>
        %swap3A_333 = arith.constant 1 : i32
        %swap3A_334 = arith.index_cast %swap3A_333 : i32 to index
        %swap3A_335 = arith.constant 0 : index
        %swap3A_336 = tpu.vector_load %arg9[%swap3A_334, %swap3A_335] {strides = array<i32>} : memref<4x64xi32, #tpu.memory_space<vmem>>, vector<16xi32>,
        tpu.vector_store %arg9[%swap3A_334, %swap3A_335], %and3A_332 {strides = array<i32>} : memref<4x64xi32, #tpu.memory_space<vmem>>, vector<16xi32>,
        %add3A_337 = arith.constant 1 : i32
        %add3A_338 = arith.addi %sub3A, %add3A_337 : i32
        %get3A_339 = arith.index_cast %add3A_338 : i32 to index
        %get3A_340 = arith.constant 16 : index
        %get3A_341 = tpu.vector_load %arg7[%get3A_339, %get3A_340] {strides = array<i32>} : memref<80x64xi32, #tpu.memory_space<vmem>>, vector<16xi32>,
        %shift_right_arithmetic3A_342 = arith.constant 16 : i32
        %shift_right_arithmetic3A_343 = vector.broadcast %shift_right_arithmetic3A_342 : i32 to vector<16xi32>
        %shift_right_arithmetic3A_344 = arith.shrsi %get3A_341, %shift_right_arithmetic3A_343 : vector<16xi32>
        %swap3A_345 = arith.constant 1 : i32
        %swap3A_346 = arith.index_cast %swap3A_345 : i32 to index
        %swap3A_347 = arith.constant 16 : index
        %swap3A_348 = tpu.vector_load %arg8[%swap3A_346, %swap3A_347] {strides = array<i32>} : memref<4x64xi32, #tpu.memory_space<vmem>>, vector<16xi32>,
        tpu.vector_store %arg8[%swap3A_346, %swap3A_347], %shift_right_arithmetic3A_344 {strides = array<i32>} : memref<4x64xi32, #tpu.memory_space<vmem>>, vector<16xi32>,
        %and3A_349 = arith.constant 65535 : i32
        %and3A_350 = vector.broadcast %and3A_349 : i32 to vector<16xi32>
        %and3A_351 = arith.andi %get3A_341, %and3A_350 : vector<16xi32>
        %swap3A_352 = arith.constant 1 : i32
        %swap3A_353 = arith.index_cast %swap3A_352 : i32 to index
        %swap3A_354 = arith.constant 16 : index
        %swap3A_355 = tpu.vector_load %arg9[%swap3A_353, %swap3A_354] {strides = array<i32>} : memref<4x64xi32, #tpu.memory_space<vmem>>, vector<16xi32>,
        tpu.vector_store %arg9[%swap3A_353, %swap3A_354], %and3A_351 {strides = array<i32>} : memref<4x64xi32, #tpu.memory_space<vmem>>, vector<16xi32>,
        %add3A_356 = arith.constant 1 : i32
        %add3A_357 = arith.addi %sub3A, %add3A_356 : i32
        %get3A_358 = arith.index_cast %add3A_357 : i32 to index
        %get3A_359 = arith.constant 32 : index
        %get3A_360 = tpu.vector_load %arg7[%get3A_358, %get3A_359] {strides = array<i32>} : memref<80x64xi32, #tpu.memory_space<vmem>>, vector<16xi32>,
        %shift_right_arithmetic3A_361 = arith.constant 16 : i32
        %shift_right_arithmetic3A_362 = vector.broadcast %shift_right_arithmetic3A_361 : i32 to vector<16xi32>
        %shift_right_arithmetic3A_363 = arith.shrsi %get3A_360, %shift_right_arithmetic3A_362 : vector<16xi32>
        %swap3A_364 = arith.constant 1 : i32
        %swap3A_365 = arith.index_cast %swap3A_364 : i32 to index
        %swap3A_366 = arith.constant 32 : index
        %swap3A_367 = tpu.vector_load %arg8[%swap3A_365, %swap3A_366] {strides = array<i32>} : memref<4x64xi32, #tpu.memory_space<vmem>>, vector<16xi32>,
        tpu.vector_store %arg8[%swap3A_365, %swap3A_366], %shift_right_arithmetic3A_363 {strides = array<i32>} : memref<4x64xi32, #tpu.memory_space<vmem>>, vector<16xi32>,
        %and3A_368 = arith.constant 65535 : i32
        %and3A_369 = vector.broadcast %and3A_368 : i32 to vector<16xi32>
        %and3A_370 = arith.andi %get3A_360, %and3A_369 : vector<16xi32>
        %swap3A_371 = arith.constant 1 : i32
        %swap3A_372 = arith.index_cast %swap3A_371 : i32 to index
        %swap3A_373 = arith.constant 32 : index
        %swap3A_374 = tpu.vector_load %arg9[%swap3A_372, %swap3A_373] {strides = array<i32>} : memref<4x64xi32, #tpu.memory_space<vmem>>, vector<16xi32>,
        tpu.vector_store %arg9[%swap3A_372, %swap3A_373], %and3A_370 {strides = array<i32>} : memref<4x64xi32, #tpu.memory_space<vmem>>, vector<16xi32>,
        %add3A_375 = arith.constant 1 : i32
        %add3A_376 = arith.addi %sub3A, %add3A_375 : i32
        %get3A_377 = arith.index_cast %add3A_376 : i32 to index
        %get3A_378 = arith.constant 48 : index
        %get3A_379 = tpu.vector_load %arg7[%get3A_377, %get3A_378] {strides = array<i32>} : memref<80x64xi32, #tpu.memory_space<vmem>>, vector<16xi32>,
        %shift_right_arithmetic3A_380 = arith.constant 16 : i32
        %shift_right_arithmetic3A_381 = vector.broadcast %shift_right_arithmetic3A_380 : i32 to vector<16xi32>
        %shift_right_arithmetic3A_382 = arith.shrsi %get3A_379, %shift_right_arithmetic3A_381 : vector<16xi32>
        %swap3A_383 = arith.constant 1 : i32
        %swap3A_384 = arith.index_cast %swap3A_383 : i32 to index
        %swap3A_385 = arith.constant 48 : index
        %swap3A_386 = tpu.vector_load %arg8[%swap3A_384, %swap3A_385] {strides = array<i32>} : memref<4x64xi32, #tpu.memory_space<vmem>>, vector<16xi32>,
        tpu.vector_store %arg8[%swap3A_384, %swap3A_385], %shift_right_arithmetic3A_382 {strides = array<i32>} : memref<4x64xi32, #tpu.memory_space<vmem>>, vector<16xi32>,
        %and3A_387 = arith.constant 65535 : i32
        %and3A_388 = vector.broadcast %and3A_387 : i32 to vector<16xi32>
        %and3A_389 = arith.andi %get3A_379, %and3A_388 : vector<16xi32>
        %swap3A_390 = arith.constant 1 : i32
        %swap3A_391 = arith.index_cast %swap3A_390 : i32 to index
        %swap3A_392 = arith.constant 48 : index
        %swap3A_393 = tpu.vector_load %arg9[%swap3A_391, %swap3A_392] {strides = array<i32>} : memref<4x64xi32, #tpu.memory_space<vmem>>, vector<16xi32>,
        tpu.vector_store %arg9[%swap3A_391, %swap3A_392], %and3A_389 {strides = array<i32>} : memref<4x64xi32, #tpu.memory_space<vmem>>, vector<16xi32>,
        %dma_start3A_394 = arith.constant 1 : i32
        %dma_start3A_395 = arith.constant 0 : i32
        %dma_start3A_396 = tpu.memref_slice %arg8[%dma_start3A_394, %dma_start3A_395] : memref<4x64xi32, #tpu.memory_space<vmem>> -> memref<1x64xi32, #tpu.memory_space<vmem>>
        %dma_start3A_397 = tpu.memref_squeeze %dma_start3A_396 : memref<1x64xi32, #tpu.memory_space<vmem>> -> memref<64xi32, #tpu.memory_space<vmem>>
        %dma_start3A_398 = arith.constant 0 : i32
        %dma_start3A_399 = arith.constant 0 : i32
        %dma_start3A_400 = tpu.memref_slice %arg4[%dma_start3A_398, %dma_start3A_399] : memref<10240x128xf32, #tpu.memory_space<hbm>> -> memref<10240x128xf32, #tpu.memory_space<hbm>>
        tpu.enqueue_indirect_dma source(%dma_start3A_400 : memref<10240x128xf32, #tpu.memory_space<hbm>>) target(%arg11 : memref<64x128xf32, #tpu.memory_space<vmem>>) offsets(%dma_start3A_397 : memref<64xi32, #tpu.memory_space<vmem>>) semaphore(%arg15 : memref<!tpu.dma_semaphore, #tpu.memory_space<semaphore_mem>>)
        %gt3A_401 = arith.constant 0 : i32
        %gt3A_402 = arith.cmpi sgt, %scan3A_216, %gt3A_401 : i32
        %convert_element_type3A_403 = arith.extui %gt3A_402 : i1 to i32
        %cond3A_404 = arith.constant 0 : i32
        %cond3A_405 = arith.cmpi ne, %convert_element_type3A_403, %cond3A_404 : i32
        scf.if %cond3A_405 {
          %dma_wait3A_633 = arith.constant 0 : i32
          %dma_wait3A_634 = arith.constant 0 : i32
          %dma_wait3A_635 = tpu.memref_slice %arg4[%dma_wait3A_633, %dma_wait3A_634] : memref<10240x128xf32, #tpu.memory_space<hbm>> -> memref<64x128xf32, #tpu.memory_space<hbm>>
          %dma_wait3A_636 = arith.constant 0 : i32
          %dma_wait3A_637 = arith.constant 0 : i32
          %dma_wait3A_638 = tpu.memref_slice %arg4[%dma_wait3A_636, %dma_wait3A_637] : memref<10240x128xf32, #tpu.memory_space<hbm>> -> memref<64x128xf32, #tpu.memory_space<hbm>>
          tpu.wait_dma2 semaphore(%arg20 : memref<!tpu.dma_semaphore, #tpu.memory_space<semaphore_mem>>) src(%dma_wait3A_638 : memref<64x128xf32, #tpu.memory_space<hbm>>) dst(%arg12 : memref<64x128xf32, #tpu.memory_space<vmem>>)
        } else {
        }
        %add3A_406 = arith.constant 2 : i32
        %add3A_407 = arith.addi %sub3A, %add3A_406 : i32
        %get3A_408 = arith.index_cast %add3A_407 : i32 to index
        %get3A_409 = arith.constant 0 : index
        %get3A_410 = tpu.vector_load %arg7[%get3A_408, %get3A_409] {strides = array<i32>} : memref<80x64xi32, #tpu.memory_space<vmem>>, vector<16xi32>,
        %shift_right_arithmetic3A_411 = arith.constant 16 : i32
        %shift_right_arithmetic3A_412 = vector.broadcast %shift_right_arithmetic3A_411 : i32 to vector<16xi32>
        %shift_right_arithmetic3A_413 = arith.shrsi %get3A_410, %shift_right_arithmetic3A_412 : vector<16xi32>
        %swap3A_414 = arith.constant 2 : i32
        %swap3A_415 = arith.index_cast %swap3A_414 : i32 to index
        %swap3A_416 = arith.constant 0 : index
        %swap3A_417 = tpu.vector_load %arg8[%swap3A_415, %swap3A_416] {strides = array<i32>} : memref<4x64xi32, #tpu.memory_space<vmem>>, vector<16xi32>,
        tpu.vector_store %arg8[%swap3A_415, %swap3A_416], %shift_right_arithmetic3A_413 {strides = array<i32>} : memref<4x64xi32, #tpu.memory_space<vmem>>, vector<16xi32>,
        %and3A_418 = arith.constant 65535 : i32
        %and3A_419 = vector.broadcast %and3A_418 : i32 to vector<16xi32>
        %and3A_420 = arith.andi %get3A_410, %and3A_419 : vector<16xi32>
        %swap3A_421 = arith.constant 2 : i32
        %swap3A_422 = arith.index_cast %swap3A_421 : i32 to index
        %swap3A_423 = arith.constant 0 : index
        %swap3A_424 = tpu.vector_load %arg9[%swap3A_422, %swap3A_423] {strides = array<i32>} : memref<4x64xi32, #tpu.memory_space<vmem>>, vector<16xi32>,
        tpu.vector_store %arg9[%swap3A_422, %swap3A_423], %and3A_420 {strides = array<i32>} : memref<4x64xi32, #tpu.memory_space<vmem>>, vector<16xi32>,
        %add3A_425 = arith.constant 2 : i32
        %add3A_426 = arith.addi %sub3A, %add3A_425 : i32
        %get3A_427 = arith.index_cast %add3A_426 : i32 to index
        %get3A_428 = arith.constant 16 : index
        %get3A_429 = tpu.vector_load %arg7[%get3A_427, %get3A_428] {strides = array<i32>} : memref<80x64xi32, #tpu.memory_space<vmem>>, vector<16xi32>,
        %shift_right_arithmetic3A_430 = arith.constant 16 : i32
        %shift_right_arithmetic3A_431 = vector.broadcast %shift_right_arithmetic3A_430 : i32 to vector<16xi32>
        %shift_right_arithmetic3A_432 = arith.shrsi %get3A_429, %shift_right_arithmetic3A_431 : vector<16xi32>
        %swap3A_433 = arith.constant 2 : i32
        %swap3A_434 = arith.index_cast %swap3A_433 : i32 to index
        %swap3A_435 = arith.constant 16 : index
        %swap3A_436 = tpu.vector_load %arg8[%swap3A_434, %swap3A_435] {strides = array<i32>} : memref<4x64xi32, #tpu.memory_space<vmem>>, vector<16xi32>,
        tpu.vector_store %arg8[%swap3A_434, %swap3A_435], %shift_right_arithmetic3A_432 {strides = array<i32>} : memref<4x64xi32, #tpu.memory_space<vmem>>, vector<16xi32>,
        %and3A_437 = arith.constant 65535 : i32
        %and3A_438 = vector.broadcast %and3A_437 : i32 to vector<16xi32>
        %and3A_439 = arith.andi %get3A_429, %and3A_438 : vector<16xi32>
        %swap3A_440 = arith.constant 2 : i32
        %swap3A_441 = arith.index_cast %swap3A_440 : i32 to index
        %swap3A_442 = arith.constant 16 : index
        %swap3A_443 = tpu.vector_load %arg9[%swap3A_441, %swap3A_442] {strides = array<i32>} : memref<4x64xi32, #tpu.memory_space<vmem>>, vector<16xi32>,
        tpu.vector_store %arg9[%swap3A_441, %swap3A_442], %and3A_439 {strides = array<i32>} : memref<4x64xi32, #tpu.memory_space<vmem>>, vector<16xi32>,
        %add3A_444 = arith.constant 2 : i32
        %add3A_445 = arith.addi %sub3A, %add3A_444 : i32
        %get3A_446 = arith.index_cast %add3A_445 : i32 to index
        %get3A_447 = arith.constant 32 : index
        %get3A_448 = tpu.vector_load %arg7[%get3A_446, %get3A_447] {strides = array<i32>} : memref<80x64xi32, #tpu.memory_space<vmem>>, vector<16xi32>,
        %shift_right_arithmetic3A_449 = arith.constant 16 : i32
        %shift_right_arithmetic3A_450 = vector.broadcast %shift_right_arithmetic3A_449 : i32 to vector<16xi32>
        %shift_right_arithmetic3A_451 = arith.shrsi %get3A_448, %shift_right_arithmetic3A_450 : vector<16xi32>
        %swap3A_452 = arith.constant 2 : i32
        %swap3A_453 = arith.index_cast %swap3A_452 : i32 to index
        %swap3A_454 = arith.constant 32 : index
        %swap3A_455 = tpu.vector_load %arg8[%swap3A_453, %swap3A_454] {strides = array<i32>} : memref<4x64xi32, #tpu.memory_space<vmem>>, vector<16xi32>,
        tpu.vector_store %arg8[%swap3A_453, %swap3A_454], %shift_right_arithmetic3A_451 {strides = array<i32>} : memref<4x64xi32, #tpu.memory_space<vmem>>, vector<16xi32>,
        %and3A_456 = arith.constant 65535 : i32
        %and3A_457 = vector.broadcast %and3A_456 : i32 to vector<16xi32>
        %and3A_458 = arith.andi %get3A_448, %and3A_457 : vector<16xi32>
        %swap3A_459 = arith.constant 2 : i32
        %swap3A_460 = arith.index_cast %swap3A_459 : i32 to index
        %swap3A_461 = arith.constant 32 : index
        %swap3A_462 = tpu.vector_load %arg9[%swap3A_460, %swap3A_461] {strides = array<i32>} : memref<4x64xi32, #tpu.memory_space<vmem>>, vector<16xi32>,
        tpu.vector_store %arg9[%swap3A_460, %swap3A_461], %and3A_458 {strides = array<i32>} : memref<4x64xi32, #tpu.memory_space<vmem>>, vector<16xi32>,
        %add3A_463 = arith.constant 2 : i32
        %add3A_464 = arith.addi %sub3A, %add3A_463 : i32
        %get3A_465 = arith.index_cast %add3A_464 : i32 to index
        %get3A_466 = arith.constant 48 : index
        %get3A_467 = tpu.vector_load %arg7[%get3A_465, %get3A_466] {strides = array<i32>} : memref<80x64xi32, #tpu.memory_space<vmem>>, vector<16xi32>,
        %shift_right_arithmetic3A_468 = arith.constant 16 : i32
        %shift_right_arithmetic3A_469 = vector.broadcast %shift_right_arithmetic3A_468 : i32 to vector<16xi32>
        %shift_right_arithmetic3A_470 = arith.shrsi %get3A_467, %shift_right_arithmetic3A_469 : vector<16xi32>
        %swap3A_471 = arith.constant 2 : i32
        %swap3A_472 = arith.index_cast %swap3A_471 : i32 to index
        %swap3A_473 = arith.constant 48 : index
        %swap3A_474 = tpu.vector_load %arg8[%swap3A_472, %swap3A_473] {strides = array<i32>} : memref<4x64xi32, #tpu.memory_space<vmem>>, vector<16xi32>,
        tpu.vector_store %arg8[%swap3A_472, %swap3A_473], %shift_right_arithmetic3A_470 {strides = array<i32>} : memref<4x64xi32, #tpu.memory_space<vmem>>, vector<16xi32>,
        %and3A_475 = arith.constant 65535 : i32
        %and3A_476 = vector.broadcast %and3A_475 : i32 to vector<16xi32>
        %and3A_477 = arith.andi %get3A_467, %and3A_476 : vector<16xi32>
        %swap3A_478 = arith.constant 2 : i32
        %swap3A_479 = arith.index_cast %swap3A_478 : i32 to index
        %swap3A_480 = arith.constant 48 : index
        %swap3A_481 = tpu.vector_load %arg9[%swap3A_479, %swap3A_480] {strides = array<i32>} : memref<4x64xi32, #tpu.memory_space<vmem>>, vector<16xi32>,
        tpu.vector_store %arg9[%swap3A_479, %swap3A_480], %and3A_477 {strides = array<i32>} : memref<4x64xi32, #tpu.memory_space<vmem>>, vector<16xi32>,
        %dma_start3A_482 = arith.constant 2 : i32
        %dma_start3A_483 = arith.constant 0 : i32
        %dma_start3A_484 = tpu.memref_slice %arg8[%dma_start3A_482, %dma_start3A_483] : memref<4x64xi32, #tpu.memory_space<vmem>> -> memref<1x64xi32, #tpu.memory_space<vmem>>
        %dma_start3A_485 = tpu.memref_squeeze %dma_start3A_484 : memref<1x64xi32, #tpu.memory_space<vmem>> -> memref<64xi32, #tpu.memory_space<vmem>>
        %dma_start3A_486 = arith.constant 0 : i32
        %dma_start3A_487 = arith.constant 0 : i32
        %dma_start3A_488 = tpu.memref_slice %arg4[%dma_start3A_486, %dma_start3A_487] : memref<10240x128xf32, #tpu.memory_space<hbm>> -> memref<10240x128xf32, #tpu.memory_space<hbm>>
        tpu.enqueue_indirect_dma source(%dma_start3A_488 : memref<10240x128xf32, #tpu.memory_space<hbm>>) target(%arg12 : memref<64x128xf32, #tpu.memory_space<vmem>>) offsets(%dma_start3A_485 : memref<64xi32, #tpu.memory_space<vmem>>) semaphore(%arg16 : memref<!tpu.dma_semaphore, #tpu.memory_space<semaphore_mem>>)
        %gt3A_489 = arith.constant 0 : i32
        %gt3A_490 = arith.cmpi sgt, %scan3A_216, %gt3A_489 : i32
        %convert_element_type3A_491 = arith.extui %gt3A_490 : i1 to i32
        %cond3A_492 = arith.constant 0 : i32
        %cond3A_493 = arith.cmpi ne, %convert_element_type3A_491, %cond3A_492 : i32
        scf.if %cond3A_493 {
          %dma_wait3A_633 = arith.constant 0 : i32
          %dma_wait3A_634 = arith.constant 0 : i32
          %dma_wait3A_635 = tpu.memref_slice %arg4[%dma_wait3A_633, %dma_wait3A_634] : memref<10240x128xf32, #tpu.memory_space<hbm>> -> memref<64x128xf32, #tpu.memory_space<hbm>>
          %dma_wait3A_636 = arith.constant 0 : i32
          %dma_wait3A_637 = arith.constant 0 : i32
          %dma_wait3A_638 = tpu.memref_slice %arg4[%dma_wait3A_636, %dma_wait3A_637] : memref<10240x128xf32, #tpu.memory_space<hbm>> -> memref<64x128xf32, #tpu.memory_space<hbm>>
          tpu.wait_dma2 semaphore(%arg21 : memref<!tpu.dma_semaphore, #tpu.memory_space<semaphore_mem>>) src(%dma_wait3A_638 : memref<64x128xf32, #tpu.memory_space<hbm>>) dst(%arg13 : memref<64x128xf32, #tpu.memory_space<vmem>>)
        } else {
        }
        %add3A_494 = arith.constant 3 : i32
        %add3A_495 = arith.addi %sub3A, %add3A_494 : i32
        %get3A_496 = arith.index_cast %add3A_495 : i32 to index
        %get3A_497 = arith.constant 0 : index
        %get3A_498 = tpu.vector_load %arg7[%get3A_496, %get3A_497] {strides = array<i32>} : memref<80x64xi32, #tpu.memory_space<vmem>>, vector<16xi32>,
        %shift_right_arithmetic3A_499 = arith.constant 16 : i32
        %shift_right_arithmetic3A_500 = vector.broadcast %shift_right_arithmetic3A_499 : i32 to vector<16xi32>
        %shift_right_arithmetic3A_501 = arith.shrsi %get3A_498, %shift_right_arithmetic3A_500 : vector<16xi32>
        %swap3A_502 = arith.constant 3 : i32
        %swap3A_503 = arith.index_cast %swap3A_502 : i32 to index
        %swap3A_504 = arith.constant 0 : index
        %swap3A_505 = tpu.vector_load %arg8[%swap3A_503, %swap3A_504] {strides = array<i32>} : memref<4x64xi32, #tpu.memory_space<vmem>>, vector<16xi32>,
        tpu.vector_store %arg8[%swap3A_503, %swap3A_504], %shift_right_arithmetic3A_501 {strides = array<i32>} : memref<4x64xi32, #tpu.memory_space<vmem>>, vector<16xi32>,
        %and3A_506 = arith.constant 65535 : i32
        %and3A_507 = vector.broadcast %and3A_506 : i32 to vector<16xi32>
        %and3A_508 = arith.andi %get3A_498, %and3A_507 : vector<16xi32>
        %swap3A_509 = arith.constant 3 : i32
        %swap3A_510 = arith.index_cast %swap3A_509 : i32 to index
        %swap3A_511 = arith.constant 0 : index
        %swap3A_512 = tpu.vector_load %arg9[%swap3A_510, %swap3A_511] {strides = array<i32>} : memref<4x64xi32, #tpu.memory_space<vmem>>, vector<16xi32>,
        tpu.vector_store %arg9[%swap3A_510, %swap3A_511], %and3A_508 {strides = array<i32>} : memref<4x64xi32, #tpu.memory_space<vmem>>, vector<16xi32>,
        %add3A_513 = arith.constant 3 : i32
        %add3A_514 = arith.addi %sub3A, %add3A_513 : i32
        %get3A_515 = arith.index_cast %add3A_514 : i32 to index
        %get3A_516 = arith.constant 16 : index
        %get3A_517 = tpu.vector_load %arg7[%get3A_515, %get3A_516] {strides = array<i32>} : memref<80x64xi32, #tpu.memory_space<vmem>>, vector<16xi32>,
        %shift_right_arithmetic3A_518 = arith.constant 16 : i32
        %shift_right_arithmetic3A_519 = vector.broadcast %shift_right_arithmetic3A_518 : i32 to vector<16xi32>
        %shift_right_arithmetic3A_520 = arith.shrsi %get3A_517, %shift_right_arithmetic3A_519 : vector<16xi32>
        %swap3A_521 = arith.constant 3 : i32
        %swap3A_522 = arith.index_cast %swap3A_521 : i32 to index
        %swap3A_523 = arith.constant 16 : index
        %swap3A_524 = tpu.vector_load %arg8[%swap3A_522, %swap3A_523] {strides = array<i32>} : memref<4x64xi32, #tpu.memory_space<vmem>>, vector<16xi32>,
        tpu.vector_store %arg8[%swap3A_522, %swap3A_523], %shift_right_arithmetic3A_520 {strides = array<i32>} : memref<4x64xi32, #tpu.memory_space<vmem>>, vector<16xi32>,
        %and3A_525 = arith.constant 65535 : i32
        %and3A_526 = vector.broadcast %and3A_525 : i32 to vector<16xi32>
        %and3A_527 = arith.andi %get3A_517, %and3A_526 : vector<16xi32>
        %swap3A_528 = arith.constant 3 : i32
        %swap3A_529 = arith.index_cast %swap3A_528 : i32 to index
        %swap3A_530 = arith.constant 16 : index
        %swap3A_531 = tpu.vector_load %arg9[%swap3A_529, %swap3A_530] {strides = array<i32>} : memref<4x64xi32, #tpu.memory_space<vmem>>, vector<16xi32>,
        tpu.vector_store %arg9[%swap3A_529, %swap3A_530], %and3A_527 {strides = array<i32>} : memref<4x64xi32, #tpu.memory_space<vmem>>, vector<16xi32>,
        %add3A_532 = arith.constant 3 : i32
        %add3A_533 = arith.addi %sub3A, %add3A_532 : i32
        %get3A_534 = arith.index_cast %add3A_533 : i32 to index
        %get3A_535 = arith.constant 32 : index
        %get3A_536 = tpu.vector_load %arg7[%get3A_534, %get3A_535] {strides = array<i32>} : memref<80x64xi32, #tpu.memory_space<vmem>>, vector<16xi32>,
        %shift_right_arithmetic3A_537 = arith.constant 16 : i32
        %shift_right_arithmetic3A_538 = vector.broadcast %shift_right_arithmetic3A_537 : i32 to vector<16xi32>
        %shift_right_arithmetic3A_539 = arith.shrsi %get3A_536, %shift_right_arithmetic3A_538 : vector<16xi32>
        %swap3A_540 = arith.constant 3 : i32
        %swap3A_541 = arith.index_cast %swap3A_540 : i32 to index
        %swap3A_542 = arith.constant 32 : index
        %swap3A_543 = tpu.vector_load %arg8[%swap3A_541, %swap3A_542] {strides = array<i32>} : memref<4x64xi32, #tpu.memory_space<vmem>>, vector<16xi32>,
        tpu.vector_store %arg8[%swap3A_541, %swap3A_542], %shift_right_arithmetic3A_539 {strides = array<i32>} : memref<4x64xi32, #tpu.memory_space<vmem>>, vector<16xi32>,
        %and3A_544 = arith.constant 65535 : i32
        %and3A_545 = vector.broadcast %and3A_544 : i32 to vector<16xi32>
        %and3A_546 = arith.andi %get3A_536, %and3A_545 : vector<16xi32>
        %swap3A_547 = arith.constant 3 : i32
        %swap3A_548 = arith.index_cast %swap3A_547 : i32 to index
        %swap3A_549 = arith.constant 32 : index
        %swap3A_550 = tpu.vector_load %arg9[%swap3A_548, %swap3A_549] {strides = array<i32>} : memref<4x64xi32, #tpu.memory_space<vmem>>, vector<16xi32>,
        tpu.vector_store %arg9[%swap3A_548, %swap3A_549], %and3A_546 {strides = array<i32>} : memref<4x64xi32, #tpu.memory_space<vmem>>, vector<16xi32>,
        %add3A_551 = arith.constant 3 : i32
        %add3A_552 = arith.addi %sub3A, %add3A_551 : i32
        %get3A_553 = arith.index_cast %add3A_552 : i32 to index
        %get3A_554 = arith.constant 48 : index
        %get3A_555 = tpu.vector_load %arg7[%get3A_553, %get3A_554] {strides = array<i32>} : memref<80x64xi32, #tpu.memory_space<vmem>>, vector<16xi32>,
        %shift_right_arithmetic3A_556 = arith.constant 16 : i32
        %shift_right_arithmetic3A_557 = vector.broadcast %shift_right_arithmetic3A_556 : i32 to vector<16xi32>
        %shift_right_arithmetic3A_558 = arith.shrsi %get3A_555, %shift_right_arithmetic3A_557 : vector<16xi32>
        %swap3A_559 = arith.constant 3 : i32
        %swap3A_560 = arith.index_cast %swap3A_559 : i32 to index
        %swap3A_561 = arith.constant 48 : index
        %swap3A_562 = tpu.vector_load %arg8[%swap3A_560, %swap3A_561] {strides = array<i32>} : memref<4x64xi32, #tpu.memory_space<vmem>>, vector<16xi32>,
        tpu.vector_store %arg8[%swap3A_560, %swap3A_561], %shift_right_arithmetic3A_558 {strides = array<i32>} : memref<4x64xi32, #tpu.memory_space<vmem>>, vector<16xi32>,
        %and3A_563 = arith.constant 65535 : i32
        %and3A_564 = vector.broadcast %and3A_563 : i32 to vector<16xi32>
        %and3A_565 = arith.andi %get3A_555, %and3A_564 : vector<16xi32>
        %swap3A_566 = arith.constant 3 : i32
        %swap3A_567 = arith.index_cast %swap3A_566 : i32 to index
        %swap3A_568 = arith.constant 48 : index
        %swap3A_569 = tpu.vector_load %arg9[%swap3A_567, %swap3A_568] {strides = array<i32>} : memref<4x64xi32, #tpu.memory_space<vmem>>, vector<16xi32>,
        tpu.vector_store %arg9[%swap3A_567, %swap3A_568], %and3A_565 {strides = array<i32>} : memref<4x64xi32, #tpu.memory_space<vmem>>, vector<16xi32>,
        %dma_start3A_570 = arith.constant 3 : i32
        %dma_start3A_571 = arith.constant 0 : i32
        %dma_start3A_572 = tpu.memref_slice %arg8[%dma_start3A_570, %dma_start3A_571] : memref<4x64xi32, #tpu.memory_space<vmem>> -> memref<1x64xi32, #tpu.memory_space<vmem>>
        %dma_start3A_573 = tpu.memref_squeeze %dma_start3A_572 : memref<1x64xi32, #tpu.memory_space<vmem>> -> memref<64xi32, #tpu.memory_space<vmem>>
        %dma_start3A_574 = arith.constant 0 : i32
        %dma_start3A_575 = arith.constant 0 : i32
        %dma_start3A_576 = tpu.memref_slice %arg4[%dma_start3A_574, %dma_start3A_575] : memref<10240x128xf32, #tpu.memory_space<hbm>> -> memref<10240x128xf32, #tpu.memory_space<hbm>>
        tpu.enqueue_indirect_dma source(%dma_start3A_576 : memref<10240x128xf32, #tpu.memory_space<hbm>>) target(%arg13 : memref<64x128xf32, #tpu.memory_space<vmem>>) offsets(%dma_start3A_573 : memref<64xi32, #tpu.memory_space<vmem>>) semaphore(%arg17 : memref<!tpu.dma_semaphore, #tpu.memory_space<semaphore_mem>>)
        %dma_wait3A_577 = arith.constant 0 : i32
        %dma_wait3A_578 = arith.constant 0 : i32
        %dma_wait3A_579 = tpu.memref_slice %arg8[%dma_wait3A_577, %dma_wait3A_578] : memref<4x64xi32, #tpu.memory_space<vmem>> -> memref<1x64xi32, #tpu.memory_space<vmem>>
        %dma_wait3A_580 = tpu.memref_squeeze %dma_wait3A_579 : memref<1x64xi32, #tpu.memory_space<vmem>> -> memref<64xi32, #tpu.memory_space<vmem>>
        %dma_wait3A_581 = arith.constant 0 : i32
        %dma_wait3A_582 = arith.constant 0 : i32
        %dma_wait3A_583 = tpu.memref_slice %arg4[%dma_wait3A_581, %dma_wait3A_582] : memref<10240x128xf32, #tpu.memory_space<hbm>> -> memref<10240x128xf32, #tpu.memory_space<hbm>>
        tpu.wait_indirect_dma semaphore(%arg14 : memref<!tpu.dma_semaphore, #tpu.memory_space<semaphore_mem>>) src(%dma_wait3A_583 : memref<10240x128xf32, #tpu.memory_space<hbm>>) dst(%arg10 : memref<64x128xf32, #tpu.memory_space<vmem>>)
        %dma_start3A_584 = arith.constant 0 : i32
        %dma_start3A_585 = arith.constant 0 : i32
        %dma_start3A_586 = tpu.memref_slice %arg9[%dma_start3A_584, %dma_start3A_585] : memref<4x64xi32, #tpu.memory_space<vmem>> -> memref<1x64xi32, #tpu.memory_space<vmem>>
        %dma_start3A_587 = tpu.memref_squeeze %dma_start3A_586 : memref<1x64xi32, #tpu.memory_space<vmem>> -> memref<64xi32, #tpu.memory_space<vmem>>
        %dma_start3A_588 = arith.constant 0 : i32
        %dma_start3A_589 = arith.constant 0 : i32
        %dma_start3A_590 = tpu.memref_slice %arg22[%dma_start3A_588, %dma_start3A_589] : memref<10240x128xf32, #tpu.memory_space<vmem_shared>> -> memref<10240x128xf32, #tpu.memory_space<vmem_shared>>
        tpu.enqueue_indirect_dma source(%arg10 : memref<64x128xf32, #tpu.memory_space<vmem>>) target(%dma_start3A_590 : memref<10240x128xf32, #tpu.memory_space<vmem_shared>>) offsets(%dma_start3A_587 : memref<64xi32, #tpu.memory_space<vmem>>) semaphore(%arg18 : memref<!tpu.dma_semaphore, #tpu.memory_space<semaphore_mem>>) {add = true}
        %dma_wait3A_591 = arith.constant 1 : i32
        %dma_wait3A_592 = arith.constant 0 : i32
        %dma_wait3A_593 = tpu.memref_slice %arg8[%dma_wait3A_591, %dma_wait3A_592] : memref<4x64xi32, #tpu.memory_space<vmem>> -> memref<1x64xi32, #tpu.memory_space<vmem>>
        %dma_wait3A_594 = tpu.memref_squeeze %dma_wait3A_593 : memref<1x64xi32, #tpu.memory_space<vmem>> -> memref<64xi32, #tpu.memory_space<vmem>>
        %dma_wait3A_595 = arith.constant 0 : i32
        %dma_wait3A_596 = arith.constant 0 : i32
        %dma_wait3A_597 = tpu.memref_slice %arg4[%dma_wait3A_595, %dma_wait3A_596] : memref<10240x128xf32, #tpu.memory_space<hbm>> -> memref<10240x128xf32, #tpu.memory_space<hbm>>
        tpu.wait_indirect_dma semaphore(%arg15 : memref<!tpu.dma_semaphore, #tpu.memory_space<semaphore_mem>>) src(%dma_wait3A_597 : memref<10240x128xf32, #tpu.memory_space<hbm>>) dst(%arg11 : memref<64x128xf32, #tpu.memory_space<vmem>>)
        %dma_start3A_598 = arith.constant 1 : i32
        %dma_start3A_599 = arith.constant 0 : i32
        %dma_start3A_600 = tpu.memref_slice %arg9[%dma_start3A_598, %dma_start3A_599] : memref<4x64xi32, #tpu.memory_space<vmem>> -> memref<1x64xi32, #tpu.memory_space<vmem>>
        %dma_start3A_601 = tpu.memref_squeeze %dma_start3A_600 : memref<1x64xi32, #tpu.memory_space<vmem>> -> memref<64xi32, #tpu.memory_space<vmem>>
        %dma_start3A_602 = arith.constant 0 : i32
        %dma_start3A_603 = arith.constant 0 : i32
        %dma_start3A_604 = tpu.memref_slice %arg22[%dma_start3A_602, %dma_start3A_603] : memref<10240x128xf32, #tpu.memory_space<vmem_shared>> -> memref<10240x128xf32, #tpu.memory_space<vmem_shared>>
        tpu.enqueue_indirect_dma source(%arg11 : memref<64x128xf32, #tpu.memory_space<vmem>>) target(%dma_start3A_604 : memref<10240x128xf32, #tpu.memory_space<vmem_shared>>) offsets(%dma_start3A_601 : memref<64xi32, #tpu.memory_space<vmem>>) semaphore(%arg19 : memref<!tpu.dma_semaphore, #tpu.memory_space<semaphore_mem>>) {add = true}
        %dma_wait3A_605 = arith.constant 2 : i32
        %dma_wait3A_606 = arith.constant 0 : i32
        %dma_wait3A_607 = tpu.memref_slice %arg8[%dma_wait3A_605, %dma_wait3A_606] : memref<4x64xi32, #tpu.memory_space<vmem>> -> memref<1x64xi32, #tpu.memory_space<vmem>>
        %dma_wait3A_608 = tpu.memref_squeeze %dma_wait3A_607 : memref<1x64xi32, #tpu.memory_space<vmem>> -> memref<64xi32, #tpu.memory_space<vmem>>
        %dma_wait3A_609 = arith.constant 0 : i32
        %dma_wait3A_610 = arith.constant 0 : i32
        %dma_wait3A_611 = tpu.memref_slice %arg4[%dma_wait3A_609, %dma_wait3A_610] : memref<10240x128xf32, #tpu.memory_space<hbm>> -> memref<10240x128xf32, #tpu.memory_space<hbm>>
        tpu.wait_indirect_dma semaphore(%arg16 : memref<!tpu.dma_semaphore, #tpu.memory_space<semaphore_mem>>) src(%dma_wait3A_611 : memref<10240x128xf32, #tpu.memory_space<hbm>>) dst(%arg12 : memref<64x128xf32, #tpu.memory_space<vmem>>)
        %dma_start3A_612 = arith.constant 2 : i32
        %dma_start3A_613 = arith.constant 0 : i32
        %dma_start3A_614 = tpu.memref_slice %arg9[%dma_start3A_612, %dma_start3A_613] : memref<4x64xi32, #tpu.memory_space<vmem>> -> memref<1x64xi32, #tpu.memory_space<vmem>>
        %dma_start3A_615 = tpu.memref_squeeze %dma_start3A_614 : memref<1x64xi32, #tpu.memory_space<vmem>> -> memref<64xi32, #tpu.memory_space<vmem>>
        %dma_start3A_616 = arith.constant 0 : i32
        %dma_start3A_617 = arith.constant 0 : i32
        %dma_start3A_618 = tpu.memref_slice %arg22[%dma_start3A_616, %dma_start3A_617] : memref<10240x128xf32, #tpu.memory_space<vmem_shared>> -> memref<10240x128xf32, #tpu.memory_space<vmem_shared>>
        tpu.enqueue_indirect_dma source(%arg12 : memref<64x128xf32, #tpu.memory_space<vmem>>) target(%dma_start3A_618 : memref<10240x128xf32, #tpu.memory_space<vmem_shared>>) offsets(%dma_start3A_615 : memref<64xi32, #tpu.memory_space<vmem>>) semaphore(%arg20 : memref<!tpu.dma_semaphore, #tpu.memory_space<semaphore_mem>>) {add = true}
        %dma_wait3A_619 = arith.constant 3 : i32
        %dma_wait3A_620 = arith.constant 0 : i32
        %dma_wait3A_621 = tpu.memref_slice %arg8[%dma_wait3A_619, %dma_wait3A_620] : memref<4x64xi32, #tpu.memory_space<vmem>> -> memref<1x64xi32, #tpu.memory_space<vmem>>
        %dma_wait3A_622 = tpu.memref_squeeze %dma_wait3A_621 : memref<1x64xi32, #tpu.memory_space<vmem>> -> memref<64xi32, #tpu.memory_space<vmem>>
        %dma_wait3A_623 = arith.constant 0 : i32
        %dma_wait3A_624 = arith.constant 0 : i32
        %dma_wait3A_625 = tpu.memref_slice %arg4[%dma_wait3A_623, %dma_wait3A_624] : memref<10240x128xf32, #tpu.memory_space<hbm>> -> memref<10240x128xf32, #tpu.memory_space<hbm>>
        tpu.wait_indirect_dma semaphore(%arg17 : memref<!tpu.dma_semaphore, #tpu.memory_space<semaphore_mem>>) src(%dma_wait3A_625 : memref<10240x128xf32, #tpu.memory_space<hbm>>) dst(%arg13 : memref<64x128xf32, #tpu.memory_space<vmem>>)
        %dma_start3A_626 = arith.constant 3 : i32
        %dma_start3A_627 = arith.constant 0 : i32
        %dma_start3A_628 = tpu.memref_slice %arg9[%dma_start3A_626, %dma_start3A_627] : memref<4x64xi32, #tpu.memory_space<vmem>> -> memref<1x64xi32, #tpu.memory_space<vmem>>
        %dma_start3A_629 = tpu.memref_squeeze %dma_start3A_628 : memref<1x64xi32, #tpu.memory_space<vmem>> -> memref<64xi32, #tpu.memory_space<vmem>>
        %dma_start3A_630 = arith.constant 0 : i32
        %dma_start3A_631 = arith.constant 0 : i32
        %dma_start3A_632 = tpu.memref_slice %arg22[%dma_start3A_630, %dma_start3A_631] : memref<10240x128xf32, #tpu.memory_space<vmem_shared>> -> memref<10240x128xf32, #tpu.memory_space<vmem_shared>>
        tpu.enqueue_indirect_dma source(%arg13 : memref<64x128xf32, #tpu.memory_space<vmem>>) target(%dma_start3A_632 : memref<10240x128xf32, #tpu.memory_space<vmem_shared>>) offsets(%dma_start3A_629 : memref<64xi32, #tpu.memory_space<vmem>>) semaphore(%arg21 : memref<!tpu.dma_semaphore, #tpu.memory_space<semaphore_mem>>) {add = true}
      }
      %scan3A_139 = arith.constant 40 : i32
      %dma_wait3A_140 = arith.constant 0 : i32
      %dma_wait3A_141 = arith.constant 0 : i32
      %dma_wait3A_142 = tpu.memref_slice %arg4[%dma_wait3A_140, %dma_wait3A_141] : memref<10240x128xf32, #tpu.memory_space<hbm>> -> memref<64x128xf32, #tpu.memory_space<hbm>>
      %dma_wait3A_143 = arith.constant 0 : i32
      %dma_wait3A_144 = arith.constant 0 : i32
      %dma_wait3A_145 = tpu.memref_slice %arg4[%dma_wait3A_143, %dma_wait3A_144] : memref<10240x128xf32, #tpu.memory_space<hbm>> -> memref<64x128xf32, #tpu.memory_space<hbm>>
      tpu.wait_dma2 semaphore(%arg18 : memref<!tpu.dma_semaphore, #tpu.memory_space<semaphore_mem>>) src(%dma_wait3A_145 : memref<64x128xf32, #tpu.memory_space<hbm>>) dst(%arg10 : memref<64x128xf32, #tpu.memory_space<vmem>>)
      %dma_wait3A_146 = arith.constant 0 : i32
      %dma_wait3A_147 = arith.constant 0 : i32
      %dma_wait3A_148 = tpu.memref_slice %arg4[%dma_wait3A_146, %dma_wait3A_147] : memref<10240x128xf32, #tpu.memory_space<hbm>> -> memref<64x128xf32, #tpu.memory_space<hbm>>
      %dma_wait3A_149 = arith.constant 0 : i32
      %dma_wait3A_150 = arith.constant 0 : i32
      %dma_wait3A_151 = tpu.memref_slice %arg4[%dma_wait3A_149, %dma_wait3A_150] : memref<10240x128xf32, #tpu.memory_space<hbm>> -> memref<64x128xf32, #tpu.memory_space<hbm>>
      tpu.wait_dma2 semaphore(%arg19 : memref<!tpu.dma_semaphore, #tpu.memory_space<semaphore_mem>>) src(%dma_wait3A_151 : memref<64x128xf32, #tpu.memory_space<hbm>>) dst(%arg11 : memref<64x128xf32, #tpu.memory_space<vmem>>)
      %dma_wait3A_152 = arith.constant 0 : i32
      %dma_wait3A_153 = arith.constant 0 : i32
      %dma_wait3A_154 = tpu.memref_slice %arg4[%dma_wait3A_152, %dma_wait3A_153] : memref<10240x128xf32, #tpu.memory_space<hbm>> -> memref<64x128xf32, #tpu.memory_space<hbm>>
      %dma_wait3A_155 = arith.constant 0 : i32
      %dma_wait3A_156 = arith.constant 0 : i32
      %dma_wait3A_157 = tpu.memref_slice %arg4[%dma_wait3A_155, %dma_wait3A_156] : memref<10240x128xf32, #tpu.memory_space<hbm>> -> memref<64x128xf32, #tpu.memory_space<hbm>>
      tpu.wait_dma2 semaphore(%arg20 : memref<!tpu.dma_semaphore, #tpu.memory_space<semaphore_mem>>) src(%dma_wait3A_157 : memref<64x128xf32, #tpu.memory_space<hbm>>) dst(%arg12 : memref<64x128xf32, #tpu.memory_space<vmem>>)
      %dma_wait3A_158 = arith.constant 0 : i32
      %dma_wait3A_159 = arith.constant 0 : i32
      %dma_wait3A_160 = tpu.memref_slice %arg4[%dma_wait3A_158, %dma_wait3A_159] : memref<10240x128xf32, #tpu.memory_space<hbm>> -> memref<64x128xf32, #tpu.memory_space<hbm>>
      %dma_wait3A_161 = arith.constant 0 : i32
      %dma_wait3A_162 = arith.constant 0 : i32
      %dma_wait3A_163 = tpu.memref_slice %arg4[%dma_wait3A_161, %dma_wait3A_162] : memref<10240x128xf32, #tpu.memory_space<hbm>> -> memref<64x128xf32, #tpu.memory_space<hbm>>
      tpu.wait_dma2 semaphore(%arg21 : memref<!tpu.dma_semaphore, #tpu.memory_space<semaphore_mem>>) src(%dma_wait3A_163 : memref<64x128xf32, #tpu.memory_space<hbm>>) dst(%arg13 : memref<64x128xf32, #tpu.memory_space<vmem>>)
      %barrier3A_164 = arith.constant 0 : index
      tpu.barrier barrier_id(%barrier3A_164)
      "tpu.trace_stop"() : () -> ()
      "tpu.trace_start"() <{level = 10 : i32, message = "writeout"}> : () -> ()
      %add3A_165 = arith.constant 0 : i32
      %add3A_166 = arith.addi %mul3A_2, %add3A_165 : i32
      "tpu.region"() ({
        %run_scoped3A_216 = tpu.sem_alloc : memref<!tpu.dma_semaphore, #tpu.memory_space<semaphore_mem>>
        %dma_start3A = arith.constant 0 : i32
        %dma_start3A_217 = tpu.memref_slice %arg22[%add3A_166, %dma_start3A] : memref<10240x128xf32, #tpu.memory_space<vmem_shared>> -> memref<64x128xf32, #tpu.memory_space<vmem_shared>>
        %dma_start3A_218 = arith.constant 0 : i32
        %dma_start3A_219 = tpu.memref_slice %arg22[%add3A_166, %dma_start3A_218] : memref<10240x128xf32, #tpu.memory_space<vmem_shared>> -> memref<64x128xf32, #tpu.memory_space<vmem_shared>>
        tpu.enqueue_dma source(%dma_start3A_219 : memref<64x128xf32, #tpu.memory_space<vmem_shared>>) target(%arg10 : memref<64x128xf32, #tpu.memory_space<vmem>>) target_semaphore(%run_scoped3A_216 : memref<!tpu.dma_semaphore, #tpu.memory_space<semaphore_mem>>)
        %dma_wait3A_220 = arith.constant 0 : i32
        %dma_wait3A_221 = tpu.memref_slice %arg22[%add3A_166, %dma_wait3A_220] : memref<10240x128xf32, #tpu.memory_space<vmem_shared>> -> memref<64x128xf32, #tpu.memory_space<vmem_shared>>
        %dma_wait3A_222 = arith.constant 0 : i32
        %dma_wait3A_223 = tpu.memref_slice %arg22[%add3A_166, %dma_wait3A_222] : memref<10240x128xf32, #tpu.memory_space<vmem_shared>> -> memref<64x128xf32, #tpu.memory_space<vmem_shared>>
        tpu.wait_dma2 semaphore(%run_scoped3A_216 : memref<!tpu.dma_semaphore, #tpu.memory_space<semaphore_mem>>) src(%dma_wait3A_223 : memref<64x128xf32, #tpu.memory_space<vmem_shared>>) dst(%arg10 : memref<64x128xf32, #tpu.memory_space<vmem>>)
        tpu.yield
      }) : () -> ()
      %add3A_167 = arith.constant 0 : i32
      %add3A_168 = arith.addi %mul3A_2, %add3A_167 : i32
      %run_scoped3A_169 = arith.constant 0 : i32
      "tpu.region"() ({
        %run_scoped3A_216 = tpu.sem_alloc : memref<!tpu.dma_semaphore, #tpu.memory_space<semaphore_mem>>
        %dma_start3A = arith.constant 0 : i32
        %dma_start3A_217 = tpu.memref_slice %arg6[%run_scoped3A_169, %add3A_168, %dma_start3A] : memref<1x10240x128xf32, #tpu.memory_space<hbm>> -> memref<1x64x128xf32, #tpu.memory_space<hbm>>
        %dma_start3A_218 = tpu.memref_squeeze %dma_start3A_217 : memref<1x64x128xf32, #tpu.memory_space<hbm>> -> memref<64x128xf32, #tpu.memory_space<hbm>>
        %dma_start3A_219 = arith.constant 0 : i32
        %dma_start3A_220 = tpu.memref_slice %arg6[%run_scoped3A_169, %add3A_168, %dma_start3A_219] : memref<1x10240x128xf32, #tpu.memory_space<hbm>> -> memref<1x64x128xf32, #tpu.memory_space<hbm>>
        %dma_start3A_221 = tpu.memref_squeeze %dma_start3A_220 : memref<1x64x128xf32, #tpu.memory_space<hbm>> -> memref<64x128xf32, #tpu.memory_space<hbm>>
        tpu.enqueue_dma source(%arg10 : memref<64x128xf32, #tpu.memory_space<vmem>>) target(%dma_start3A_221 : memref<64x128xf32, #tpu.memory_space<hbm>>) target_semaphore(%run_scoped3A_216 : memref<!tpu.dma_semaphore, #tpu.memory_space<semaphore_mem>>)
        %dma_wait3A_222 = arith.constant 0 : i32
        %dma_wait3A_223 = tpu.memref_slice %arg6[%run_scoped3A_169, %add3A_168, %dma_wait3A_222] : memref<1x10240x128xf32, #tpu.memory_space<hbm>> -> memref<1x64x128xf32, #tpu.memory_space<hbm>>
        %dma_wait3A_224 = tpu.memref_squeeze %dma_wait3A_223 : memref<1x64x128xf32, #tpu.memory_space<hbm>> -> memref<64x128xf32, #tpu.memory_space<hbm>>
        %dma_wait3A_225 = arith.constant 0 : i32
        %dma_wait3A_226 = tpu.memref_slice %arg6[%run_scoped3A_169, %add3A_168, %dma_wait3A_225] : memref<1x10240x128xf32, #tpu.memory_space<hbm>> -> memref<1x64x128xf32, #tpu.memory_space<hbm>>
        %dma_wait3A_227 = tpu.memref_squeeze %dma_wait3A_226 : memref<1x64x128xf32, #tpu.memory_space<hbm>> -> memref<64x128xf32, #tpu.memory_space<hbm>>
        tpu.wait_dma2 semaphore(%run_scoped3A_216 : memref<!tpu.dma_semaphore, #tpu.memory_space<semaphore_mem>>) src(%arg10 : memref<64x128xf32, #tpu.memory_space<vmem>>) dst(%dma_wait3A_227 : memref<64x128xf32, #tpu.memory_space<hbm>>)
        tpu.yield
      }) : () -> ()
      %add3A_170 = arith.constant 64 : i32
      %add3A_171 = arith.addi %mul3A_2, %add3A_170 : i32
      "tpu.region"() ({
        %run_scoped3A_216 = tpu.sem_alloc : memref<!tpu.dma_semaphore, #tpu.memory_space<semaphore_mem>>
        %dma_start3A = arith.constant 0 : i32
        %dma_start3A_217 = tpu.memref_slice %arg22[%add3A_171, %dma_start3A] : memref<10240x128xf32, #tpu.memory_space<vmem_shared>> -> memref<64x128xf32, #tpu.memory_space<vmem_shared>>
        %dma_start3A_218 = arith.constant 0 : i32
        %dma_start3A_219 = tpu.memref_slice %arg22[%add3A_171, %dma_start3A_218] : memref<10240x128xf32, #tpu.memory_space<vmem_shared>> -> memref<64x128xf32, #tpu.memory_space<vmem_shared>>
        tpu.enqueue_dma source(%dma_start3A_219 : memref<64x128xf32, #tpu.memory_space<vmem_shared>>) target(%arg11 : memref<64x128xf32, #tpu.memory_space<vmem>>) target_semaphore(%run_scoped3A_216 : memref<!tpu.dma_semaphore, #tpu.memory_space<semaphore_mem>>)
        %dma_wait3A_220 = arith.constant 0 : i32
        %dma_wait3A_221 = tpu.memref_slice %arg22[%add3A_171, %dma_wait3A_220] : memref<10240x128xf32, #tpu.memory_space<vmem_shared>> -> memref<64x128xf32, #tpu.memory_space<vmem_shared>>
        %dma_wait3A_222 = arith.constant 0 : i32
        %dma_wait3A_223 = tpu.memref_slice %arg22[%add3A_171, %dma_wait3A_222] : memref<10240x128xf32, #tpu.memory_space<vmem_shared>> -> memref<64x128xf32, #tpu.memory_space<vmem_shared>>
        tpu.wait_dma2 semaphore(%run_scoped3A_216 : memref<!tpu.dma_semaphore, #tpu.memory_space<semaphore_mem>>) src(%dma_wait3A_223 : memref<64x128xf32, #tpu.memory_space<vmem_shared>>) dst(%arg11 : memref<64x128xf32, #tpu.memory_space<vmem>>)
        tpu.yield
      }) : () -> ()
      %add3A_172 = arith.constant 64 : i32
      %add3A_173 = arith.addi %mul3A_2, %add3A_172 : i32
      %run_scoped3A_174 = arith.constant 0 : i32
      "tpu.region"() ({
        %run_scoped3A_216 = tpu.sem_alloc : memref<!tpu.dma_semaphore, #tpu.memory_space<semaphore_mem>>
        %dma_start3A = arith.constant 0 : i32
        %dma_start3A_217 = tpu.memref_slice %arg6[%run_scoped3A_174, %add3A_173, %dma_start3A] : memref<1x10240x128xf32, #tpu.memory_space<hbm>> -> memref<1x64x128xf32, #tpu.memory_space<hbm>>
        %dma_start3A_218 = tpu.memref_squeeze %dma_start3A_217 : memref<1x64x128xf32, #tpu.memory_space<hbm>> -> memref<64x128xf32, #tpu.memory_space<hbm>>
        %dma_start3A_219 = arith.constant 0 : i32
        %dma_start3A_220 = tpu.memref_slice %arg6[%run_scoped3A_174, %add3A_173, %dma_start3A_219] : memref<1x10240x128xf32, #tpu.memory_space<hbm>> -> memref<1x64x128xf32, #tpu.memory_space<hbm>>
        %dma_start3A_221 = tpu.memref_squeeze %dma_start3A_220 : memref<1x64x128xf32, #tpu.memory_space<hbm>> -> memref<64x128xf32, #tpu.memory_space<hbm>>
        tpu.enqueue_dma source(%arg11 : memref<64x128xf32, #tpu.memory_space<vmem>>) target(%dma_start3A_221 : memref<64x128xf32, #tpu.memory_space<hbm>>) target_semaphore(%run_scoped3A_216 : memref<!tpu.dma_semaphore, #tpu.memory_space<semaphore_mem>>)
        %dma_wait3A_222 = arith.constant 0 : i32
        %dma_wait3A_223 = tpu.memref_slice %arg6[%run_scoped3A_174, %add3A_173, %dma_wait3A_222] : memref<1x10240x128xf32, #tpu.memory_space<hbm>> -> memref<1x64x128xf32, #tpu.memory_space<hbm>>
        %dma_wait3A_224 = tpu.memref_squeeze %dma_wait3A_223 : memref<1x64x128xf32, #tpu.memory_space<hbm>> -> memref<64x128xf32, #tpu.memory_space<hbm>>
        %dma_wait3A_225 = arith.constant 0 : i32
        %dma_wait3A_226 = tpu.memref_slice %arg6[%run_scoped3A_174, %add3A_173, %dma_wait3A_225] : memref<1x10240x128xf32, #tpu.memory_space<hbm>> -> memref<1x64x128xf32, #tpu.memory_space<hbm>>
        %dma_wait3A_227 = tpu.memref_squeeze %dma_wait3A_226 : memref<1x64x128xf32, #tpu.memory_space<hbm>> -> memref<64x128xf32, #tpu.memory_space<hbm>>
        tpu.wait_dma2 semaphore(%run_scoped3A_216 : memref<!tpu.dma_semaphore, #tpu.memory_space<semaphore_mem>>) src(%arg11 : memref<64x128xf32, #tpu.memory_space<vmem>>) dst(%dma_wait3A_227 : memref<64x128xf32, #tpu.memory_space<hbm>>)
        tpu.yield
      }) : () -> ()
      %add3A_175 = arith.constant 128 : i32
      %add3A_176 = arith.addi %mul3A_2, %add3A_175 : i32
      "tpu.region"() ({
        %run_scoped3A_216 = tpu.sem_alloc : memref<!tpu.dma_semaphore, #tpu.memory_space<semaphore_mem>>
        %dma_start3A = arith.constant 0 : i32
        %dma_start3A_217 = tpu.memref_slice %arg22[%add3A_176, %dma_start3A] : memref<10240x128xf32, #tpu.memory_space<vmem_shared>> -> memref<64x128xf32, #tpu.memory_space<vmem_shared>>
        %dma_start3A_218 = arith.constant 0 : i32
        %dma_start3A_219 = tpu.memref_slice %arg22[%add3A_176, %dma_start3A_218] : memref<10240x128xf32, #tpu.memory_space<vmem_shared>> -> memref<64x128xf32, #tpu.memory_space<vmem_shared>>
        tpu.enqueue_dma source(%dma_start3A_219 : memref<64x128xf32, #tpu.memory_space<vmem_shared>>) target(%arg10 : memref<64x128xf32, #tpu.memory_space<vmem>>) target_semaphore(%run_scoped3A_216 : memref<!tpu.dma_semaphore, #tpu.memory_space<semaphore_mem>>)
        %dma_wait3A_220 = arith.constant 0 : i32
        %dma_wait3A_221 = tpu.memref_slice %arg22[%add3A_176, %dma_wait3A_220] : memref<10240x128xf32, #tpu.memory_space<vmem_shared>> -> memref<64x128xf32, #tpu.memory_space<vmem_shared>>
        %dma_wait3A_222 = arith.constant 0 : i32
        %dma_wait3A_223 = tpu.memref_slice %arg22[%add3A_176, %dma_wait3A_222] : memref<10240x128xf32, #tpu.memory_space<vmem_shared>> -> memref<64x128xf32, #tpu.memory_space<vmem_shared>>
        tpu.wait_dma2 semaphore(%run_scoped3A_216 : memref<!tpu.dma_semaphore, #tpu.memory_space<semaphore_mem>>) src(%dma_wait3A_223 : memref<64x128xf32, #tpu.memory_space<vmem_shared>>) dst(%arg10 : memref<64x128xf32, #tpu.memory_space<vmem>>)
        tpu.yield
      }) : () -> ()
      %add3A_177 = arith.constant 128 : i32
      %add3A_178 = arith.addi %mul3A_2, %add3A_177 : i32
      %run_scoped3A_179 = arith.constant 0 : i32
      "tpu.region"() ({
        %run_scoped3A_216 = tpu.sem_alloc : memref<!tpu.dma_semaphore, #tpu.memory_space<semaphore_mem>>
        %dma_start3A = arith.constant 0 : i32
        %dma_start3A_217 = tpu.memref_slice %arg6[%run_scoped3A_179, %add3A_178, %dma_start3A] : memref<1x10240x128xf32, #tpu.memory_space<hbm>> -> memref<1x64x128xf32, #tpu.memory_space<hbm>>
        %dma_start3A_218 = tpu.memref_squeeze %dma_start3A_217 : memref<1x64x128xf32, #tpu.memory_space<hbm>> -> memref<64x128xf32, #tpu.memory_space<hbm>>
        %dma_start3A_219 = arith.constant 0 : i32
        %dma_start3A_220 = tpu.memref_slice %arg6[%run_scoped3A_179, %add3A_178, %dma_start3A_219] : memref<1x10240x128xf32, #tpu.memory_space<hbm>> -> memref<1x64x128xf32, #tpu.memory_space<hbm>>
        %dma_start3A_221 = tpu.memref_squeeze %dma_start3A_220 : memref<1x64x128xf32, #tpu.memory_space<hbm>> -> memref<64x128xf32, #tpu.memory_space<hbm>>
        tpu.enqueue_dma source(%arg10 : memref<64x128xf32, #tpu.memory_space<vmem>>) target(%dma_start3A_221 : memref<64x128xf32, #tpu.memory_space<hbm>>) target_semaphore(%run_scoped3A_216 : memref<!tpu.dma_semaphore, #tpu.memory_space<semaphore_mem>>)
        %dma_wait3A_222 = arith.constant 0 : i32
        %dma_wait3A_223 = tpu.memref_slice %arg6[%run_scoped3A_179, %add3A_178, %dma_wait3A_222] : memref<1x10240x128xf32, #tpu.memory_space<hbm>> -> memref<1x64x128xf32, #tpu.memory_space<hbm>>
        %dma_wait3A_224 = tpu.memref_squeeze %dma_wait3A_223 : memref<1x64x128xf32, #tpu.memory_space<hbm>> -> memref<64x128xf32, #tpu.memory_space<hbm>>
        %dma_wait3A_225 = arith.constant 0 : i32
        %dma_wait3A_226 = tpu.memref_slice %arg6[%run_scoped3A_179, %add3A_178, %dma_wait3A_225] : memref<1x10240x128xf32, #tpu.memory_space<hbm>> -> memref<1x64x128xf32, #tpu.memory_space<hbm>>
        %dma_wait3A_227 = tpu.memref_squeeze %dma_wait3A_226 : memref<1x64x128xf32, #tpu.memory_space<hbm>> -> memref<64x128xf32, #tpu.memory_space<hbm>>
        tpu.wait_dma2 semaphore(%run_scoped3A_216 : memref<!tpu.dma_semaphore, #tpu.memory_space<semaphore_mem>>) src(%arg10 : memref<64x128xf32, #tpu.memory_space<vmem>>) dst(%dma_wait3A_227 : memref<64x128xf32, #tpu.memory_space<hbm>>)
        tpu.yield
      }) : () -> ()
      %add3A_180 = arith.constant 192 : i32
      %add3A_181 = arith.addi %mul3A_2, %add3A_180 : i32
      "tpu.region"() ({
        %run_scoped3A_216 = tpu.sem_alloc : memref<!tpu.dma_semaphore, #tpu.memory_space<semaphore_mem>>
        %dma_start3A = arith.constant 0 : i32
        %dma_start3A_217 = tpu.memref_slice %arg22[%add3A_181, %dma_start3A] : memref<10240x128xf32, #tpu.memory_space<vmem_shared>> -> memref<64x128xf32, #tpu.memory_space<vmem_shared>>
        %dma_start3A_218 = arith.constant 0 : i32
        %dma_start3A_219 = tpu.memref_slice %arg22[%add3A_181, %dma_start3A_218] : memref<10240x128xf32, #tpu.memory_space<vmem_shared>> -> memref<64x128xf32, #tpu.memory_space<vmem_shared>>
        tpu.enqueue_dma source(%dma_start3A_219 : memref<64x128xf32, #tpu.memory_space<vmem_shared>>) target(%arg11 : memref<64x128xf32, #tpu.memory_space<vmem>>) target_semaphore(%run_scoped3A_216 : memref<!tpu.dma_semaphore, #tpu.memory_space<semaphore_mem>>)
        %dma_wait3A_220 = arith.constant 0 : i32
        %dma_wait3A_221 = tpu.memref_slice %arg22[%add3A_181, %dma_wait3A_220] : memref<10240x128xf32, #tpu.memory_space<vmem_shared>> -> memref<64x128xf32, #tpu.memory_space<vmem_shared>>
        %dma_wait3A_222 = arith.constant 0 : i32
        %dma_wait3A_223 = tpu.memref_slice %arg22[%add3A_181, %dma_wait3A_222] : memref<10240x128xf32, #tpu.memory_space<vmem_shared>> -> memref<64x128xf32, #tpu.memory_space<vmem_shared>>
        tpu.wait_dma2 semaphore(%run_scoped3A_216 : memref<!tpu.dma_semaphore, #tpu.memory_space<semaphore_mem>>) src(%dma_wait3A_223 : memref<64x128xf32, #tpu.memory_space<vmem_shared>>) dst(%arg11 : memref<64x128xf32, #tpu.memory_space<vmem>>)
        tpu.yield
      }) : () -> ()
      %add3A_182 = arith.constant 192 : i32
      %add3A_183 = arith.addi %mul3A_2, %add3A_182 : i32
      %run_scoped3A_184 = arith.constant 0 : i32
      "tpu.region"() ({
        %run_scoped3A_216 = tpu.sem_alloc : memref<!tpu.dma_semaphore, #tpu.memory_space<semaphore_mem>>
        %dma_start3A = arith.constant 0 : i32
        %dma_start3A_217 = tpu.memref_slice %arg6[%run_scoped3A_184, %add3A_183, %dma_start3A] : memref<1x10240x128xf32, #tpu.memory_space<hbm>> -> memref<1x64x128xf32, #tpu.memory_space<hbm>>
        %dma_start3A_218 = tpu.memref_squeeze %dma_start3A_217 : memref<1x64x128xf32, #tpu.memory_space<hbm>> -> memref<64x128xf32, #tpu.memory_space<hbm>>
        %dma_start3A_219 = arith.constant 0 : i32
        %dma_start3A_220 = tpu.memref_slice %arg6[%run_scoped3A_184, %add3A_183, %dma_start3A_219] : memref<1x10240x128xf32, #tpu.memory_space<hbm>> -> memref<1x64x128xf32, #tpu.memory_space<hbm>>
        %dma_start3A_221 = tpu.memref_squeeze %dma_start3A_220 : memref<1x64x128xf32, #tpu.memory_space<hbm>> -> memref<64x128xf32, #tpu.memory_space<hbm>>
        tpu.enqueue_dma source(%arg11 : memref<64x128xf32, #tpu.memory_space<vmem>>) target(%dma_start3A_221 : memref<64x128xf32, #tpu.memory_space<hbm>>) target_semaphore(%run_scoped3A_216 : memref<!tpu.dma_semaphore, #tpu.memory_space<semaphore_mem>>)
        %dma_wait3A_222 = arith.constant 0 : i32
        %dma_wait3A_223 = tpu.memref_slice %arg6[%run_scoped3A_184, %add3A_183, %dma_wait3A_222] : memref<1x10240x128xf32, #tpu.memory_space<hbm>> -> memref<1x64x128xf32, #tpu.memory_space<hbm>>
        %dma_wait3A_224 = tpu.memref_squeeze %dma_wait3A_223 : memref<1x64x128xf32, #tpu.memory_space<hbm>> -> memref<64x128xf32, #tpu.memory_space<hbm>>
        %dma_wait3A_225 = arith.constant 0 : i32
        %dma_wait3A_226 = tpu.memref_slice %arg6[%run_scoped3A_184, %add3A_183, %dma_wait3A_225] : memref<1x10240x128xf32, #tpu.memory_space<hbm>> -> memref<1x64x128xf32, #tpu.memory_space<hbm>>
        %dma_wait3A_227 = tpu.memref_squeeze %dma_wait3A_226 : memref<1x64x128xf32, #tpu.memory_space<hbm>> -> memref<64x128xf32, #tpu.memory_space<hbm>>
        tpu.wait_dma2 semaphore(%run_scoped3A_216 : memref<!tpu.dma_semaphore, #tpu.memory_space<semaphore_mem>>) src(%arg11 : memref<64x128xf32, #tpu.memory_space<vmem>>) dst(%dma_wait3A_227 : memref<64x128xf32, #tpu.memory_space<hbm>>)
        tpu.yield
      }) : () -> ()
      %add3A_185 = arith.constant 256 : i32
      %add3A_186 = arith.addi %mul3A_2, %add3A_185 : i32
      "tpu.region"() ({
        %run_scoped3A_216 = tpu.sem_alloc : memref<!tpu.dma_semaphore, #tpu.memory_space<semaphore_mem>>
        %dma_start3A = arith.constant 0 : i32
        %dma_start3A_217 = tpu.memref_slice %arg22[%add3A_186, %dma_start3A] : memref<10240x128xf32, #tpu.memory_space<vmem_shared>> -> memref<64x128xf32, #tpu.memory_space<vmem_shared>>
        %dma_start3A_218 = arith.constant 0 : i32
        %dma_start3A_219 = tpu.memref_slice %arg22[%add3A_186, %dma_start3A_218] : memref<10240x128xf32, #tpu.memory_space<vmem_shared>> -> memref<64x128xf32, #tpu.memory_space<vmem_shared>>
        tpu.enqueue_dma source(%dma_start3A_219 : memref<64x128xf32, #tpu.memory_space<vmem_shared>>) target(%arg10 : memref<64x128xf32, #tpu.memory_space<vmem>>) target_semaphore(%run_scoped3A_216 : memref<!tpu.dma_semaphore, #tpu.memory_space<semaphore_mem>>)
        %dma_wait3A_220 = arith.constant 0 : i32
        %dma_wait3A_221 = tpu.memref_slice %arg22[%add3A_186, %dma_wait3A_220] : memref<10240x128xf32, #tpu.memory_space<vmem_shared>> -> memref<64x128xf32, #tpu.memory_space<vmem_shared>>
        %dma_wait3A_222 = arith.constant 0 : i32
        %dma_wait3A_223 = tpu.memref_slice %arg22[%add3A_186, %dma_wait3A_222] : memref<10240x128xf32, #tpu.memory_space<vmem_shared>> -> memref<64x128xf32, #tpu.memory_space<vmem_shared>>
        tpu.wait_dma2 semaphore(%run_scoped3A_216 : memref<!tpu.dma_semaphore, #tpu.memory_space<semaphore_mem>>) src(%dma_wait3A_223 : memref<64x128xf32, #tpu.memory_space<vmem_shared>>) dst(%arg10 : memref<64x128xf32, #tpu.memory_space<vmem>>)
        tpu.yield
      }) : () -> ()
      %add3A_187 = arith.constant 256 : i32
      %add3A_188 = arith.addi %mul3A_2, %add3A_187 : i32
      %run_scoped3A_189 = arith.constant 0 : i32
      "tpu.region"() ({
        %run_scoped3A_216 = tpu.sem_alloc : memref<!tpu.dma_semaphore, #tpu.memory_space<semaphore_mem>>
        %dma_start3A = arith.constant 0 : i32
        %dma_start3A_217 = tpu.memref_slice %arg6[%run_scoped3A_189, %add3A_188, %dma_start3A] : memref<1x10240x128xf32, #tpu.memory_space<hbm>> -> memref<1x64x128xf32, #tpu.memory_space<hbm>>
        %dma_start3A_218 = tpu.memref_squeeze %dma_start3A_217 : memref<1x64x128xf32, #tpu.memory_space<hbm>> -> memref<64x128xf32, #tpu.memory_space<hbm>>
        %dma_start3A_219 = arith.constant 0 : i32
        %dma_start3A_220 = tpu.memref_slice %arg6[%run_scoped3A_189, %add3A_188, %dma_start3A_219] : memref<1x10240x128xf32, #tpu.memory_space<hbm>> -> memref<1x64x128xf32, #tpu.memory_space<hbm>>
        %dma_start3A_221 = tpu.memref_squeeze %dma_start3A_220 : memref<1x64x128xf32, #tpu.memory_space<hbm>> -> memref<64x128xf32, #tpu.memory_space<hbm>>
        tpu.enqueue_dma source(%arg10 : memref<64x128xf32, #tpu.memory_space<vmem>>) target(%dma_start3A_221 : memref<64x128xf32, #tpu.memory_space<hbm>>) target_semaphore(%run_scoped3A_216 : memref<!tpu.dma_semaphore, #tpu.memory_space<semaphore_mem>>)
        %dma_wait3A_222 = arith.constant 0 : i32
        %dma_wait3A_223 = tpu.memref_slice %arg6[%run_scoped3A_189, %add3A_188, %dma_wait3A_222] : memref<1x10240x128xf32, #tpu.memory_space<hbm>> -> memref<1x64x128xf32, #tpu.memory_space<hbm>>
        %dma_wait3A_224 = tpu.memref_squeeze %dma_wait3A_223 : memref<1x64x128xf32, #tpu.memory_space<hbm>> -> memref<64x128xf32, #tpu.memory_space<hbm>>
        %dma_wait3A_225 = arith.constant 0 : i32
        %dma_wait3A_226 = tpu.memref_slice %arg6[%run_scoped3A_189, %add3A_188, %dma_wait3A_225] : memref<1x10240x128xf32, #tpu.memory_space<hbm>> -> memref<1x64x128xf32, #tpu.memory_space<hbm>>
        %dma_wait3A_227 = tpu.memref_squeeze %dma_wait3A_226 : memref<1x64x128xf32, #tpu.memory_space<hbm>> -> memref<64x128xf32, #tpu.memory_space<hbm>>
        tpu.wait_dma2 semaphore(%run_scoped3A_216 : memref<!tpu.dma_semaphore, #tpu.memory_space<semaphore_mem>>) src(%arg10 : memref<64x128xf32, #tpu.memory_space<vmem>>) dst(%dma_wait3A_227 : memref<64x128xf32, #tpu.memory_space<hbm>>)
        tpu.yield
      }) : () -> ()
      %add3A_190 = arith.constant 320 : i32
      %add3A_191 = arith.addi %mul3A_2, %add3A_190 : i32
      "tpu.region"() ({
        %run_scoped3A_216 = tpu.sem_alloc : memref<!tpu.dma_semaphore, #tpu.memory_space<semaphore_mem>>
        %dma_start3A = arith.constant 0 : i32
        %dma_start3A_217 = tpu.memref_slice %arg22[%add3A_191, %dma_start3A] : memref<10240x128xf32, #tpu.memory_space<vmem_shared>> -> memref<64x128xf32, #tpu.memory_space<vmem_shared>>
        %dma_start3A_218 = arith.constant 0 : i32
        %dma_start3A_219 = tpu.memref_slice %arg22[%add3A_191, %dma_start3A_218] : memref<10240x128xf32, #tpu.memory_space<vmem_shared>> -> memref<64x128xf32, #tpu.memory_space<vmem_shared>>
        tpu.enqueue_dma source(%dma_start3A_219 : memref<64x128xf32, #tpu.memory_space<vmem_shared>>) target(%arg11 : memref<64x128xf32, #tpu.memory_space<vmem>>) target_semaphore(%run_scoped3A_216 : memref<!tpu.dma_semaphore, #tpu.memory_space<semaphore_mem>>)
        %dma_wait3A_220 = arith.constant 0 : i32
        %dma_wait3A_221 = tpu.memref_slice %arg22[%add3A_191, %dma_wait3A_220] : memref<10240x128xf32, #tpu.memory_space<vmem_shared>> -> memref<64x128xf32, #tpu.memory_space<vmem_shared>>
        %dma_wait3A_222 = arith.constant 0 : i32
        %dma_wait3A_223 = tpu.memref_slice %arg22[%add3A_191, %dma_wait3A_222] : memref<10240x128xf32, #tpu.memory_space<vmem_shared>> -> memref<64x128xf32, #tpu.memory_space<vmem_shared>>
        tpu.wait_dma2 semaphore(%run_scoped3A_216 : memref<!tpu.dma_semaphore, #tpu.memory_space<semaphore_mem>>) src(%dma_wait3A_223 : memref<64x128xf32, #tpu.memory_space<vmem_shared>>) dst(%arg11 : memref<64x128xf32, #tpu.memory_space<vmem>>)
        tpu.yield
      }) : () -> ()
      %add3A_192 = arith.constant 320 : i32
      %add3A_193 = arith.addi %mul3A_2, %add3A_192 : i32
      %run_scoped3A_194 = arith.constant 0 : i32
      "tpu.region"() ({
        %run_scoped3A_216 = tpu.sem_alloc : memref<!tpu.dma_semaphore, #tpu.memory_space<semaphore_mem>>
        %dma_start3A = arith.constant 0 : i32
        %dma_start3A_217 = tpu.memref_slice %arg6[%run_scoped3A_194, %add3A_193, %dma_start3A] : memref<1x10240x128xf32, #tpu.memory_space<hbm>> -> memref<1x64x128xf32, #tpu.memory_space<hbm>>
        %dma_start3A_218 = tpu.memref_squeeze %dma_start3A_217 : memref<1x64x128xf32, #tpu.memory_space<hbm>> -> memref<64x128xf32, #tpu.memory_space<hbm>>
        %dma_start3A_219 = arith.constant 0 : i32
        %dma_start3A_220 = tpu.memref_slice %arg6[%run_scoped3A_194, %add3A_193, %dma_start3A_219] : memref<1x10240x128xf32, #tpu.memory_space<hbm>> -> memref<1x64x128xf32, #tpu.memory_space<hbm>>
        %dma_start3A_221 = tpu.memref_squeeze %dma_start3A_220 : memref<1x64x128xf32, #tpu.memory_space<hbm>> -> memref<64x128xf32, #tpu.memory_space<hbm>>
        tpu.enqueue_dma source(%arg11 : memref<64x128xf32, #tpu.memory_space<vmem>>) target(%dma_start3A_221 : memref<64x128xf32, #tpu.memory_space<hbm>>) target_semaphore(%run_scoped3A_216 : memref<!tpu.dma_semaphore, #tpu.memory_space<semaphore_mem>>)
        %dma_wait3A_222 = arith.constant 0 : i32
        %dma_wait3A_223 = tpu.memref_slice %arg6[%run_scoped3A_194, %add3A_193, %dma_wait3A_222] : memref<1x10240x128xf32, #tpu.memory_space<hbm>> -> memref<1x64x128xf32, #tpu.memory_space<hbm>>
        %dma_wait3A_224 = tpu.memref_squeeze %dma_wait3A_223 : memref<1x64x128xf32, #tpu.memory_space<hbm>> -> memref<64x128xf32, #tpu.memory_space<hbm>>
        %dma_wait3A_225 = arith.constant 0 : i32
        %dma_wait3A_226 = tpu.memref_slice %arg6[%run_scoped3A_194, %add3A_193, %dma_wait3A_225] : memref<1x10240x128xf32, #tpu.memory_space<hbm>> -> memref<1x64x128xf32, #tpu.memory_space<hbm>>
        %dma_wait3A_227 = tpu.memref_squeeze %dma_wait3A_226 : memref<1x64x128xf32, #tpu.memory_space<hbm>> -> memref<64x128xf32, #tpu.memory_space<hbm>>
        tpu.wait_dma2 semaphore(%run_scoped3A_216 : memref<!tpu.dma_semaphore, #tpu.memory_space<semaphore_mem>>) src(%arg11 : memref<64x128xf32, #tpu.memory_space<vmem>>) dst(%dma_wait3A_227 : memref<64x128xf32, #tpu.memory_space<hbm>>)
        tpu.yield
      }) : () -> ()
      %add3A_195 = arith.constant 384 : i32
      %add3A_196 = arith.addi %mul3A_2, %add3A_195 : i32
      "tpu.region"() ({
        %run_scoped3A_216 = tpu.sem_alloc : memref<!tpu.dma_semaphore, #tpu.memory_space<semaphore_mem>>
        %dma_start3A = arith.constant 0 : i32
        %dma_start3A_217 = tpu.memref_slice %arg22[%add3A_196, %dma_start3A] : memref<10240x128xf32, #tpu.memory_space<vmem_shared>> -> memref<64x128xf32, #tpu.memory_space<vmem_shared>>
        %dma_start3A_218 = arith.constant 0 : i32
        %dma_start3A_219 = tpu.memref_slice %arg22[%add3A_196, %dma_start3A_218] : memref<10240x128xf32, #tpu.memory_space<vmem_shared>> -> memref<64x128xf32, #tpu.memory_space<vmem_shared>>
        tpu.enqueue_dma source(%dma_start3A_219 : memref<64x128xf32, #tpu.memory_space<vmem_shared>>) target(%arg10 : memref<64x128xf32, #tpu.memory_space<vmem>>) target_semaphore(%run_scoped3A_216 : memref<!tpu.dma_semaphore, #tpu.memory_space<semaphore_mem>>)
        %dma_wait3A_220 = arith.constant 0 : i32
        %dma_wait3A_221 = tpu.memref_slice %arg22[%add3A_196, %dma_wait3A_220] : memref<10240x128xf32, #tpu.memory_space<vmem_shared>> -> memref<64x128xf32, #tpu.memory_space<vmem_shared>>
        %dma_wait3A_222 = arith.constant 0 : i32
        %dma_wait3A_223 = tpu.memref_slice %arg22[%add3A_196, %dma_wait3A_222] : memref<10240x128xf32, #tpu.memory_space<vmem_shared>> -> memref<64x128xf32, #tpu.memory_space<vmem_shared>>
        tpu.wait_dma2 semaphore(%run_scoped3A_216 : memref<!tpu.dma_semaphore, #tpu.memory_space<semaphore_mem>>) src(%dma_wait3A_223 : memref<64x128xf32, #tpu.memory_space<vmem_shared>>) dst(%arg10 : memref<64x128xf32, #tpu.memory_space<vmem>>)
        tpu.yield
      }) : () -> ()
      %add3A_197 = arith.constant 384 : i32
      %add3A_198 = arith.addi %mul3A_2, %add3A_197 : i32
      %run_scoped3A_199 = arith.constant 0 : i32
      "tpu.region"() ({
        %run_scoped3A_216 = tpu.sem_alloc : memref<!tpu.dma_semaphore, #tpu.memory_space<semaphore_mem>>
        %dma_start3A = arith.constant 0 : i32
        %dma_start3A_217 = tpu.memref_slice %arg6[%run_scoped3A_199, %add3A_198, %dma_start3A] : memref<1x10240x128xf32, #tpu.memory_space<hbm>> -> memref<1x64x128xf32, #tpu.memory_space<hbm>>
        %dma_start3A_218 = tpu.memref_squeeze %dma_start3A_217 : memref<1x64x128xf32, #tpu.memory_space<hbm>> -> memref<64x128xf32, #tpu.memory_space<hbm>>
        %dma_start3A_219 = arith.constant 0 : i32
        %dma_start3A_220 = tpu.memref_slice %arg6[%run_scoped3A_199, %add3A_198, %dma_start3A_219] : memref<1x10240x128xf32, #tpu.memory_space<hbm>> -> memref<1x64x128xf32, #tpu.memory_space<hbm>>
        %dma_start3A_221 = tpu.memref_squeeze %dma_start3A_220 : memref<1x64x128xf32, #tpu.memory_space<hbm>> -> memref<64x128xf32, #tpu.memory_space<hbm>>
        tpu.enqueue_dma source(%arg10 : memref<64x128xf32, #tpu.memory_space<vmem>>) target(%dma_start3A_221 : memref<64x128xf32, #tpu.memory_space<hbm>>) target_semaphore(%run_scoped3A_216 : memref<!tpu.dma_semaphore, #tpu.memory_space<semaphore_mem>>)
        %dma_wait3A_222 = arith.constant 0 : i32
        %dma_wait3A_223 = tpu.memref_slice %arg6[%run_scoped3A_199, %add3A_198, %dma_wait3A_222] : memref<1x10240x128xf32, #tpu.memory_space<hbm>> -> memref<1x64x128xf32, #tpu.memory_space<hbm>>
        %dma_wait3A_224 = tpu.memref_squeeze %dma_wait3A_223 : memref<1x64x128xf32, #tpu.memory_space<hbm>> -> memref<64x128xf32, #tpu.memory_space<hbm>>
        %dma_wait3A_225 = arith.constant 0 : i32
        %dma_wait3A_226 = tpu.memref_slice %arg6[%run_scoped3A_199, %add3A_198, %dma_wait3A_225] : memref<1x10240x128xf32, #tpu.memory_space<hbm>> -> memref<1x64x128xf32, #tpu.memory_space<hbm>>
        %dma_wait3A_227 = tpu.memref_squeeze %dma_wait3A_226 : memref<1x64x128xf32, #tpu.memory_space<hbm>> -> memref<64x128xf32, #tpu.memory_space<hbm>>
        tpu.wait_dma2 semaphore(%run_scoped3A_216 : memref<!tpu.dma_semaphore, #tpu.memory_space<semaphore_mem>>) src(%arg10 : memref<64x128xf32, #tpu.memory_space<vmem>>) dst(%dma_wait3A_227 : memref<64x128xf32, #tpu.memory_space<hbm>>)
        tpu.yield
      }) : () -> ()
      %add3A_200 = arith.constant 448 : i32
      %add3A_201 = arith.addi %mul3A_2, %add3A_200 : i32
      "tpu.region"() ({
        %run_scoped3A_216 = tpu.sem_alloc : memref<!tpu.dma_semaphore, #tpu.memory_space<semaphore_mem>>
        %dma_start3A = arith.constant 0 : i32
        %dma_start3A_217 = tpu.memref_slice %arg22[%add3A_201, %dma_start3A] : memref<10240x128xf32, #tpu.memory_space<vmem_shared>> -> memref<64x128xf32, #tpu.memory_space<vmem_shared>>
        %dma_start3A_218 = arith.constant 0 : i32
        %dma_start3A_219 = tpu.memref_slice %arg22[%add3A_201, %dma_start3A_218] : memref<10240x128xf32, #tpu.memory_space<vmem_shared>> -> memref<64x128xf32, #tpu.memory_space<vmem_shared>>
        tpu.enqueue_dma source(%dma_start3A_219 : memref<64x128xf32, #tpu.memory_space<vmem_shared>>) target(%arg11 : memref<64x128xf32, #tpu.memory_space<vmem>>) target_semaphore(%run_scoped3A_216 : memref<!tpu.dma_semaphore, #tpu.memory_space<semaphore_mem>>)
        %dma_wait3A_220 = arith.constant 0 : i32
        %dma_wait3A_221 = tpu.memref_slice %arg22[%add3A_201, %dma_wait3A_220] : memref<10240x128xf32, #tpu.memory_space<vmem_shared>> -> memref<64x128xf32, #tpu.memory_space<vmem_shared>>
        %dma_wait3A_222 = arith.constant 0 : i32
        %dma_wait3A_223 = tpu.memref_slice %arg22[%add3A_201, %dma_wait3A_222] : memref<10240x128xf32, #tpu.memory_space<vmem_shared>> -> memref<64x128xf32, #tpu.memory_space<vmem_shared>>
        tpu.wait_dma2 semaphore(%run_scoped3A_216 : memref<!tpu.dma_semaphore, #tpu.memory_space<semaphore_mem>>) src(%dma_wait3A_223 : memref<64x128xf32, #tpu.memory_space<vmem_shared>>) dst(%arg11 : memref<64x128xf32, #tpu.memory_space<vmem>>)
        tpu.yield
      }) : () -> ()
      %add3A_202 = arith.constant 448 : i32
      %add3A_203 = arith.addi %mul3A_2, %add3A_202 : i32
      %run_scoped3A_204 = arith.constant 0 : i32
      "tpu.region"() ({
        %run_scoped3A_216 = tpu.sem_alloc : memref<!tpu.dma_semaphore, #tpu.memory_space<semaphore_mem>>
        %dma_start3A = arith.constant 0 : i32
        %dma_start3A_217 = tpu.memref_slice %arg6[%run_scoped3A_204, %add3A_203, %dma_start3A] : memref<1x10240x128xf32, #tpu.memory_space<hbm>> -> memref<1x64x128xf32, #tpu.memory_space<hbm>>
        %dma_start3A_218 = tpu.memref_squeeze %dma_start3A_217 : memref<1x64x128xf32, #tpu.memory_space<hbm>> -> memref<64x128xf32, #tpu.memory_space<hbm>>
        %dma_start3A_219 = arith.constant 0 : i32
        %dma_start3A_220 = tpu.memref_slice %arg6[%run_scoped3A_204, %add3A_203, %dma_start3A_219] : memref<1x10240x128xf32, #tpu.memory_space<hbm>> -> memref<1x64x128xf32, #tpu.memory_space<hbm>>
        %dma_start3A_221 = tpu.memref_squeeze %dma_start3A_220 : memref<1x64x128xf32, #tpu.memory_space<hbm>> -> memref<64x128xf32, #tpu.memory_space<hbm>>
        tpu.enqueue_dma source(%arg11 : memref<64x128xf32, #tpu.memory_space<vmem>>) target(%dma_start3A_221 : memref<64x128xf32, #tpu.memory_space<hbm>>) target_semaphore(%run_scoped3A_216 : memref<!tpu.dma_semaphore, #tpu.memory_space<semaphore_mem>>)
        %dma_wait3A_222 = arith.constant 0 : i32
        %dma_wait3A_223 = tpu.memref_slice %arg6[%run_scoped3A_204, %add3A_203, %dma_wait3A_222] : memref<1x10240x128xf32, #tpu.memory_space<hbm>> -> memref<1x64x128xf32, #tpu.memory_space<hbm>>
        %dma_wait3A_224 = tpu.memref_squeeze %dma_wait3A_223 : memref<1x64x128xf32, #tpu.memory_space<hbm>> -> memref<64x128xf32, #tpu.memory_space<hbm>>
        %dma_wait3A_225 = arith.constant 0 : i32
        %dma_wait3A_226 = tpu.memref_slice %arg6[%run_scoped3A_204, %add3A_203, %dma_wait3A_225] : memref<1x10240x128xf32, #tpu.memory_space<hbm>> -> memref<1x64x128xf32, #tpu.memory_space<hbm>>
        %dma_wait3A_227 = tpu.memref_squeeze %dma_wait3A_226 : memref<1x64x128xf32, #tpu.memory_space<hbm>> -> memref<64x128xf32, #tpu.memory_space<hbm>>
        tpu.wait_dma2 semaphore(%run_scoped3A_216 : memref<!tpu.dma_semaphore, #tpu.memory_space<semaphore_mem>>) src(%arg11 : memref<64x128xf32, #tpu.memory_space<vmem>>) dst(%dma_wait3A_227 : memref<64x128xf32, #tpu.memory_space<hbm>>)
        tpu.yield
      }) : () -> ()
      %add3A_205 = arith.constant 512 : i32
      %add3A_206 = arith.addi %mul3A_2, %add3A_205 : i32
      "tpu.region"() ({
        %run_scoped3A_216 = tpu.sem_alloc : memref<!tpu.dma_semaphore, #tpu.memory_space<semaphore_mem>>
        %dma_start3A = arith.constant 0 : i32
        %dma_start3A_217 = tpu.memref_slice %arg22[%add3A_206, %dma_start3A] : memref<10240x128xf32, #tpu.memory_space<vmem_shared>> -> memref<64x128xf32, #tpu.memory_space<vmem_shared>>
        %dma_start3A_218 = arith.constant 0 : i32
        %dma_start3A_219 = tpu.memref_slice %arg22[%add3A_206, %dma_start3A_218] : memref<10240x128xf32, #tpu.memory_space<vmem_shared>> -> memref<64x128xf32, #tpu.memory_space<vmem_shared>>
        tpu.enqueue_dma source(%dma_start3A_219 : memref<64x128xf32, #tpu.memory_space<vmem_shared>>) target(%arg10 : memref<64x128xf32, #tpu.memory_space<vmem>>) target_semaphore(%run_scoped3A_216 : memref<!tpu.dma_semaphore, #tpu.memory_space<semaphore_mem>>)
        %dma_wait3A_220 = arith.constant 0 : i32
        %dma_wait3A_221 = tpu.memref_slice %arg22[%add3A_206, %dma_wait3A_220] : memref<10240x128xf32, #tpu.memory_space<vmem_shared>> -> memref<64x128xf32, #tpu.memory_space<vmem_shared>>
        %dma_wait3A_222 = arith.constant 0 : i32
        %dma_wait3A_223 = tpu.memref_slice %arg22[%add3A_206, %dma_wait3A_222] : memref<10240x128xf32, #tpu.memory_space<vmem_shared>> -> memref<64x128xf32, #tpu.memory_space<vmem_shared>>
        tpu.wait_dma2 semaphore(%run_scoped3A_216 : memref<!tpu.dma_semaphore, #tpu.memory_space<semaphore_mem>>) src(%dma_wait3A_223 : memref<64x128xf32, #tpu.memory_space<vmem_shared>>) dst(%arg10 : memref<64x128xf32, #tpu.memory_space<vmem>>)
        tpu.yield
      }) : () -> ()
      %add3A_207 = arith.constant 512 : i32
      %add3A_208 = arith.addi %mul3A_2, %add3A_207 : i32
      %run_scoped3A_209 = arith.constant 0 : i32
      "tpu.region"() ({
        %run_scoped3A_216 = tpu.sem_alloc : memref<!tpu.dma_semaphore, #tpu.memory_space<semaphore_mem>>
        %dma_start3A = arith.constant 0 : i32
        %dma_start3A_217 = tpu.memref_slice %arg6[%run_scoped3A_209, %add3A_208, %dma_start3A] : memref<1x10240x128xf32, #tpu.memory_space<hbm>> -> memref<1x64x128xf32, #tpu.memory_space<hbm>>
        %dma_start3A_218 = tpu.memref_squeeze %dma_start3A_217 : memref<1x64x128xf32, #tpu.memory_space<hbm>> -> memref<64x128xf32, #tpu.memory_space<hbm>>
        %dma_start3A_219 = arith.constant 0 : i32
        %dma_start3A_220 = tpu.memref_slice %arg6[%run_scoped3A_209, %add3A_208, %dma_start3A_219] : memref<1x10240x128xf32, #tpu.memory_space<hbm>> -> memref<1x64x128xf32, #tpu.memory_space<hbm>>
        %dma_start3A_221 = tpu.memref_squeeze %dma_start3A_220 : memref<1x64x128xf32, #tpu.memory_space<hbm>> -> memref<64x128xf32, #tpu.memory_space<hbm>>
        tpu.enqueue_dma source(%arg10 : memref<64x128xf32, #tpu.memory_space<vmem>>) target(%dma_start3A_221 : memref<64x128xf32, #tpu.memory_space<hbm>>) target_semaphore(%run_scoped3A_216 : memref<!tpu.dma_semaphore, #tpu.memory_space<semaphore_mem>>)
        %dma_wait3A_222 = arith.constant 0 : i32
        %dma_wait3A_223 = tpu.memref_slice %arg6[%run_scoped3A_209, %add3A_208, %dma_wait3A_222] : memref<1x10240x128xf32, #tpu.memory_space<hbm>> -> memref<1x64x128xf32, #tpu.memory_space<hbm>>
        %dma_wait3A_224 = tpu.memref_squeeze %dma_wait3A_223 : memref<1x64x128xf32, #tpu.memory_space<hbm>> -> memref<64x128xf32, #tpu.memory_space<hbm>>
        %dma_wait3A_225 = arith.constant 0 : i32
        %dma_wait3A_226 = tpu.memref_slice %arg6[%run_scoped3A_209, %add3A_208, %dma_wait3A_225] : memref<1x10240x128xf32, #tpu.memory_space<hbm>> -> memref<1x64x128xf32, #tpu.memory_space<hbm>>
        %dma_wait3A_227 = tpu.memref_squeeze %dma_wait3A_226 : memref<1x64x128xf32, #tpu.memory_space<hbm>> -> memref<64x128xf32, #tpu.memory_space<hbm>>
        tpu.wait_dma2 semaphore(%run_scoped3A_216 : memref<!tpu.dma_semaphore, #tpu.memory_space<semaphore_mem>>) src(%arg10 : memref<64x128xf32, #tpu.memory_space<vmem>>) dst(%dma_wait3A_227 : memref<64x128xf32, #tpu.memory_space<hbm>>)
        tpu.yield
      }) : () -> ()
      %add3A_210 = arith.constant 576 : i32
      %add3A_211 = arith.addi %mul3A_2, %add3A_210 : i32
      "tpu.region"() ({
        %run_scoped3A_216 = tpu.sem_alloc : memref<!tpu.dma_semaphore, #tpu.memory_space<semaphore_mem>>
        %dma_start3A = arith.constant 0 : i32
        %dma_start3A_217 = tpu.memref_slice %arg22[%add3A_211, %dma_start3A] : memref<10240x128xf32, #tpu.memory_space<vmem_shared>> -> memref<64x128xf32, #tpu.memory_space<vmem_shared>>
        %dma_start3A_218 = arith.constant 0 : i32
        %dma_start3A_219 = tpu.memref_slice %arg22[%add3A_211, %dma_start3A_218] : memref<10240x128xf32, #tpu.memory_space<vmem_shared>> -> memref<64x128xf32, #tpu.memory_space<vmem_shared>>
        tpu.enqueue_dma source(%dma_start3A_219 : memref<64x128xf32, #tpu.memory_space<vmem_shared>>) target(%arg11 : memref<64x128xf32, #tpu.memory_space<vmem>>) target_semaphore(%run_scoped3A_216 : memref<!tpu.dma_semaphore, #tpu.memory_space<semaphore_mem>>)
        %dma_wait3A_220 = arith.constant 0 : i32
        %dma_wait3A_221 = tpu.memref_slice %arg22[%add3A_211, %dma_wait3A_220] : memref<10240x128xf32, #tpu.memory_space<vmem_shared>> -> memref<64x128xf32, #tpu.memory_space<vmem_shared>>
        %dma_wait3A_222 = arith.constant 0 : i32
        %dma_wait3A_223 = tpu.memref_slice %arg22[%add3A_211, %dma_wait3A_222] : memref<10240x128xf32, #tpu.memory_space<vmem_shared>> -> memref<64x128xf32, #tpu.memory_space<vmem_shared>>
        tpu.wait_dma2 semaphore(%run_scoped3A_216 : memref<!tpu.dma_semaphore, #tpu.memory_space<semaphore_mem>>) src(%dma_wait3A_223 : memref<64x128xf32, #tpu.memory_space<vmem_shared>>) dst(%arg11 : memref<64x128xf32, #tpu.memory_space<vmem>>)
        tpu.yield
      }) : () -> ()
      %add3A_212 = arith.constant 576 : i32
      %add3A_213 = arith.addi %mul3A_2, %add3A_212 : i32
      %run_scoped3A_214 = arith.constant 0 : i32
      "tpu.region"() ({
        %run_scoped3A_216 = tpu.sem_alloc : memref<!tpu.dma_semaphore, #tpu.memory_space<semaphore_mem>>
        %dma_start3A = arith.constant 0 : i32
        %dma_start3A_217 = tpu.memref_slice %arg6[%run_scoped3A_214, %add3A_213, %dma_start3A] : memref<1x10240x128xf32, #tpu.memory_space<hbm>> -> memref<1x64x128xf32, #tpu.memory_space<hbm>>
        %dma_start3A_218 = tpu.memref_squeeze %dma_start3A_217 : memref<1x64x128xf32, #tpu.memory_space<hbm>> -> memref<64x128xf32, #tpu.memory_space<hbm>>
        %dma_start3A_219 = arith.constant 0 : i32
        %dma_start3A_220 = tpu.memref_slice %arg6[%run_scoped3A_214, %add3A_213, %dma_start3A_219] : memref<1x10240x128xf32, #tpu.memory_space<hbm>> -> memref<1x64x128xf32, #tpu.memory_space<hbm>>
        %dma_start3A_221 = tpu.memref_squeeze %dma_start3A_220 : memref<1x64x128xf32, #tpu.memory_space<hbm>> -> memref<64x128xf32, #tpu.memory_space<hbm>>
        tpu.enqueue_dma source(%arg11 : memref<64x128xf32, #tpu.memory_space<vmem>>) target(%dma_start3A_221 : memref<64x128xf32, #tpu.memory_space<hbm>>) target_semaphore(%run_scoped3A_216 : memref<!tpu.dma_semaphore, #tpu.memory_space<semaphore_mem>>)
        %dma_wait3A_222 = arith.constant 0 : i32
        %dma_wait3A_223 = tpu.memref_slice %arg6[%run_scoped3A_214, %add3A_213, %dma_wait3A_222] : memref<1x10240x128xf32, #tpu.memory_space<hbm>> -> memref<1x64x128xf32, #tpu.memory_space<hbm>>
        %dma_wait3A_224 = tpu.memref_squeeze %dma_wait3A_223 : memref<1x64x128xf32, #tpu.memory_space<hbm>> -> memref<64x128xf32, #tpu.memory_space<hbm>>
        %dma_wait3A_225 = arith.constant 0 : i32
        %dma_wait3A_226 = tpu.memref_slice %arg6[%run_scoped3A_214, %add3A_213, %dma_wait3A_225] : memref<1x10240x128xf32, #tpu.memory_space<hbm>> -> memref<1x64x128xf32, #tpu.memory_space<hbm>>
        %dma_wait3A_227 = tpu.memref_squeeze %dma_wait3A_226 : memref<1x64x128xf32, #tpu.memory_space<hbm>> -> memref<64x128xf32, #tpu.memory_space<hbm>>
        tpu.wait_dma2 semaphore(%run_scoped3A_216 : memref<!tpu.dma_semaphore, #tpu.memory_space<semaphore_mem>>) src(%arg11 : memref<64x128xf32, #tpu.memory_space<vmem>>) dst(%dma_wait3A_227 : memref<64x128xf32, #tpu.memory_space<hbm>>)
        tpu.yield
      }) : () -> ()
      %barrier3A_215 = arith.constant 0 : index
      tpu.barrier barrier_id(%barrier3A_215)
      "tpu.trace_stop"() : () -> ()
    } else {
    }
    return
  }
}

module attributes {stable_mosaic.version = 14 : i64} {
  func.func @_prep_body(%arg0: i32, %arg1: memref<1024x1xf32, #tpu.memory_space<vmem>>, %arg2: memref<1024x1xf32, #tpu.memory_space<vmem>>, %arg3: memref<1024x256xf32, #tpu.memory_space<vmem>>, %arg4: memref<1024x128xf32, #tpu.memory_space<vmem>>, %arg5: memref<1024x128xf32, #tpu.memory_space<vmem>>, %arg6: memref<1024x1xf32, #tpu.memory_space<vmem>>) attributes {dimension_semantics = [#tpu.dimension_semantics<arbitrary>], iteration_bounds = array<i64: 10>, scalar_prefetch = 0 : i64, scratch_operands = 0 : i64, tpu.core_type = #tpu.core_type<tc>, window_params = [{transform_indices = @transform_0, window_bounds = array<i64: 1024, 1>}, {transform_indices = @transform_1, window_bounds = array<i64: 1024, 1>}, {transform_indices = @transform_2, window_bounds = array<i64: 1024, 256>}, {transform_indices = @transform_3, window_bounds = array<i64: 1024, 128>}, {transform_indices = @transform_4, window_bounds = array<i64: 1024, 128>}, {transform_indices = @transform_5, window_bounds = array<i64: 1024, 1>}]} {
    %get3A = arith.constant 0 : index
    %get3A_0 = arith.constant 0 : index
    %get3A_1 = vector.load %arg1[%get3A, %get3A_0] : memref<1024x1xf32, #tpu.memory_space<vmem>>, vector<1024x1xf32>
    %get3A_2 = arith.constant 0 : index
    %get3A_3 = arith.constant 0 : index
    %get3A_4 = vector.load %arg2[%get3A_2, %get3A_3] : memref<1024x1xf32, #tpu.memory_space<vmem>>, vector<1024x1xf32>
    %add3A = arith.addf %get3A_1, %get3A_4 : vector<1024x1xf32>
    %add3A_5 = arith.constant 1.000000e+00 : f32
    %add3A_6 = vector.broadcast %add3A_5 : f32 to vector<1024x1xf32>
    %add3A_7 = arith.addf %add3A, %add3A_6 : vector<1024x1xf32>
    %rsqrt3A = math.rsqrt %add3A_7 : vector<1024x1xf32>
    %get3A_8 = arith.constant 0 : index
    %get3A_9 = arith.constant 0 : index
    %get3A_10 = vector.load %arg3[%get3A_8, %get3A_9] : memref<1024x256xf32, #tpu.memory_space<vmem>>, vector<1024x256xf32>
    %mul3A = vector.broadcast %rsqrt3A : vector<1024x1xf32> to vector<1024x256xf32>
    %mul3A_11 = arith.mulf %get3A_10, %mul3A : vector<1024x256xf32>
    %slice3A = vector.extract_strided_slice %mul3A_11 {offsets = [0, 0], sizes = [1024, 128], strides = [1, 1]} : vector<1024x256xf32> to vector<1024x128xf32>
    %swap3A = arith.constant 0 : index
    %swap3A_12 = arith.constant 0 : index
    %swap3A_13 = vector.load %arg4[%swap3A, %swap3A_12] : memref<1024x128xf32, #tpu.memory_space<vmem>>, vector<1024x128xf32>
    tpu.vector_store %arg4[%swap3A, %swap3A_12], %slice3A {strides = array<i32>} : memref<1024x128xf32, #tpu.memory_space<vmem>>, vector<1024x128xf32>,
    %slice3A_14 = vector.extract_strided_slice %mul3A_11 {offsets = [0, 128], sizes = [1024, 128], strides = [1, 1]} : vector<1024x256xf32> to vector<1024x128xf32>
    %swap3A_15 = arith.constant 0 : index
    %swap3A_16 = arith.constant 0 : index
    %swap3A_17 = vector.load %arg5[%swap3A_15, %swap3A_16] : memref<1024x128xf32, #tpu.memory_space<vmem>>, vector<1024x128xf32>
    tpu.vector_store %arg5[%swap3A_15, %swap3A_16], %slice3A_14 {strides = array<i32>} : memref<1024x128xf32, #tpu.memory_space<vmem>>, vector<1024x128xf32>,
    %swap3A_18 = arith.constant 0 : index
    %swap3A_19 = arith.constant 0 : index
    %swap3A_20 = vector.load %arg6[%swap3A_18, %swap3A_19] : memref<1024x1xf32, #tpu.memory_space<vmem>>, vector<1024x1xf32>
    tpu.vector_store %arg6[%swap3A_18, %swap3A_19], %rsqrt3A {strides = array<i32>} : memref<1024x1xf32, #tpu.memory_space<vmem>>, vector<1024x1xf32>,
    return
  }
  func.func @transform_0(%arg0: i32) -> (i32, i32) {
    %c0_i32 = arith.constant 0 : i32
    %c0_i32_0 = arith.constant 0 : i32
    return %arg0, %c0_i32 : i32, i32
  }
  func.func @transform_1(%arg0: i32) -> (i32, i32) {
    %c0_i32 = arith.constant 0 : i32
    %c0_i32_0 = arith.constant 0 : i32
    return %arg0, %c0_i32 : i32, i32
  }
  func.func @transform_2(%arg0: i32) -> (i32, i32) {
    %c0_i32 = arith.constant 0 : i32
    %c0_i32_0 = arith.constant 0 : i32
    return %arg0, %c0_i32 : i32, i32
  }
  func.func @transform_3(%arg0: i32) -> (i32, i32) {
    %c0_i32 = arith.constant 0 : i32
    %c0_i32_0 = arith.constant 0 : i32
    return %arg0, %c0_i32 : i32, i32
  }
  func.func @transform_4(%arg0: i32) -> (i32, i32) {
    %c0_i32 = arith.constant 0 : i32
    %c0_i32_0 = arith.constant 0 : i32
    return %arg0, %c0_i32 : i32, i32
  }
  func.func @transform_5(%arg0: i32) -> (i32, i32) {
    %c0_i32 = arith.constant 0 : i32
    %c0_i32_0 = arith.constant 0 : i32
    return %arg0, %c0_i32 : i32, i32
  }
}

module attributes {stable_mosaic.version = 14 : i64} {
  func.func @_dense_body(%arg0: i32, %arg1: memref<1x256x128xf32, #tpu.memory_space<vmem>>, %arg2: memref<1x256x128xf32, #tpu.memory_space<vmem>>, %arg3: memref<256x128xf32, #tpu.memory_space<vmem>>, %arg4: memref<256x128xf32, #tpu.memory_space<vmem>>, %arg5: memref<256x1xf32, #tpu.memory_space<vmem>>, %arg6: memref<256x4096xf32, #tpu.memory_space<vmem>>, %arg7: memref<1x4096xf32, #tpu.memory_space<vmem>>, %arg8: memref<1x8xf32, #tpu.memory_space<vmem>>, %arg9: memref<256x1xf32, #tpu.memory_space<vmem>>, %arg10: memref<256x1xf32, #tpu.memory_space<vmem>>, %arg11: memref<1x1xf32, #tpu.memory_space<vmem>>, %arg12: memref<1x1xf32, #tpu.memory_space<vmem>>, %arg13: memref<1x1xf32, #tpu.memory_space<vmem>>) attributes {dimension_semantics = [#tpu.dimension_semantics<arbitrary>], iteration_bounds = array<i64: 40>, scalar_prefetch = 0 : i64, scratch_operands = 0 : i64, tpu.core_type = #tpu.core_type<tc>, window_params = [{transform_indices = @transform_0, window_bounds = array<i64: 1, 256, 128>}, {transform_indices = @transform_1, window_bounds = array<i64: 1, 256, 128>}, {transform_indices = @transform_2, window_bounds = array<i64: 256, 128>}, {transform_indices = @transform_3, window_bounds = array<i64: 256, 128>}, {transform_indices = @transform_4, window_bounds = array<i64: 256, 1>}, {pipeline_mode = #tpu.pipeline_mode<synchronous>, transform_indices = @transform_5, window_bounds = array<i64: 256, 4096>}, {pipeline_mode = #tpu.pipeline_mode<synchronous>, transform_indices = @transform_6, window_bounds = array<i64: 1, 4096>}, {pipeline_mode = #tpu.pipeline_mode<synchronous>, transform_indices = @transform_7, window_bounds = array<i64: 1, 8>}, {pipeline_mode = #tpu.pipeline_mode<synchronous>, transform_indices = @transform_8, window_bounds = array<i64: 256, 1>}, {transform_indices = @transform_9, window_bounds = array<i64: 256, 1>}, {pipeline_mode = #tpu.pipeline_mode<synchronous>, transform_indices = @transform_10, window_bounds = array<i64: 1, 1>}, {pipeline_mode = #tpu.pipeline_mode<synchronous>, transform_indices = @transform_11, window_bounds = array<i64: 1, 1>}, {pipeline_mode = #tpu.pipeline_mode<synchronous>, transform_indices = @transform_12, window_bounds = array<i64: 1, 1>}]} {
    %get3A = arith.constant 0 : index
    %get3A_0 = arith.constant 0 : index
    %get3A_1 = arith.constant 0 : index
    %get3A_2 = vector.load %arg1[%get3A, %get3A_0, %get3A_1] : memref<1x256x128xf32, #tpu.memory_space<vmem>>, vector<1x256x128xf32>
    %get3A_3 = vector.shape_cast %get3A_2 : vector<1x256x128xf32> to vector<256x128xf32>
    %get3A_4 = arith.constant 0 : index
    %get3A_5 = arith.constant 0 : index
    %get3A_6 = vector.load %arg3[%get3A_4, %get3A_5] : memref<256x128xf32, #tpu.memory_space<vmem>>, vector<256x128xf32>
    %add3A = arith.addf %get3A_3, %get3A_6 : vector<256x128xf32>
    %get3A_7 = arith.constant 0 : index
    %get3A_8 = arith.constant 0 : index
    %get3A_9 = arith.constant 0 : index
    %get3A_10 = vector.load %arg2[%get3A_7, %get3A_8, %get3A_9] : memref<1x256x128xf32, #tpu.memory_space<vmem>>, vector<1x256x128xf32>
    %get3A_11 = vector.shape_cast %get3A_10 : vector<1x256x128xf32> to vector<256x128xf32>
    %get3A_12 = arith.constant 0 : index
    %get3A_13 = arith.constant 0 : index
    %get3A_14 = vector.load %arg4[%get3A_12, %get3A_13] : memref<256x128xf32, #tpu.memory_space<vmem>>, vector<256x128xf32>
    %add3A_15 = arith.addf %get3A_11, %get3A_14 : vector<256x128xf32>
    %concatenate3A = tpu.concatenate %add3A, %add3A_15 in 1 : vector<256x128xf32>, vector<256x128xf32> -> vector<256x256xf32>
    %get3A_16 = arith.constant 0 : index
    %get3A_17 = arith.constant 0 : index
    %get3A_18 = vector.load %arg5[%get3A_16, %get3A_17] : memref<256x1xf32, #tpu.memory_space<vmem>>, vector<256x1xf32>
    %mul3A = vector.broadcast %get3A_18 : vector<256x1xf32> to vector<256x256xf32>
    %mul3A_19 = arith.mulf %concatenate3A, %mul3A : vector<256x256xf32>
    %get3A_20 = arith.constant 0 : index
    %get3A_21 = arith.constant 0 : index
    %get3A_22 = vector.load %arg6[%get3A_20, %get3A_21] : memref<256x4096xf32, #tpu.memory_space<vmem>>, vector<256x4096xf32>
    %dot_general3A = arith.constant dense<0.000000e+00> : vector<256x4096xf32>
    %dot_general3A_23 = tpu.matmul %mul3A_19, %get3A_22, %dot_general3A {dimension_numbers = #tpu.dot_dimension_numbers<[1], [0], [0], [1], [0, 0, 1, 1], [], []>, precision = #tpu.contract_precision<fp32>, transpose_lhs_hint = false} : vector<256x256xf32>, vector<256x4096xf32>, vector<256x4096xf32> -> vector<256x4096xf32>
    %get3A_24 = arith.constant 0 : index
    %get3A_25 = arith.constant 0 : index
    %get3A_26 = vector.load %arg7[%get3A_24, %get3A_25] : memref<1x4096xf32, #tpu.memory_space<vmem>>, vector<1x4096xf32>
    %add3A_27 = vector.broadcast %get3A_26 : vector<1x4096xf32> to vector<256x4096xf32>
    %add3A_28 = arith.addf %dot_general3A_23, %add3A_27 : vector<256x4096xf32>
    %slice3A = vector.extract_strided_slice %add3A_28 {offsets = [0, 0], sizes = [256, 2048], strides = [1, 1]} : vector<256x4096xf32> to vector<256x2048xf32>
    %logistic3A = arith.negf %slice3A : vector<256x2048xf32>
    %logistic3A_29 = math.exp %logistic3A : vector<256x2048xf32>
    %logistic3A_30 = arith.constant 1.000000e+00 : f32
    %logistic3A_31 = vector.broadcast %logistic3A_30 : f32 to vector<256x2048xf32>
    %logistic3A_32 = arith.addf %logistic3A_31, %logistic3A_29 : vector<256x2048xf32>
    %logistic3A_33 = arith.divf %logistic3A_31, %logistic3A_32 : vector<256x2048xf32>
    %slice3A_34 = vector.extract_strided_slice %add3A_28 {offsets = [0, 2048], sizes = [256, 2048], strides = [1, 1]} : vector<256x4096xf32> to vector<256x2048xf32>
    %tanh3A = math.tanh %slice3A_34 : vector<256x2048xf32>
    %get3A_35 = arith.constant 0 : index
    %get3A_36 = arith.constant 0 : index
    %get3A_37 = vector.load %arg8[%get3A_35, %get3A_36] : memref<1x8xf32, #tpu.memory_space<vmem>>, vector<1x8xf32>
    %reduce_max3A = arith.constant dense<0xFF800000> : vector<1xf32>
    %reduce_max3A_38 = vector.multi_reduction <maximumf>, %get3A_37, %reduce_max3A [1] : vector<1x8xf32> to vector<1xf32>
    %max3A = arith.constant 0xFF800000 : f32
    %max3A_39 = vector.broadcast %max3A : f32 to vector<1xf32>
    %max3A_40 = arith.maximumf %max3A_39, %reduce_max3A_38 : vector<1xf32>
    %broadcast_in_dim3A = vector.shape_cast %max3A_40 : vector<1xf32> to vector<1x1xf32>
    %sub3A = vector.broadcast %broadcast_in_dim3A : vector<1x1xf32> to vector<1x8xf32>
    %sub3A_41 = arith.subf %get3A_37, %sub3A : vector<1x8xf32>
    %exp3A = math.exp %sub3A_41 : vector<1x8xf32>
    %reduce_sum3A = arith.constant dense<0.000000e+00> : vector<1xf32>
    %reduce_sum3A_42 = vector.multi_reduction <add>, %exp3A, %reduce_sum3A [1] : vector<1x8xf32> to vector<1xf32>
    %broadcast_in_dim3A_43 = vector.shape_cast %reduce_sum3A_42 : vector<1xf32> to vector<1x1xf32>
    %div3A = vector.broadcast %broadcast_in_dim3A_43 : vector<1x1xf32> to vector<1x8xf32>
    %div3A_44 = arith.divf %exp3A, %div3A : vector<1x8xf32>
    %broadcast_in_dim3A_45 = arith.constant 0.000000e+00 : f32
    %broadcast_in_dim3A_46 = vector.broadcast %broadcast_in_dim3A_45 : f32 to vector<256x256xf32>
    %slice3A_47 = vector.extract_strided_slice %div3A_44 {offsets = [0, 0], sizes = [1, 1], strides = [1, 1]} : vector<1x8xf32> to vector<1x1xf32>
    %slice3A_48 = vector.extract_strided_slice %logistic3A_33 {offsets = [0, 0], sizes = [256, 256], strides = [1, 1]} : vector<256x2048xf32> to vector<256x256xf32>
    %sub3A_49 = arith.constant 1.000000e+00 : f32
    %sub3A_50 = vector.broadcast %sub3A_49 : f32 to vector<256x256xf32>
    %sub3A_51 = arith.subf %sub3A_50, %slice3A_48 : vector<256x256xf32>
    %mul3A_52 = vector.broadcast %slice3A_47 : vector<1x1xf32> to vector<256x256xf32>
    %mul3A_53 = arith.mulf %mul3A_52, %sub3A_51 : vector<256x256xf32>
    %slice3A_54 = vector.extract_strided_slice %tanh3A {offsets = [0, 0], sizes = [256, 256], strides = [1, 1]} : vector<256x2048xf32> to vector<256x256xf32>
    %mul3A_55 = arith.mulf %mul3A_53, %slice3A_54 : vector<256x256xf32>
    %add3A_56 = arith.addf %broadcast_in_dim3A_46, %mul3A_55 : vector<256x256xf32>
    %slice3A_57 = vector.extract_strided_slice %div3A_44 {offsets = [0, 1], sizes = [1, 1], strides = [1, 1]} : vector<1x8xf32> to vector<1x1xf32>
    %slice3A_58 = vector.extract_strided_slice %logistic3A_33 {offsets = [0, 256], sizes = [256, 256], strides = [1, 1]} : vector<256x2048xf32> to vector<256x256xf32>
    %sub3A_59 = arith.constant 1.000000e+00 : f32
    %sub3A_60 = vector.broadcast %sub3A_59 : f32 to vector<256x256xf32>
    %sub3A_61 = arith.subf %sub3A_60, %slice3A_58 : vector<256x256xf32>
    %mul3A_62 = vector.broadcast %slice3A_57 : vector<1x1xf32> to vector<256x256xf32>
    %mul3A_63 = arith.mulf %mul3A_62, %sub3A_61 : vector<256x256xf32>
    %slice3A_64 = vector.extract_strided_slice %tanh3A {offsets = [0, 256], sizes = [256, 256], strides = [1, 1]} : vector<256x2048xf32> to vector<256x256xf32>
    %mul3A_65 = arith.mulf %mul3A_63, %slice3A_64 : vector<256x256xf32>
    %add3A_66 = arith.addf %add3A_56, %mul3A_65 : vector<256x256xf32>
    %slice3A_67 = vector.extract_strided_slice %div3A_44 {offsets = [0, 2], sizes = [1, 1], strides = [1, 1]} : vector<1x8xf32> to vector<1x1xf32>
    %slice3A_68 = vector.extract_strided_slice %logistic3A_33 {offsets = [0, 512], sizes = [256, 256], strides = [1, 1]} : vector<256x2048xf32> to vector<256x256xf32>
    %sub3A_69 = arith.constant 1.000000e+00 : f32
    %sub3A_70 = vector.broadcast %sub3A_69 : f32 to vector<256x256xf32>
    %sub3A_71 = arith.subf %sub3A_70, %slice3A_68 : vector<256x256xf32>
    %mul3A_72 = vector.broadcast %slice3A_67 : vector<1x1xf32> to vector<256x256xf32>
    %mul3A_73 = arith.mulf %mul3A_72, %sub3A_71 : vector<256x256xf32>
    %slice3A_74 = vector.extract_strided_slice %tanh3A {offsets = [0, 512], sizes = [256, 256], strides = [1, 1]} : vector<256x2048xf32> to vector<256x256xf32>
    %mul3A_75 = arith.mulf %mul3A_73, %slice3A_74 : vector<256x256xf32>
    %add3A_76 = arith.addf %add3A_66, %mul3A_75 : vector<256x256xf32>
    %slice3A_77 = vector.extract_strided_slice %div3A_44 {offsets = [0, 3], sizes = [1, 1], strides = [1, 1]} : vector<1x8xf32> to vector<1x1xf32>
    %slice3A_78 = vector.extract_strided_slice %logistic3A_33 {offsets = [0, 768], sizes = [256, 256], strides = [1, 1]} : vector<256x2048xf32> to vector<256x256xf32>
    %sub3A_79 = arith.constant 1.000000e+00 : f32
    %sub3A_80 = vector.broadcast %sub3A_79 : f32 to vector<256x256xf32>
    %sub3A_81 = arith.subf %sub3A_80, %slice3A_78 : vector<256x256xf32>
    %mul3A_82 = vector.broadcast %slice3A_77 : vector<1x1xf32> to vector<256x256xf32>
    %mul3A_83 = arith.mulf %mul3A_82, %sub3A_81 : vector<256x256xf32>
    %slice3A_84 = vector.extract_strided_slice %tanh3A {offsets = [0, 768], sizes = [256, 256], strides = [1, 1]} : vector<256x2048xf32> to vector<256x256xf32>
    %mul3A_85 = arith.mulf %mul3A_83, %slice3A_84 : vector<256x256xf32>
    %add3A_86 = arith.addf %add3A_76, %mul3A_85 : vector<256x256xf32>
    %slice3A_87 = vector.extract_strided_slice %div3A_44 {offsets = [0, 4], sizes = [1, 1], strides = [1, 1]} : vector<1x8xf32> to vector<1x1xf32>
    %slice3A_88 = vector.extract_strided_slice %logistic3A_33 {offsets = [0, 1024], sizes = [256, 256], strides = [1, 1]} : vector<256x2048xf32> to vector<256x256xf32>
    %sub3A_89 = arith.constant 1.000000e+00 : f32
    %sub3A_90 = vector.broadcast %sub3A_89 : f32 to vector<256x256xf32>
    %sub3A_91 = arith.subf %sub3A_90, %slice3A_88 : vector<256x256xf32>
    %mul3A_92 = vector.broadcast %slice3A_87 : vector<1x1xf32> to vector<256x256xf32>
    %mul3A_93 = arith.mulf %mul3A_92, %sub3A_91 : vector<256x256xf32>
    %slice3A_94 = vector.extract_strided_slice %tanh3A {offsets = [0, 1024], sizes = [256, 256], strides = [1, 1]} : vector<256x2048xf32> to vector<256x256xf32>
    %mul3A_95 = arith.mulf %mul3A_93, %slice3A_94 : vector<256x256xf32>
    %add3A_96 = arith.addf %add3A_86, %mul3A_95 : vector<256x256xf32>
    %slice3A_97 = vector.extract_strided_slice %div3A_44 {offsets = [0, 5], sizes = [1, 1], strides = [1, 1]} : vector<1x8xf32> to vector<1x1xf32>
    %slice3A_98 = vector.extract_strided_slice %logistic3A_33 {offsets = [0, 1280], sizes = [256, 256], strides = [1, 1]} : vector<256x2048xf32> to vector<256x256xf32>
    %sub3A_99 = arith.constant 1.000000e+00 : f32
    %sub3A_100 = vector.broadcast %sub3A_99 : f32 to vector<256x256xf32>
    %sub3A_101 = arith.subf %sub3A_100, %slice3A_98 : vector<256x256xf32>
    %mul3A_102 = vector.broadcast %slice3A_97 : vector<1x1xf32> to vector<256x256xf32>
    %mul3A_103 = arith.mulf %mul3A_102, %sub3A_101 : vector<256x256xf32>
    %slice3A_104 = vector.extract_strided_slice %tanh3A {offsets = [0, 1280], sizes = [256, 256], strides = [1, 1]} : vector<256x2048xf32> to vector<256x256xf32>
    %mul3A_105 = arith.mulf %mul3A_103, %slice3A_104 : vector<256x256xf32>
    %add3A_106 = arith.addf %add3A_96, %mul3A_105 : vector<256x256xf32>
    %slice3A_107 = vector.extract_strided_slice %div3A_44 {offsets = [0, 6], sizes = [1, 1], strides = [1, 1]} : vector<1x8xf32> to vector<1x1xf32>
    %slice3A_108 = vector.extract_strided_slice %logistic3A_33 {offsets = [0, 1536], sizes = [256, 256], strides = [1, 1]} : vector<256x2048xf32> to vector<256x256xf32>
    %sub3A_109 = arith.constant 1.000000e+00 : f32
    %sub3A_110 = vector.broadcast %sub3A_109 : f32 to vector<256x256xf32>
    %sub3A_111 = arith.subf %sub3A_110, %slice3A_108 : vector<256x256xf32>
    %mul3A_112 = vector.broadcast %slice3A_107 : vector<1x1xf32> to vector<256x256xf32>
    %mul3A_113 = arith.mulf %mul3A_112, %sub3A_111 : vector<256x256xf32>
    %slice3A_114 = vector.extract_strided_slice %tanh3A {offsets = [0, 1536], sizes = [256, 256], strides = [1, 1]} : vector<256x2048xf32> to vector<256x256xf32>
    %mul3A_115 = arith.mulf %mul3A_113, %slice3A_114 : vector<256x256xf32>
    %add3A_116 = arith.addf %add3A_106, %mul3A_115 : vector<256x256xf32>
    %slice3A_117 = vector.extract_strided_slice %div3A_44 {offsets = [0, 7], sizes = [1, 1], strides = [1, 1]} : vector<1x8xf32> to vector<1x1xf32>
    %slice3A_118 = vector.extract_strided_slice %logistic3A_33 {offsets = [0, 1792], sizes = [256, 256], strides = [1, 1]} : vector<256x2048xf32> to vector<256x256xf32>
    %sub3A_119 = arith.constant 1.000000e+00 : f32
    %sub3A_120 = vector.broadcast %sub3A_119 : f32 to vector<256x256xf32>
    %sub3A_121 = arith.subf %sub3A_120, %slice3A_118 : vector<256x256xf32>
    %mul3A_122 = vector.broadcast %slice3A_117 : vector<1x1xf32> to vector<256x256xf32>
    %mul3A_123 = arith.mulf %mul3A_122, %sub3A_121 : vector<256x256xf32>
    %slice3A_124 = vector.extract_strided_slice %tanh3A {offsets = [0, 1792], sizes = [256, 256], strides = [1, 1]} : vector<256x2048xf32> to vector<256x256xf32>
    %mul3A_125 = arith.mulf %mul3A_123, %slice3A_124 : vector<256x256xf32>
    %add3A_126 = arith.addf %add3A_116, %mul3A_125 : vector<256x256xf32>
    %max3A_127 = arith.constant 0.000000e+00 : f32
    %max3A_128 = vector.broadcast %max3A_127 : f32 to vector<256x256xf32>
    %max3A_129 = arith.maximumf %add3A_126, %max3A_128 : vector<256x256xf32>
    %get3A_130 = arith.constant 0 : index
    %get3A_131 = arith.constant 0 : index
    %get3A_132 = vector.load %arg9[%get3A_130, %get3A_131] : memref<256x1xf32, #tpu.memory_space<vmem>>, vector<256x1xf32>
    %dot_general3A_133 = arith.constant dense<0.000000e+00> : vector<256x1xf32>
    %dot_general3A_134 = tpu.matmul %max3A_129, %get3A_132, %dot_general3A_133 {dimension_numbers = #tpu.dot_dimension_numbers<[1], [0], [0], [1], [0, 0, 1, 1], [], []>, precision = #tpu.contract_precision<fp32>, transpose_lhs_hint = false} : vector<256x256xf32>, vector<256x1xf32>, vector<256x1xf32> -> vector<256x1xf32>
    %iota3A = tpu.iota {dimensions = array<i32: 0>} : vector<256x1xi32>
    %mul3A_135 = arith.constant 256 : i32
    %mul3A_136 = arith.muli %arg0, %mul3A_135 : i32
    %add3A_137 = vector.broadcast %mul3A_136 : i32 to vector<256x1xi32>
    %add3A_138 = arith.addi %iota3A, %add3A_137 : vector<256x1xi32>
    %lt3A = arith.constant 10000 : i32
    %lt3A_139 = vector.broadcast %lt3A : i32 to vector<256x1xi32>
    %lt3A_140 = arith.cmpi slt, %add3A_138, %lt3A_139 : vector<256x1xi32>
    %jit3A = arith.constant 1.000000e+00 : f32
    %jit3A_141 = arith.constant 0.000000e+00 : f32
    %broadcast_in_dim3A_142 = vector.broadcast %jit3A : f32 to vector<256x1xf32>
    %broadcast_in_dim3A_143 = vector.broadcast %jit3A_141 : f32 to vector<256x1xf32>
    %select_n3A = arith.select %lt3A_140, %broadcast_in_dim3A_142, %broadcast_in_dim3A_143 : vector<256x1xi1>, vector<256x1xf32>
    %get3A_144 = arith.constant 0 : index
    %get3A_145 = arith.constant 0 : index
    %get3A_146 = vector.load %arg11[%get3A_144, %get3A_145] : memref<1x1xf32, #tpu.memory_space<vmem>>, vector<1x1xf32>
    %add3A_147 = vector.broadcast %get3A_146 : vector<1x1xf32> to vector<256x1xf32>
    %add3A_148 = arith.addf %dot_general3A_134, %add3A_147 : vector<256x1xf32>
    %get3A_149 = arith.constant 0 : index
    %get3A_150 = arith.constant 0 : index
    %get3A_151 = vector.load %arg10[%get3A_149, %get3A_150] : memref<256x1xf32, #tpu.memory_space<vmem>>, vector<256x1xf32>
    %mul3A_152 = arith.mulf %add3A_148, %get3A_151 : vector<256x1xf32>
    %mul3A_153 = arith.mulf %mul3A_152, %select_n3A : vector<256x1xf32>
    %reduce_sum3A_154 = vector.shape_cast %mul3A_153 : vector<256x1xf32> to vector<1x256x1xf32>
    %reduce_sum3A_155 = arith.constant dense<0.000000e+00> : vector<1xf32>
    %reduce_sum3A_156 = vector.multi_reduction <add>, %reduce_sum3A_154, %reduce_sum3A_155 [1, 2] : vector<1x256x1xf32> to vector<1xf32>
    %reduce_sum3A_157 = vector.shape_cast %reduce_sum3A_156 : vector<1xf32> to vector<1x1x1xf32>
    %reduce_sum3A_158 = vector.extract %reduce_sum3A_157[0, 0, 0] : f32 from vector<1x1x1xf32>
    %eq3A = arith.constant 0 : i32
    %eq3A_159 = arith.cmpi eq, %arg0, %eq3A : i32
    %convert_element_type3A = arith.extui %eq3A_159 : i1 to i32
    %cond3A = arith.constant 0 : i32
    %cond3A_160 = arith.cmpi ne, %convert_element_type3A, %cond3A : i32
    scf.if %cond3A_160 {
      %get3A_168 = arith.constant 0 : index
      %get3A_169 = arith.constant 0 : index
      %get3A_170 = vector.load %arg12[%get3A_168, %get3A_169] : memref<1x1xf32, #tpu.memory_space<vmem>>, vector<1x1xf32>
      %swap3A_171 = arith.constant 0 : index
      %swap3A_172 = arith.constant 0 : index
      %swap3A_173 = vector.load %arg13[%swap3A_171, %swap3A_172] : memref<1x1xf32, #tpu.memory_space<vmem>>, vector<1x1xf32>
      tpu.vector_store %arg13[%swap3A_171, %swap3A_172], %get3A_170 {strides = array<i32>} : memref<1x1xf32, #tpu.memory_space<vmem>>, vector<1x1xf32>,
    } else {
    }
    %get3A_161 = arith.constant 0 : index
    %get3A_162 = arith.constant 0 : index
    %get3A_163 = vector.load %arg13[%get3A_161, %get3A_162] : memref<1x1xf32, #tpu.memory_space<vmem>>, vector<1x1xf32>
    %add3A_164 = vector.broadcast %reduce_sum3A_158 : f32 to vector<1x1xf32>
    %add3A_165 = arith.addf %get3A_163, %add3A_164 : vector<1x1xf32>
    %swap3A = arith.constant 0 : index
    %swap3A_166 = arith.constant 0 : index
    %swap3A_167 = vector.load %arg13[%swap3A, %swap3A_166] : memref<1x1xf32, #tpu.memory_space<vmem>>, vector<1x1xf32>
    tpu.vector_store %arg13[%swap3A, %swap3A_166], %add3A_165 {strides = array<i32>} : memref<1x1xf32, #tpu.memory_space<vmem>>, vector<1x1xf32>,
    return
  }
  func.func @transform_0(%arg0: i32) -> (i32, i32, i32) {
    %c0_i32 = arith.constant 0 : i32
    %c0_i32_0 = arith.constant 0 : i32
    %c0_i32_1 = arith.constant 0 : i32
    return %c0_i32, %arg0, %c0_i32_0 : i32, i32, i32
  }
  func.func @transform_1(%arg0: i32) -> (i32, i32, i32) {
    %c0_i32 = arith.constant 0 : i32
    %c0_i32_0 = arith.constant 0 : i32
    %c0_i32_1 = arith.constant 0 : i32
    return %c0_i32, %arg0, %c0_i32_0 : i32, i32, i32
  }
  func.func @transform_2(%arg0: i32) -> (i32, i32) {
    %c0_i32 = arith.constant 0 : i32
    %c0_i32_0 = arith.constant 0 : i32
    return %arg0, %c0_i32 : i32, i32
  }
  func.func @transform_3(%arg0: i32) -> (i32, i32) {
    %c0_i32 = arith.constant 0 : i32
    %c0_i32_0 = arith.constant 0 : i32
    return %arg0, %c0_i32 : i32, i32
  }
  func.func @transform_4(%arg0: i32) -> (i32, i32) {
    %c0_i32 = arith.constant 0 : i32
    %c0_i32_0 = arith.constant 0 : i32
    return %arg0, %c0_i32 : i32, i32
  }
  func.func @transform_5(%arg0: i32) -> (i32, i32) {
    %c0_i32 = arith.constant 0 : i32
    %c0_i32_0 = arith.constant 0 : i32
    %c0_i32_1 = arith.constant 0 : i32
    return %c0_i32, %c0_i32_0 : i32, i32
  }
  func.func @transform_6(%arg0: i32) -> (i32, i32) {
    %c0_i32 = arith.constant 0 : i32
    %c0_i32_0 = arith.constant 0 : i32
    %c0_i32_1 = arith.constant 0 : i32
    return %c0_i32, %c0_i32_0 : i32, i32
  }
  func.func @transform_7(%arg0: i32) -> (i32, i32) {
    %c0_i32 = arith.constant 0 : i32
    %c0_i32_0 = arith.constant 0 : i32
    %c0_i32_1 = arith.constant 0 : i32
    return %c0_i32, %c0_i32_0 : i32, i32
  }
  func.func @transform_8(%arg0: i32) -> (i32, i32) {
    %c0_i32 = arith.constant 0 : i32
    %c0_i32_0 = arith.constant 0 : i32
    %c0_i32_1 = arith.constant 0 : i32
    return %c0_i32, %c0_i32_0 : i32, i32
  }
  func.func @transform_9(%arg0: i32) -> (i32, i32) {
    %c0_i32 = arith.constant 0 : i32
    %c0_i32_0 = arith.constant 0 : i32
    return %arg0, %c0_i32 : i32, i32
  }
  func.func @transform_10(%arg0: i32) -> (i32, i32) {
    %c0_i32 = arith.constant 0 : i32
    %c0_i32_0 = arith.constant 0 : i32
    %c0_i32_1 = arith.constant 0 : i32
    return %c0_i32, %c0_i32_0 : i32, i32
  }
  func.func @transform_11(%arg0: i32) -> (i32, i32) {
    %c0_i32 = arith.constant 0 : i32
    %c0_i32_0 = arith.constant 0 : i32
    %c0_i32_1 = arith.constant 0 : i32
    return %c0_i32, %c0_i32_0 : i32, i32
  }
  func.func @transform_12(%arg0: i32) -> (i32, i32) {
    %c0_i32 = arith.constant 0 : i32
    %c0_i32_0 = arith.constant 0 : i32
    %c0_i32_1 = arith.constant 0 : i32
    return %c0_i32, %c0_i32_0 : i32, i32
  }
}

</mosaic_0001>

<sc_bundles>
// kernel: kernel.6.cloned.1.call-start
scs
__scs_entry_jumppad:
0x0: {  	(pc) =	sbr.rel $0x88, $3  }
0x1: {  	(tag) =	ssettag $0x0;
	lr =	simm.s32 $0x1  }
0x2: {  	[smem:$0x3F92] =	sst lr;
	_ =	strace $0xD0000000  }
0x3: {  	_ = 	snop  }
0x4: {  	_ = 	snop  }
0x5: {  	_ = 	snop  }
0x6: {  	_ = 	snop  }
0x7: {  	_ = 	snop  }
__scs_overlays_trampoline_lowered:
0x8: {  	[smem:$0x3FA1] =	sst s0  }
0x9: {  	[smem:$0x3FA2] =	sst s1  }
0xa: {  	[smem:$0x3FA3] =	sst s2  }
0xb: {  	[smem:$0x3FA4] =	sst s3  }
0xc: {  	[smem:$0x3FA5] =	sst s4  }
0xd: {  	[smem:$0x3FA6] =	sst s5  }
0xe: {  	[smem:$0x3FA7] =	sst s6  }
0xf: {  	[smem:$0x3FA8] =	sst s7  }
0x10: {  	[smem:$0x3FA9] =	sst s8  }
0x11: {  	[smem:$0x3FAA] =	sst s9;
	s0 =	simm.s32 @!p0 $0x0  }
0x12: {  	s1 =	sld [smem:$0x3F90];
	s0 =	simm.s32 @p0 $0x1  }
0x13: {  	[smem:$0x3FAB] =	sst s0;
	s0 =	simm.s32 @!p1 $0x0  }
0x14: {  	s2 =	sld [smem:$0x3F8F];
	s0 =	simm.s32 @p1 $0x1  }
0x15: {  	[smem:$0x3FAC] =	sst s0;
	s0 =	simm.s32 @!p2 $0x0  }
0x16: {  	s3 =	sld [smem:$0x3FDB];
	s0 =	simm.s32 @p2 $0x1  }
0x17: {  	s4 =	simm.s32 $0x1BF5;
	[smem:$0x3FAE] =	sst s0  }
0x18: {  	s0 =	sld [smem:$0x3F91];
	_ =	swait.ge [sflag:s4], $0x0  }
0x19: {  	s7 =	sld [smem:$0x3F92]  }
0x1a: {  	s8 =	sadd.s32 $0xFFFFE003, lr  }
0x1b: {  	s9 =	sadd.s32 $0xFFFFFEF7, lr;
	s5 =	simm.s32 $0xFFFFFFFF;
	p2 =	slt.u32 s8, $0xFFFFF086  }
0x1c: {  	p1 =	slt.u32 s9, $0xF7A;
	s5 =	simm.s32 @!p2 $0x0  }
0x1d: {  	s5 =	simm.s32 @p1 $0x1;
	p0 =	seq.s32 s7, s2  }
0x1e: {  	s7 =	smul.u32 @!p0 $0xF7A, s2;
	p2 =	seq.s32 @!p0 s5, $0x0  }
0x1f: {  	s9 =	smul.u32 $0xF7A, s1;
	s8 =	simm.s32 @!p0 $0x1BF5;
	p2 =	por !p2, p0  }
0x20: {  	[sflag:s8] =	ssyncset.s32 @!p0 $0xFFFFF086;
	s6 =	sadd.s32 @!p0 s3, s7;
	s7 =	simm.s32 @!p0 $0x108  }
0x21: {  	s3 =	sadd.s32 s3, s9;
	s6 =	sadd.s32 @!p0 $0x88, s6;
	s7 =	simm.s32 @p2 $0x1082  }
0x22: {  	[simem:s7], [sflag:s8] =	dma.local @!p0 [hbm:s6], $0xF7A  }
0x23: {  	s9 =	sor.u32 $0xD0000000, s2;
	s6 =	simm.s32 $0x108;
	_ =	swait.ge @!p0 [sflag:s8], $0x0  }
0x24: {  	s3 =	sadd.s32 $0x88, s3;
	s6 =	simm.s32 @!p1 $0x1082;
	[sflag:s4] =	ssyncset.s32 $0xFFFFF086  }
0x25: {  	[simem:s6], [sflag:s4] =	dma.local [hbm:s3], $0xF7A  }
0x26: {  	[smem:$0x3F92] =	sst s1;
	(tag) =	ssettag s2;
	_ =	strace s9  }
0x27: {  	s1 =	sld [smem:$0x3FA2]  }
0x28: {  	s2 =	sld [smem:$0x3FA3]  }
0x29: {  	s4 =	sld [smem:$0x3FA5]  }
0x2a: {  	p0 =	seq.s32 s5, $0x0;
	s5 =	sld [smem:$0x3FA6]  }
0x2b: {  	s6 =	sld [smem:$0x3FA7]  }
0x2c: {  	s7 =	sld [smem:$0x3FA8]  }
0x2d: {  	s3 =	simm.s32 $0x108;
	s8 =	sld [smem:$0x3FA9]  }
0x2e: {  	s3 =	simm.s32 @!p0 $0x1082;
	s9 =	sld [smem:$0x3FAA]  }
0x2f: {  	lr =	sadd.s32 s0, s3;
	s0 =	sld [smem:$0x3FA1]  }
0x30: {  	s3 =	sld [smem:$0x3FA4]  }
0x31: {  	[smem:$0x3FAD] =	sst s10  }
0x32: {  	s10 =	sld [smem:$0x3FAB];
	_ =	sdelay $0x3  }
0x33: {  	p0 =	seq.s32 s10, $0x1;
	s10 =	sld [smem:$0x3FAD];
	_ =	sdelay $0x3  }
0x34: {  	[smem:$0x3FAD] =	sst s10  }
0x35: {  	s10 =	sld [smem:$0x3FAC];
	_ =	sdelay $0x3  }
0x36: {  	p1 =	seq.s32 s10, $0x1;
	s10 =	sld [smem:$0x3FAD];
	_ =	sdelay $0x3  }
0x37: {  	[smem:$0x3FAD] =	sst s10  }
0x38: {  	s10 =	sld [smem:$0x3FAE]  }
0x39: {  	_ = 	snop;
	(pc) =	sbr.ind lr, $3  }
0x3a: {  	_ = 	snop  }
0x3b: {  	_ = 	snop  }
0x3c: {  	p2 =	seq.s32 s10, $0x1;
	s10 =	sld [smem:$0x3FAD]  }
0x3d: {  	_ =	shalt  }
0x3e: {  	_ =	shalt  }
0x3f: {  	_ =	shalt  }
0x40: {  	_ =	shalt  }
0x41: {  	_ =	shalt  }
0x42: {  	_ =	shalt  }
0x43: {  	_ =	shalt  }
0x44: {  	_ =	shalt  }
0x45: {  	_ =	shalt  }
0x46: {  	_ =	shalt  }
0x47: {  	_ =	shalt  }
0x48: {  	_ =	shalt  }
0x49: {  	_ =	shalt  }
0x4a: {  	_ =	shalt  }
0x4b: {  	_ =	shalt  }
0x4c: {  	_ =	shalt  }
0x4d: {  	_ =	shalt  }
0x4e: {  	_ =	shalt  }
0x4f: {  	_ =	shalt  }
0x50: {  	_ =	shalt  }
0x51: {  	_ =	shalt  }
0x52: {  	_ =	shalt  }
0x53: {  	_ =	shalt  }
0x54: {  	_ =	shalt  }
0x55: {  	_ =	shalt  }
0x56: {  	_ =	shalt  }
0x57: {  	_ =	shalt  }
0x58: {  	_ =	shalt  }
0x59: {  	_ =	shalt  }
0x5a: {  	_ =	shalt  }
0x5b: {  	_ =	shalt  }
0x5c: {  	_ =	shalt  }
0x5d: {  	_ =	shalt  }
0x5e: {  	_ =	shalt  }
0x5f: {  	_ =	shalt  }
0x60: {  	_ =	shalt  }
0x61: {  	_ =	shalt  }
0x62: {  	_ =	shalt  }
0x63: {  	_ =	shalt  }
0x64: {  	_ =	shalt  }
0x65: {  	_ =	shalt  }
0x66: {  	_ =	shalt  }
0x67: {  	_ =	shalt  }
0x68: {  	_ =	shalt  }
0x69: {  	_ =	shalt  }
0x6a: {  	_ =	shalt  }
0x6b: {  	_ =	shalt  }
0x6c: {  	_ =	shalt  }
0x6d: {  	_ =	shalt  }
0x6e: {  	_ =	shalt  }
0x6f: {  	_ =	shalt  }
0x70: {  	_ =	shalt  }
0x71: {  	_ =	shalt  }
0x72: {  	_ =	shalt  }
0x73: {  	_ =	shalt  }
0x74: {  	_ =	shalt  }
0x75: {  	_ =	shalt  }
0x76: {  	_ =	shalt  }
0x77: {  	_ =	shalt  }
0x78: {  	_ =	shalt  }
0x79: {  	_ =	shalt  }
0x7a: {  	_ =	shalt  }
0x7b: {  	_ =	shalt  }
0x7c: {  	_ =	shalt  }
0x7d: {  	_ =	shalt  }
0x7e: {  	_ =	shalt  }
0x7f: {  	_ =	shalt  }
0x80: {  	_ =	shalt  }
0x81: {  	_ =	shalt  }
0x82: {  	_ =	shalt  }
0x83: {  	_ =	shalt  }
0x84: {  	_ =	shalt  }
0x85: {  	_ =	shalt  }
0x86: {  	_ =	shalt  }
0x87: {  	_ =	shalt  }
.Lfunc_end0:
.L_simem_size_0:
called_computation_lowered:
.L_overlay_start_0:
0x88: {  	s2 =	sld [smem:$0x3FD9]  }
0x89: {  	s3 =	sld [smem:$0x3FFE];
	_ =	sdelay $0x1  }
0x8a: {  	s1 =	srdreg.scid  }
0x8b: {  	s0 =	sand.u32 $0x1, s1  }
0x8c: {  	s16 =	sshll.u32 s0, $0xA;
	s2 =	sadd.s32 s3, s2  }
0x8d: {  	s2 =	sadd.s32 s2, s16  }
0x8e: {  	[smem:$0x3FB9] =	sst s2  }
0x8f: {  	_ = 	snop  }
0x90: {  	(tm) =	ssettm $0x1  }
0x91: {  	s17 =	sld [smem:$0x3FFB];
	_ =	sdelay $0x3  }
0x92: {  	_ =	strace s17  }
0x93: {  	s2 =	sld [smem:$0x3FFC];
	_ =	sdelay $0x3  }
0x94: {  	_ =	strace s2  }
0x95: {  	s2 =	sld [smem:$0x3FFD];
	_ =	sdelay $0x3  }
0x96: {  	_ =	strace s2  }
0x97: {  	_ =	strace $0x8FFFFFFF  }
0x98: {  	s18 =	sld [smem:$0x3FDB];
	_ =	sdelay $0x1  }
0x99: {  	s19 =	simm.s32 $_scs_section_size  }
0x9a: {  	s4 =	simm.s32 $_size__tile_overlayer_lowered;
	s5 =	simm.s32 $_tile_overlayer_lowered  }
0x9b: {  	s22 =	simm.s32 $0x1BFF;
	s21 =	sshll.u32 s5, $0x1;
	s2 =	sadd.s32 s19, s18  }
0x9c: {  	s6 =	simm.s32 $0x0;
	s20 =	sshll.u32 s4, $0x1;
	s4 =	sadd.s32 s21, s2  }
0x9d: {  	[timem:s6], [sflag:s22] =	dma.local [hbm:s4], s20  }
0x9e: {  	_ =	swait.ge [sflag:s22], s20  }
0x9f: {  	s3 =	ssub.s32 $0x0, s20;
	[sflag:s22] =	ssyncset.done $0x0  }
0xa0: {  	[sflag:s22] =	ssyncadd.s32 s3;
	_ =	sdelay $0x1  }
0xa1: {  	s23 =	simm.s32 $0x1B8B  }
0xa2: {  	_ =	swait.ge [sflag:s23], $0x1  }
0xa3: {  	[sflag:s23] =	ssyncset.done $0x0  }
0xa4: {  	s25 =	simm.s32 $0x1B8E;
	s24 =	sld [smem:$0x3FFE];
	[sflag:s23] =	ssyncadd.s32 $0xFFFFFFFF  }
0xa5: {  	s26 =	simm.s32 $execute0_lowered;
	[smem:$0x3FD2] =	sst s25  }
0xa6: {  	s4 =	sshll.u32 s26, $0x1;
	_ =	strace $0x80000046;
	[dreg:$0x1] =	wrdreg $0xFFFFFFFF  }
0xa7: {  	s28 =	simm.s32 $_size_execute0_lowered;
	s2 =	sadd.s32 s2, s4;
	[dreg:$0x0] =	wrdreg $0x0  }
0xa8: {  	s4 =	sshll.u32 s28, $0x1;
	[dreg:$0x2] =	wrdreg s2  }
0xa9: {  	[dreg:$0x3] =	wrdreg s4  }
0xaa: {  	[dreg:$0x4] =	wrdreg $0xC0  }
0xab: {  	_ =	task [dreg:s6], $0x5FFFF  }
0xac: {  	[dreg:$0x1] =	wrdreg $0xFFFFFFFF  }
0xad: {  	[dreg:$0x0] =	wrdreg $0x60  }
0xae: {  	[dreg:$0x2] =	wrdreg s24  }
0xaf: {  	[dreg:$0x3] =	wrdreg $0x54800  }
0xb0: {  	[dreg:$0x4] =	wrdreg $0x9  }
0xb1: {  	_ =	task.clear_ibuf [dreg:s6], $0x5FFFF;
	_ =	strace $0x90000046  }
0xb2: {  	s29 =	simm.s32 $0x9;
	_ =	strace $0x80000048  }
0xb3: {  	_ =	swait.ge [sflag:s29], $0x1  }
0xb4: {  	[sflag:s29] =	ssyncadd.s32 $0xFFFFFFFF  }
0xb5: {  	_ =	strace $0x90000048  }
0xb6: {  	_ =	sfence  }
0xb7: {  	s30 =	sld [smem:$0x0];
	_ =	sdelay $0x2  }
0xb8: {  	s31 =	sshll.u32 s1, $0xD;
	s1 =	sshrl.u32 s1, $0x2  }
0xb9: {  	s3 =	sand.u32 $0x4000, s31;
	s1 =	sadd.s32 s1, s30  }
0xba: {  	s0 =	sor.u32 s3, s0;
	s1 =	sshll.u32 s1, $0x11  }
0xbb: {  	s0 =	sor.u32 s1, s0  }
0xbc: {  	s0 =	sadd.s32 $0x8F2B, s0  }
0xbd: {  	[sflag:s0] =	ssyncadd.remote.s32 $0x1  }
0xbe: {  	_ =	sfence.sel $0xFFFF  }
0xbf: {  	[dreg:$0x0] =	wrdreg $0xFFFFFFFF;
	(pc) =	sbr.abs _section_cstart, $3  }
0xc0: {  	[dreg:$0x1] =	wrdreg $0xFFFFFFFF  }
0xc1: {  	_ =	task.clear_ibuf [dreg:s6], $0x2FFFF;
	_ =	strace $0x9FFFFFFF  }
0xc2: {  	(tm) =	ssettm $0x7FFFFFFF  }
0xc3: {  	_ =	shalt  }
tec
execute0_lowered:
.L_overlay_start_1:
0x0: {  	(tag) =	ssettag $0x1  }
0x1: {  	s0 =	srdreg.scid;
	s4 =	rddreg [dreg:$0x0]  }
0x2: {  	s9 =	stileid.u32;
	s1 =	rddreg [dreg:$0x1]  }
0x3: {  	s2 =	simm.s32 $0x0;
	s10 =	simm.s32 $0x50;
	s11 =	simm.s32 $0x5400  }
0x4: {  	s12 =	simm.s32 $0x0;
	s3 =	sand.u32 $0x1, s0;
	[smem:$0x7FF] =	sst s2  }
0x5: {  	s7 =	smul.u32 $0xA00, s9;
	p0 =	sne.s32 s9, $0x0;
	s0 =	sshll.u32 s3, $0x4  }
0x6: {  	s6 =	smul.u32 $0x500, s3;
	s3 =	ssub.s32 $0x2, s3;
	s0 =	sor.u32 s9, s0  }
0x7: {  	s31 =	sshrl.u32 s3, $0x1;
	s7 =	sshrl.u32 s7, $0x2;
	s5 =	smul.u32 $0x500, s0  }
0x8: {  	s9 =	simm.s32 $0x5000;
	s0 =	rddreg [dreg:$0x2];
	_ =	strace $0x80000047  }
0x9: {  	v0 =	vlaneseq.u32;
	s6 =	sadd.s32 s6, s4;
	s8 =	ssub.s32 s3, s31;
	s5 =	sadd.s32 s5, s4  }
0xa: {  	v1 =	vimm.f32 $0.0e+00;
	v2 =	vimm.f32 $1.000000000e+00;
	v3 =	vor.u32 $0x10, v0;
	s4 =	sadd.s32 s7, s1;
	s7 =	simm.s32 $0x2800;
	s3 =	sadd.s32 $0x3400, s5  }
0xb: {  	v4 =	vor.u32 $0x20, v0;
	v5 =	vor.u32 $0x30, v0;
	v6 =	vor.u32 $0x40, v0;
	s5 =	sadd.s32 $0xD400, s6;
	s6 =	smax.u32 s8, $0x1;
	s8 =	simm.s32 $0x1  }
.LBB2_1:
0xc: {  	s13 =	simm.s32 $0x0;
	s14 =	simm.s32 $0x200  }
.LBB2_2:
0xd: {  	p1 =	sne.s32 s14, $0x9E00;
	[tilespmem:s13+$0x70] =	vst v1  }
0xe: {  	[tilespmem:s13+$0x0] =	vst v1  }
0xf: {  	[tilespmem:s13+$0x10] =	vst v1  }
.Ltmp0:
0x10: {  	[tilespmem:s13+$0x20] =	vst v1;
	(pc) =	sbr.rel @p1 .LBB2_2-.Ltmp0, $4  }
0x11: {  	[tilespmem:s13+$0x30] =	vst v1  }
0x12: {  	[tilespmem:s13+$0x40] =	vst v1  }
0x13: {  	[tilespmem:s13+$0x50] =	vst v1  }
0x14: {  	[tilespmem:s13+$0x60] =	vst v1;
	s13 =	sshra.s32 s14, $0x2;
	s14 =	sadd.s32 $0x200, s14  }
0x15: {  	[tilespmem:s13+$0x70] =	vst v1  }
0x16: {  	[tilespmem:s13+$0x0] =	vst v1  }
0x17: {  	[tilespmem:s13+$0x10] =	vst v1  }
0x18: {  	[tilespmem:s13+$0x20] =	vst v1  }
0x19: {  	[tilespmem:s13+$0x30] =	vst v1  }
0x1a: {  	[tilespmem:s13+$0x40] =	vst v1  }
0x1b: {  	[tilespmem:s13+$0x50] =	vst v1  }
0x1c: {  	[tilespmem:s13+$0x60] =	vst v1;
	s30 =	simm.s32 $0x0  }
0x1d: {  	[tilespmem:s7], [sflag:$0x1] =	stream.linear.gather [hbm4b:s3+s30], $0x2800, $0x38;
	[tilespmem:$0x5700] =	vst v63  }
0x1e: {  	_ =	swait.ge [sflag:s8], $0x2800  }
0x1f: {  	s14 =	sand.u32 $0x30, s30;
	s13 =	sand.u32 $0x3F80, s30;
	[sflag:s8] =	ssyncset.done $0x0  }
0x20: {  	s13 =	sor.u32 s14, s13;
	[sflag:s8] =	ssyncadd.s32 $0xFFFFD800  }
0x21: {  	v7 =	vld [tilespmem:s13+$0x2800];
	_ =	sdelay $0x4  }
0x22: {  	v7 =	vand.u32 $0xFFFF, v7;
	_ =	sdelay $0x2  }
0x23: {  	s31 =	simm.s32 $0x10;
	s13 =	simm.s32 $0x20  }
0x24: {  	s15 =	sand.u32 $0x30, s31;
	s14 =	simm.s32 $0x20;
	s16 =	sand.u32 $0x3F80, s13  }
.LBB2_4:
0x25: {  	p1 =	sne.s32 s14, $0x13F0;
	s15 =	sor.u32 s15, s16;
	[tilespmem:v7+s2+$0x0] =	vst.idx.add.f32.msk $0xffff, v2  }
0x26: {  	v7 =	vld [tilespmem:s15+$0x2800];
	_ =	sdelay $0x4  }
.Ltmp1:
0x27: {  	v7 =	vand.u32 $0xFFFF, v7;
	(pc) =	sbr.rel @p1 .LBB2_4-.Ltmp1, $3  }
0x28: {  	_ =	sdelay $0x1  }
0x29: {  	s13 =	sadd.s32 $0x20, s13  }
0x2a: {  	s15 =	sand.u32 $0x30, s14;
	s16 =	sand.u32 $0x3F80, s13;
	s14 =	sadd.s32 $0x10, s14  }
0x2b: {  	_ =	sdelay $0x3  }
0x2c: {  	s13 =	sor.u32 s15, s16;
	[tilespmem:v7+s2+$0x0] =	vst.idx.add.f32.msk $0xffff, v2  }
0x2d: {  	v7 =	vld [tilespmem:s13+$0x2800];
	_ =	sdelay $0x4  }
0x2e: {  	v7 =	vand.u32 $0xFFFF, v7;
	_ =	sdelay $0x4  }
0x2f: {  	[tilespmem:v7+s2+$0x0] =	vst.idx.add.f32.msk $0xffff, v2  }
0x30: {  	[tilespmem:$0x5000] =	vst v1  }
0x31: {  	[tilespmem:$0x5010] =	vst v1  }
0x32: {  	[tilespmem:$0x5020] =	vst v1  }
0x33: {  	[tilespmem:$0x5030] =	vst v1  }
0x34: {  	[tilespmem:$0x5040] =	vst v1  }
0x35: {  	[tilespmem:$0x5050] =	vst v1  }
0x36: {  	[tilespmem:$0x5060] =	vst v1  }
0x37: {  	[tilespmem:$0x5070] =	vst v1  }
0x38: {  	[tilespmem:$0x5080] =	vst v1  }
0x39: {  	[tilespmem:$0x5090] =	vst v1  }
0x3a: {  	[tilespmem:$0x50A0] =	vst v1  }
0x3b: {  	[tilespmem:$0x50B0] =	vst v1  }
0x3c: {  	[tilespmem:$0x50C0] =	vst v1  }
0x3d: {  	[tilespmem:$0x50D0] =	vst v1  }
0x3e: {  	[tilespmem:$0x50E0] =	vst v1  }
0x3f: {  	[tilespmem:$0x50F0] =	vst v1  }
0x40: {  	[tilespmem:$0x5100] =	vst v1  }
0x41: {  	[tilespmem:$0x5110] =	vst v1  }
0x42: {  	[tilespmem:$0x5120] =	vst v1  }
0x43: {  	[tilespmem:$0x5130] =	vst v1  }
0x44: {  	[tilespmem:$0x5140] =	vst v1  }
0x45: {  	[tilespmem:$0x5150] =	vst v1  }
0x46: {  	[tilespmem:$0x5160] =	vst v1  }
0x47: {  	[tilespmem:$0x5170] =	vst v1  }
0x48: {  	[tilespmem:$0x5180] =	vst v1  }
0x49: {  	[tilespmem:$0x5190] =	vst v1  }
0x4a: {  	[tilespmem:$0x51A0] =	vst v1  }
0x4b: {  	[tilespmem:$0x51B0] =	vst v1  }
0x4c: {  	[tilespmem:$0x51C0] =	vst v1  }
0x4d: {  	[tilespmem:$0x51D0] =	vst v1  }
0x4e: {  	[tilespmem:$0x51E0] =	vst v1  }
0x4f: {  	[tilespmem:$0x51F0] =	vst v1  }
0x50: {  	[tilespmem:$0x5200] =	vst v1  }
0x51: {  	[tilespmem:$0x5210] =	vst v1  }
0x52: {  	[tilespmem:$0x5220] =	vst v1  }
0x53: {  	[tilespmem:$0x5230] =	vst v1  }
0x54: {  	[tilespmem:$0x5240] =	vst v1  }
0x55: {  	[tilespmem:$0x5250] =	vst v1  }
0x56: {  	[tilespmem:$0x5260] =	vst v1  }
0x57: {  	[tilespmem:$0x5270] =	vst v1  }
0x58: {  	[spmem:s4] =	stream.linear.scatter [tilespmem:s9], [sflag:$0x1], $0x280, $0x38;
	[tilespmem:$0x5700] =	vst v63  }
0x59: {  	_ =	swait.ge [sflag:s8], $0x280  }
0x5a: {  	[sflag:s8] =	ssyncset.done $0x0  }
0x5b: {  	[sflag:s8] =	ssyncadd.s32 $0xFFFFFD80  }
0x5c: {  	[bflag:$0x0] =	sbarrier.arrive $0xFFFF  }
0x5d: {  	[tilespmem:$0x5400] =	vst v0  }
0x5e: {  	[tilespmem:$0x5410] =	vst v3  }
0x5f: {  	[tilespmem:$0x5420] =	vst v4  }
0x60: {  	[tilespmem:$0x5430] =	vst v5  }
0x61: {  	[tilespmem:$0x5440] =	vst v6  }
0x62: {  	[spmem:s1] =	stream.indirect.scatter.add.f32 [tilespmem:s2], [sflag:$0x1], $0x80, s11, s10, $0xb8;
	[tilespmem:$0x5700] =	vst v63  }
0x63: {  	_ =	swait.ge [sflag:s8], $0x2800  }
0x64: {  	[sflag:s8] =	ssyncset.done $0x0  }
0x65: {  	[sflag:s8] =	ssyncadd.s32 $0xFFFFD800  }
0x66: {  	s14 =	simm.s32 @!p0 $0x1;
	s13 =	simm.s32 @!p0 $0x0;
	[bflag:$0x0] =	sbarrier.arrive $0xFFFF  }
0x67: {  	[tilespmem:s13], [sflag:$0x1] =	stream.linear.gather @!p0 [spmem:s1], $0x2800, $0x38;
	[tilespmem:$0x5700] =	vst v63  }
0x68: {  	s12 =	sadd.s32 $0x1, s12;
	_ =	swait.ge @!p0 [sflag:s14], $0x2800  }
0x69: {  	p1 =	sne.s32 s12, s6;
	[sflag:s14] =	ssyncset.done @!p0 $0x0  }
.Ltmp2:
0x6a: {  	[sflag:s14] =	ssyncadd.s32 @!p0 $0xFFFFD800;
	(pc) =	sbr.rel @p1 .LBB2_1-.Ltmp2, $4  }
0x6b: {  	[hbm4b:s5+s13] =	stream.linear.scatter @!p0 [tilespmem:s13], [sflag:$0x1], $0x2800, $0x38;
	[tilespmem:$0x5700] =	vst v63  }
0x6c: {  	_ =	swait.ge @!p0 [sflag:s14], $0x2800  }
0x6d: {  	[sflag:s14] =	ssyncset.done @!p0 $0x0  }
0x6e: {  	[sflag:s14] =	ssyncadd.s32 @!p0 $0xFFFFD800  }
0x6f: {  	_ =	sfence.sel $0x180000  }
0x70: {  	[bflag:$0x0] =	sbarrier.arrive $0xFFFF  }
0x71: {  	_ =	strace $0x90000047  }
0x72: {  	s0 =	sadd.s32 @!p0 $0x100000, s0;
	[bflag:$0x2] =	sbarrier.arrive $0xFFFF  }
0x73: {  	[sflag:s0] =	ssyncadd.tile.s32 @!p0 $0x1;
	_ =	shalt  }
.Lfunc_end2:
_tile_overlayer_lowered:
.L_overlay_start_2:
0x74: {  	(tag) =	ssettag $0x2  }
0x75: {  	s0 =	rddreg [dreg:$0x0];
	s2 =	stileid.u32  }
0x76: {  	s1 =	rddreg [dreg:$0x1];
	p0 =	sne.s32 s2, $0x0  }
0x77: {  	s3 =	rddreg [dreg:$0x2];
	[bflag:$0x3] =	sbarrier.arrive $0xFFFF;
	s2 =	simm.s32 @!p0 $0x1C01  }
0x78: {  	[timem:s3], [sflag:s2] =	dma.local @!p0 [hbm:s0], s1  }
0x79: {  	s0 =	simm.s32 @!p0 $0x1  }
0x7a: {  	_ =	swait.ge @!p0 [sflag:s0], s1  }
0x7b: {  	s1 =	ssub.s32 @!p0 $0x0, s1;
	[sflag:s0] =	ssyncset.done @!p0 $0x0  }
0x7c: {  	[sflag:s0] =	ssyncadd.s32 @!p0 s1  }
0x7d: {  	[bflag:$0x3] =	sbarrier.arrive $0xFFFF  }
0x7e: {  	_ =	shalt  }

// kernel: kernel.9.cloned.1.call-start
scs
__scs_entry_jumppad:
0x0: {  	(pc) =	sbr.rel $0x88, $3  }
0x1: {  	(tag) =	ssettag $0x0;
	lr =	simm.s32 $0x1  }
0x2: {  	[smem:$0x3F92] =	sst lr;
	_ =	strace $0xD0000000  }
0x3: {  	_ = 	snop  }
0x4: {  	_ = 	snop  }
0x5: {  	_ = 	snop  }
0x6: {  	_ = 	snop  }
0x7: {  	_ = 	snop  }
__scs_overlays_trampoline_lowered:
0x8: {  	[smem:$0x3FA1] =	sst s0  }
0x9: {  	[smem:$0x3FA2] =	sst s1  }
0xa: {  	[smem:$0x3FA3] =	sst s2  }
0xb: {  	[smem:$0x3FA4] =	sst s3  }
0xc: {  	[smem:$0x3FA5] =	sst s4  }
0xd: {  	[smem:$0x3FA6] =	sst s5  }
0xe: {  	[smem:$0x3FA7] =	sst s6  }
0xf: {  	[smem:$0x3FA8] =	sst s7  }
0x10: {  	[smem:$0x3FA9] =	sst s8  }
0x11: {  	[smem:$0x3FAA] =	sst s9;
	s0 =	simm.s32 @!p0 $0x0  }
0x12: {  	s1 =	sld [smem:$0x3F90];
	s0 =	simm.s32 @p0 $0x1  }
0x13: {  	[smem:$0x3FAB] =	sst s0;
	s0 =	simm.s32 @!p1 $0x0  }
0x14: {  	s2 =	sld [smem:$0x3F8F];
	s0 =	simm.s32 @p1 $0x1  }
0x15: {  	[smem:$0x3FAC] =	sst s0;
	s0 =	simm.s32 @!p2 $0x0  }
0x16: {  	s3 =	sld [smem:$0x3FDB];
	s0 =	simm.s32 @p2 $0x1  }
0x17: {  	s4 =	simm.s32 $0x1BF5;
	[smem:$0x3FAE] =	sst s0  }
0x18: {  	s0 =	sld [smem:$0x3F91];
	_ =	swait.ge [sflag:s4], $0x0  }
0x19: {  	s7 =	sld [smem:$0x3F92]  }
0x1a: {  	s8 =	sadd.s32 $0xFFFFE003, lr  }
0x1b: {  	s9 =	sadd.s32 $0xFFFFFEF7, lr;
	s5 =	simm.s32 $0xFFFFFFFF;
	p2 =	slt.u32 s8, $0xFFFFF086  }
0x1c: {  	p1 =	slt.u32 s9, $0xF7A;
	s5 =	simm.s32 @!p2 $0x0  }
0x1d: {  	s5 =	simm.s32 @p1 $0x1;
	p0 =	seq.s32 s7, s2  }
0x1e: {  	s7 =	smul.u32 @!p0 $0xF7A, s2;
	p2 =	seq.s32 @!p0 s5, $0x0  }
0x1f: {  	s9 =	smul.u32 $0xF7A, s1;
	s8 =	simm.s32 @!p0 $0x1BF5;
	p2 =	por !p2, p0  }
0x20: {  	[sflag:s8] =	ssyncset.s32 @!p0 $0xFFFFF086;
	s6 =	sadd.s32 @!p0 s3, s7;
	s7 =	simm.s32 @!p0 $0x108  }
0x21: {  	s3 =	sadd.s32 s3, s9;
	s6 =	sadd.s32 @!p0 $0x88, s6;
	s7 =	simm.s32 @p2 $0x1082  }
0x22: {  	[simem:s7], [sflag:s8] =	dma.local @!p0 [hbm:s6], $0xF7A  }
0x23: {  	s9 =	sor.u32 $0xD0000000, s2;
	s6 =	simm.s32 $0x108;
	_ =	swait.ge @!p0 [sflag:s8], $0x0  }
0x24: {  	s3 =	sadd.s32 $0x88, s3;
	s6 =	simm.s32 @!p1 $0x1082;
	[sflag:s4] =	ssyncset.s32 $0xFFFFF086  }
0x25: {  	[simem:s6], [sflag:s4] =	dma.local [hbm:s3], $0xF7A  }
0x26: {  	[smem:$0x3F92] =	sst s1;
	(tag) =	ssettag s2;
	_ =	strace s9  }
0x27: {  	s1 =	sld [smem:$0x3FA2]  }
0x28: {  	s2 =	sld [smem:$0x3FA3]  }
0x29: {  	s4 =	sld [smem:$0x3FA5]  }
0x2a: {  	p0 =	seq.s32 s5, $0x0;
	s5 =	sld [smem:$0x3FA6]  }
0x2b: {  	s6 =	sld [smem:$0x3FA7]  }
0x2c: {  	s7 =	sld [smem:$0x3FA8]  }
0x2d: {  	s3 =	simm.s32 $0x108;
	s8 =	sld [smem:$0x3FA9]  }
0x2e: {  	s3 =	simm.s32 @!p0 $0x1082;
	s9 =	sld [smem:$0x3FAA]  }
0x2f: {  	lr =	sadd.s32 s0, s3;
	s0 =	sld [smem:$0x3FA1]  }
0x30: {  	s3 =	sld [smem:$0x3FA4]  }
0x31: {  	[smem:$0x3FAD] =	sst s10  }
0x32: {  	s10 =	sld [smem:$0x3FAB];
	_ =	sdelay $0x3  }
0x33: {  	p0 =	seq.s32 s10, $0x1;
	s10 =	sld [smem:$0x3FAD];
	_ =	sdelay $0x3  }
0x34: {  	[smem:$0x3FAD] =	sst s10  }
0x35: {  	s10 =	sld [smem:$0x3FAC];
	_ =	sdelay $0x3  }
0x36: {  	p1 =	seq.s32 s10, $0x1;
	s10 =	sld [smem:$0x3FAD];
	_ =	sdelay $0x3  }
0x37: {  	[smem:$0x3FAD] =	sst s10  }
0x38: {  	s10 =	sld [smem:$0x3FAE]  }
0x39: {  	_ = 	snop;
	(pc) =	sbr.ind lr, $3  }
0x3a: {  	_ = 	snop  }
0x3b: {  	_ = 	snop  }
0x3c: {  	p2 =	seq.s32 s10, $0x1;
	s10 =	sld [smem:$0x3FAD]  }
0x3d: {  	_ =	shalt  }
0x3e: {  	_ =	shalt  }
0x3f: {  	_ =	shalt  }
0x40: {  	_ =	shalt  }
0x41: {  	_ =	shalt  }
0x42: {  	_ =	shalt  }
0x43: {  	_ =	shalt  }
0x44: {  	_ =	shalt  }
0x45: {  	_ =	shalt  }
0x46: {  	_ =	shalt  }
0x47: {  	_ =	shalt  }
0x48: {  	_ =	shalt  }
0x49: {  	_ =	shalt  }
0x4a: {  	_ =	shalt  }
0x4b: {  	_ =	shalt  }
0x4c: {  	_ =	shalt  }
0x4d: {  	_ =	shalt  }
0x4e: {  	_ =	shalt  }
0x4f: {  	_ =	shalt  }
0x50: {  	_ =	shalt  }
0x51: {  	_ =	shalt  }
0x52: {  	_ =	shalt  }
0x53: {  	_ =	shalt  }
0x54: {  	_ =	shalt  }
0x55: {  	_ =	shalt  }
0x56: {  	_ =	shalt  }
0x57: {  	_ =	shalt  }
0x58: {  	_ =	shalt  }
0x59: {  	_ =	shalt  }
0x5a: {  	_ =	shalt  }
0x5b: {  	_ =	shalt  }
0x5c: {  	_ =	shalt  }
0x5d: {  	_ =	shalt  }
0x5e: {  	_ =	shalt  }
0x5f: {  	_ =	shalt  }
0x60: {  	_ =	shalt  }
0x61: {  	_ =	shalt  }
0x62: {  	_ =	shalt  }
0x63: {  	_ =	shalt  }
0x64: {  	_ =	shalt  }
0x65: {  	_ =	shalt  }
0x66: {  	_ =	shalt  }
0x67: {  	_ =	shalt  }
0x68: {  	_ =	shalt  }
0x69: {  	_ =	shalt  }
0x6a: {  	_ =	shalt  }
0x6b: {  	_ =	shalt  }
0x6c: {  	_ =	shalt  }
0x6d: {  	_ =	shalt  }
0x6e: {  	_ =	shalt  }
0x6f: {  	_ =	shalt  }
0x70: {  	_ =	shalt  }
0x71: {  	_ =	shalt  }
0x72: {  	_ =	shalt  }
0x73: {  	_ =	shalt  }
0x74: {  	_ =	shalt  }
0x75: {  	_ =	shalt  }
0x76: {  	_ =	shalt  }
0x77: {  	_ =	shalt  }
0x78: {  	_ =	shalt  }
0x79: {  	_ =	shalt  }
0x7a: {  	_ =	shalt  }
0x7b: {  	_ =	shalt  }
0x7c: {  	_ =	shalt  }
0x7d: {  	_ =	shalt  }
0x7e: {  	_ =	shalt  }
0x7f: {  	_ =	shalt  }
0x80: {  	_ =	shalt  }
0x81: {  	_ =	shalt  }
0x82: {  	_ =	shalt  }
0x83: {  	_ =	shalt  }
0x84: {  	_ =	shalt  }
0x85: {  	_ =	shalt  }
0x86: {  	_ =	shalt  }
0x87: {  	_ =	shalt  }
.Lfunc_end0:
.L_simem_size_0:
called_computation.1_lowered:
.L_overlay_start_0:
0x88: {  	s2 =	sld [smem:$0x3FD9]  }
0x89: {  	s3 =	sld [smem:$0x3FFE];
	_ =	sdelay $0x1  }
0x8a: {  	s1 =	srdreg.scid  }
0x8b: {  	s0 =	sand.u32 $0x1, s1  }
0x8c: {  	s16 =	sshll.u32 s0, $0xA;
	s2 =	sadd.s32 s3, s2  }
0x8d: {  	s2 =	sadd.s32 s2, s16  }
0x8e: {  	[smem:$0x3FB9] =	sst s2  }
0x8f: {  	_ = 	snop  }
0x90: {  	(tm) =	ssettm $0x1  }
0x91: {  	s17 =	sld [smem:$0x3FFB];
	_ =	sdelay $0x3  }
0x92: {  	_ =	strace s17  }
0x93: {  	s2 =	sld [smem:$0x3FFC];
	_ =	sdelay $0x3  }
0x94: {  	_ =	strace s2  }
0x95: {  	s2 =	sld [smem:$0x3FFD];
	_ =	sdelay $0x3  }
0x96: {  	_ =	strace s2  }
0x97: {  	_ =	strace $0x8FFFFFFF  }
0x98: {  	s18 =	sld [smem:$0x3FDB];
	_ =	sdelay $0x1  }
0x99: {  	s19 =	simm.s32 $_scs_section_size  }
0x9a: {  	s4 =	simm.s32 $_size__tile_overlayer_lowered;
	s5 =	simm.s32 $_tile_overlayer_lowered  }
0x9b: {  	s22 =	simm.s32 $0x1BFF;
	s21 =	sshll.u32 s5, $0x1;
	s2 =	sadd.s32 s19, s18  }
0x9c: {  	s6 =	simm.s32 $0x0;
	s20 =	sshll.u32 s4, $0x1;
	s4 =	sadd.s32 s21, s2  }
0x9d: {  	[timem:s6], [sflag:s22] =	dma.local [hbm:s4], s20  }
0x9e: {  	_ =	swait.ge [sflag:s22], s20  }
0x9f: {  	s3 =	ssub.s32 $0x0, s20;
	[sflag:s22] =	ssyncset.done $0x0  }
0xa0: {  	[sflag:s22] =	ssyncadd.s32 s3;
	_ =	sdelay $0x1  }
0xa1: {  	s23 =	simm.s32 $0x1B8B  }
0xa2: {  	_ =	swait.ge [sflag:s23], $0x1  }
0xa3: {  	[sflag:s23] =	ssyncset.done $0x0  }
0xa4: {  	s25 =	simm.s32 $0x1B8E;
	s24 =	sld [smem:$0x3FFE];
	[sflag:s23] =	ssyncadd.s32 $0xFFFFFFFF  }
0xa5: {  	s26 =	simm.s32 $execute0_lowered;
	[smem:$0x3FD2] =	sst s25  }
0xa6: {  	s4 =	sshll.u32 s26, $0x1;
	_ =	strace $0x80000049;
	[dreg:$0x1] =	wrdreg $0xFFFFFFFF  }
0xa7: {  	s28 =	simm.s32 $_size_execute0_lowered;
	s2 =	sadd.s32 s2, s4;
	[dreg:$0x0] =	wrdreg $0x0  }
0xa8: {  	s4 =	sshll.u32 s28, $0x1;
	[dreg:$0x2] =	wrdreg s2  }
0xa9: {  	[dreg:$0x3] =	wrdreg s4  }
0xaa: {  	[dreg:$0x4] =	wrdreg $0xC0  }
0xab: {  	_ =	task [dreg:s6], $0x5FFFF  }
0xac: {  	[dreg:$0x1] =	wrdreg $0xFFFFFFFF  }
0xad: {  	[dreg:$0x0] =	wrdreg $0x60  }
0xae: {  	[dreg:$0x2] =	wrdreg s24  }
0xaf: {  	[dreg:$0x3] =	wrdreg $0xAC000  }
0xb0: {  	[dreg:$0x4] =	wrdreg $0x9  }
0xb1: {  	_ =	task.clear_ibuf [dreg:s6], $0x5FFFF;
	_ =	strace $0x90000049  }
0xb2: {  	s29 =	simm.s32 $0x9;
	_ =	strace $0x80000051  }
0xb3: {  	_ =	swait.ge [sflag:s29], $0x1  }
0xb4: {  	[sflag:s29] =	ssyncadd.s32 $0xFFFFFFFF  }
0xb5: {  	_ =	strace $0x90000051  }
0xb6: {  	_ =	sfence  }
0xb7: {  	s30 =	sld [smem:$0x0];
	_ =	sdelay $0x2  }
0xb8: {  	s31 =	sshll.u32 s1, $0xD;
	s1 =	sshrl.u32 s1, $0x2  }
0xb9: {  	s3 =	sand.u32 $0x4000, s31;
	s1 =	sadd.s32 s1, s30  }
0xba: {  	s0 =	sor.u32 s3, s0;
	s1 =	sshll.u32 s1, $0x11  }
0xbb: {  	s0 =	sor.u32 s1, s0  }
0xbc: {  	s0 =	sadd.s32 $0x8F2B, s0  }
0xbd: {  	[sflag:s0] =	ssyncadd.remote.s32 $0x1  }
0xbe: {  	_ =	sfence.sel $0xFFFF  }
0xbf: {  	[dreg:$0x0] =	wrdreg $0xFFFFFFFF;
	(pc) =	sbr.abs _section_cstart, $3  }
0xc0: {  	[dreg:$0x1] =	wrdreg $0xFFFFFFFF  }
0xc1: {  	_ =	task.clear_ibuf [dreg:s6], $0x2FFFF;
	_ =	strace $0x9FFFFFFF  }
0xc2: {  	(tm) =	ssettm $0x7FFFFFFF  }
0xc3: {  	_ =	shalt  }
tec
execute0_lowered:
.L_overlay_start_1:
0x0: {  	(tag) =	ssettag $0x1  }
0x1: {  	s1 =	srdreg.scid  }
0x2: {  	s1 =	sand.u32 $0x1, s1  }
0x3: {  	p0 =	seq.s32 s1, $0x1  }
.Ltmp0:
0x4: {  	_ = 	snop;
	(pc) =	sbr.rel @p0 .LBB2_22-.Ltmp0, $4  }
0x5: {  	s0 =	rddreg [dreg:$0x0]  }
0x6: {  	s11 =	rddreg [dreg:$0x1];
	s2 =	simm.s32 $0x0  }
0x7: {  	[smem:$0x7FF] =	sst s2  }
0x8: {  	s3 =	rddreg [dreg:$0x2];
	s25 =	stileid.u32;
	_ =	strace $0x8000004A  }
0x9: {  	s1 =	smul.u32 $0x280, s25  }
0xa: {  	s7 =	smul.u32 $0x5000, s25  }
0xb: {  	s2 =	sadd.s32 $0x3400, s0;
	s3 =	sadd.s32 $0x85400, s0;
	s13 =	smul.u32 $0xA00, s25  }
0xc: {  	s4 =	sadd.s32 $0xAD400, s0;
	s15 =	smul.u32 $0x2800, s25;
	s5 =	sor.u32 $0x40, s1  }
0xd: {  	s6 =	sadd.s32 $0x80, s1;
	s8 =	sadd.s32 $0xC0, s1;
	s9 =	sadd.s32 $0x100, s1  }
0xe: {  	s10 =	sadd.s32 $0x140, s1;
	s12 =	sadd.s32 $0x180, s1;
	s14 =	sadd.s32 $0x1C0, s1  }
0xf: {  	s7 =	sshrl.u32 s7, $0x3;
	s16 =	sadd.s32 $0x200, s1;
	s1 =	sadd.s32 $0x240, s1  }
0x10: {  	s21 =	sadd.s32 s2, s13;
	s24 =	sadd.s32 s3, s15;
	s15 =	sadd.s32 s4, s15  }
0x11: {  	s17 =	sadd.s32 s2, s7;
	[dreg:$0x1d] =	wrdreg s24;
	s2 =	sshll.u32 s5, $0x4  }
0x12: {  	s7 =	sshll.u32 s6, $0x4;
	[dreg:$0x13] =	wrdreg s15;
	s26 =	sadd.s32 s3, s2  }
0x13: {  	s13 =	sshll.u32 s8, $0x4;
	s18 =	sadd.s32 s3, s7;
	[dreg:$0x1c] =	wrdreg s26  }
0x14: {  	s29 =	sshll.u32 s9, $0x4;
	s28 =	sadd.s32 s3, s13;
	[dreg:$0x1b] =	wrdreg s18  }
0x15: {  	s30 =	sshll.u32 s10, $0x4;
	s19 =	sadd.s32 s3, s29;
	[dreg:$0x1a] =	wrdreg s28  }
0x16: {  	s20 =	sshll.u32 s12, $0x4;
	s22 =	sadd.s32 s3, s30;
	[dreg:$0x19] =	wrdreg s19  }
0x17: {  	s24 =	sshll.u32 s1, $0x4;
	s31 =	sadd.s32 s3, s20;
	[dreg:$0x18] =	wrdreg s22  }
0x18: {  	s1 =	sshll.u32 s1, $0x7;
	s2 =	sadd.s32 s4, s2;
	[dreg:$0x17] =	wrdreg s31  }
0x19: {  	s29 =	sadd.s32 s4, s29;
	s30 =	sadd.s32 s4, s30;
	[dreg:$0x10] =	wrdreg s2  }
0x1a: {  	s22 =	sshll.u32 s14, $0x4;
	s28 =	sadd.s32 s4, s13;
	[dreg:$0xa] =	wrdreg s29  }
0x1b: {  	[dreg:$0x8] =	wrdreg s30;
	s31 =	smul.u32 $0x50000, s25;
	s18 =	sadd.s32 s4, s24  }
0x1c: {  	s19 =	sshll.u32 s5, $0x7;
	s25 =	sshll.u32 s8, $0x7;
	s29 =	sshll.u32 s12, $0x7  }
0x1d: {  	s30 =	sshll.u32 s14, $0x7;
	s23 =	sadd.s32 s3, s22;
	[dreg:$0xc] =	wrdreg s28  }
0x1e: {  	s13 =	sadd.s32 s4, s22;
	[dreg:$0x3] =	wrdreg s18;
	s22 =	sadd.s32 s19, s11  }
0x1f: {  	s28 =	sshll.u32 s10, $0x7;
	s5 =	sadd.s32 s29, s11;
	[dreg:$0x16] =	wrdreg s23  }
0x20: {  	s23 =	sshll.u32 s16, $0x4;
	[dreg:$0x5] =	wrdreg s13;
	s2 =	sshrl.u32 s31, $0x2  }
0x21: {  	s13 =	sadd.s32 s25, s11;
	s31 =	sshll.u32 s16, $0x7;
	s25 =	sadd.s32 $0x500, s17  }
0x22: {  	s26 =	sadd.s32 s3, s23;
	s3 =	sadd.s32 s3, s24;
	s15 =	sadd.s32 s4, s23  }
0x23: {  	s24 =	sadd.s32 $0x35400, s0;
	s23 =	sadd.s32 s2, s11;
	[dreg:$0x15] =	wrdreg s26  }
0x24: {  	s2 =	sadd.s32 s1, s11;
	s1 =	simm.s32 $0x200;
	[dreg:$0x14] =	wrdreg s3  }
0x25: {  	s26 =	sadd.s32 s4, s7;
	s7 =	sadd.s32 s4, s20;
	[dreg:$0x4] =	wrdreg s15  }
0x26: {  	s20 =	sshll.u32 s6, $0x7;
	s6 =	sadd.s32 s28, s11;
	[dreg:$0xe] =	wrdreg s26  }
0x27: {  	s4 =	sadd.s32 s30, s11;
	s3 =	sadd.s32 s31, s11;
	[dreg:$0x6] =	wrdreg s7  }
0x28: {  	s7 =	sadd.s32 $0xD400, s0;
	s20 =	sadd.s32 s20, s11;
	s26 =	sshll.u32 s9, $0x7  }
0x29: {  	v0 =	vimm.f32 $0.0e+00;
	s0 =	simm.s32 $0x0;
	s8 =	sadd.s32 s26, s11;
	_ =	strace $0x8000004B  }
.LBB2_2:
0x2a: {  	p0 =	sne.s32 s1, $0x7E00;
	[tilespmem:s0+$0x2C70] =	vst v0  }
0x2b: {  	[tilespmem:s0+$0x2C00] =	vst v0  }
0x2c: {  	[tilespmem:s0+$0x2C10] =	vst v0  }
.Ltmp1:
0x2d: {  	[tilespmem:s0+$0x2C20] =	vst v0;
	(pc) =	sbr.rel @p0 .LBB2_2-.Ltmp1, $4  }
0x2e: {  	[tilespmem:s0+$0x2C30] =	vst v0  }
0x2f: {  	[tilespmem:s0+$0x2C40] =	vst v0  }
0x30: {  	[tilespmem:s0+$0x2C50] =	vst v0  }
0x31: {  	[tilespmem:s0+$0x2C60] =	vst v0;
	s0 =	sshra.s32 s1, $0x2;
	s1 =	sadd.s32 $0x200, s1  }
0x32: {  	[tilespmem:s0+$0x2C70] =	vst v0  }
0x33: {  	[tilespmem:s0+$0x2C00] =	vst v0  }
0x34: {  	[tilespmem:s0+$0x2C10] =	vst v0  }
0x35: {  	[tilespmem:s0+$0x2C20] =	vst v0  }
0x36: {  	[tilespmem:s0+$0x2C30] =	vst v0  }
0x37: {  	[tilespmem:s0+$0x2C40] =	vst v0  }
0x38: {  	[tilespmem:s0+$0x2C50] =	vst v0  }
0x39: {  	[tilespmem:s0+$0x2C60] =	vst v0;
	s9 =	simm.s32 $0x2C00;
	s12 =	simm.s32 $0x9  }
0x3a: {  	[spmem:s23] =	stream.linear.scatter [tilespmem:s9], [sflag:$0x9], $0x2000, $0x200038;
	[tilespmem:$0x1EC00] =	vst v63  }
0x3b: {  	_ =	swait.ge [sflag:s12], $0x2000  }
0x3c: {  	[sflag:s12] =	ssyncset.done $0x0  }
0x3d: {  	[sflag:s12] =	ssyncadd.s32 $0xFFFFE000  }
0x3e: {  	[spmem:s22] =	stream.linear.scatter [tilespmem:s9], [sflag:$0x9], $0x2000, $0x200038;
	[tilespmem:$0x1EC00] =	vst v63  }
0x3f: {  	_ =	swait.ge [sflag:s12], $0x2000  }
0x40: {  	[sflag:s12] =	ssyncset.done $0x0  }
0x41: {  	[sflag:s12] =	ssyncadd.s32 $0xFFFFE000  }
0x42: {  	[spmem:s20] =	stream.linear.scatter [tilespmem:s9], [sflag:$0x9], $0x2000, $0x200038;
	[tilespmem:$0x1EC00] =	vst v63  }
0x43: {  	_ =	swait.ge [sflag:s12], $0x2000  }
0x44: {  	[sflag:s12] =	ssyncset.done $0x0  }
0x45: {  	[dreg:$0x12] =	wrdreg s13;
	[sflag:s12] =	ssyncadd.s32 $0xFFFFE000  }
0x46: {  	[spmem:s13] =	stream.linear.scatter [tilespmem:s9], [sflag:$0x9], $0x2000, $0x200038;
	[tilespmem:$0x1EC00] =	vst v63  }
0x47: {  	_ =	swait.ge [sflag:s12], $0x2000  }
0x48: {  	[sflag:s12] =	ssyncset.done $0x0  }
0x49: {  	[dreg:$0x11] =	wrdreg s8;
	[sflag:s12] =	ssyncadd.s32 $0xFFFFE000  }
0x4a: {  	[spmem:s8] =	stream.linear.scatter [tilespmem:s9], [sflag:$0x9], $0x2000, $0x200038;
	[tilespmem:$0x1EC00] =	vst v63  }
0x4b: {  	_ =	swait.ge [sflag:s12], $0x2000  }
0x4c: {  	[sflag:s12] =	ssyncset.done $0x0  }
0x4d: {  	[dreg:$0xf] =	wrdreg s6;
	[sflag:s12] =	ssyncadd.s32 $0xFFFFE000  }
0x4e: {  	[spmem:s6] =	stream.linear.scatter [tilespmem:s9], [sflag:$0x9], $0x2000, $0x200038;
	[tilespmem:$0x1EC00] =	vst v63  }
0x4f: {  	_ =	swait.ge [sflag:s12], $0x2000  }
0x50: {  	[sflag:s12] =	ssyncset.done $0x0  }
0x51: {  	[dreg:$0xd] =	wrdreg s5;
	[sflag:s12] =	ssyncadd.s32 $0xFFFFE000  }
0x52: {  	[spmem:s5] =	stream.linear.scatter [tilespmem:s9], [sflag:$0x9], $0x2000, $0x200038;
	[tilespmem:$0x1EC00] =	vst v63  }
0x53: {  	_ =	swait.ge [sflag:s12], $0x2000  }
0x54: {  	[sflag:s12] =	ssyncset.done $0x0  }
0x55: {  	[dreg:$0xb] =	wrdreg s4;
	[sflag:s12] =	ssyncadd.s32 $0xFFFFE000  }
0x56: {  	[spmem:s4] =	stream.linear.scatter [tilespmem:s9], [sflag:$0x9], $0x2000, $0x200038;
	[tilespmem:$0x1EC00] =	vst v63  }
0x57: {  	_ =	swait.ge [sflag:s12], $0x2000  }
0x58: {  	s14 =	simm.s32 $0x0;
	s16 =	simm.s32 $0x5;
	[sflag:s12] =	ssyncset.done $0x0  }
0x59: {  	s19 =	simm.s32 $0x40;
	[dreg:$0x9] =	wrdreg s3;
	[sflag:s12] =	ssyncadd.s32 $0xFFFFE000  }
0x5a: {  	[spmem:s3] =	stream.linear.scatter [tilespmem:s9], [sflag:$0x9], $0x2000, $0x200038;
	[tilespmem:$0x1EC00] =	vst v63  }
0x5b: {  	s26 =	simm.s32 $0x2800;
	s28 =	simm.s32 $0x2880;
	_ =	swait.ge [sflag:s12], $0x2000  }
0x5c: {  	s29 =	simm.s32 $0x4C00;
	s30 =	simm.s32 $0x2900;
	[sflag:s12] =	ssyncset.done $0x0  }
0x5d: {  	s31 =	simm.s32 $0x6C00;
	[dreg:$0x7] =	wrdreg s2;
	[sflag:s12] =	ssyncadd.s32 $0xFFFFE000  }
0x5e: {  	[spmem:s2] =	stream.linear.scatter [tilespmem:s9], [sflag:$0x9], $0x2000, $0x200038;
	[tilespmem:$0x1EC00] =	vst v63  }
0x5f: {  	s0 =	simm.s32 $0x2980;
	s1 =	simm.s32 $0x2A00;
	_ =	swait.ge [sflag:s12], $0x2000  }
.Ltmp2:
0x60: {  	s10 =	simm.s32 $0x4;
	[sflag:s12] =	ssyncset.done $0x0;
	(pc) =	sbr.rel .LBB2_4-.Ltmp2, $4  }
0x61: {  	s15 =	simm.s32 $0x0;
	s13 =	simm.s32 $0x2B80;
	[sflag:s12] =	ssyncadd.s32 $0xFFFFE000  }
0x62: {  	s8 =	simm.s32 $0x2B00;
	s6 =	simm.s32 $0x3;
	[bflag:$0x0] =	sbarrier.arrive $0xFFFF  }
0x63: {  	s5 =	simm.s32 $0x2A80;
	s4 =	simm.s32 $0x2;
	_ =	strace $0x9000004B  }
0x64: {  	s3 =	simm.s32 $0x1;
	s2 =	simm.s32 $0x8C00;
	_ =	strace $0x8000004C  }
.LBB2_7:
0x65: {  	s17 =	simm.s32 $0x0  }
0x66: {  	[tilespmem:s17], [sflag:$0x9] =	stream.linear.gather [hbm4b:s25+s17], $0x2800, $0x200038;
	[tilespmem:$0x1EC00] =	vst v63  }
0x67: {  	_ =	swait.ge [sflag:s12], $0x2800  }
0x68: {  	[sflag:s12] =	ssyncset.done $0x0  }
0x69: {  	[sflag:s12] =	ssyncadd.s32 $0xFFFFD800  }
.LBB2_9:
0x6a: {  	_ =	swait.ge [sflag:s16], $0x2000  }
0x6b: {  	[sflag:s16] =	ssyncset.done $0x0  }
0x6c: {  	p0 =	por $0x0, $0x0;
	[sflag:s16] =	ssyncadd.s32 $0xFFFFE000  }
.LBB2_10:
0x6d: {  	v0 =	vld [tilespmem:s17+$0x0];
	_ =	sdelay $0x4  }
0x6e: {  	v1 =	vshra.s32 v0, $0x10  }
0x6f: {  	v0 =	vand.u32 $0xFFFF, v0;
	[tilespmem:$0x2800] =	vst v1  }
0x70: {  	[tilespmem:$0x2A00] =	vst v0  }
0x71: {  	v0 =	vld [tilespmem:s17+$0x10];
	_ =	sdelay $0x4  }
0x72: {  	v46 =	vshra.s32 v0, $0x10  }
0x73: {  	v0 =	vand.u32 $0xFFFF, v0;
	[tilespmem:$0x2810] =	vst v46  }
0x74: {  	[tilespmem:$0x2A10] =	vst v0  }
0x75: {  	v0 =	vld [tilespmem:s17+$0x20];
	_ =	sdelay $0x4  }
0x76: {  	v47 =	vshra.s32 v0, $0x10  }
0x77: {  	v0 =	vand.u32 $0xFFFF, v0;
	[tilespmem:$0x2820] =	vst v47  }
0x78: {  	[tilespmem:$0x2A20] =	vst v0  }
0x79: {  	v0 =	vld [tilespmem:s17+$0x30];
	_ =	sdelay $0x4  }
0x7a: {  	v48 =	vshra.s32 v0, $0x10  }
0x7b: {  	v0 =	vand.u32 $0xFFFF, v0;
	[tilespmem:$0x2830] =	vst v48  }
0x7c: {  	s18 =	simm.s32 @!p0 $0x6;
	[tilespmem:$0x2A30] =	vst v0  }
0x7d: {  	[tilespmem:s9], [sflag:$0x1] =	stream.indirect.gather [hbm4b:s7+s19], $0x80, s26, s19, $0x2000b8;
	[tilespmem:$0x1EC00] =	vst v63  }
0x7e: {  	_ =	swait.ge @!p0 [sflag:s18], $0x2000  }
0x7f: {  	[sflag:s18] =	ssyncset.done @!p0 $0x0  }
0x80: {  	[sflag:s18] =	ssyncadd.s32 @!p0 $0xFFFFE000  }
0x81: {  	v49 =	vld [tilespmem:s17+$0x80];
	_ =	sdelay $0x4  }
0x82: {  	v50 =	vshra.s32 v49, $0x10  }
0x83: {  	v0 =	vand.u32 $0xFFFF, v49;
	[tilespmem:$0x2880] =	vst v50  }
0x84: {  	[tilespmem:$0x2A80] =	vst v0  }
0x85: {  	v0 =	vld [tilespmem:s17+$0x90];
	_ =	sdelay $0x4  }
0x86: {  	v51 =	vshra.s32 v0, $0x10  }
0x87: {  	v0 =	vand.u32 $0xFFFF, v0;
	[tilespmem:$0x2890] =	vst v51  }
0x88: {  	[tilespmem:$0x2A90] =	vst v0  }
0x89: {  	v0 =	vld [tilespmem:s17+$0xA0];
	_ =	sdelay $0x4  }
0x8a: {  	v52 =	vshra.s32 v0, $0x10  }
0x8b: {  	v0 =	vand.u32 $0xFFFF, v0;
	[tilespmem:$0x28A0] =	vst v52  }
0x8c: {  	[tilespmem:$0x2AA0] =	vst v0  }
0x8d: {  	v0 =	vld [tilespmem:s17+$0xB0];
	_ =	sdelay $0x4  }
0x8e: {  	v53 =	vshra.s32 v0, $0x10  }
0x8f: {  	v0 =	vand.u32 $0xFFFF, v0;
	[tilespmem:$0x28B0] =	vst v53  }
0x90: {  	s18 =	simm.s32 @!p0 $0x7;
	[tilespmem:$0x2AB0] =	vst v0  }
0x91: {  	[tilespmem:s29], [sflag:$0x2] =	stream.indirect.gather [hbm4b:s7+s19], $0x80, s28, s19, $0x2000b8;
	[tilespmem:$0x1EC00] =	vst v63  }
0x92: {  	_ =	swait.ge @!p0 [sflag:s18], $0x2000  }
0x93: {  	[sflag:s18] =	ssyncset.done @!p0 $0x0  }
0x94: {  	[sflag:s18] =	ssyncadd.s32 @!p0 $0xFFFFE000  }
0x95: {  	v54 =	vld [tilespmem:s17+$0x100];
	_ =	sdelay $0x4  }
0x96: {  	v55 =	vshra.s32 v54, $0x10  }
0x97: {  	v0 =	vand.u32 $0xFFFF, v54;
	[tilespmem:$0x2900] =	vst v55  }
0x98: {  	[tilespmem:$0x2B00] =	vst v0  }
0x99: {  	v0 =	vld [tilespmem:s17+$0x110];
	_ =	sdelay $0x4  }
0x9a: {  	v56 =	vshra.s32 v0, $0x10  }
0x9b: {  	v0 =	vand.u32 $0xFFFF, v0;
	[tilespmem:$0x2910] =	vst v56  }
0x9c: {  	[tilespmem:$0x2B10] =	vst v0  }
0x9d: {  	v0 =	vld [tilespmem:s17+$0x120];
	_ =	sdelay $0x4  }
0x9e: {  	v57 =	vshra.s32 v0, $0x10  }
0x9f: {  	v0 =	vand.u32 $0xFFFF, v0;
	[tilespmem:$0x2920] =	vst v57  }
0xa0: {  	[tilespmem:$0x2B20] =	vst v0  }
0xa1: {  	v0 =	vld [tilespmem:s17+$0x130];
	_ =	sdelay $0x4  }
0xa2: {  	v58 =	vshra.s32 v0, $0x10  }
0xa3: {  	v0 =	vand.u32 $0xFFFF, v0;
	[tilespmem:$0x2930] =	vst v58  }
0xa4: {  	s18 =	simm.s32 @!p0 $0x8;
	[tilespmem:$0x2B30] =	vst v0  }
0xa5: {  	[tilespmem:s31], [sflag:$0x3] =	stream.indirect.gather [hbm4b:s7+s19], $0x80, s30, s19, $0x2000b8;
	[tilespmem:$0x1EC00] =	vst v63  }
0xa6: {  	_ =	swait.ge @!p0 [sflag:s18], $0x2000  }
0xa7: {  	[sflag:s18] =	ssyncset.done @!p0 $0x0  }
0xa8: {  	[sflag:s18] =	ssyncadd.s32 @!p0 $0xFFFFE000  }
0xa9: {  	v59 =	vld [tilespmem:s17+$0x180];
	_ =	sdelay $0x4  }
0xaa: {  	v60 =	vshra.s32 v59, $0x10  }
0xab: {  	v0 =	vand.u32 $0xFFFF, v59;
	[tilespmem:$0x2980] =	vst v60  }
0xac: {  	[tilespmem:$0x2B80] =	vst v0  }
0xad: {  	v0 =	vld [tilespmem:s17+$0x190];
	_ =	sdelay $0x4  }
0xae: {  	v61 =	vshra.s32 v0, $0x10  }
0xaf: {  	v0 =	vand.u32 $0xFFFF, v0;
	[tilespmem:$0x2990] =	vst v61  }
0xb0: {  	[tilespmem:$0x2B90] =	vst v0  }
0xb1: {  	v0 =	vld [tilespmem:s17+$0x1A0];
	_ =	sdelay $0x4  }
0xb2: {  	v62 =	vshra.s32 v0, $0x10  }
0xb3: {  	v0 =	vand.u32 $0xFFFF, v0;
	[tilespmem:$0x29A0] =	vst v62  }
0xb4: {  	[tilespmem:$0x2BA0] =	vst v0  }
0xb5: {  	v0 =	vld [tilespmem:s17+$0x1B0];
	_ =	sdelay $0x4  }
0xb6: {  	v63 =	vshra.s32 v0, $0x10  }
0xb7: {  	v0 =	vand.u32 $0xFFFF, v0;
	[tilespmem:$0x29B0] =	vst v63  }
0xb8: {  	[tilespmem:$0x2BB0] =	vst v0  }
0xb9: {  	[tilespmem:s2], [sflag:$0x4] =	stream.indirect.gather [hbm4b:s7+s19], $0x80, s0, s19, $0x2000b8;
	[tilespmem:$0x1EC00] =	vst v63  }
0xba: {  	_ =	swait.ge [sflag:s3], $0x2000  }
0xbb: {  	[sflag:s3] =	ssyncset.done $0x0  }
0xbc: {  	[sflag:s3] =	ssyncadd.s32 $0xFFFFE000  }
0xbd: {  	[spmem:s11] =	stream.indirect.scatter.add.f32 [tilespmem:s9], [sflag:$0x5], $0x80, s1, s19, $0x2000b8;
	[tilespmem:$0x1EC00] =	vst v63  }
0xbe: {  	_ =	swait.ge [sflag:s4], $0x2000  }
0xbf: {  	[sflag:s4] =	ssyncset.done $0x0  }
0xc0: {  	[sflag:s4] =	ssyncadd.s32 $0xFFFFE000  }
0xc1: {  	[spmem:s11] =	stream.indirect.scatter.add.f32 [tilespmem:s29], [sflag:$0x6], $0x80, s5, s19, $0x2000b8;
	[tilespmem:$0x1EC00] =	vst v63  }
0xc2: {  	_ =	swait.ge [sflag:s6], $0x2000  }
0xc3: {  	s14 =	sadd.s32 $0x200, s14;
	[sflag:s6] =	ssyncset.done $0x0  }
0xc4: {  	p0 =	sne.s32 s14, $0x5000;
	[sflag:s6] =	ssyncadd.s32 $0xFFFFE000  }
0xc5: {  	[spmem:s11] =	stream.indirect.scatter.add.f32 [tilespmem:s31], [sflag:$0x7], $0x80, s8, s19, $0x2000b8;
	[tilespmem:$0x1EC00] =	vst v63  }
.Ltmp3:
0xc6: {  	_ = 	snop;
	(pc) =	sbr.rel @!p0 .LBB2_11-.Ltmp3, $4  }
0xc7: {  	_ =	swait.ge [sflag:s10], $0x2000  }
0xc8: {  	[sflag:s10] =	ssyncset.done $0x0  }
0xc9: {  	s15 =	sadd.s32 $0x1, s15;
	[sflag:s10] =	ssyncadd.s32 $0xFFFFE000  }
0xca: {  	[spmem:s11] =	stream.indirect.scatter.add.f32 [tilespmem:s2], [sflag:$0x8], $0x80, s13, s19, $0x2000b8;
	[tilespmem:$0x1EC00] =	vst v63  }
.LBB2_4:
0xcb: {  	p0 =	seq.s32 s15, $0x14  }
.Ltmp4:
0xcc: {  	_ = 	snop;
	(pc) =	sbr.rel @p0 .LBB2_7-.Ltmp4, $1  }
0xcd: {  	_ =	sdelay $0x3  }
0xce: {  	p0 =	sne.s32 s15, $0x0  }
.Ltmp5:
0xcf: {  	_ = 	snop;
	(pc) =	sbr.rel @p0 .LBB2_8-.Ltmp5, $1  }
0xd0: {  	_ =	sdelay $0x3  }
.Ltmp6:
0xd1: {  	s17 =	simm.s32 $0x0;
	(pc) =	sbr.rel .LBB2_10-.Ltmp6, $4  }
0xd2: {  	[tilespmem:s17], [sflag:$0x9] =	stream.linear.gather [hbm4b:s21+s17], $0x2800, $0x200038;
	[tilespmem:$0x1EC00] =	vst v63  }
0xd3: {  	_ =	swait.ge [sflag:s12], $0x2800  }
0xd4: {  	[sflag:s12] =	ssyncset.done $0x0  }
0xd5: {  	p0 =	por $0x1, $0x1;
	[sflag:s12] =	ssyncadd.s32 $0xFFFFD800  }
.LBB2_8:
.Ltmp7:
0xd6: {  	(pc) =	sbr.rel .LBB2_9-.Ltmp7, $4  }
0xd7: {  	_ = 	snop  }
0xd8: {  	p0 =	sgt.u32 s15, $0x13;
	s17 =	simm.s32 $0xFFFFD800  }
0xd9: {  	s17 =	simm.s32 @!p0 $0x0  }
0xda: {  	s17 =	sadd.s32 s14, s17  }
.LBB2_11:
0xdb: {  	s0 =	simm.s32 $0x5  }
0xdc: {  	_ =	swait.ge [sflag:s0], $0x2000  }
0xdd: {  	[sflag:s0] =	ssyncset.done $0x0  }
0xde: {  	s12 =	simm.s32 $0x6;
	[sflag:s0] =	ssyncadd.s32 $0xFFFFE000  }
0xdf: {  	_ =	swait.ge [sflag:s12], $0x2000  }
0xe0: {  	[sflag:s12] =	ssyncset.done $0x0  }
0xe1: {  	s13 =	simm.s32 $0x7;
	[sflag:s12] =	ssyncadd.s32 $0xFFFFE000  }
0xe2: {  	_ =	swait.ge [sflag:s13], $0x2000  }
0xe3: {  	[sflag:s13] =	ssyncset.done $0x0  }
0xe4: {  	s14 =	simm.s32 $0x8;
	[sflag:s13] =	ssyncadd.s32 $0xFFFFE000  }
0xe5: {  	_ =	swait.ge [sflag:s14], $0x2000  }
0xe6: {  	[sflag:s14] =	ssyncset.done $0x0  }
0xe7: {  	[sflag:s14] =	ssyncadd.s32 $0xFFFFE000  }
0xe8: {  	[bflag:$0x0] =	sbarrier.arrive $0xFFFF  }
0xe9: {  	_ =	strace $0x9000004C  }
0xea: {  	s2 =	simm.s32 $0x2C00;
	s15 =	simm.s32 $0x9;
	_ =	strace $0x8000004D  }
0xeb: {  	[tilespmem:s2], [sflag:$0x9] =	stream.linear.gather [spmem:s23], $0x2000, $0x200038;
	[tilespmem:$0x1EC00] =	vst v63  }
0xec: {  	_ =	swait.ge [sflag:s15], $0x2000  }
0xed: {  	[sflag:s15] =	ssyncset.done $0x0  }
0xee: {  	s1 =	simm.s32 $0x0;
	s3 =	rddreg [dreg:$0x1d];
	[sflag:s15] =	ssyncadd.s32 $0xFFFFE000  }
0xef: {  	[hbm4b:s3+s1] =	stream.linear.scatter [tilespmem:s2], [sflag:$0x9], $0x2000, $0x200038;
	[tilespmem:$0x1EC00] =	vst v63  }
0xf0: {  	_ =	swait.ge [sflag:s15], $0x2000  }
0xf1: {  	[sflag:s15] =	ssyncset.done $0x0  }
0xf2: {  	s16 =	simm.s32 $0x4C00;
	[sflag:s15] =	ssyncadd.s32 $0xFFFFE000  }
0xf3: {  	[tilespmem:s16], [sflag:$0x9] =	stream.linear.gather [spmem:s22], $0x2000, $0x200038;
	[tilespmem:$0x1EC00] =	vst v63  }
0xf4: {  	_ =	swait.ge [sflag:s15], $0x2000  }
0xf5: {  	[sflag:s15] =	ssyncset.done $0x0  }
0xf6: {  	s4 =	rddreg [dreg:$0x1c];
	[sflag:s15] =	ssyncadd.s32 $0xFFFFE000  }
0xf7: {  	[hbm4b:s4+s1] =	stream.linear.scatter [tilespmem:s16], [sflag:$0x9], $0x2000, $0x200038;
	[tilespmem:$0x1EC00] =	vst v63  }
0xf8: {  	_ =	swait.ge [sflag:s15], $0x2000  }
0xf9: {  	[sflag:s15] =	ssyncset.done $0x0  }
0xfa: {  	[sflag:s15] =	ssyncadd.s32 $0xFFFFE000  }
0xfb: {  	[tilespmem:s2], [sflag:$0x9] =	stream.linear.gather [spmem:s20], $0x2000, $0x200038;
	[tilespmem:$0x1EC00] =	vst v63  }
0xfc: {  	_ =	swait.ge [sflag:s15], $0x2000  }
0xfd: {  	[sflag:s15] =	ssyncset.done $0x0  }
0xfe: {  	s17 =	rddreg [dreg:$0x1b];
	[sflag:s15] =	ssyncadd.s32 $0xFFFFE000  }
0xff: {  	[hbm4b:s17+s1] =	stream.linear.scatter [tilespmem:s2], [sflag:$0x9], $0x2000, $0x200038;
	[tilespmem:$0x1EC00] =	vst v63  }
0x100: {  	_ =	swait.ge [sflag:s15], $0x2000  }
0x101: {  	[sflag:s15] =	ssyncset.done $0x0  }
0x102: {  	s9 =	rddreg [dreg:$0x12];
	[sflag:s15] =	ssyncadd.s32 $0xFFFFE000  }
0x103: {  	[tilespmem:s16], [sflag:$0x9] =	stream.linear.gather [spmem:s9], $0x2000, $0x200038;
	[tilespmem:$0x1EC00] =	vst v63  }
0x104: {  	_ =	swait.ge [sflag:s15], $0x2000  }
0x105: {  	[sflag:s15] =	ssyncset.done $0x0  }
0x106: {  	s18 =	rddreg [dreg:$0x1a];
	[sflag:s15] =	ssyncadd.s32 $0xFFFFE000  }
0x107: {  	[hbm4b:s18+s1] =	stream.linear.scatter [tilespmem:s16], [sflag:$0x9], $0x2000, $0x200038;
	[tilespmem:$0x1EC00] =	vst v63  }
0x108: {  	_ =	swait.ge [sflag:s15], $0x2000  }
0x109: {  	[sflag:s15] =	ssyncset.done $0x0  }
0x10a: {  	s8 =	rddreg [dreg:$0x11];
	[sflag:s15] =	ssyncadd.s32 $0xFFFFE000  }
0x10b: {  	[tilespmem:s2], [sflag:$0x9] =	stream.linear.gather [spmem:s8], $0x2000, $0x200038;
	[tilespmem:$0x1EC00] =	vst v63  }
0x10c: {  	_ =	swait.ge [sflag:s15], $0x2000  }
0x10d: {  	[sflag:s15] =	ssyncset.done $0x0  }
0x10e: {  	s19 =	rddreg [dreg:$0x19];
	[sflag:s15] =	ssyncadd.s32 $0xFFFFE000  }
0x10f: {  	[hbm4b:s19+s1] =	stream.linear.scatter [tilespmem:s2], [sflag:$0x9], $0x2000, $0x200038;
	[tilespmem:$0x1EC00] =	vst v63  }
0x110: {  	_ =	swait.ge [sflag:s15], $0x2000  }
0x111: {  	[sflag:s15] =	ssyncset.done $0x0  }
0x112: {  	s7 =	rddreg [dreg:$0xf];
	[sflag:s15] =	ssyncadd.s32 $0xFFFFE000  }
0x113: {  	[tilespmem:s16], [sflag:$0x9] =	stream.linear.gather [spmem:s7], $0x2000, $0x200038;
	[tilespmem:$0x1EC00] =	vst v63  }
0x114: {  	_ =	swait.ge [sflag:s15], $0x2000  }
0x115: {  	[sflag:s15] =	ssyncset.done $0x0  }
0x116: {  	s26 =	rddreg [dreg:$0x18];
	[sflag:s15] =	ssyncadd.s32 $0xFFFFE000  }
0x117: {  	[hbm4b:s26+s1] =	stream.linear.scatter [tilespmem:s16], [sflag:$0x9], $0x2000, $0x200038;
	[tilespmem:$0x1EC00] =	vst v63  }
0x118: {  	_ =	swait.ge [sflag:s15], $0x2000  }
0x119: {  	[sflag:s15] =	ssyncset.done $0x0  }
0x11a: {  	s6 =	rddreg [dreg:$0xd];
	[sflag:s15] =	ssyncadd.s32 $0xFFFFE000  }
0x11b: {  	[tilespmem:s2], [sflag:$0x9] =	stream.linear.gather [spmem:s6], $0x2000, $0x200038;
	[tilespmem:$0x1EC00] =	vst v63  }
0x11c: {  	_ =	swait.ge [sflag:s15], $0x2000  }
0x11d: {  	[sflag:s15] =	ssyncset.done $0x0  }
0x11e: {  	s28 =	rddreg [dreg:$0x17];
	[sflag:s15] =	ssyncadd.s32 $0xFFFFE000  }
0x11f: {  	[hbm4b:s28+s1] =	stream.linear.scatter [tilespmem:s2], [sflag:$0x9], $0x2000, $0x200038;
	[tilespmem:$0x1EC00] =	vst v63  }
0x120: {  	_ =	swait.ge [sflag:s15], $0x2000  }
0x121: {  	[sflag:s15] =	ssyncset.done $0x0  }
0x122: {  	s5 =	rddreg [dreg:$0xb];
	[sflag:s15] =	ssyncadd.s32 $0xFFFFE000  }
0x123: {  	[tilespmem:s16], [sflag:$0x9] =	stream.linear.gather [spmem:s5], $0x2000, $0x200038;
	[tilespmem:$0x1EC00] =	vst v63  }
0x124: {  	_ =	swait.ge [sflag:s15], $0x2000  }
0x125: {  	[sflag:s15] =	ssyncset.done $0x0  }
0x126: {  	s29 =	rddreg [dreg:$0x16];
	[sflag:s15] =	ssyncadd.s32 $0xFFFFE000  }
0x127: {  	[hbm4b:s29+s1] =	stream.linear.scatter [tilespmem:s16], [sflag:$0x9], $0x2000, $0x200038;
	[tilespmem:$0x1EC00] =	vst v63  }
0x128: {  	_ =	swait.ge [sflag:s15], $0x2000  }
0x129: {  	[sflag:s15] =	ssyncset.done $0x0  }
0x12a: {  	s4 =	rddreg [dreg:$0x9];
	[sflag:s15] =	ssyncadd.s32 $0xFFFFE000  }
0x12b: {  	[tilespmem:s2], [sflag:$0x9] =	stream.linear.gather [spmem:s4], $0x2000, $0x200038;
	[tilespmem:$0x1EC00] =	vst v63  }
0x12c: {  	_ =	swait.ge [sflag:s15], $0x2000  }
0x12d: {  	[sflag:s15] =	ssyncset.done $0x0  }
0x12e: {  	s10 =	rddreg [dreg:$0x15];
	[sflag:s15] =	ssyncadd.s32 $0xFFFFE000  }
0x12f: {  	[hbm4b:s10+s1] =	stream.linear.scatter [tilespmem:s2], [sflag:$0x9], $0x2000, $0x200038;
	[tilespmem:$0x1EC00] =	vst v63  }
0x130: {  	_ =	swait.ge [sflag:s15], $0x2000  }
0x131: {  	[sflag:s15] =	ssyncset.done $0x0  }
0x132: {  	s31 =	rddreg [dreg:$0x7];
	[sflag:s15] =	ssyncadd.s32 $0xFFFFE000  }
0x133: {  	[tilespmem:s16], [sflag:$0x9] =	stream.linear.gather [spmem:s31], $0x2000, $0x200038;
	[tilespmem:$0x1EC00] =	vst v63  }
0x134: {  	_ =	swait.ge [sflag:s15], $0x2000  }
0x135: {  	[sflag:s15] =	ssyncset.done $0x0  }
0x136: {  	s30 =	rddreg [dreg:$0x14];
	[sflag:s15] =	ssyncadd.s32 $0xFFFFE000  }
0x137: {  	[hbm4b:s30+s1] =	stream.linear.scatter [tilespmem:s16], [sflag:$0x9], $0x2000, $0x200038;
	[tilespmem:$0x1EC00] =	vst v63  }
0x138: {  	_ =	swait.ge [sflag:s15], $0x2000  }
0x139: {  	[sflag:s15] =	ssyncset.done $0x0  }
0x13a: {  	[sflag:s15] =	ssyncadd.s32 $0xFFFFE000  }
0x13b: {  	[bflag:$0x0] =	sbarrier.arrive $0xFFFF  }
0x13c: {  	_ =	strace $0x9000004D  }
0x13d: {  	v0 =	vimm.f32 $0.0e+00;
	s0 =	simm.s32 $0x0;
	s1 =	simm.s32 $0x200;
	_ =	strace $0x8000004E  }
.LBB2_12:
0x13e: {  	p0 =	sne.s32 s1, $0x7E00;
	[tilespmem:s0+$0x2C70] =	vst v0  }
0x13f: {  	[tilespmem:s0+$0x2C00] =	vst v0  }
0x140: {  	[tilespmem:s0+$0x2C10] =	vst v0  }
.Ltmp8:
0x141: {  	[tilespmem:s0+$0x2C20] =	vst v0;
	(pc) =	sbr.rel @p0 .LBB2_12-.Ltmp8, $4  }
0x142: {  	[tilespmem:s0+$0x2C30] =	vst v0  }
0x143: {  	[tilespmem:s0+$0x2C40] =	vst v0  }
0x144: {  	[tilespmem:s0+$0x2C50] =	vst v0  }
0x145: {  	[tilespmem:s0+$0x2C60] =	vst v0;
	s0 =	sshra.s32 s1, $0x2;
	s1 =	sadd.s32 $0x200, s1  }
0x146: {  	[tilespmem:s0+$0x2C70] =	vst v0  }
0x147: {  	[tilespmem:s0+$0x2C00] =	vst v0  }
0x148: {  	[tilespmem:s0+$0x2C10] =	vst v0  }
0x149: {  	[tilespmem:s0+$0x2C20] =	vst v0  }
0x14a: {  	[tilespmem:s0+$0x2C30] =	vst v0  }
0x14b: {  	[tilespmem:s0+$0x2C40] =	vst v0  }
0x14c: {  	[tilespmem:s0+$0x2C50] =	vst v0  }
0x14d: {  	[tilespmem:s0+$0x2C60] =	vst v0;
	s0 =	simm.s32 $0x2C00;
	s2 =	simm.s32 $0x9  }
0x14e: {  	[spmem:s23] =	stream.linear.scatter [tilespmem:s0], [sflag:$0x9], $0x2000, $0x200038;
	[tilespmem:$0x1EC00] =	vst v63  }
0x14f: {  	_ =	swait.ge [sflag:s2], $0x2000  }
0x150: {  	[sflag:s2] =	ssyncset.done $0x0  }
0x151: {  	[sflag:s2] =	ssyncadd.s32 $0xFFFFE000  }
0x152: {  	[spmem:s22] =	stream.linear.scatter [tilespmem:s0], [sflag:$0x9], $0x2000, $0x200038;
	[tilespmem:$0x1EC00] =	vst v63  }
0x153: {  	_ =	swait.ge [sflag:s2], $0x2000  }
0x154: {  	[sflag:s2] =	ssyncset.done $0x0  }
0x155: {  	[sflag:s2] =	ssyncadd.s32 $0xFFFFE000  }
0x156: {  	[spmem:s20] =	stream.linear.scatter [tilespmem:s0], [sflag:$0x9], $0x2000, $0x200038;
	[tilespmem:$0x1EC00] =	vst v63  }
0x157: {  	_ =	swait.ge [sflag:s2], $0x2000  }
0x158: {  	[sflag:s2] =	ssyncset.done $0x0  }
0x159: {  	[sflag:s2] =	ssyncadd.s32 $0xFFFFE000  }
0x15a: {  	[spmem:s9] =	stream.linear.scatter [tilespmem:s0], [sflag:$0x9], $0x2000, $0x200038;
	[tilespmem:$0x1EC00] =	vst v63  }
0x15b: {  	_ =	swait.ge [sflag:s2], $0x2000  }
0x15c: {  	[sflag:s2] =	ssyncset.done $0x0  }
0x15d: {  	[sflag:s2] =	ssyncadd.s32 $0xFFFFE000  }
0x15e: {  	[spmem:s8] =	stream.linear.scatter [tilespmem:s0], [sflag:$0x9], $0x2000, $0x200038;
	[tilespmem:$0x1EC00] =	vst v63  }
0x15f: {  	_ =	swait.ge [sflag:s2], $0x2000  }
0x160: {  	[sflag:s2] =	ssyncset.done $0x0  }
0x161: {  	[sflag:s2] =	ssyncadd.s32 $0xFFFFE000  }
0x162: {  	[spmem:s7] =	stream.linear.scatter [tilespmem:s0], [sflag:$0x9], $0x2000, $0x200038;
	[tilespmem:$0x1EC00] =	vst v63  }
0x163: {  	_ =	swait.ge [sflag:s2], $0x2000  }
0x164: {  	[sflag:s2] =	ssyncset.done $0x0  }
0x165: {  	[sflag:s2] =	ssyncadd.s32 $0xFFFFE000  }
0x166: {  	[spmem:s6] =	stream.linear.scatter [tilespmem:s0], [sflag:$0x9], $0x2000, $0x200038;
	[tilespmem:$0x1EC00] =	vst v63  }
0x167: {  	_ =	swait.ge [sflag:s2], $0x2000  }
0x168: {  	[sflag:s2] =	ssyncset.done $0x0  }
0x169: {  	[sflag:s2] =	ssyncadd.s32 $0xFFFFE000  }
0x16a: {  	[spmem:s5] =	stream.linear.scatter [tilespmem:s0], [sflag:$0x9], $0x2000, $0x200038;
	[tilespmem:$0x1EC00] =	vst v63  }
0x16b: {  	_ =	swait.ge [sflag:s2], $0x2000  }
0x16c: {  	[sflag:s2] =	ssyncset.done $0x0  }
0x16d: {  	s3 =	simm.s32 $0x0;
	s12 =	simm.s32 $0x4C00;
	[sflag:s2] =	ssyncadd.s32 $0xFFFFE000  }
0x16e: {  	[spmem:s4] =	stream.linear.scatter [tilespmem:s0], [sflag:$0x9], $0x2000, $0x200038;
	[tilespmem:$0x1EC00] =	vst v63  }
0x16f: {  	s14 =	simm.s32 $0x2900;
	s16 =	simm.s32 $0x6C00;
	_ =	swait.ge [sflag:s2], $0x2000  }
0x170: {  	s19 =	simm.s32 $0x2980;
	s26 =	simm.s32 $0x8C00;
	[sflag:s2] =	ssyncset.done $0x0  }
0x171: {  	s28 =	simm.s32 $0x1;
	s1 =	simm.s32 $0x2A00;
	[sflag:s2] =	ssyncadd.s32 $0xFFFFE000  }
0x172: {  	[spmem:s31] =	stream.linear.scatter [tilespmem:s0], [sflag:$0x9], $0x2000, $0x200038;
	[tilespmem:$0x1EC00] =	vst v63  }
0x173: {  	s29 =	simm.s32 $0x2;
	s30 =	simm.s32 $0x2A80;
	_ =	swait.ge [sflag:s2], $0x2000  }
.Ltmp9:
0x174: {  	s10 =	simm.s32 $0x4;
	[sflag:s2] =	ssyncset.done $0x0;
	(pc) =	sbr.rel .LBB2_14-.Ltmp9, $4  }
0x175: {  	s13 =	simm.s32 $0x2B80;
	s15 =	simm.s32 $0x0;
	[sflag:s2] =	ssyncadd.s32 $0xFFFFE000  }
0x176: {  	s9 =	simm.s32 $0x2880;
	s8 =	simm.s32 $0x2B00;
	[bflag:$0x0] =	sbarrier.arrive $0xFFFF  }
0x177: {  	s7 =	simm.s32 $0x2800;
	s6 =	simm.s32 $0x3;
	_ =	strace $0x9000004E  }
0x178: {  	s5 =	simm.s32 $0x40;
	s4 =	simm.s32 $0x5;
	_ =	strace $0x8000004F  }
.LBB2_17:
0x179: {  	s17 =	simm.s32 $0x0  }
0x17a: {  	[tilespmem:s17], [sflag:$0x9] =	stream.linear.gather [hbm4b:s25+s17], $0x2800, $0x200038;
	[tilespmem:$0x1EC00] =	vst v63  }
0x17b: {  	_ =	swait.ge [sflag:s2], $0x2800  }
0x17c: {  	[sflag:s2] =	ssyncset.done $0x0  }
0x17d: {  	[sflag:s2] =	ssyncadd.s32 $0xFFFFD800  }
.LBB2_19:
0x17e: {  	_ =	swait.ge [sflag:s4], $0x2000  }
0x17f: {  	[sflag:s4] =	ssyncset.done $0x0  }
0x180: {  	p0 =	por $0x0, $0x0;
	[sflag:s4] =	ssyncadd.s32 $0xFFFFE000  }
.LBB2_20:
0x181: {  	v0 =	vld [tilespmem:s17+$0x0];
	_ =	sdelay $0x4  }
0x182: {  	v1 =	vshra.s32 v0, $0x10  }
0x183: {  	v0 =	vand.u32 $0xFFFF, v0;
	[tilespmem:$0x2800] =	vst v1  }
0x184: {  	[tilespmem:$0x2A00] =	vst v0  }
0x185: {  	v0 =	vld [tilespmem:s17+$0x10];
	_ =	sdelay $0x4  }
0x186: {  	v46 =	vshra.s32 v0, $0x10  }
0x187: {  	v0 =	vand.u32 $0xFFFF, v0;
	[tilespmem:$0x2810] =	vst v46  }
0x188: {  	[tilespmem:$0x2A10] =	vst v0  }
0x189: {  	v0 =	vld [tilespmem:s17+$0x20];
	_ =	sdelay $0x4  }
0x18a: {  	v47 =	vshra.s32 v0, $0x10  }
0x18b: {  	v0 =	vand.u32 $0xFFFF, v0;
	[tilespmem:$0x2820] =	vst v47  }
0x18c: {  	[tilespmem:$0x2A20] =	vst v0  }
0x18d: {  	v0 =	vld [tilespmem:s17+$0x30];
	_ =	sdelay $0x4  }
0x18e: {  	v48 =	vshra.s32 v0, $0x10  }
0x18f: {  	v0 =	vand.u32 $0xFFFF, v0;
	[tilespmem:$0x2830] =	vst v48  }
0x190: {  	s18 =	simm.s32 @!p0 $0x6;
	[tilespmem:$0x2A30] =	vst v0  }
0x191: {  	[tilespmem:s0], [sflag:$0x1] =	stream.indirect.gather [hbm4b:s24+s5], $0x80, s7, s5, $0x2000b8;
	[tilespmem:$0x1EC00] =	vst v63  }
0x192: {  	_ =	swait.ge @!p0 [sflag:s18], $0x2000  }
0x193: {  	[sflag:s18] =	ssyncset.done @!p0 $0x0  }
0x194: {  	[sflag:s18] =	ssyncadd.s32 @!p0 $0xFFFFE000  }
0x195: {  	v49 =	vld [tilespmem:s17+$0x80];
	_ =	sdelay $0x4  }
0x196: {  	v50 =	vshra.s32 v49, $0x10  }
0x197: {  	v0 =	vand.u32 $0xFFFF, v49;
	[tilespmem:$0x2880] =	vst v50  }
0x198: {  	[tilespmem:$0x2A80] =	vst v0  }
0x199: {  	v0 =	vld [tilespmem:s17+$0x90];
	_ =	sdelay $0x4  }
0x19a: {  	v51 =	vshra.s32 v0, $0x10  }
0x19b: {  	v0 =	vand.u32 $0xFFFF, v0;
	[tilespmem:$0x2890] =	vst v51  }
0x19c: {  	[tilespmem:$0x2A90] =	vst v0  }
0x19d: {  	v0 =	vld [tilespmem:s17+$0xA0];
	_ =	sdelay $0x4  }
0x19e: {  	v52 =	vshra.s32 v0, $0x10  }
0x19f: {  	v0 =	vand.u32 $0xFFFF, v0;
	[tilespmem:$0x28A0] =	vst v52  }
0x1a0: {  	[tilespmem:$0x2AA0] =	vst v0  }
0x1a1: {  	v0 =	vld [tilespmem:s17+$0xB0];
	_ =	sdelay $0x4  }
0x1a2: {  	v53 =	vshra.s32 v0, $0x10  }
0x1a3: {  	v0 =	vand.u32 $0xFFFF, v0;
	[tilespmem:$0x28B0] =	vst v53  }
0x1a4: {  	s18 =	simm.s32 @!p0 $0x7;
	[tilespmem:$0x2AB0] =	vst v0  }
0x1a5: {  	[tilespmem:s12], [sflag:$0x2] =	stream.indirect.gather [hbm4b:s24+s5], $0x80, s9, s5, $0x2000b8;
	[tilespmem:$0x1EC00] =	vst v63  }
0x1a6: {  	_ =	swait.ge @!p0 [sflag:s18], $0x2000  }
0x1a7: {  	[sflag:s18] =	ssyncset.done @!p0 $0x0  }
0x1a8: {  	[sflag:s18] =	ssyncadd.s32 @!p0 $0xFFFFE000  }
0x1a9: {  	v54 =	vld [tilespmem:s17+$0x100];
	_ =	sdelay $0x4  }
0x1aa: {  	v55 =	vshra.s32 v54, $0x10  }
0x1ab: {  	v0 =	vand.u32 $0xFFFF, v54;
	[tilespmem:$0x2900] =	vst v55  }
0x1ac: {  	[tilespmem:$0x2B00] =	vst v0  }
0x1ad: {  	v0 =	vld [tilespmem:s17+$0x110];
	_ =	sdelay $0x4  }
0x1ae: {  	v56 =	vshra.s32 v0, $0x10  }
0x1af: {  	v0 =	vand.u32 $0xFFFF, v0;
	[tilespmem:$0x2910] =	vst v56  }
0x1b0: {  	[tilespmem:$0x2B10] =	vst v0  }
0x1b1: {  	v0 =	vld [tilespmem:s17+$0x120];
	_ =	sdelay $0x4  }
0x1b2: {  	v57 =	vshra.s32 v0, $0x10  }
0x1b3: {  	v0 =	vand.u32 $0xFFFF, v0;
	[tilespmem:$0x2920] =	vst v57  }
0x1b4: {  	[tilespmem:$0x2B20] =	vst v0  }
0x1b5: {  	v0 =	vld [tilespmem:s17+$0x130];
	_ =	sdelay $0x4  }
0x1b6: {  	v58 =	vshra.s32 v0, $0x10  }
0x1b7: {  	v0 =	vand.u32 $0xFFFF, v0;
	[tilespmem:$0x2930] =	vst v58  }
0x1b8: {  	s18 =	simm.s32 @!p0 $0x8;
	[tilespmem:$0x2B30] =	vst v0  }
0x1b9: {  	[tilespmem:s16], [sflag:$0x3] =	stream.indirect.gather [hbm4b:s24+s5], $0x80, s14, s5, $0x2000b8;
	[tilespmem:$0x1EC00] =	vst v63  }
0x1ba: {  	_ =	swait.ge @!p0 [sflag:s18], $0x2000  }
0x1bb: {  	[sflag:s18] =	ssyncset.done @!p0 $0x0  }
0x1bc: {  	[sflag:s18] =	ssyncadd.s32 @!p0 $0xFFFFE000  }
0x1bd: {  	v59 =	vld [tilespmem:s17+$0x180];
	_ =	sdelay $0x4  }
0x1be: {  	v60 =	vshra.s32 v59, $0x10  }
0x1bf: {  	v0 =	vand.u32 $0xFFFF, v59;
	[tilespmem:$0x2980] =	vst v60  }
0x1c0: {  	[tilespmem:$0x2B80] =	vst v0  }
0x1c1: {  	v0 =	vld [tilespmem:s17+$0x190];
	_ =	sdelay $0x4  }
0x1c2: {  	v61 =	vshra.s32 v0, $0x10  }
0x1c3: {  	v0 =	vand.u32 $0xFFFF, v0;
	[tilespmem:$0x2990] =	vst v61  }
0x1c4: {  	[tilespmem:$0x2B90] =	vst v0  }
0x1c5: {  	v0 =	vld [tilespmem:s17+$0x1A0];
	_ =	sdelay $0x4  }
0x1c6: {  	v62 =	vshra.s32 v0, $0x10  }
0x1c7: {  	v0 =	vand.u32 $0xFFFF, v0;
	[tilespmem:$0x29A0] =	vst v62  }
0x1c8: {  	[tilespmem:$0x2BA0] =	vst v0  }
0x1c9: {  	v0 =	vld [tilespmem:s17+$0x1B0];
	_ =	sdelay $0x4  }
0x1ca: {  	v63 =	vshra.s32 v0, $0x10  }
0x1cb: {  	v0 =	vand.u32 $0xFFFF, v0;
	[tilespmem:$0x29B0] =	vst v63  }
0x1cc: {  	[tilespmem:$0x2BB0] =	vst v0  }
0x1cd: {  	[tilespmem:s26], [sflag:$0x4] =	stream.indirect.gather [hbm4b:s24+s5], $0x80, s19, s5, $0x2000b8;
	[tilespmem:$0x1EC00] =	vst v63  }
0x1ce: {  	_ =	swait.ge [sflag:s28], $0x2000  }
0x1cf: {  	[sflag:s28] =	ssyncset.done $0x0  }
0x1d0: {  	[sflag:s28] =	ssyncadd.s32 $0xFFFFE000  }
0x1d1: {  	[spmem:s11] =	stream.indirect.scatter.add.f32 [tilespmem:s0], [sflag:$0x5], $0x80, s1, s5, $0x2000b8;
	[tilespmem:$0x1EC00] =	vst v63  }
0x1d2: {  	_ =	swait.ge [sflag:s29], $0x2000  }
0x1d3: {  	[sflag:s29] =	ssyncset.done $0x0  }
0x1d4: {  	[sflag:s29] =	ssyncadd.s32 $0xFFFFE000  }
0x1d5: {  	[spmem:s11] =	stream.indirect.scatter.add.f32 [tilespmem:s12], [sflag:$0x6], $0x80, s30, s5, $0x2000b8;
	[tilespmem:$0x1EC00] =	vst v63  }
0x1d6: {  	_ =	swait.ge [sflag:s6], $0x2000  }
0x1d7: {  	s3 =	sadd.s32 $0x200, s3;
	[sflag:s6] =	ssyncset.done $0x0  }
0x1d8: {  	p0 =	sne.s32 s3, $0x5000;
	[sflag:s6] =	ssyncadd.s32 $0xFFFFE000  }
0x1d9: {  	[spmem:s11] =	stream.indirect.scatter.add.f32 [tilespmem:s16], [sflag:$0x7], $0x80, s8, s5, $0x2000b8;
	[tilespmem:$0x1EC00] =	vst v63  }
.Ltmp10:
0x1da: {  	_ = 	snop;
	(pc) =	sbr.rel @!p0 .LBB2_21-.Ltmp10, $4  }
0x1db: {  	_ =	swait.ge [sflag:s10], $0x2000  }
0x1dc: {  	[sflag:s10] =	ssyncset.done $0x0  }
0x1dd: {  	s15 =	sadd.s32 $0x1, s15;
	[sflag:s10] =	ssyncadd.s32 $0xFFFFE000  }
0x1de: {  	[spmem:s11] =	stream.indirect.scatter.add.f32 [tilespmem:s26], [sflag:$0x8], $0x80, s13, s5, $0x2000b8;
	[tilespmem:$0x1EC00] =	vst v63  }
.LBB2_14:
0x1df: {  	p0 =	seq.s32 s15, $0x14  }
.Ltmp11:
0x1e0: {  	_ = 	snop;
	(pc) =	sbr.rel @p0 .LBB2_17-.Ltmp11, $1  }
0x1e1: {  	_ =	sdelay $0x3  }
0x1e2: {  	p0 =	sne.s32 s15, $0x0  }
.Ltmp12:
0x1e3: {  	_ = 	snop;
	(pc) =	sbr.rel @p0 .LBB2_18-.Ltmp12, $1  }
0x1e4: {  	_ =	sdelay $0x3  }
.Ltmp13:
0x1e5: {  	s17 =	simm.s32 $0x0;
	(pc) =	sbr.rel .LBB2_20-.Ltmp13, $4  }
0x1e6: {  	[tilespmem:s17], [sflag:$0x9] =	stream.linear.gather [hbm4b:s21+s17], $0x2800, $0x200038;
	[tilespmem:$0x1EC00] =	vst v63  }
0x1e7: {  	_ =	swait.ge [sflag:s2], $0x2800  }
0x1e8: {  	[sflag:s2] =	ssyncset.done $0x0  }
0x1e9: {  	p0 =	por $0x1, $0x1;
	[sflag:s2] =	ssyncadd.s32 $0xFFFFD800  }
.LBB2_18:
.Ltmp14:
0x1ea: {  	(pc) =	sbr.rel .LBB2_19-.Ltmp14, $4  }
0x1eb: {  	_ = 	snop  }
0x1ec: {  	p0 =	sgt.u32 s15, $0x13;
	s17 =	simm.s32 $0xFFFFD800  }
0x1ed: {  	s17 =	simm.s32 @!p0 $0x0  }
0x1ee: {  	s17 =	sadd.s32 s3, s17  }
.LBB2_21:
0x1ef: {  	s0 =	simm.s32 $0x5  }
0x1f0: {  	_ =	swait.ge [sflag:s0], $0x2000  }
0x1f1: {  	[sflag:s0] =	ssyncset.done $0x0  }
0x1f2: {  	s12 =	simm.s32 $0x6;
	[sflag:s0] =	ssyncadd.s32 $0xFFFFE000  }
0x1f3: {  	_ =	swait.ge [sflag:s12], $0x2000  }
0x1f4: {  	[sflag:s12] =	ssyncset.done $0x0  }
0x1f5: {  	s13 =	simm.s32 $0x7;
	[sflag:s12] =	ssyncadd.s32 $0xFFFFE000  }
0x1f6: {  	_ =	swait.ge [sflag:s13], $0x2000  }
0x1f7: {  	[sflag:s13] =	ssyncset.done $0x0  }
0x1f8: {  	s14 =	simm.s32 $0x8;
	[sflag:s13] =	ssyncadd.s32 $0xFFFFE000  }
0x1f9: {  	_ =	swait.ge [sflag:s14], $0x2000  }
0x1fa: {  	[sflag:s14] =	ssyncset.done $0x0  }
0x1fb: {  	[sflag:s14] =	ssyncadd.s32 $0xFFFFE000  }
0x1fc: {  	[bflag:$0x0] =	sbarrier.arrive $0xFFFF  }
0x1fd: {  	_ =	strace $0x9000004F  }
0x1fe: {  	s2 =	simm.s32 $0x2C00;
	s15 =	simm.s32 $0x9;
	_ =	strace $0x80000050  }
0x1ff: {  	[tilespmem:s2], [sflag:$0x9] =	stream.linear.gather [spmem:s23], $0x2000, $0x200038;
	[tilespmem:$0x1EC00] =	vst v63  }
0x200: {  	_ =	swait.ge [sflag:s15], $0x2000  }
0x201: {  	[sflag:s15] =	ssyncset.done $0x0  }
0x202: {  	s1 =	simm.s32 $0x0;
	s3 =	rddreg [dreg:$0x13];
	[sflag:s15] =	ssyncadd.s32 $0xFFFFE000  }
0x203: {  	[hbm4b:s3+s1] =	stream.linear.scatter [tilespmem:s2], [sflag:$0x9], $0x2000, $0x200038;
	[tilespmem:$0x1EC00] =	vst v63  }
0x204: {  	_ =	swait.ge [sflag:s15], $0x2000  }
0x205: {  	[sflag:s15] =	ssyncset.done $0x0  }
0x206: {  	s16 =	simm.s32 $0x4C00;
	[sflag:s15] =	ssyncadd.s32 $0xFFFFE000  }
0x207: {  	[tilespmem:s16], [sflag:$0x9] =	stream.linear.gather [spmem:s22], $0x2000, $0x200038;
	[tilespmem:$0x1EC00] =	vst v63  }
0x208: {  	_ =	swait.ge [sflag:s15], $0x2000  }
0x209: {  	[sflag:s15] =	ssyncset.done $0x0  }
0x20a: {  	s4 =	rddreg [dreg:$0x10];
	[sflag:s15] =	ssyncadd.s32 $0xFFFFE000  }
0x20b: {  	[hbm4b:s4+s1] =	stream.linear.scatter [tilespmem:s16], [sflag:$0x9], $0x2000, $0x200038;
	[tilespmem:$0x1EC00] =	vst v63  }
0x20c: {  	_ =	swait.ge [sflag:s15], $0x2000  }
0x20d: {  	[sflag:s15] =	ssyncset.done $0x0  }
0x20e: {  	[sflag:s15] =	ssyncadd.s32 $0xFFFFE000  }
0x20f: {  	[tilespmem:s2], [sflag:$0x9] =	stream.linear.gather [spmem:s20], $0x2000, $0x200038;
	[tilespmem:$0x1EC00] =	vst v63  }
0x210: {  	_ =	swait.ge [sflag:s15], $0x2000  }
0x211: {  	[sflag:s15] =	ssyncset.done $0x0  }
0x212: {  	s17 =	rddreg [dreg:$0xe];
	[sflag:s15] =	ssyncadd.s32 $0xFFFFE000  }
0x213: {  	[hbm4b:s17+s1] =	stream.linear.scatter [tilespmem:s2], [sflag:$0x9], $0x2000, $0x200038;
	[tilespmem:$0x1EC00] =	vst v63  }
0x214: {  	_ =	swait.ge [sflag:s15], $0x2000  }
0x215: {  	[sflag:s15] =	ssyncset.done $0x0  }
0x216: {  	s18 =	rddreg [dreg:$0x12];
	[sflag:s15] =	ssyncadd.s32 $0xFFFFE000  }
0x217: {  	[tilespmem:s16], [sflag:$0x9] =	stream.linear.gather [spmem:s18], $0x2000, $0x200038;
	[tilespmem:$0x1EC00] =	vst v63  }
0x218: {  	_ =	swait.ge [sflag:s15], $0x2000  }
0x219: {  	[sflag:s15] =	ssyncset.done $0x0  }
0x21a: {  	s19 =	rddreg [dreg:$0xc];
	[sflag:s15] =	ssyncadd.s32 $0xFFFFE000  }
0x21b: {  	[hbm4b:s19+s1] =	stream.linear.scatter [tilespmem:s16], [sflag:$0x9], $0x2000, $0x200038;
	[tilespmem:$0x1EC00] =	vst v63  }
0x21c: {  	_ =	swait.ge [sflag:s15], $0x2000  }
0x21d: {  	[sflag:s15] =	ssyncset.done $0x0  }
0x21e: {  	s20 =	rddreg [dreg:$0x11];
	[sflag:s15] =	ssyncadd.s32 $0xFFFFE000  }
0x21f: {  	[tilespmem:s2], [sflag:$0x9] =	stream.linear.gather [spmem:s20], $0x2000, $0x200038;
	[tilespmem:$0x1EC00] =	vst v63  }
0x220: {  	_ =	swait.ge [sflag:s15], $0x2000  }
0x221: {  	[sflag:s15] =	ssyncset.done $0x0  }
0x222: {  	s21 =	rddreg [dreg:$0xa];
	[sflag:s15] =	ssyncadd.s32 $0xFFFFE000  }
0x223: {  	[hbm4b:s21+s1] =	stream.linear.scatter [tilespmem:s2], [sflag:$0x9], $0x2000, $0x200038;
	[tilespmem:$0x1EC00] =	vst v63  }
0x224: {  	_ =	swait.ge [sflag:s15], $0x2000  }
0x225: {  	[sflag:s15] =	ssyncset.done $0x0  }
0x226: {  	s22 =	rddreg [dreg:$0xf];
	[sflag:s15] =	ssyncadd.s32 $0xFFFFE000  }
0x227: {  	[tilespmem:s16], [sflag:$0x9] =	stream.linear.gather [spmem:s22], $0x2000, $0x200038;
	[tilespmem:$0x1EC00] =	vst v63  }
0x228: {  	_ =	swait.ge [sflag:s15], $0x2000  }
0x229: {  	[sflag:s15] =	ssyncset.done $0x0  }
0x22a: {  	s23 =	rddreg [dreg:$0x8];
	[sflag:s15] =	ssyncadd.s32 $0xFFFFE000  }
0x22b: {  	[hbm4b:s23+s1] =	stream.linear.scatter [tilespmem:s16], [sflag:$0x9], $0x2000, $0x200038;
	[tilespmem:$0x1EC00] =	vst v63  }
0x22c: {  	_ =	swait.ge [sflag:s15], $0x2000  }
0x22d: {  	[sflag:s15] =	ssyncset.done $0x0  }
0x22e: {  	s24 =	rddreg [dreg:$0xd];
	[sflag:s15] =	ssyncadd.s32 $0xFFFFE000  }
0x22f: {  	[tilespmem:s2], [sflag:$0x9] =	stream.linear.gather [spmem:s24], $0x2000, $0x200038;
	[tilespmem:$0x1EC00] =	vst v63  }
0x230: {  	_ =	swait.ge [sflag:s15], $0x2000  }
0x231: {  	[sflag:s15] =	ssyncset.done $0x0  }
0x232: {  	s25 =	rddreg [dreg:$0x6];
	[sflag:s15] =	ssyncadd.s32 $0xFFFFE000  }
0x233: {  	[hbm4b:s25+s1] =	stream.linear.scatter [tilespmem:s2], [sflag:$0x9], $0x2000, $0x200038;
	[tilespmem:$0x1EC00] =	vst v63  }
0x234: {  	_ =	swait.ge [sflag:s15], $0x2000  }
0x235: {  	[sflag:s15] =	ssyncset.done $0x0  }
0x236: {  	s26 =	rddreg [dreg:$0xb];
	[sflag:s15] =	ssyncadd.s32 $0xFFFFE000  }
0x237: {  	[tilespmem:s16], [sflag:$0x9] =	stream.linear.gather [spmem:s26], $0x2000, $0x200038;
	[tilespmem:$0x1EC00] =	vst v63  }
0x238: {  	_ =	swait.ge [sflag:s15], $0x2000  }
0x239: {  	[sflag:s15] =	ssyncset.done $0x0  }
0x23a: {  	s28 =	rddreg [dreg:$0x5];
	[sflag:s15] =	ssyncadd.s32 $0xFFFFE000  }
0x23b: {  	[hbm4b:s28+s1] =	stream.linear.scatter [tilespmem:s16], [sflag:$0x9], $0x2000, $0x200038;
	[tilespmem:$0x1EC00] =	vst v63  }
0x23c: {  	_ =	swait.ge [sflag:s15], $0x2000  }
0x23d: {  	[sflag:s15] =	ssyncset.done $0x0  }
0x23e: {  	s29 =	rddreg [dreg:$0x9];
	[sflag:s15] =	ssyncadd.s32 $0xFFFFE000  }
0x23f: {  	[tilespmem:s2], [sflag:$0x9] =	stream.linear.gather [spmem:s29], $0x2000, $0x200038;
	[tilespmem:$0x1EC00] =	vst v63  }
0x240: {  	_ =	swait.ge [sflag:s15], $0x2000  }
0x241: {  	[sflag:s15] =	ssyncset.done $0x0  }
0x242: {  	s30 =	rddreg [dreg:$0x4];
	[sflag:s15] =	ssyncadd.s32 $0xFFFFE000  }
0x243: {  	[hbm4b:s30+s1] =	stream.linear.scatter [tilespmem:s2], [sflag:$0x9], $0x2000, $0x200038;
	[tilespmem:$0x1EC00] =	vst v63  }
0x244: {  	_ =	swait.ge [sflag:s15], $0x2000  }
0x245: {  	[sflag:s15] =	ssyncset.done $0x0  }
0x246: {  	[sflag:s15] =	ssyncadd.s32 $0xFFFFE000  }
0x247: {  	[tilespmem:s16], [sflag:$0x9] =	stream.linear.gather [spmem:s31], $0x2000, $0x200038;
	[tilespmem:$0x1EC00] =	vst v63  }
0x248: {  	_ =	swait.ge [sflag:s15], $0x2000  }
0x249: {  	[sflag:s15] =	ssyncset.done $0x0  }
0x24a: {  	s31 =	rddreg [dreg:$0x3];
	[sflag:s15] =	ssyncadd.s32 $0xFFFFE000  }
0x24b: {  	[hbm4b:s31+s1] =	stream.linear.scatter [tilespmem:s16], [sflag:$0x9], $0x2000, $0x200038;
	[tilespmem:$0x1EC00] =	vst v63  }
0x24c: {  	_ =	swait.ge [sflag:s15], $0x2000  }
0x24d: {  	[sflag:s15] =	ssyncset.done $0x0  }
0x24e: {  	[sflag:s15] =	ssyncadd.s32 $0xFFFFE000  }
0x24f: {  	[bflag:$0x0] =	sbarrier.arrive $0xFFFF  }
0x250: {  	_ =	strace $0x90000050  }
0x251: {  	s25 =	stileid.u32;
	s3 =	rddreg [dreg:$0x2]  }
.LBB2_22:
0x252: {  	_ =	sfence.sel $0x180000  }
0x253: {  	[bflag:$0x0] =	sbarrier.arrive $0xFFFF  }
0x254: {  	p0 =	sne.s32 s25, $0x0;
	_ =	strace $0x9000004A  }
0x255: {  	s0 =	sadd.s32 @!p0 $0x100000, s3;
	[bflag:$0x2] =	sbarrier.arrive $0xFFFF  }
0x256: {  	[sflag:s0] =	ssyncadd.tile.s32 @!p0 $0x1;
	_ =	shalt  }
.Lfunc_end2:
_tile_overlayer_lowered:
.L_overlay_start_2:
0x257: {  	(tag) =	ssettag $0x2  }
0x258: {  	s0 =	rddreg [dreg:$0x0];
	s2 =	stileid.u32  }
0x259: {  	s1 =	rddreg [dreg:$0x1];
	p0 =	sne.s32 s2, $0x0  }
0x25a: {  	s3 =	rddreg [dreg:$0x2];
	[bflag:$0x3] =	sbarrier.arrive $0xFFFF;
	s2 =	simm.s32 @!p0 $0x1C09  }
0x25b: {  	[timem:s3], [sflag:s2] =	dma.local @!p0 [hbm:s0], s1  }
0x25c: {  	s0 =	simm.s32 @!p0 $0x9  }
0x25d: {  	_ =	swait.ge @!p0 [sflag:s0], s1  }
0x25e: {  	s1 =	ssub.s32 @!p0 $0x0, s1;
	[sflag:s0] =	ssyncset.done @!p0 $0x0  }
0x25f: {  	[sflag:s0] =	ssyncadd.s32 @!p0 s1  }
0x260: {  	[bflag:$0x3] =	sbarrier.arrive $0xFFFF  }
0x261: {  	_ =	shalt  }

</sc_bundles>
